<compile_context>
chip_gen: v7x
topology: tpu7x:2x2x1
jax: 0.10.2.dev20260603
libtpu: 0.0.44.dev20260713+nightly
codegen_flags: <defaults>
</compile_context>

<pallas_src>
import functools

import jax
import jax.numpy as jnp
from jax import lax
from jax.experimental import pallas as pl
from jax.experimental.pallas import tpu as pltpu
from jax.experimental.pallas import tpu_sc as plsc

N = 10000
E = 320000
B = 256
NUM_TACTICS = 512
LM_DIM = 768
STATE_DIM = 128
HID = 512

NC = 2
NS = 16
E_PAD = 327680
EB = 1024
NBLK = E_PAD // EB
N_ACC = 10112
ROWS_PER_TILE = N_ACC // NS
CW = 64

@functools.lru_cache(maxsize=None)
def _mesh():
    return plsc.VectorSubcoreMesh(
        core_axis_name="c", subcore_axis_name="s",
        num_cores=NC, num_subcores=NS)


f32 = jnp.float32


@functools.lru_cache(maxsize=None)
def _make_segsum(C):
    assert C % NC == 0
    chunks_per_core = C // NC

    @functools.partial(
        pl.kernel,
        out_type=jax.ShapeDtypeStruct((C * N_ACC, CW), f32),
        mesh=_mesh(),
        compiler_params=pltpu.CompilerParams(use_tc_tiling_on_sc=False),
        scratch_types=[
            pltpu.VMEM_SHARED((N_ACC, CW), f32),
            pltpu.VMEM((2, EB // 2), jnp.int32),
            pltpu.VMEM((2, EB // 2), jnp.int32),
            pltpu.VMEM((EB // 2, CW), f32),
            pltpu.VMEM((EB // 2, CW), f32),
            pltpu.VMEM((ROWS_PER_TILE // 4, CW), f32),
            pltpu.SemaphoreType.DMA,
            pltpu.SemaphoreType.DMA,
        ],
    )
    def segsum(x_hbm, src_hbm, dst_hbm, out_hbm, acc, sidx, didx,
               rowsA, rowsB, zbuf, semA, semB):
        k = lax.axis_index("c")
        s = lax.axis_index("s")
        blk0 = s * (NBLK // NS)
        nblk = NBLK // NS

        @pl.loop(0, ROWS_PER_TILE // 4)
        def _zero(r):
            for cc in range(CW // 16):
                zbuf[r, pl.ds(cc * 16, 16)] = jnp.zeros((16,), f32)

        for ci in range(chunks_per_core):
            chunk = k * chunks_per_core + ci
            out_base = chunk * N_ACC

            if ci > 0:
                plsc.subcore_barrier()
            for q in range(4):
                pltpu.sync_copy(
                    zbuf,
                    acc.at[pl.ds(s * ROWS_PER_TILE + q * (ROWS_PER_TILE // 4),
                                 ROWS_PER_TILE // 4)])
            plsc.subcore_barrier()

            src_base = chunk * NBLK + blk0

            @pl.loop(0, nblk)
            def _edges(b):
                pltpu.sync_copy(src_hbm.at[src_base + b], sidx)
                pltpu.sync_copy(dst_hbm.at[blk0 + b], didx)
                ga = pltpu.async_copy(x_hbm.at[sidx.at[0]], rowsA, semA)
                ga.wait()
                gb = pltpu.async_copy(x_hbm.at[sidx.at[1]], rowsB, semB)
                sa = pltpu.async_copy(rowsA, acc.at[didx.at[0]],
                                      semA, add=True)
                gb.wait()
                sa.wait()
                sb = pltpu.async_copy(rowsB, acc.at[didx.at[1]],
                                      semB, add=True)
                sb.wait()

            plsc.subcore_barrier()
            pltpu.sync_copy(
                acc.at[pl.ds(s * ROWS_PER_TILE, ROWS_PER_TILE)],
                out_hbm.at[pl.ds(out_base + s * ROWS_PER_TILE, ROWS_PER_TILE)])

    return segsum


N_LM_PAD = 10240
LM_PER_TILE = N_LM_PAD // (NC * NS)
LM_SUB = 64


@functools.lru_cache(maxsize=None)
def _make_lm_gather():
    @functools.partial(
        pl.kernel,
        out_type=jax.ShapeDtypeStruct((N_LM_PAD, LM_DIM), f32),
        mesh=_mesh(),
        scratch_types=[
            pltpu.VMEM((LM_PER_TILE,), jnp.int32),
            pltpu.VMEM((LM_SUB, LM_DIM), f32),
        ],
    )
    def lm_gather(bank_hbm, idx_hbm, out_hbm, idxv, rows):
        k = lax.axis_index("c")
        s = lax.axis_index("s")
        base = (k * NS + s) * LM_PER_TILE
        pltpu.sync_copy(idx_hbm.at[pl.ds(base, LM_PER_TILE)], idxv)
        for b in range(LM_PER_TILE // LM_SUB):
            pltpu.sync_copy(bank_hbm.at[idxv.at[pl.ds(b * LM_SUB, LM_SUB)]],
                            rows)
            pltpu.sync_copy(rows, out_hbm.at[pl.ds(base + b * LM_SUB, LM_SUB)])

    return lm_gather


BLK = 1000
GRID = N // BLK


def _tc1_body(nt_ref, sh_ref, temb_ref, tacp_ref, wr_ref, x0c_ref, y0r_ref):
    nt = nt_ref[...]
    sh = sh_ref[...]
    t_type = jnp.zeros((BLK, 32), f32)
    for kk in range(3):
        t_type = t_type + (nt == kk).astype(f32) * temb_ref[pl.ds(kk, 1), :]
    onehot = (sh == lax.broadcasted_iota(jnp.int32, (1, 640), 1)).astype(f32)
    t_tac = jnp.dot(onehot, tacp_ref[...], preferred_element_type=f32)
    x0p = jnp.concatenate(
        [t_type, t_tac, jnp.ones((BLK, 1), f32), jnp.zeros((BLK, 31), f32)],
        axis=1)
    x0c_ref[0, :, :] = x0p[:, :CW]
    x0c_ref[1, :, :] = x0p[:, CW:]
    y0r_ref[...] = jnp.dot(x0p, wr_ref[...], preferred_element_type=f32)


def _tc2_body(p_ref, y0r_ref, wl_ref, bl_ref, x1c_ref, invd_ref):
    p = p_ref[...]
    ssum = jnp.concatenate([p[0], p[1]], axis=1)
    deg = ssum[:, 96:97]
    invd = 1.0 / jnp.maximum(deg, 1.0)
    mean1 = ssum * invd
    x1 = jnp.maximum(
        jnp.dot(mean1, wl_ref[...], preferred_element_type=f32)
        + bl_ref[...] + y0r_ref[...], 0.0)
    for c in range(8):
        x1c_ref[c, :, :] = x1[:, c * CW:(c + 1) * CW]
    invd_ref[...] = invd


def _tc3_body(a2_ref, x1c_ref, invd_ref, batch_ref, wl_ref, bl_ref, wr_ref,
              gw1_ref, gb1_ref, gw2_ref, gb2_ref, x2_ref, g_ref, gmax_ref):
    i = pl.program_id(0)
    invd = invd_ref[...]
    acc = jnp.broadcast_to(bl_ref[...], (BLK, HID))
    for c in range(8):
        acc = acc + _dot16(a2_ref[c] * invd, wl_ref[pl.ds(c * CW, CW), :])
        acc = acc + _dot16(x1c_ref[c], wr_ref[pl.ds(c * CW, CW), :])
    x2 = jnp.maximum(acc, 0.0)
    gh = jnp.maximum(_dot16(x2, gw1_ref[...]) + gb1_ref[...], 0.0)
    g = jnp.dot(gh, gw2_ref[...], preferred_element_type=f32) + gb2_ref[...]
    x2_ref[...] = x2
    g_ref[...] = g
    bm = batch_ref[...] == lax.broadcasted_iota(jnp.int32, (1, B), 1)
    cand = jnp.where(bm, g, -1e30)
    blockmax = jnp.max(cand, axis=0, keepdims=True)

    @pl.when(i == 0)
    def _():
        gmax_ref[...] = jnp.full((1, B), -1e30, f32)

    gmax_ref[...] = jnp.maximum(gmax_ref[...], blockmax)


def _tc4_body(x2_ref, g_ref, batch_ref, gmax_ref, lm_ref, sid_ref,
              sw_ref, sb_ref, lng_ref, lnb_ref,
              w1a_ref, w1b_ref, b1_ref, w2_ref, b2_ref,
              out_ref, S_ref, d_ref, Hs_ref, cnt_ref):
    i = pl.program_id(0)

    @pl.when(i == 0)
    def _():
        S_ref[...] = jnp.zeros((B, HID), f32)
        d_ref[...] = jnp.zeros((B, 1), f32)
        Hs_ref[...] = jnp.zeros((B, STATE_DIM), f32)
        cnt_ref[...] = jnp.zeros((B, 1), f32)

    P = (batch_ref[...] == lax.broadcasted_iota(jnp.int32, (1, B), 1)
         ).astype(f32)
    gmaxsel = jnp.sum(P * gmax_ref[...], axis=1, keepdims=True)
    ex = jnp.exp(g_ref[...] - gmaxsel)
    dn = (((0,), (0,)), ((), ()))
    S_ref[...] = S_ref[...] + lax.dot_general(
        P.astype(bf16), (ex * x2_ref[...]).astype(bf16), dn,
        preferred_element_type=f32)
    d_ref[...] = d_ref[...] + lax.dot_general(
        P, ex, dn, preferred_element_type=f32)

    hb = jnp.maximum(
        _dot16(lm_ref[...], sw_ref[...]) + sb_ref[...], 0.0)
    mu = jnp.mean(hb, axis=1, keepdims=True)
    var = jnp.mean((hb - mu) * (hb - mu), axis=1, keepdims=True)
    h = (hb - mu) / jnp.sqrt(var + 1e-5) * lng_ref[...] + lnb_ref[...]
    mask = (sid_ref[...] >= 0).astype(f32)
    h = h * mask
    Hs_ref[...] = Hs_ref[...] + lax.dot_general(
        P.astype(bf16), h.astype(bf16), dn, preferred_element_type=f32)
    cnt_ref[...] = cnt_ref[...] + lax.dot_general(
        P, mask, dn, preferred_element_type=f32)

    @pl.when(i == GRID - 1)
    def _():
        graph_struct = S_ref[...] / (d_ref[...] + 1e-16)
        state_sem = Hs_ref[...] / (cnt_ref[...] + 1e-6)
        hcls = jnp.maximum(
            jnp.dot(graph_struct, w1a_ref[...], preferred_element_type=f32)
            + jnp.dot(state_sem, w1b_ref[...], preferred_element_type=f32)
            + b1_ref[...], 0.0)
        out_ref[...] = (jnp.dot(hcls, w2_ref[...], preferred_element_type=f32)
                        + b2_ref[...])


def _full(shape):
    return pl.BlockSpec(shape, lambda i: (0,) * len(shape))


bf16 = jnp.bfloat16


def _dot16(a, b):
    return jnp.dot(a.astype(bf16), b.astype(bf16), preferred_element_type=f32)


def kernel(node_type, node_tactic_id, state_lm_id, batch, edge_index,
           state_lm_bank, params):
    p = params
    src = edge_index[0]
    dst = edge_index[1]
    npad = E_PAD - E
    pad_src = jnp.arange(npad, dtype=jnp.int32) % N
    pad_dst = N + (jnp.arange(npad, dtype=jnp.int32) % (N_ACC - N))
    src_p = jnp.concatenate([src, pad_src])
    dst_p = jnp.concatenate([dst, pad_dst])
    dstb = dst_p.reshape(NBLK, 2, EB // 2)
    src2 = (src_p[None, :]
            + (jnp.arange(2, dtype=jnp.int32) * N)[:, None]).reshape(
                2 * NBLK, 2, EB // 2)
    src8 = (src_p[None, :]
            + (jnp.arange(8, dtype=jnp.int32) * N)[:, None]).reshape(
                8 * NBLK, 2, EB // 2)

    nt2 = node_type[:, None]
    sh2 = jnp.clip(node_tactic_id + 1, 0, NUM_TACTICS)[:, None]
    batch2 = batch[:, None]
    sid2 = state_lm_id[:, None]

    temb = jnp.zeros((8, 32), f32).at[:3].set(p["type_emb"])
    tacp = jnp.zeros((640, 64), f32).at[:NUM_TACTICS + 1].set(p["tactic_emb"])
    wr_pad = jnp.zeros((128, HID), f32).at[:96].set(p["c1_Wr"])
    wl_pad = jnp.zeros((128, HID), f32).at[:96].set(p["c1_Wl"])
    bl1 = p["c1_bl"][None, :]
    bl2 = p["c2_bl"][None, :]
    gb1 = p["gate_b1"][None, :]
    gb2 = p["gate_b2"][None, :]
    sb = p["state_b"][None, :]
    lng = p["state_ln_g"][None, :]
    lnb = p["state_ln_b"][None, :]
    w1a = p["cls_W1"][:HID]
    w1b = p["cls_W1"][HID:]
    b1 = p["cls_b1"][None, :]
    b2 = p["cls_b2"][None, :]

    lm_idx = jnp.concatenate([
        jnp.clip(state_lm_id, 0),
        jnp.arange(N_LM_PAD - N, dtype=jnp.int32) % 17])

    x0c, y0r = pl.pallas_call(
        _tc1_body,
        grid=(GRID,),
        in_specs=[
            pl.BlockSpec((BLK, 1), lambda i: (i, 0)),
            pl.BlockSpec((BLK, 1), lambda i: (i, 0)),
            _full((8, 32)),
            _full((640, 64)),
            _full((128, HID)),
        ],
        out_specs=[
            pl.BlockSpec((2, BLK, CW), lambda i: (0, i, 0)),
            pl.BlockSpec((BLK, HID), lambda i: (i, 0)),
        ],
        out_shape=[
            jax.ShapeDtypeStruct((2, N, CW), f32),
            jax.ShapeDtypeStruct((N, HID), f32),
        ],
    )(nt2, sh2, temb, tacp, wr_pad)

    agg1 = _make_segsum(2)(x0c.reshape(2 * N, CW), src2,
                           dstb).reshape(2, N_ACC, CW)

    lm = _make_lm_gather()(state_lm_bank, lm_idx)

    x1c, invd = pl.pallas_call(
        _tc2_body,
        grid=(GRID,),
        in_specs=[
            pl.BlockSpec((2, BLK, CW), lambda i: (0, i, 0)),
            pl.BlockSpec((BLK, HID), lambda i: (i, 0)),
            _full((128, HID)),
            _full((1, HID)),
        ],
        out_specs=[
            pl.BlockSpec((8, BLK, CW), lambda i: (0, i, 0)),
            pl.BlockSpec((BLK, 1), lambda i: (i, 0)),
        ],
        out_shape=[
            jax.ShapeDtypeStruct((8, N, CW), f32),
            jax.ShapeDtypeStruct((N, 1), f32),
        ],
    )(agg1, y0r, wl_pad, bl1)

    agg2 = _make_segsum(8)(x1c.reshape(8 * N, CW), src8,
                           dstb).reshape(8, N_ACC, CW)

    x2, g, gmax = pl.pallas_call(
        _tc3_body,
        grid=(GRID,),
        in_specs=[
            pl.BlockSpec((8, BLK, CW), lambda i: (0, i, 0)),
            pl.BlockSpec((8, BLK, CW), lambda i: (0, i, 0)),
            pl.BlockSpec((BLK, 1), lambda i: (i, 0)),
            pl.BlockSpec((BLK, 1), lambda i: (i, 0)),
            _full((HID, HID)),
            _full((1, HID)),
            _full((HID, HID)),
            _full((HID, HID)),
            _full((1, HID)),
            _full((HID, 1)),
            _full((1, 1)),
        ],
        out_specs=[
            pl.BlockSpec((BLK, HID), lambda i: (i, 0)),
            pl.BlockSpec((BLK, 1), lambda i: (i, 0)),
            pl.BlockSpec((1, B), lambda i: (0, 0)),
        ],
        out_shape=[
            jax.ShapeDtypeStruct((N, HID), f32),
            jax.ShapeDtypeStruct((N, 1), f32),
            jax.ShapeDtypeStruct((1, B), f32),
        ],
    )(agg2, x1c, invd, batch2, p["c2_Wl"], bl2, p["c2_Wr"],
      p["gate_W1"], gb1, p["gate_W2"], gb2)

    logits = pl.pallas_call(
        _tc4_body,
        grid=(GRID,),
        in_specs=[
            pl.BlockSpec((BLK, HID), lambda i: (i, 0)),
            pl.BlockSpec((BLK, 1), lambda i: (i, 0)),
            pl.BlockSpec((BLK, 1), lambda i: (i, 0)),
            _full((1, B)),
            pl.BlockSpec((BLK, LM_DIM), lambda i: (i, 0)),
            pl.BlockSpec((BLK, 1), lambda i: (i, 0)),
            _full((LM_DIM, STATE_DIM)),
            _full((1, STATE_DIM)),
            _full((1, STATE_DIM)),
            _full((1, STATE_DIM)),
            _full((HID, HID)),
            _full((STATE_DIM, HID)),
            _full((1, HID)),
            _full((HID, HID)),
            _full((1, HID)),
        ],
        out_specs=pl.BlockSpec((B, HID), lambda i: (0, 0)),
        out_shape=jax.ShapeDtypeStruct((B, HID), f32),
        scratch_shapes=[
            pltpu.VMEM((B, HID), f32),
            pltpu.VMEM((B, 1), f32),
            pltpu.VMEM((B, STATE_DIM), f32),
            pltpu.VMEM((B, 1), f32),
        ],
    )(x2, g, batch2, gmax, lm, sid2,
      p["state_W"], sb, lng, lnb, w1a, w1b, b1, p["cls_W2"], b2)

    return logits

# --- scband reference (transcript-rebuilt; emitter-appended) ---
"""Pipeline reference for scband-proof-gnn-next-tactic-15917148799634 (READ-ONLY COPY).

The authoritative reference and input builder live on the scoring server;
editing this copy changes nothing except your own understanding.
"""

import jax, jax.numpy as jnp
import numpy as np

N = 10000
E = 320000
B = 256
NUM_TACTICS = 512
NUM_NODE_TYPES = 3
LM_DIM = 768
N_STRINGS = 50000
TYPE_DIM = 32
TAC_DIM = 64
STATE_DIM = 128
HID = 512
GNN_IN = TYPE_DIM + TAC_DIM


def setup_inputs(seed: int = 0):
    key = jax.random.key(seed)
    ks = jax.random.split(key, 24)
    node_type = jax.random.randint(ks[0], (N,), 0, NUM_NODE_TYPES, dtype=jnp.int32)
    node_tactic_id = jax.random.randint(ks[1], (N,), 0, NUM_TACTICS, dtype=jnp.int32)
    state_lm_id = jax.random.randint(ks[2], (N,), 0, N_STRINGS, dtype=jnp.int32)
    batch = jnp.sort(jax.random.randint(ks[3], (N,), 0, B, dtype=jnp.int32))
    edge_index = jax.random.randint(ks[4], (2, E), 0, N, dtype=jnp.int32)
    state_lm_bank = jax.random.normal(ks[5], (N_STRINGS, LM_DIM), dtype=jnp.float32)
    def w(k, shape):
        return jax.random.normal(k, shape, dtype=jnp.float32) * 0.02
    params = {
        "type_emb": w(ks[6], (NUM_NODE_TYPES, TYPE_DIM)),
        "tactic_emb": w(ks[7], (NUM_TACTICS + 1, TAC_DIM)),
        "state_W": w(ks[8], (LM_DIM, STATE_DIM)),
        "state_b": jnp.zeros((STATE_DIM,), jnp.float32),
        "state_ln_g": jnp.ones((STATE_DIM,), jnp.float32),
        "state_ln_b": jnp.zeros((STATE_DIM,), jnp.float32),
        "c1_Wl": w(ks[9], (GNN_IN, HID)),
        "c1_bl": jnp.zeros((HID,), jnp.float32),
        "c1_Wr": w(ks[10], (GNN_IN, HID)),
        "c2_Wl": w(ks[11], (HID, HID)),
        "c2_bl": jnp.zeros((HID,), jnp.float32),
        "c2_Wr": w(ks[12], (HID, HID)),
        "gate_W1": w(ks[13], (HID, HID)),
        "gate_b1": jnp.zeros((HID,), jnp.float32),
        "gate_W2": w(ks[14], (HID, 1)),
        "gate_b2": jnp.zeros((1,), jnp.float32),
        "cls_W1": w(ks[15], (HID + STATE_DIM, HID)),
        "cls_b1": jnp.zeros((HID,), jnp.float32),
        "cls_W2": w(ks[16], (HID, NUM_TACTICS)),
        "cls_b2": jnp.zeros((NUM_TACTICS,), jnp.float32),
    }
    return {"node_type": node_type, "node_tactic_id": node_tactic_id, "state_lm_id": state_lm_id, "batch": batch, "edge_index": edge_index, "state_lm_bank": state_lm_bank, "params": params}


def _sage(x, src, dst, Wl, bl, Wr):
    agg = jax.ops.segment_sum(x[src], dst, num_segments=N)
    deg = jax.ops.segment_sum(jnp.ones((src.shape[0],), jnp.float32), dst, num_segments=N)
    mean = agg / jnp.clip(deg, 1.0)[:, None]
    return mean @ Wl + bl + x @ Wr


def _forward(params, state_lm_bank, node_type, node_tactic_id, state_lm_id, batch, edge_index):
    t_type = params["type_emb"][node_type]
    shifted = jnp.clip(node_tactic_id + 1, 0, NUM_TACTICS)
    t_tac = params["tactic_emb"][shifted]
    x = jnp.concatenate([t_type, t_tac], axis=-1)
    src, dst = edge_index[0], edge_index[1]
    x = jax.nn.relu(_sage(x, src, dst, params["c1_Wl"], params["c1_bl"], params["c1_Wr"]))
    x = jax.nn.relu(_sage(x, src, dst, params["c2_Wl"], params["c2_bl"], params["c2_Wr"]))
    gate = jax.nn.relu(x @ params["gate_W1"] + params["gate_b1"]) @ params["gate_W2"] + params["gate_b2"]
    g = gate[:, 0]
    gmax = jax.ops.segment_max(g, batch, num_segments=B)
    gmax = jnp.maximum(gmax, -1e30)
    ex = jnp.exp(g - gmax[batch])
    denom = jax.ops.segment_sum(ex, batch, num_segments=B)
    alpha = ex / (denom[batch] + 1e-16)
    graph_struct = jax.ops.segment_sum(alpha[:, None] * x, batch, num_segments=B)
    mask = state_lm_id >= 0
    lm = state_lm_bank[jnp.clip(state_lm_id, 0)]
    h = jax.nn.relu(lm @ params["state_W"] + params["state_b"])
    mu = jnp.mean(h, axis=-1, keepdims=True)
    var = jnp.var(h, axis=-1, keepdims=True)
    h = (h - mu) / jnp.sqrt(var + 1e-5) * params["state_ln_g"] + params["state_ln_b"]
    h = jnp.where(mask[:, None], h, 0.0)
    state_sem = jax.ops.segment_sum(h, batch, num_segments=B)
    counts = jax.ops.segment_sum(mask.astype(jnp.float32), batch, num_segments=B)[:, None]
    state_sem = state_sem / (counts + 1e-6)
    rep = jnp.concatenate([graph_struct, state_sem], axis=-1)
    hcls = jax.nn.relu(rep @ params["cls_W1"] + params["cls_b1"])
    logits = hcls @ params["cls_W2"] + params["cls_b2"]
    return logits


def reference(node_type, node_tactic_id, state_lm_id, batch, edge_index, state_lm_bank, params):
    return _forward(params, state_lm_bank, node_type, node_tactic_id, state_lm_id, batch, edge_index)

if __name__ == "__main__":
    import jax
    _d = setup_inputs()
    print(jax.jit(kernel)(*tuple(_d.values())))

</pallas_src>

<mosaic_0001>
#map = affine_map<(d0, d1) -> (0, 0)>
#map1 = affine_map<(d0, d1) -> (0)>
module attributes {stable_mosaic.version = 14 : i64} {
  func.func @lm_gather(%arg0: i32, %arg1: i32, %arg2: memref<50000x768xf32, #tpu.memory_space<hbm>>, %arg3: memref<10240xi32, #tpu.memory_space<hbm>>, %arg4: memref<10240x768xf32, #tpu.memory_space<hbm>>, %arg5: memref<320xi32, #tpu.memory_space<vmem>>, %arg6: memref<64x768xf32, #tpu.memory_space<vmem>>) attributes {dimension_semantics = [#tpu.dimension_semantics<core_parallel>, #tpu.dimension_semantics<subcore_parallel>], iteration_bounds = array<i64: 2, 16>, scalar_prefetch = 0 : i64, scratch_operands = 2 : i64, tpu.core_type = #tpu.core_type<sc_vector_subcore>, window_params = [{transform_indices = #map}, {transform_indices = #map1}, {transform_indices = #map}]} {
    %mul3A = arith.constant 16 : i32
    %mul3A_0 = arith.muli %arg0, %mul3A : i32
    %add3A = arith.addi %mul3A_0, %arg1 : i32
    %mul3A_1 = arith.constant 320 : i32
    %mul3A_2 = arith.muli %add3A, %mul3A_1 : i32
    "tpu.region"() ({
      %run_scoped3A = tpu.sem_alloc : memref<!tpu.dma_semaphore, #tpu.memory_space<semaphore_mem>>
      %dma_start3A = tpu.memref_slice %arg3[%mul3A_2] : memref<10240xi32, #tpu.memory_space<hbm>> -> memref<320xi32, #tpu.memory_space<hbm>>
      %dma_start3A_13 = tpu.memref_slice %arg3[%mul3A_2] : memref<10240xi32, #tpu.memory_space<hbm>> -> memref<320xi32, #tpu.memory_space<hbm>>
      tpu.enqueue_dma source(%dma_start3A_13 : memref<320xi32, #tpu.memory_space<hbm>>) target(%arg5 : memref<320xi32, #tpu.memory_space<vmem>>) target_semaphore(%run_scoped3A : memref<!tpu.dma_semaphore, #tpu.memory_space<semaphore_mem>>)
      %dma_wait3A = tpu.memref_slice %arg3[%mul3A_2] : memref<10240xi32, #tpu.memory_space<hbm>> -> memref<320xi32, #tpu.memory_space<hbm>>
      %dma_wait3A_14 = tpu.memref_slice %arg3[%mul3A_2] : memref<10240xi32, #tpu.memory_space<hbm>> -> memref<320xi32, #tpu.memory_space<hbm>>
      tpu.wait_dma2 semaphore(%run_scoped3A : memref<!tpu.dma_semaphore, #tpu.memory_space<semaphore_mem>>) src(%dma_wait3A_14 : memref<320xi32, #tpu.memory_space<hbm>>) dst(%arg5 : memref<320xi32, #tpu.memory_space<vmem>>)
      tpu.yield
    }) : () -> ()
    "tpu.region"() ({
      %run_scoped3A = tpu.sem_alloc : memref<!tpu.dma_semaphore, #tpu.memory_space<semaphore_mem>>
      %dma_start3A = arith.constant 0 : i32
      %dma_start3A_13 = tpu.memref_slice %arg5[%dma_start3A] : memref<320xi32, #tpu.memory_space<vmem>> -> memref<64xi32, #tpu.memory_space<vmem>>
      %dma_start3A_14 = arith.constant 0 : i32
      %dma_start3A_15 = arith.constant 0 : i32
      %dma_start3A_16 = tpu.memref_slice %arg2[%dma_start3A_14, %dma_start3A_15] : memref<50000x768xf32, #tpu.memory_space<hbm>> -> memref<50000x768xf32, #tpu.memory_space<hbm>>
      tpu.enqueue_indirect_dma source(%dma_start3A_16 : memref<50000x768xf32, #tpu.memory_space<hbm>>) target(%arg6 : memref<64x768xf32, #tpu.memory_space<vmem>>) offsets(%dma_start3A_13 : memref<64xi32, #tpu.memory_space<vmem>>) semaphore(%run_scoped3A : memref<!tpu.dma_semaphore, #tpu.memory_space<semaphore_mem>>)
      %dma_wait3A = arith.constant 0 : i32
      %dma_wait3A_17 = tpu.memref_slice %arg5[%dma_wait3A] : memref<320xi32, #tpu.memory_space<vmem>> -> memref<64xi32, #tpu.memory_space<vmem>>
      %dma_wait3A_18 = arith.constant 0 : i32
      %dma_wait3A_19 = arith.constant 0 : i32
      %dma_wait3A_20 = tpu.memref_slice %arg2[%dma_wait3A_18, %dma_wait3A_19] : memref<50000x768xf32, #tpu.memory_space<hbm>> -> memref<50000x768xf32, #tpu.memory_space<hbm>>
      tpu.wait_indirect_dma semaphore(%run_scoped3A : memref<!tpu.dma_semaphore, #tpu.memory_space<semaphore_mem>>) src(%dma_wait3A_20 : memref<50000x768xf32, #tpu.memory_space<hbm>>) dst(%arg6 : memref<64x768xf32, #tpu.memory_space<vmem>>)
      tpu.yield
    }) : () -> ()
    %add3A_3 = arith.constant 0 : i32
    %add3A_4 = arith.addi %mul3A_2, %add3A_3 : i32
    "tpu.region"() ({
      %run_scoped3A = tpu.sem_alloc : memref<!tpu.dma_semaphore, #tpu.memory_space<semaphore_mem>>
      %dma_start3A = arith.constant 0 : i32
      %dma_start3A_13 = tpu.memref_slice %arg4[%add3A_4, %dma_start3A] : memref<10240x768xf32, #tpu.memory_space<hbm>> -> memref<64x768xf32, #tpu.memory_space<hbm>>
      %dma_start3A_14 = arith.constant 0 : i32
      %dma_start3A_15 = tpu.memref_slice %arg4[%add3A_4, %dma_start3A_14] : memref<10240x768xf32, #tpu.memory_space<hbm>> -> memref<64x768xf32, #tpu.memory_space<hbm>>
      tpu.enqueue_dma source(%arg6 : memref<64x768xf32, #tpu.memory_space<vmem>>) target(%dma_start3A_15 : memref<64x768xf32, #tpu.memory_space<hbm>>) target_semaphore(%run_scoped3A : memref<!tpu.dma_semaphore, #tpu.memory_space<semaphore_mem>>)
      %dma_wait3A = arith.constant 0 : i32
      %dma_wait3A_16 = tpu.memref_slice %arg4[%add3A_4, %dma_wait3A] : memref<10240x768xf32, #tpu.memory_space<hbm>> -> memref<64x768xf32, #tpu.memory_space<hbm>>
      %dma_wait3A_17 = arith.constant 0 : i32
      %dma_wait3A_18 = tpu.memref_slice %arg4[%add3A_4, %dma_wait3A_17] : memref<10240x768xf32, #tpu.memory_space<hbm>> -> memref<64x768xf32, #tpu.memory_space<hbm>>
      tpu.wait_dma2 semaphore(%run_scoped3A : memref<!tpu.dma_semaphore, #tpu.memory_space<semaphore_mem>>) src(%arg6 : memref<64x768xf32, #tpu.memory_space<vmem>>) dst(%dma_wait3A_18 : memref<64x768xf32, #tpu.memory_space<hbm>>)
      tpu.yield
    }) : () -> ()
    "tpu.region"() ({
      %run_scoped3A = tpu.sem_alloc : memref<!tpu.dma_semaphore, #tpu.memory_space<semaphore_mem>>
      %dma_start3A = arith.constant 64 : i32
      %dma_start3A_13 = tpu.memref_slice %arg5[%dma_start3A] : memref<320xi32, #tpu.memory_space<vmem>> -> memref<64xi32, #tpu.memory_space<vmem>>
      %dma_start3A_14 = arith.constant 0 : i32
      %dma_start3A_15 = arith.constant 0 : i32
      %dma_start3A_16 = tpu.memref_slice %arg2[%dma_start3A_14, %dma_start3A_15] : memref<50000x768xf32, #tpu.memory_space<hbm>> -> memref<50000x768xf32, #tpu.memory_space<hbm>>
      tpu.enqueue_indirect_dma source(%dma_start3A_16 : memref<50000x768xf32, #tpu.memory_space<hbm>>) target(%arg6 : memref<64x768xf32, #tpu.memory_space<vmem>>) offsets(%dma_start3A_13 : memref<64xi32, #tpu.memory_space<vmem>>) semaphore(%run_scoped3A : memref<!tpu.dma_semaphore, #tpu.memory_space<semaphore_mem>>)
      %dma_wait3A = arith.constant 64 : i32
      %dma_wait3A_17 = tpu.memref_slice %arg5[%dma_wait3A] : memref<320xi32, #tpu.memory_space<vmem>> -> memref<64xi32, #tpu.memory_space<vmem>>
      %dma_wait3A_18 = arith.constant 0 : i32
      %dma_wait3A_19 = arith.constant 0 : i32
      %dma_wait3A_20 = tpu.memref_slice %arg2[%dma_wait3A_18, %dma_wait3A_19] : memref<50000x768xf32, #tpu.memory_space<hbm>> -> memref<50000x768xf32, #tpu.memory_space<hbm>>
      tpu.wait_indirect_dma semaphore(%run_scoped3A : memref<!tpu.dma_semaphore, #tpu.memory_space<semaphore_mem>>) src(%dma_wait3A_20 : memref<50000x768xf32, #tpu.memory_space<hbm>>) dst(%arg6 : memref<64x768xf32, #tpu.memory_space<vmem>>)
      tpu.yield
    }) : () -> ()
    %add3A_5 = arith.constant 64 : i32
    %add3A_6 = arith.addi %mul3A_2, %add3A_5 : i32
    "tpu.region"() ({
      %run_scoped3A = tpu.sem_alloc : memref<!tpu.dma_semaphore, #tpu.memory_space<semaphore_mem>>
      %dma_start3A = arith.constant 0 : i32
      %dma_start3A_13 = tpu.memref_slice %arg4[%add3A_6, %dma_start3A] : memref<10240x768xf32, #tpu.memory_space<hbm>> -> memref<64x768xf32, #tpu.memory_space<hbm>>
      %dma_start3A_14 = arith.constant 0 : i32
      %dma_start3A_15 = tpu.memref_slice %arg4[%add3A_6, %dma_start3A_14] : memref<10240x768xf32, #tpu.memory_space<hbm>> -> memref<64x768xf32, #tpu.memory_space<hbm>>
      tpu.enqueue_dma source(%arg6 : memref<64x768xf32, #tpu.memory_space<vmem>>) target(%dma_start3A_15 : memref<64x768xf32, #tpu.memory_space<hbm>>) target_semaphore(%run_scoped3A : memref<!tpu.dma_semaphore, #tpu.memory_space<semaphore_mem>>)
      %dma_wait3A = arith.constant 0 : i32
      %dma_wait3A_16 = tpu.memref_slice %arg4[%add3A_6, %dma_wait3A] : memref<10240x768xf32, #tpu.memory_space<hbm>> -> memref<64x768xf32, #tpu.memory_space<hbm>>
      %dma_wait3A_17 = arith.constant 0 : i32
      %dma_wait3A_18 = tpu.memref_slice %arg4[%add3A_6, %dma_wait3A_17] : memref<10240x768xf32, #tpu.memory_space<hbm>> -> memref<64x768xf32, #tpu.memory_space<hbm>>
      tpu.wait_dma2 semaphore(%run_scoped3A : memref<!tpu.dma_semaphore, #tpu.memory_space<semaphore_mem>>) src(%arg6 : memref<64x768xf32, #tpu.memory_space<vmem>>) dst(%dma_wait3A_18 : memref<64x768xf32, #tpu.memory_space<hbm>>)
      tpu.yield
    }) : () -> ()
    "tpu.region"() ({
      %run_scoped3A = tpu.sem_alloc : memref<!tpu.dma_semaphore, #tpu.memory_space<semaphore_mem>>
      %dma_start3A = arith.constant 128 : i32
      %dma_start3A_13 = tpu.memref_slice %arg5[%dma_start3A] : memref<320xi32, #tpu.memory_space<vmem>> -> memref<64xi32, #tpu.memory_space<vmem>>
      %dma_start3A_14 = arith.constant 0 : i32
      %dma_start3A_15 = arith.constant 0 : i32
      %dma_start3A_16 = tpu.memref_slice %arg2[%dma_start3A_14, %dma_start3A_15] : memref<50000x768xf32, #tpu.memory_space<hbm>> -> memref<50000x768xf32, #tpu.memory_space<hbm>>
      tpu.enqueue_indirect_dma source(%dma_start3A_16 : memref<50000x768xf32, #tpu.memory_space<hbm>>) target(%arg6 : memref<64x768xf32, #tpu.memory_space<vmem>>) offsets(%dma_start3A_13 : memref<64xi32, #tpu.memory_space<vmem>>) semaphore(%run_scoped3A : memref<!tpu.dma_semaphore, #tpu.memory_space<semaphore_mem>>)
      %dma_wait3A = arith.constant 128 : i32
      %dma_wait3A_17 = tpu.memref_slice %arg5[%dma_wait3A] : memref<320xi32, #tpu.memory_space<vmem>> -> memref<64xi32, #tpu.memory_space<vmem>>
      %dma_wait3A_18 = arith.constant 0 : i32
      %dma_wait3A_19 = arith.constant 0 : i32
      %dma_wait3A_20 = tpu.memref_slice %arg2[%dma_wait3A_18, %dma_wait3A_19] : memref<50000x768xf32, #tpu.memory_space<hbm>> -> memref<50000x768xf32, #tpu.memory_space<hbm>>
      tpu.wait_indirect_dma semaphore(%run_scoped3A : memref<!tpu.dma_semaphore, #tpu.memory_space<semaphore_mem>>) src(%dma_wait3A_20 : memref<50000x768xf32, #tpu.memory_space<hbm>>) dst(%arg6 : memref<64x768xf32, #tpu.memory_space<vmem>>)
      tpu.yield
    }) : () -> ()
    %add3A_7 = arith.constant 128 : i32
    %add3A_8 = arith.addi %mul3A_2, %add3A_7 : i32
    "tpu.region"() ({
      %run_scoped3A = tpu.sem_alloc : memref<!tpu.dma_semaphore, #tpu.memory_space<semaphore_mem>>
      %dma_start3A = arith.constant 0 : i32
      %dma_start3A_13 = tpu.memref_slice %arg4[%add3A_8, %dma_start3A] : memref<10240x768xf32, #tpu.memory_space<hbm>> -> memref<64x768xf32, #tpu.memory_space<hbm>>
      %dma_start3A_14 = arith.constant 0 : i32
      %dma_start3A_15 = tpu.memref_slice %arg4[%add3A_8, %dma_start3A_14] : memref<10240x768xf32, #tpu.memory_space<hbm>> -> memref<64x768xf32, #tpu.memory_space<hbm>>
      tpu.enqueue_dma source(%arg6 : memref<64x768xf32, #tpu.memory_space<vmem>>) target(%dma_start3A_15 : memref<64x768xf32, #tpu.memory_space<hbm>>) target_semaphore(%run_scoped3A : memref<!tpu.dma_semaphore, #tpu.memory_space<semaphore_mem>>)
      %dma_wait3A = arith.constant 0 : i32
      %dma_wait3A_16 = tpu.memref_slice %arg4[%add3A_8, %dma_wait3A] : memref<10240x768xf32, #tpu.memory_space<hbm>> -> memref<64x768xf32, #tpu.memory_space<hbm>>
      %dma_wait3A_17 = arith.constant 0 : i32
      %dma_wait3A_18 = tpu.memref_slice %arg4[%add3A_8, %dma_wait3A_17] : memref<10240x768xf32, #tpu.memory_space<hbm>> -> memref<64x768xf32, #tpu.memory_space<hbm>>
      tpu.wait_dma2 semaphore(%run_scoped3A : memref<!tpu.dma_semaphore, #tpu.memory_space<semaphore_mem>>) src(%arg6 : memref<64x768xf32, #tpu.memory_space<vmem>>) dst(%dma_wait3A_18 : memref<64x768xf32, #tpu.memory_space<hbm>>)
      tpu.yield
    }) : () -> ()
    "tpu.region"() ({
      %run_scoped3A = tpu.sem_alloc : memref<!tpu.dma_semaphore, #tpu.memory_space<semaphore_mem>>
      %dma_start3A = arith.constant 192 : i32
      %dma_start3A_13 = tpu.memref_slice %arg5[%dma_start3A] : memref<320xi32, #tpu.memory_space<vmem>> -> memref<64xi32, #tpu.memory_space<vmem>>
      %dma_start3A_14 = arith.constant 0 : i32
      %dma_start3A_15 = arith.constant 0 : i32
      %dma_start3A_16 = tpu.memref_slice %arg2[%dma_start3A_14, %dma_start3A_15] : memref<50000x768xf32, #tpu.memory_space<hbm>> -> memref<50000x768xf32, #tpu.memory_space<hbm>>
      tpu.enqueue_indirect_dma source(%dma_start3A_16 : memref<50000x768xf32, #tpu.memory_space<hbm>>) target(%arg6 : memref<64x768xf32, #tpu.memory_space<vmem>>) offsets(%dma_start3A_13 : memref<64xi32, #tpu.memory_space<vmem>>) semaphore(%run_scoped3A : memref<!tpu.dma_semaphore, #tpu.memory_space<semaphore_mem>>)
      %dma_wait3A = arith.constant 192 : i32
      %dma_wait3A_17 = tpu.memref_slice %arg5[%dma_wait3A] : memref<320xi32, #tpu.memory_space<vmem>> -> memref<64xi32, #tpu.memory_space<vmem>>
      %dma_wait3A_18 = arith.constant 0 : i32
      %dma_wait3A_19 = arith.constant 0 : i32
      %dma_wait3A_20 = tpu.memref_slice %arg2[%dma_wait3A_18, %dma_wait3A_19] : memref<50000x768xf32, #tpu.memory_space<hbm>> -> memref<50000x768xf32, #tpu.memory_space<hbm>>
      tpu.wait_indirect_dma semaphore(%run_scoped3A : memref<!tpu.dma_semaphore, #tpu.memory_space<semaphore_mem>>) src(%dma_wait3A_20 : memref<50000x768xf32, #tpu.memory_space<hbm>>) dst(%arg6 : memref<64x768xf32, #tpu.memory_space<vmem>>)
      tpu.yield
    }) : () -> ()
    %add3A_9 = arith.constant 192 : i32
    %add3A_10 = arith.addi %mul3A_2, %add3A_9 : i32
    "tpu.region"() ({
      %run_scoped3A = tpu.sem_alloc : memref<!tpu.dma_semaphore, #tpu.memory_space<semaphore_mem>>
      %dma_start3A = arith.constant 0 : i32
      %dma_start3A_13 = tpu.memref_slice %arg4[%add3A_10, %dma_start3A] : memref<10240x768xf32, #tpu.memory_space<hbm>> -> memref<64x768xf32, #tpu.memory_space<hbm>>
      %dma_start3A_14 = arith.constant 0 : i32
      %dma_start3A_15 = tpu.memref_slice %arg4[%add3A_10, %dma_start3A_14] : memref<10240x768xf32, #tpu.memory_space<hbm>> -> memref<64x768xf32, #tpu.memory_space<hbm>>
      tpu.enqueue_dma source(%arg6 : memref<64x768xf32, #tpu.memory_space<vmem>>) target(%dma_start3A_15 : memref<64x768xf32, #tpu.memory_space<hbm>>) target_semaphore(%run_scoped3A : memref<!tpu.dma_semaphore, #tpu.memory_space<semaphore_mem>>)
      %dma_wait3A = arith.constant 0 : i32
      %dma_wait3A_16 = tpu.memref_slice %arg4[%add3A_10, %dma_wait3A] : memref<10240x768xf32, #tpu.memory_space<hbm>> -> memref<64x768xf32, #tpu.memory_space<hbm>>
      %dma_wait3A_17 = arith.constant 0 : i32
      %dma_wait3A_18 = tpu.memref_slice %arg4[%add3A_10, %dma_wait3A_17] : memref<10240x768xf32, #tpu.memory_space<hbm>> -> memref<64x768xf32, #tpu.memory_space<hbm>>
      tpu.wait_dma2 semaphore(%run_scoped3A : memref<!tpu.dma_semaphore, #tpu.memory_space<semaphore_mem>>) src(%arg6 : memref<64x768xf32, #tpu.memory_space<vmem>>) dst(%dma_wait3A_18 : memref<64x768xf32, #tpu.memory_space<hbm>>)
      tpu.yield
    }) : () -> ()
    "tpu.region"() ({
      %run_scoped3A = tpu.sem_alloc : memref<!tpu.dma_semaphore, #tpu.memory_space<semaphore_mem>>
      %dma_start3A = arith.constant 256 : i32
      %dma_start3A_13 = tpu.memref_slice %arg5[%dma_start3A] : memref<320xi32, #tpu.memory_space<vmem>> -> memref<64xi32, #tpu.memory_space<vmem>>
      %dma_start3A_14 = arith.constant 0 : i32
      %dma_start3A_15 = arith.constant 0 : i32
      %dma_start3A_16 = tpu.memref_slice %arg2[%dma_start3A_14, %dma_start3A_15] : memref<50000x768xf32, #tpu.memory_space<hbm>> -> memref<50000x768xf32, #tpu.memory_space<hbm>>
      tpu.enqueue_indirect_dma source(%dma_start3A_16 : memref<50000x768xf32, #tpu.memory_space<hbm>>) target(%arg6 : memref<64x768xf32, #tpu.memory_space<vmem>>) offsets(%dma_start3A_13 : memref<64xi32, #tpu.memory_space<vmem>>) semaphore(%run_scoped3A : memref<!tpu.dma_semaphore, #tpu.memory_space<semaphore_mem>>)
      %dma_wait3A = arith.constant 256 : i32
      %dma_wait3A_17 = tpu.memref_slice %arg5[%dma_wait3A] : memref<320xi32, #tpu.memory_space<vmem>> -> memref<64xi32, #tpu.memory_space<vmem>>
      %dma_wait3A_18 = arith.constant 0 : i32
      %dma_wait3A_19 = arith.constant 0 : i32
      %dma_wait3A_20 = tpu.memref_slice %arg2[%dma_wait3A_18, %dma_wait3A_19] : memref<50000x768xf32, #tpu.memory_space<hbm>> -> memref<50000x768xf32, #tpu.memory_space<hbm>>
      tpu.wait_indirect_dma semaphore(%run_scoped3A : memref<!tpu.dma_semaphore, #tpu.memory_space<semaphore_mem>>) src(%dma_wait3A_20 : memref<50000x768xf32, #tpu.memory_space<hbm>>) dst(%arg6 : memref<64x768xf32, #tpu.memory_space<vmem>>)
      tpu.yield
    }) : () -> ()
    %add3A_11 = arith.constant 256 : i32
    %add3A_12 = arith.addi %mul3A_2, %add3A_11 : i32
    "tpu.region"() ({
      %run_scoped3A = tpu.sem_alloc : memref<!tpu.dma_semaphore, #tpu.memory_space<semaphore_mem>>
      %dma_start3A = arith.constant 0 : i32
      %dma_start3A_13 = tpu.memref_slice %arg4[%add3A_12, %dma_start3A] : memref<10240x768xf32, #tpu.memory_space<hbm>> -> memref<64x768xf32, #tpu.memory_space<hbm>>
      %dma_start3A_14 = arith.constant 0 : i32
      %dma_start3A_15 = tpu.memref_slice %arg4[%add3A_12, %dma_start3A_14] : memref<10240x768xf32, #tpu.memory_space<hbm>> -> memref<64x768xf32, #tpu.memory_space<hbm>>
      tpu.enqueue_dma source(%arg6 : memref<64x768xf32, #tpu.memory_space<vmem>>) target(%dma_start3A_15 : memref<64x768xf32, #tpu.memory_space<hbm>>) target_semaphore(%run_scoped3A : memref<!tpu.dma_semaphore, #tpu.memory_space<semaphore_mem>>)
      %dma_wait3A = arith.constant 0 : i32
      %dma_wait3A_16 = tpu.memref_slice %arg4[%add3A_12, %dma_wait3A] : memref<10240x768xf32, #tpu.memory_space<hbm>> -> memref<64x768xf32, #tpu.memory_space<hbm>>
      %dma_wait3A_17 = arith.constant 0 : i32
      %dma_wait3A_18 = tpu.memref_slice %arg4[%add3A_12, %dma_wait3A_17] : memref<10240x768xf32, #tpu.memory_space<hbm>> -> memref<64x768xf32, #tpu.memory_space<hbm>>
      tpu.wait_dma2 semaphore(%run_scoped3A : memref<!tpu.dma_semaphore, #tpu.memory_space<semaphore_mem>>) src(%arg6 : memref<64x768xf32, #tpu.memory_space<vmem>>) dst(%dma_wait3A_18 : memref<64x768xf32, #tpu.memory_space<hbm>>)
      tpu.yield
    }) : () -> ()
    return
  }
}

#map = affine_map<(d0, d1) -> (0, 0)>
#map1 = affine_map<(d0, d1) -> (0, 0, 0)>
module attributes {stable_mosaic.version = 14 : i64} {
  func.func @segsum(%arg0: i32, %arg1: i32, %arg2: memref<80000x64xf32, #tpu.memory_space<hbm>>, %arg3: memref<2560x2x512xi32, #tpu.memory_space<hbm>>, %arg4: memref<320x2x512xi32, #tpu.memory_space<hbm>>, %arg5: memref<80896x64xf32, #tpu.memory_space<hbm>>, %arg6: memref<10112x64xf32, #tpu.memory_space<vmem_shared>>, %arg7: memref<2x512xi32, #tpu.memory_space<vmem>>, %arg8: memref<2x512xi32, #tpu.memory_space<vmem>>, %arg9: memref<512x64xf32, #tpu.memory_space<vmem>>, %arg10: memref<512x64xf32, #tpu.memory_space<vmem>>, %arg11: memref<158x64xf32, #tpu.memory_space<vmem>>, %arg12: memref<!tpu.dma_semaphore, #tpu.memory_space<semaphore_mem>>, %arg13: memref<!tpu.dma_semaphore, #tpu.memory_space<semaphore_mem>>) attributes {dimension_semantics = [#tpu.dimension_semantics<core_parallel>, #tpu.dimension_semantics<subcore_parallel>], iteration_bounds = array<i64: 2, 16>, scalar_prefetch = 0 : i64, scratch_operands = 8 : i64, tpu.core_type = #tpu.core_type<sc_vector_subcore>, window_params = [{transform_indices = #map}, {transform_indices = #map1}, {transform_indices = #map1}, {transform_indices = #map}]} {
    %mul3A = arith.constant 20 : i32
    %mul3A_0 = arith.muli %arg1, %mul3A : i32
    %scan3A = arith.constant 0 : i32
    %scan3A_1 = arith.constant 158 : i32
    %scan3A_2 = arith.addi %scan3A, %scan3A_1 : i32
    %scan3A_3 = arith.constant 1 : i32
    scf.for %scan3A_154 = %scan3A to %scan3A_2 step %scan3A_3  : i32 {
      %mul3A_155 = arith.constant 1 : i32
      %mul3A_156 = arith.muli %scan3A_154, %mul3A_155 : i32
      %add3A_157 = arith.constant 0 : i32
      %add3A_158 = arith.addi %add3A_157, %mul3A_156 : i32
      %broadcast_in_dim3A = arith.constant 0.000000e+00 : f32
      %broadcast_in_dim3A_159 = vector.broadcast %broadcast_in_dim3A : f32 to vector<16xf32>
      %swap3A = arith.index_cast %add3A_158 : i32 to index
      %swap3A_160 = arith.constant 0 : index
      %swap3A_161 = tpu.vector_load %arg11[%swap3A, %swap3A_160] {strides = array<i32>} : memref<158x64xf32, #tpu.memory_space<vmem>>, vector<1x16xf32>,
      %swap3A_162 = vector.shape_cast %swap3A_161 : vector<1x16xf32> to vector<16xf32>
      %swap3A_163 = vector.shape_cast %broadcast_in_dim3A_159 : vector<16xf32> to vector<1x16xf32>
      tpu.vector_store %arg11[%swap3A, %swap3A_160], %swap3A_163 {strides = array<i32>} : memref<158x64xf32, #tpu.memory_space<vmem>>, vector<1x16xf32>,
      %broadcast_in_dim3A_164 = arith.constant 0.000000e+00 : f32
      %broadcast_in_dim3A_165 = vector.broadcast %broadcast_in_dim3A_164 : f32 to vector<16xf32>
      %swap3A_166 = arith.index_cast %add3A_158 : i32 to index
      %swap3A_167 = arith.constant 16 : index
      %swap3A_168 = tpu.vector_load %arg11[%swap3A_166, %swap3A_167] {strides = array<i32>} : memref<158x64xf32, #tpu.memory_space<vmem>>, vector<1x16xf32>,
      %swap3A_169 = vector.shape_cast %swap3A_168 : vector<1x16xf32> to vector<16xf32>
      %swap3A_170 = vector.shape_cast %broadcast_in_dim3A_165 : vector<16xf32> to vector<1x16xf32>
      tpu.vector_store %arg11[%swap3A_166, %swap3A_167], %swap3A_170 {strides = array<i32>} : memref<158x64xf32, #tpu.memory_space<vmem>>, vector<1x16xf32>,
      %broadcast_in_dim3A_171 = arith.constant 0.000000e+00 : f32
      %broadcast_in_dim3A_172 = vector.broadcast %broadcast_in_dim3A_171 : f32 to vector<16xf32>
      %swap3A_173 = arith.index_cast %add3A_158 : i32 to index
      %swap3A_174 = arith.constant 32 : index
      %swap3A_175 = tpu.vector_load %arg11[%swap3A_173, %swap3A_174] {strides = array<i32>} : memref<158x64xf32, #tpu.memory_space<vmem>>, vector<1x16xf32>,
      %swap3A_176 = vector.shape_cast %swap3A_175 : vector<1x16xf32> to vector<16xf32>
      %swap3A_177 = vector.shape_cast %broadcast_in_dim3A_172 : vector<16xf32> to vector<1x16xf32>
      tpu.vector_store %arg11[%swap3A_173, %swap3A_174], %swap3A_177 {strides = array<i32>} : memref<158x64xf32, #tpu.memory_space<vmem>>, vector<1x16xf32>,
      %broadcast_in_dim3A_178 = arith.constant 0.000000e+00 : f32
      %broadcast_in_dim3A_179 = vector.broadcast %broadcast_in_dim3A_178 : f32 to vector<16xf32>
      %swap3A_180 = arith.index_cast %add3A_158 : i32 to index
      %swap3A_181 = arith.constant 48 : index
      %swap3A_182 = tpu.vector_load %arg11[%swap3A_180, %swap3A_181] {strides = array<i32>} : memref<158x64xf32, #tpu.memory_space<vmem>>, vector<1x16xf32>,
      %swap3A_183 = vector.shape_cast %swap3A_182 : vector<1x16xf32> to vector<16xf32>
      %swap3A_184 = vector.shape_cast %broadcast_in_dim3A_179 : vector<16xf32> to vector<1x16xf32>
      tpu.vector_store %arg11[%swap3A_180, %swap3A_181], %swap3A_184 {strides = array<i32>} : memref<158x64xf32, #tpu.memory_space<vmem>>, vector<1x16xf32>,
    }
    %scan3A_4 = arith.constant 158 : i32
    %mul3A_5 = arith.constant 4 : i32
    %mul3A_6 = arith.muli %arg0, %mul3A_5 : i32
    %add3A = arith.constant 0 : i32
    %add3A_7 = arith.addi %mul3A_6, %add3A : i32
    %mul3A_8 = arith.constant 10112 : i32
    %mul3A_9 = arith.muli %add3A_7, %mul3A_8 : i32
    %mul3A_10 = arith.constant 632 : i32
    %mul3A_11 = arith.muli %arg1, %mul3A_10 : i32
    %add3A_12 = arith.constant 0 : i32
    %add3A_13 = arith.addi %mul3A_11, %add3A_12 : i32
    "tpu.region"() ({
      %run_scoped3A = tpu.sem_alloc : memref<!tpu.dma_semaphore, #tpu.memory_space<semaphore_mem>>
      %dma_start3A = arith.constant 0 : i32
      %dma_start3A_154 = tpu.memref_slice %arg6[%add3A_13, %dma_start3A] : memref<10112x64xf32, #tpu.memory_space<vmem_shared>> -> memref<158x64xf32, #tpu.memory_space<vmem_shared>>
      %dma_start3A_155 = arith.constant 0 : i32
      %dma_start3A_156 = tpu.memref_slice %arg6[%add3A_13, %dma_start3A_155] : memref<10112x64xf32, #tpu.memory_space<vmem_shared>> -> memref<158x64xf32, #tpu.memory_space<vmem_shared>>
      tpu.enqueue_dma source(%arg11 : memref<158x64xf32, #tpu.memory_space<vmem>>) target(%dma_start3A_156 : memref<158x64xf32, #tpu.memory_space<vmem_shared>>) target_semaphore(%run_scoped3A : memref<!tpu.dma_semaphore, #tpu.memory_space<semaphore_mem>>)
      %dma_wait3A = arith.constant 0 : i32
      %dma_wait3A_157 = tpu.memref_slice %arg6[%add3A_13, %dma_wait3A] : memref<10112x64xf32, #tpu.memory_space<vmem_shared>> -> memref<158x64xf32, #tpu.memory_space<vmem_shared>>
      %dma_wait3A_158 = arith.constant 0 : i32
      %dma_wait3A_159 = tpu.memref_slice %arg6[%add3A_13, %dma_wait3A_158] : memref<10112x64xf32, #tpu.memory_space<vmem_shared>> -> memref<158x64xf32, #tpu.memory_space<vmem_shared>>
      tpu.wait_dma2 semaphore(%run_scoped3A : memref<!tpu.dma_semaphore, #tpu.memory_space<semaphore_mem>>) src(%arg11 : memref<158x64xf32, #tpu.memory_space<vmem>>) dst(%dma_wait3A_159 : memref<158x64xf32, #tpu.memory_space<vmem_shared>>)
      tpu.yield
    }) : () -> ()
    %mul3A_14 = arith.constant 632 : i32
    %mul3A_15 = arith.muli %arg1, %mul3A_14 : i32
    %add3A_16 = arith.constant 158 : i32
    %add3A_17 = arith.addi %mul3A_15, %add3A_16 : i32
    "tpu.region"() ({
      %run_scoped3A = tpu.sem_alloc : memref<!tpu.dma_semaphore, #tpu.memory_space<semaphore_mem>>
      %dma_start3A = arith.constant 0 : i32
      %dma_start3A_154 = tpu.memref_slice %arg6[%add3A_17, %dma_start3A] : memref<10112x64xf32, #tpu.memory_space<vmem_shared>> -> memref<158x64xf32, #tpu.memory_space<vmem_shared>>
      %dma_start3A_155 = arith.constant 0 : i32
      %dma_start3A_156 = tpu.memref_slice %arg6[%add3A_17, %dma_start3A_155] : memref<10112x64xf32, #tpu.memory_space<vmem_shared>> -> memref<158x64xf32, #tpu.memory_space<vmem_shared>>
      tpu.enqueue_dma source(%arg11 : memref<158x64xf32, #tpu.memory_space<vmem>>) target(%dma_start3A_156 : memref<158x64xf32, #tpu.memory_space<vmem_shared>>) target_semaphore(%run_scoped3A : memref<!tpu.dma_semaphore, #tpu.memory_space<semaphore_mem>>)
      %dma_wait3A = arith.constant 0 : i32
      %dma_wait3A_157 = tpu.memref_slice %arg6[%add3A_17, %dma_wait3A] : memref<10112x64xf32, #tpu.memory_space<vmem_shared>> -> memref<158x64xf32, #tpu.memory_space<vmem_shared>>
      %dma_wait3A_158 = arith.constant 0 : i32
      %dma_wait3A_159 = tpu.memref_slice %arg6[%add3A_17, %dma_wait3A_158] : memref<10112x64xf32, #tpu.memory_space<vmem_shared>> -> memref<158x64xf32, #tpu.memory_space<vmem_shared>>
      tpu.wait_dma2 semaphore(%run_scoped3A : memref<!tpu.dma_semaphore, #tpu.memory_space<semaphore_mem>>) src(%arg11 : memref<158x64xf32, #tpu.memory_space<vmem>>) dst(%dma_wait3A_159 : memref<158x64xf32, #tpu.memory_space<vmem_shared>>)
      tpu.yield
    }) : () -> ()
    %mul3A_18 = arith.constant 632 : i32
    %mul3A_19 = arith.muli %arg1, %mul3A_18 : i32
    %add3A_20 = arith.constant 316 : i32
    %add3A_21 = arith.addi %mul3A_19, %add3A_20 : i32
    "tpu.region"() ({
      %run_scoped3A = tpu.sem_alloc : memref<!tpu.dma_semaphore, #tpu.memory_space<semaphore_mem>>
      %dma_start3A = arith.constant 0 : i32
      %dma_start3A_154 = tpu.memref_slice %arg6[%add3A_21, %dma_start3A] : memref<10112x64xf32, #tpu.memory_space<vmem_shared>> -> memref<158x64xf32, #tpu.memory_space<vmem_shared>>
      %dma_start3A_155 = arith.constant 0 : i32
      %dma_start3A_156 = tpu.memref_slice %arg6[%add3A_21, %dma_start3A_155] : memref<10112x64xf32, #tpu.memory_space<vmem_shared>> -> memref<158x64xf32, #tpu.memory_space<vmem_shared>>
      tpu.enqueue_dma source(%arg11 : memref<158x64xf32, #tpu.memory_space<vmem>>) target(%dma_start3A_156 : memref<158x64xf32, #tpu.memory_space<vmem_shared>>) target_semaphore(%run_scoped3A : memref<!tpu.dma_semaphore, #tpu.memory_space<semaphore_mem>>)
      %dma_wait3A = arith.constant 0 : i32
      %dma_wait3A_157 = tpu.memref_slice %arg6[%add3A_21, %dma_wait3A] : memref<10112x64xf32, #tpu.memory_space<vmem_shared>> -> memref<158x64xf32, #tpu.memory_space<vmem_shared>>
      %dma_wait3A_158 = arith.constant 0 : i32
      %dma_wait3A_159 = tpu.memref_slice %arg6[%add3A_21, %dma_wait3A_158] : memref<10112x64xf32, #tpu.memory_space<vmem_shared>> -> memref<158x64xf32, #tpu.memory_space<vmem_shared>>
      tpu.wait_dma2 semaphore(%run_scoped3A : memref<!tpu.dma_semaphore, #tpu.memory_space<semaphore_mem>>) src(%arg11 : memref<158x64xf32, #tpu.memory_space<vmem>>) dst(%dma_wait3A_159 : memref<158x64xf32, #tpu.memory_space<vmem_shared>>)
      tpu.yield
    }) : () -> ()
    %mul3A_22 = arith.constant 632 : i32
    %mul3A_23 = arith.muli %arg1, %mul3A_22 : i32
    %add3A_24 = arith.constant 474 : i32
    %add3A_25 = arith.addi %mul3A_23, %add3A_24 : i32
    "tpu.region"() ({
      %run_scoped3A = tpu.sem_alloc : memref<!tpu.dma_semaphore, #tpu.memory_space<semaphore_mem>>
      %dma_start3A = arith.constant 0 : i32
      %dma_start3A_154 = tpu.memref_slice %arg6[%add3A_25, %dma_start3A] : memref<10112x64xf32, #tpu.memory_space<vmem_shared>> -> memref<158x64xf32, #tpu.memory_space<vmem_shared>>
      %dma_start3A_155 = arith.constant 0 : i32
      %dma_start3A_156 = tpu.memref_slice %arg6[%add3A_25, %dma_start3A_155] : memref<10112x64xf32, #tpu.memory_space<vmem_shared>> -> memref<158x64xf32, #tpu.memory_space<vmem_shared>>
      tpu.enqueue_dma source(%arg11 : memref<158x64xf32, #tpu.memory_space<vmem>>) target(%dma_start3A_156 : memref<158x64xf32, #tpu.memory_space<vmem_shared>>) target_semaphore(%run_scoped3A : memref<!tpu.dma_semaphore, #tpu.memory_space<semaphore_mem>>)
      %dma_wait3A = arith.constant 0 : i32
      %dma_wait3A_157 = tpu.memref_slice %arg6[%add3A_25, %dma_wait3A] : memref<10112x64xf32, #tpu.memory_space<vmem_shared>> -> memref<158x64xf32, #tpu.memory_space<vmem_shared>>
      %dma_wait3A_158 = arith.constant 0 : i32
      %dma_wait3A_159 = tpu.memref_slice %arg6[%add3A_25, %dma_wait3A_158] : memref<10112x64xf32, #tpu.memory_space<vmem_shared>> -> memref<158x64xf32, #tpu.memory_space<vmem_shared>>
      tpu.wait_dma2 semaphore(%run_scoped3A : memref<!tpu.dma_semaphore, #tpu.memory_space<semaphore_mem>>) src(%arg11 : memref<158x64xf32, #tpu.memory_space<vmem>>) dst(%dma_wait3A_159 : memref<158x64xf32, #tpu.memory_space<vmem_shared>>)
      tpu.yield
    }) : () -> ()
    %barrier3A = arith.constant 0 : index
    tpu.barrier barrier_id(%barrier3A)
    %mul3A_26 = arith.constant 320 : i32
    %mul3A_27 = arith.muli %add3A_7, %mul3A_26 : i32
    %add3A_28 = arith.addi %mul3A_27, %mul3A_0 : i32
    %scan3A_29 = arith.constant 0 : i32
    %scan3A_30 = arith.constant 20 : i32
    %scan3A_31 = arith.addi %scan3A_29, %scan3A_30 : i32
    %scan3A_32 = arith.constant 1 : i32
    scf.for %scan3A_154 = %scan3A_29 to %scan3A_31 step %scan3A_32  : i32 {
      %mul3A_155 = arith.constant 1 : i32
      %mul3A_156 = arith.muli %scan3A_154, %mul3A_155 : i32
      %add3A_157 = arith.constant 0 : i32
      %add3A_158 = arith.addi %add3A_157, %mul3A_156 : i32
      %add3A_159 = arith.addi %add3A_28, %add3A_158 : i32
      "tpu.region"() ({
        %run_scoped3A = tpu.sem_alloc : memref<!tpu.dma_semaphore, #tpu.memory_space<semaphore_mem>>
        %dma_start3A_215 = arith.constant 0 : i32
        %dma_start3A_216 = arith.constant 0 : i32
        %dma_start3A_217 = tpu.memref_slice %arg3[%add3A_159, %dma_start3A_215, %dma_start3A_216] : memref<2560x2x512xi32, #tpu.memory_space<hbm>> -> memref<1x2x512xi32, #tpu.memory_space<hbm>>
        %dma_start3A_218 = tpu.memref_squeeze %dma_start3A_217 : memref<1x2x512xi32, #tpu.memory_space<hbm>> -> memref<2x512xi32, #tpu.memory_space<hbm>>
        %dma_start3A_219 = arith.constant 0 : i32
        %dma_start3A_220 = arith.constant 0 : i32
        %dma_start3A_221 = tpu.memref_slice %arg3[%add3A_159, %dma_start3A_219, %dma_start3A_220] : memref<2560x2x512xi32, #tpu.memory_space<hbm>> -> memref<1x2x512xi32, #tpu.memory_space<hbm>>
        %dma_start3A_222 = tpu.memref_squeeze %dma_start3A_221 : memref<1x2x512xi32, #tpu.memory_space<hbm>> -> memref<2x512xi32, #tpu.memory_space<hbm>>
        tpu.enqueue_dma source(%dma_start3A_222 : memref<2x512xi32, #tpu.memory_space<hbm>>) target(%arg7 : memref<2x512xi32, #tpu.memory_space<vmem>>) target_semaphore(%run_scoped3A : memref<!tpu.dma_semaphore, #tpu.memory_space<semaphore_mem>>)
        %dma_wait3A_223 = arith.constant 0 : i32
        %dma_wait3A_224 = arith.constant 0 : i32
        %dma_wait3A_225 = tpu.memref_slice %arg3[%add3A_159, %dma_wait3A_223, %dma_wait3A_224] : memref<2560x2x512xi32, #tpu.memory_space<hbm>> -> memref<1x2x512xi32, #tpu.memory_space<hbm>>
        %dma_wait3A_226 = tpu.memref_squeeze %dma_wait3A_225 : memref<1x2x512xi32, #tpu.memory_space<hbm>> -> memref<2x512xi32, #tpu.memory_space<hbm>>
        %dma_wait3A_227 = arith.constant 0 : i32
        %dma_wait3A_228 = arith.constant 0 : i32
        %dma_wait3A_229 = tpu.memref_slice %arg3[%add3A_159, %dma_wait3A_227, %dma_wait3A_228] : memref<2560x2x512xi32, #tpu.memory_space<hbm>> -> memref<1x2x512xi32, #tpu.memory_space<hbm>>
        %dma_wait3A_230 = tpu.memref_squeeze %dma_wait3A_229 : memref<1x2x512xi32, #tpu.memory_space<hbm>> -> memref<2x512xi32, #tpu.memory_space<hbm>>
        tpu.wait_dma2 semaphore(%run_scoped3A : memref<!tpu.dma_semaphore, #tpu.memory_space<semaphore_mem>>) src(%dma_wait3A_230 : memref<2x512xi32, #tpu.memory_space<hbm>>) dst(%arg7 : memref<2x512xi32, #tpu.memory_space<vmem>>)
        tpu.yield
      }) : () -> ()
      %add3A_160 = arith.addi %mul3A_0, %add3A_158 : i32
      "tpu.region"() ({
        %run_scoped3A = tpu.sem_alloc : memref<!tpu.dma_semaphore, #tpu.memory_space<semaphore_mem>>
        %dma_start3A_215 = arith.constant 0 : i32
        %dma_start3A_216 = arith.constant 0 : i32
        %dma_start3A_217 = tpu.memref_slice %arg4[%add3A_160, %dma_start3A_215, %dma_start3A_216] : memref<320x2x512xi32, #tpu.memory_space<hbm>> -> memref<1x2x512xi32, #tpu.memory_space<hbm>>
        %dma_start3A_218 = tpu.memref_squeeze %dma_start3A_217 : memref<1x2x512xi32, #tpu.memory_space<hbm>> -> memref<2x512xi32, #tpu.memory_space<hbm>>
        %dma_start3A_219 = arith.constant 0 : i32
        %dma_start3A_220 = arith.constant 0 : i32
        %dma_start3A_221 = tpu.memref_slice %arg4[%add3A_160, %dma_start3A_219, %dma_start3A_220] : memref<320x2x512xi32, #tpu.memory_space<hbm>> -> memref<1x2x512xi32, #tpu.memory_space<hbm>>
        %dma_start3A_222 = tpu.memref_squeeze %dma_start3A_221 : memref<1x2x512xi32, #tpu.memory_space<hbm>> -> memref<2x512xi32, #tpu.memory_space<hbm>>
        tpu.enqueue_dma source(%dma_start3A_222 : memref<2x512xi32, #tpu.memory_space<hbm>>) target(%arg8 : memref<2x512xi32, #tpu.memory_space<vmem>>) target_semaphore(%run_scoped3A : memref<!tpu.dma_semaphore, #tpu.memory_space<semaphore_mem>>)
        %dma_wait3A_223 = arith.constant 0 : i32
        %dma_wait3A_224 = arith.constant 0 : i32
        %dma_wait3A_225 = tpu.memref_slice %arg4[%add3A_160, %dma_wait3A_223, %dma_wait3A_224] : memref<320x2x512xi32, #tpu.memory_space<hbm>> -> memref<1x2x512xi32, #tpu.memory_space<hbm>>
        %dma_wait3A_226 = tpu.memref_squeeze %dma_wait3A_225 : memref<1x2x512xi32, #tpu.memory_space<hbm>> -> memref<2x512xi32, #tpu.memory_space<hbm>>
        %dma_wait3A_227 = arith.constant 0 : i32
        %dma_wait3A_228 = arith.constant 0 : i32
        %dma_wait3A_229 = tpu.memref_slice %arg4[%add3A_160, %dma_wait3A_227, %dma_wait3A_228] : memref<320x2x512xi32, #tpu.memory_space<hbm>> -> memref<1x2x512xi32, #tpu.memory_space<hbm>>
        %dma_wait3A_230 = tpu.memref_squeeze %dma_wait3A_229 : memref<1x2x512xi32, #tpu.memory_space<hbm>> -> memref<2x512xi32, #tpu.memory_space<hbm>>
        tpu.wait_dma2 semaphore(%run_scoped3A : memref<!tpu.dma_semaphore, #tpu.memory_space<semaphore_mem>>) src(%dma_wait3A_230 : memref<2x512xi32, #tpu.memory_space<hbm>>) dst(%arg8 : memref<2x512xi32, #tpu.memory_space<vmem>>)
        tpu.yield
      }) : () -> ()
      %dma_start3A = arith.constant 0 : i32
      %dma_start3A_161 = arith.constant 0 : i32
      %dma_start3A_162 = tpu.memref_slice %arg7[%dma_start3A, %dma_start3A_161] : memref<2x512xi32, #tpu.memory_space<vmem>> -> memref<1x512xi32, #tpu.memory_space<vmem>>
      %dma_start3A_163 = tpu.memref_squeeze %dma_start3A_162 : memref<1x512xi32, #tpu.memory_space<vmem>> -> memref<512xi32, #tpu.memory_space<vmem>>
      %dma_start3A_164 = arith.constant 0 : i32
      %dma_start3A_165 = arith.constant 0 : i32
      %dma_start3A_166 = tpu.memref_slice %arg2[%dma_start3A_164, %dma_start3A_165] : memref<80000x64xf32, #tpu.memory_space<hbm>> -> memref<80000x64xf32, #tpu.memory_space<hbm>>
      tpu.enqueue_indirect_dma source(%dma_start3A_166 : memref<80000x64xf32, #tpu.memory_space<hbm>>) target(%arg9 : memref<512x64xf32, #tpu.memory_space<vmem>>) offsets(%dma_start3A_163 : memref<512xi32, #tpu.memory_space<vmem>>) semaphore(%arg12 : memref<!tpu.dma_semaphore, #tpu.memory_space<semaphore_mem>>)
      %dma_wait3A = arith.constant 0 : i32
      %dma_wait3A_167 = arith.constant 0 : i32
      %dma_wait3A_168 = tpu.memref_slice %arg7[%dma_wait3A, %dma_wait3A_167] : memref<2x512xi32, #tpu.memory_space<vmem>> -> memref<1x512xi32, #tpu.memory_space<vmem>>
      %dma_wait3A_169 = tpu.memref_squeeze %dma_wait3A_168 : memref<1x512xi32, #tpu.memory_space<vmem>> -> memref<512xi32, #tpu.memory_space<vmem>>
      %dma_wait3A_170 = arith.constant 0 : i32
      %dma_wait3A_171 = arith.constant 0 : i32
      %dma_wait3A_172 = tpu.memref_slice %arg2[%dma_wait3A_170, %dma_wait3A_171] : memref<80000x64xf32, #tpu.memory_space<hbm>> -> memref<80000x64xf32, #tpu.memory_space<hbm>>
      tpu.wait_indirect_dma semaphore(%arg12 : memref<!tpu.dma_semaphore, #tpu.memory_space<semaphore_mem>>) src(%dma_wait3A_172 : memref<80000x64xf32, #tpu.memory_space<hbm>>) dst(%arg9 : memref<512x64xf32, #tpu.memory_space<vmem>>)
      %dma_start3A_173 = arith.constant 1 : i32
      %dma_start3A_174 = arith.constant 0 : i32
      %dma_start3A_175 = tpu.memref_slice %arg7[%dma_start3A_173, %dma_start3A_174] : memref<2x512xi32, #tpu.memory_space<vmem>> -> memref<1x512xi32, #tpu.memory_space<vmem>>
      %dma_start3A_176 = tpu.memref_squeeze %dma_start3A_175 : memref<1x512xi32, #tpu.memory_space<vmem>> -> memref<512xi32, #tpu.memory_space<vmem>>
      %dma_start3A_177 = arith.constant 0 : i32
      %dma_start3A_178 = arith.constant 0 : i32
      %dma_start3A_179 = tpu.memref_slice %arg2[%dma_start3A_177, %dma_start3A_178] : memref<80000x64xf32, #tpu.memory_space<hbm>> -> memref<80000x64xf32, #tpu.memory_space<hbm>>
      tpu.enqueue_indirect_dma source(%dma_start3A_179 : memref<80000x64xf32, #tpu.memory_space<hbm>>) target(%arg10 : memref<512x64xf32, #tpu.memory_space<vmem>>) offsets(%dma_start3A_176 : memref<512xi32, #tpu.memory_space<vmem>>) semaphore(%arg13 : memref<!tpu.dma_semaphore, #tpu.memory_space<semaphore_mem>>)
      %dma_start3A_180 = arith.constant 0 : i32
      %dma_start3A_181 = arith.constant 0 : i32
      %dma_start3A_182 = tpu.memref_slice %arg8[%dma_start3A_180, %dma_start3A_181] : memref<2x512xi32, #tpu.memory_space<vmem>> -> memref<1x512xi32, #tpu.memory_space<vmem>>
      %dma_start3A_183 = tpu.memref_squeeze %dma_start3A_182 : memref<1x512xi32, #tpu.memory_space<vmem>> -> memref<512xi32, #tpu.memory_space<vmem>>
      %dma_start3A_184 = arith.constant 0 : i32
      %dma_start3A_185 = arith.constant 0 : i32
      %dma_start3A_186 = tpu.memref_slice %arg6[%dma_start3A_184, %dma_start3A_185] : memref<10112x64xf32, #tpu.memory_space<vmem_shared>> -> memref<10112x64xf32, #tpu.memory_space<vmem_shared>>
      tpu.enqueue_indirect_dma source(%arg9 : memref<512x64xf32, #tpu.memory_space<vmem>>) target(%dma_start3A_186 : memref<10112x64xf32, #tpu.memory_space<vmem_shared>>) offsets(%dma_start3A_183 : memref<512xi32, #tpu.memory_space<vmem>>) semaphore(%arg12 : memref<!tpu.dma_semaphore, #tpu.memory_space<semaphore_mem>>) {add = true}
      %dma_wait3A_187 = arith.constant 1 : i32
      %dma_wait3A_188 = arith.constant 0 : i32
      %dma_wait3A_189 = tpu.memref_slice %arg7[%dma_wait3A_187, %dma_wait3A_188] : memref<2x512xi32, #tpu.memory_space<vmem>> -> memref<1x512xi32, #tpu.memory_space<vmem>>
      %dma_wait3A_190 = tpu.memref_squeeze %dma_wait3A_189 : memref<1x512xi32, #tpu.memory_space<vmem>> -> memref<512xi32, #tpu.memory_space<vmem>>
      %dma_wait3A_191 = arith.constant 0 : i32
      %dma_wait3A_192 = arith.constant 0 : i32
      %dma_wait3A_193 = tpu.memref_slice %arg2[%dma_wait3A_191, %dma_wait3A_192] : memref<80000x64xf32, #tpu.memory_space<hbm>> -> memref<80000x64xf32, #tpu.memory_space<hbm>>
      tpu.wait_indirect_dma semaphore(%arg13 : memref<!tpu.dma_semaphore, #tpu.memory_space<semaphore_mem>>) src(%dma_wait3A_193 : memref<80000x64xf32, #tpu.memory_space<hbm>>) dst(%arg10 : memref<512x64xf32, #tpu.memory_space<vmem>>)
      %dma_wait3A_194 = arith.constant 0 : i32
      %dma_wait3A_195 = arith.constant 0 : i32
      %dma_wait3A_196 = tpu.memref_slice %arg8[%dma_wait3A_194, %dma_wait3A_195] : memref<2x512xi32, #tpu.memory_space<vmem>> -> memref<1x512xi32, #tpu.memory_space<vmem>>
      %dma_wait3A_197 = tpu.memref_squeeze %dma_wait3A_196 : memref<1x512xi32, #tpu.memory_space<vmem>> -> memref<512xi32, #tpu.memory_space<vmem>>
      %dma_wait3A_198 = arith.constant 0 : i32
      %dma_wait3A_199 = arith.constant 0 : i32
      %dma_wait3A_200 = tpu.memref_slice %arg6[%dma_wait3A_198, %dma_wait3A_199] : memref<10112x64xf32, #tpu.memory_space<vmem_shared>> -> memref<10112x64xf32, #tpu.memory_space<vmem_shared>>
      tpu.wait_indirect_dma semaphore(%arg12 : memref<!tpu.dma_semaphore, #tpu.memory_space<semaphore_mem>>) src(%arg9 : memref<512x64xf32, #tpu.memory_space<vmem>>) dst(%dma_wait3A_200 : memref<10112x64xf32, #tpu.memory_space<vmem_shared>>)
      %dma_start3A_201 = arith.constant 1 : i32
      %dma_start3A_202 = arith.constant 0 : i32
      %dma_start3A_203 = tpu.memref_slice %arg8[%dma_start3A_201, %dma_start3A_202] : memref<2x512xi32, #tpu.memory_space<vmem>> -> memref<1x512xi32, #tpu.memory_space<vmem>>
      %dma_start3A_204 = tpu.memref_squeeze %dma_start3A_203 : memref<1x512xi32, #tpu.memory_space<vmem>> -> memref<512xi32, #tpu.memory_space<vmem>>
      %dma_start3A_205 = arith.constant 0 : i32
      %dma_start3A_206 = arith.constant 0 : i32
      %dma_start3A_207 = tpu.memref_slice %arg6[%dma_start3A_205, %dma_start3A_206] : memref<10112x64xf32, #tpu.memory_space<vmem_shared>> -> memref<10112x64xf32, #tpu.memory_space<vmem_shared>>
      tpu.enqueue_indirect_dma source(%arg10 : memref<512x64xf32, #tpu.memory_space<vmem>>) target(%dma_start3A_207 : memref<10112x64xf32, #tpu.memory_space<vmem_shared>>) offsets(%dma_start3A_204 : memref<512xi32, #tpu.memory_space<vmem>>) semaphore(%arg13 : memref<!tpu.dma_semaphore, #tpu.memory_space<semaphore_mem>>) {add = true}
      %dma_wait3A_208 = arith.constant 1 : i32
      %dma_wait3A_209 = arith.constant 0 : i32
      %dma_wait3A_210 = tpu.memref_slice %arg8[%dma_wait3A_208, %dma_wait3A_209] : memref<2x512xi32, #tpu.memory_space<vmem>> -> memref<1x512xi32, #tpu.memory_space<vmem>>
      %dma_wait3A_211 = tpu.memref_squeeze %dma_wait3A_210 : memref<1x512xi32, #tpu.memory_space<vmem>> -> memref<512xi32, #tpu.memory_space<vmem>>
      %dma_wait3A_212 = arith.constant 0 : i32
      %dma_wait3A_213 = arith.constant 0 : i32
      %dma_wait3A_214 = tpu.memref_slice %arg6[%dma_wait3A_212, %dma_wait3A_213] : memref<10112x64xf32, #tpu.memory_space<vmem_shared>> -> memref<10112x64xf32, #tpu.memory_space<vmem_shared>>
      tpu.wait_indirect_dma semaphore(%arg13 : memref<!tpu.dma_semaphore, #tpu.memory_space<semaphore_mem>>) src(%arg10 : memref<512x64xf32, #tpu.memory_space<vmem>>) dst(%dma_wait3A_214 : memref<10112x64xf32, #tpu.memory_space<vmem_shared>>)
    }
    %scan3A_33 = arith.constant 20 : i32
    %barrier3A_34 = arith.constant 0 : index
    tpu.barrier barrier_id(%barrier3A_34)
    %mul3A_35 = arith.constant 632 : i32
    %mul3A_36 = arith.muli %arg1, %mul3A_35 : i32
    %mul3A_37 = arith.constant 632 : i32
    %mul3A_38 = arith.muli %arg1, %mul3A_37 : i32
    %add3A_39 = arith.addi %mul3A_9, %mul3A_38 : i32
    "tpu.region"() ({
      %run_scoped3A = tpu.sem_alloc : memref<!tpu.dma_semaphore, #tpu.memory_space<semaphore_mem>>
      %dma_start3A = arith.constant 0 : i32
      %dma_start3A_154 = tpu.memref_slice %arg5[%add3A_39, %dma_start3A] : memref<80896x64xf32, #tpu.memory_space<hbm>> -> memref<632x64xf32, #tpu.memory_space<hbm>>
      %dma_start3A_155 = arith.constant 0 : i32
      %dma_start3A_156 = tpu.memref_slice %arg6[%mul3A_36, %dma_start3A_155] : memref<10112x64xf32, #tpu.memory_space<vmem_shared>> -> memref<632x64xf32, #tpu.memory_space<vmem_shared>>
      tpu.enqueue_dma source(%dma_start3A_156 : memref<632x64xf32, #tpu.memory_space<vmem_shared>>) target(%dma_start3A_154 : memref<632x64xf32, #tpu.memory_space<hbm>>) target_semaphore(%run_scoped3A : memref<!tpu.dma_semaphore, #tpu.memory_space<semaphore_mem>>)
      %dma_wait3A = arith.constant 0 : i32
      %dma_wait3A_157 = tpu.memref_slice %arg5[%add3A_39, %dma_wait3A] : memref<80896x64xf32, #tpu.memory_space<hbm>> -> memref<632x64xf32, #tpu.memory_space<hbm>>
      %dma_wait3A_158 = arith.constant 0 : i32
      %dma_wait3A_159 = tpu.memref_slice %arg6[%mul3A_36, %dma_wait3A_158] : memref<10112x64xf32, #tpu.memory_space<vmem_shared>> -> memref<632x64xf32, #tpu.memory_space<vmem_shared>>
      tpu.wait_dma2 semaphore(%run_scoped3A : memref<!tpu.dma_semaphore, #tpu.memory_space<semaphore_mem>>) src(%dma_wait3A_159 : memref<632x64xf32, #tpu.memory_space<vmem_shared>>) dst(%dma_wait3A_157 : memref<632x64xf32, #tpu.memory_space<hbm>>)
      tpu.yield
    }) : () -> ()
    %mul3A_40 = arith.constant 4 : i32
    %mul3A_41 = arith.muli %arg0, %mul3A_40 : i32
    %add3A_42 = arith.constant 1 : i32
    %add3A_43 = arith.addi %mul3A_41, %add3A_42 : i32
    %mul3A_44 = arith.constant 10112 : i32
    %mul3A_45 = arith.muli %add3A_43, %mul3A_44 : i32
    %barrier3A_46 = arith.constant 0 : index
    tpu.barrier barrier_id(%barrier3A_46)
    %mul3A_47 = arith.constant 632 : i32
    %mul3A_48 = arith.muli %arg1, %mul3A_47 : i32
    %add3A_49 = arith.constant 0 : i32
    %add3A_50 = arith.addi %mul3A_48, %add3A_49 : i32
    "tpu.region"() ({
      %run_scoped3A = tpu.sem_alloc : memref<!tpu.dma_semaphore, #tpu.memory_space<semaphore_mem>>
      %dma_start3A = arith.constant 0 : i32
      %dma_start3A_154 = tpu.memref_slice %arg6[%add3A_50, %dma_start3A] : memref<10112x64xf32, #tpu.memory_space<vmem_shared>> -> memref<158x64xf32, #tpu.memory_space<vmem_shared>>
      %dma_start3A_155 = arith.constant 0 : i32
      %dma_start3A_156 = tpu.memref_slice %arg6[%add3A_50, %dma_start3A_155] : memref<10112x64xf32, #tpu.memory_space<vmem_shared>> -> memref<158x64xf32, #tpu.memory_space<vmem_shared>>
      tpu.enqueue_dma source(%arg11 : memref<158x64xf32, #tpu.memory_space<vmem>>) target(%dma_start3A_156 : memref<158x64xf32, #tpu.memory_space<vmem_shared>>) target_semaphore(%run_scoped3A : memref<!tpu.dma_semaphore, #tpu.memory_space<semaphore_mem>>)
      %dma_wait3A = arith.constant 0 : i32
      %dma_wait3A_157 = tpu.memref_slice %arg6[%add3A_50, %dma_wait3A] : memref<10112x64xf32, #tpu.memory_space<vmem_shared>> -> memref<158x64xf32, #tpu.memory_space<vmem_shared>>
      %dma_wait3A_158 = arith.constant 0 : i32
      %dma_wait3A_159 = tpu.memref_slice %arg6[%add3A_50, %dma_wait3A_158] : memref<10112x64xf32, #tpu.memory_space<vmem_shared>> -> memref<158x64xf32, #tpu.memory_space<vmem_shared>>
      tpu.wait_dma2 semaphore(%run_scoped3A : memref<!tpu.dma_semaphore, #tpu.memory_space<semaphore_mem>>) src(%arg11 : memref<158x64xf32, #tpu.memory_space<vmem>>) dst(%dma_wait3A_159 : memref<158x64xf32, #tpu.memory_space<vmem_shared>>)
      tpu.yield
    }) : () -> ()
    %mul3A_51 = arith.constant 632 : i32
    %mul3A_52 = arith.muli %arg1, %mul3A_51 : i32
    %add3A_53 = arith.constant 158 : i32
    %add3A_54 = arith.addi %mul3A_52, %add3A_53 : i32
    "tpu.region"() ({
      %run_scoped3A = tpu.sem_alloc : memref<!tpu.dma_semaphore, #tpu.memory_space<semaphore_mem>>
      %dma_start3A = arith.constant 0 : i32
      %dma_start3A_154 = tpu.memref_slice %arg6[%add3A_54, %dma_start3A] : memref<10112x64xf32, #tpu.memory_space<vmem_shared>> -> memref<158x64xf32, #tpu.memory_space<vmem_shared>>
      %dma_start3A_155 = arith.constant 0 : i32
      %dma_start3A_156 = tpu.memref_slice %arg6[%add3A_54, %dma_start3A_155] : memref<10112x64xf32, #tpu.memory_space<vmem_shared>> -> memref<158x64xf32, #tpu.memory_space<vmem_shared>>
      tpu.enqueue_dma source(%arg11 : memref<158x64xf32, #tpu.memory_space<vmem>>) target(%dma_start3A_156 : memref<158x64xf32, #tpu.memory_space<vmem_shared>>) target_semaphore(%run_scoped3A : memref<!tpu.dma_semaphore, #tpu.memory_space<semaphore_mem>>)
      %dma_wait3A = arith.constant 0 : i32
      %dma_wait3A_157 = tpu.memref_slice %arg6[%add3A_54, %dma_wait3A] : memref<10112x64xf32, #tpu.memory_space<vmem_shared>> -> memref<158x64xf32, #tpu.memory_space<vmem_shared>>
      %dma_wait3A_158 = arith.constant 0 : i32
      %dma_wait3A_159 = tpu.memref_slice %arg6[%add3A_54, %dma_wait3A_158] : memref<10112x64xf32, #tpu.memory_space<vmem_shared>> -> memref<158x64xf32, #tpu.memory_space<vmem_shared>>
      tpu.wait_dma2 semaphore(%run_scoped3A : memref<!tpu.dma_semaphore, #tpu.memory_space<semaphore_mem>>) src(%arg11 : memref<158x64xf32, #tpu.memory_space<vmem>>) dst(%dma_wait3A_159 : memref<158x64xf32, #tpu.memory_space<vmem_shared>>)
      tpu.yield
    }) : () -> ()
    %mul3A_55 = arith.constant 632 : i32
    %mul3A_56 = arith.muli %arg1, %mul3A_55 : i32
    %add3A_57 = arith.constant 316 : i32
    %add3A_58 = arith.addi %mul3A_56, %add3A_57 : i32
    "tpu.region"() ({
      %run_scoped3A = tpu.sem_alloc : memref<!tpu.dma_semaphore, #tpu.memory_space<semaphore_mem>>
      %dma_start3A = arith.constant 0 : i32
      %dma_start3A_154 = tpu.memref_slice %arg6[%add3A_58, %dma_start3A] : memref<10112x64xf32, #tpu.memory_space<vmem_shared>> -> memref<158x64xf32, #tpu.memory_space<vmem_shared>>
      %dma_start3A_155 = arith.constant 0 : i32
      %dma_start3A_156 = tpu.memref_slice %arg6[%add3A_58, %dma_start3A_155] : memref<10112x64xf32, #tpu.memory_space<vmem_shared>> -> memref<158x64xf32, #tpu.memory_space<vmem_shared>>
      tpu.enqueue_dma source(%arg11 : memref<158x64xf32, #tpu.memory_space<vmem>>) target(%dma_start3A_156 : memref<158x64xf32, #tpu.memory_space<vmem_shared>>) target_semaphore(%run_scoped3A : memref<!tpu.dma_semaphore, #tpu.memory_space<semaphore_mem>>)
      %dma_wait3A = arith.constant 0 : i32
      %dma_wait3A_157 = tpu.memref_slice %arg6[%add3A_58, %dma_wait3A] : memref<10112x64xf32, #tpu.memory_space<vmem_shared>> -> memref<158x64xf32, #tpu.memory_space<vmem_shared>>
      %dma_wait3A_158 = arith.constant 0 : i32
      %dma_wait3A_159 = tpu.memref_slice %arg6[%add3A_58, %dma_wait3A_158] : memref<10112x64xf32, #tpu.memory_space<vmem_shared>> -> memref<158x64xf32, #tpu.memory_space<vmem_shared>>
      tpu.wait_dma2 semaphore(%run_scoped3A : memref<!tpu.dma_semaphore, #tpu.memory_space<semaphore_mem>>) src(%arg11 : memref<158x64xf32, #tpu.memory_space<vmem>>) dst(%dma_wait3A_159 : memref<158x64xf32, #tpu.memory_space<vmem_shared>>)
      tpu.yield
    }) : () -> ()
    %mul3A_59 = arith.constant 632 : i32
    %mul3A_60 = arith.muli %arg1, %mul3A_59 : i32
    %add3A_61 = arith.constant 474 : i32
    %add3A_62 = arith.addi %mul3A_60, %add3A_61 : i32
    "tpu.region"() ({
      %run_scoped3A = tpu.sem_alloc : memref<!tpu.dma_semaphore, #tpu.memory_space<semaphore_mem>>
      %dma_start3A = arith.constant 0 : i32
      %dma_start3A_154 = tpu.memref_slice %arg6[%add3A_62, %dma_start3A] : memref<10112x64xf32, #tpu.memory_space<vmem_shared>> -> memref<158x64xf32, #tpu.memory_space<vmem_shared>>
      %dma_start3A_155 = arith.constant 0 : i32
      %dma_start3A_156 = tpu.memref_slice %arg6[%add3A_62, %dma_start3A_155] : memref<10112x64xf32, #tpu.memory_space<vmem_shared>> -> memref<158x64xf32, #tpu.memory_space<vmem_shared>>
      tpu.enqueue_dma source(%arg11 : memref<158x64xf32, #tpu.memory_space<vmem>>) target(%dma_start3A_156 : memref<158x64xf32, #tpu.memory_space<vmem_shared>>) target_semaphore(%run_scoped3A : memref<!tpu.dma_semaphore, #tpu.memory_space<semaphore_mem>>)
      %dma_wait3A = arith.constant 0 : i32
      %dma_wait3A_157 = tpu.memref_slice %arg6[%add3A_62, %dma_wait3A] : memref<10112x64xf32, #tpu.memory_space<vmem_shared>> -> memref<158x64xf32, #tpu.memory_space<vmem_shared>>
      %dma_wait3A_158 = arith.constant 0 : i32
      %dma_wait3A_159 = tpu.memref_slice %arg6[%add3A_62, %dma_wait3A_158] : memref<10112x64xf32, #tpu.memory_space<vmem_shared>> -> memref<158x64xf32, #tpu.memory_space<vmem_shared>>
      tpu.wait_dma2 semaphore(%run_scoped3A : memref<!tpu.dma_semaphore, #tpu.memory_space<semaphore_mem>>) src(%arg11 : memref<158x64xf32, #tpu.memory_space<vmem>>) dst(%dma_wait3A_159 : memref<158x64xf32, #tpu.memory_space<vmem_shared>>)
      tpu.yield
    }) : () -> ()
    %barrier3A_63 = arith.constant 0 : index
    tpu.barrier barrier_id(%barrier3A_63)
    %mul3A_64 = arith.constant 320 : i32
    %mul3A_65 = arith.muli %add3A_43, %mul3A_64 : i32
    %add3A_66 = arith.addi %mul3A_65, %mul3A_0 : i32
    %scan3A_67 = arith.constant 0 : i32
    %scan3A_68 = arith.constant 20 : i32
    %scan3A_69 = arith.addi %scan3A_67, %scan3A_68 : i32
    %scan3A_70 = arith.constant 1 : i32
    scf.for %scan3A_154 = %scan3A_67 to %scan3A_69 step %scan3A_70  : i32 {
      %mul3A_155 = arith.constant 1 : i32
      %mul3A_156 = arith.muli %scan3A_154, %mul3A_155 : i32
      %add3A_157 = arith.constant 0 : i32
      %add3A_158 = arith.addi %add3A_157, %mul3A_156 : i32
      %add3A_159 = arith.addi %add3A_66, %add3A_158 : i32
      "tpu.region"() ({
        %run_scoped3A = tpu.sem_alloc : memref<!tpu.dma_semaphore, #tpu.memory_space<semaphore_mem>>
        %dma_start3A_215 = arith.constant 0 : i32
        %dma_start3A_216 = arith.constant 0 : i32
        %dma_start3A_217 = tpu.memref_slice %arg3[%add3A_159, %dma_start3A_215, %dma_start3A_216] : memref<2560x2x512xi32, #tpu.memory_space<hbm>> -> memref<1x2x512xi32, #tpu.memory_space<hbm>>
        %dma_start3A_218 = tpu.memref_squeeze %dma_start3A_217 : memref<1x2x512xi32, #tpu.memory_space<hbm>> -> memref<2x512xi32, #tpu.memory_space<hbm>>
        %dma_start3A_219 = arith.constant 0 : i32
        %dma_start3A_220 = arith.constant 0 : i32
        %dma_start3A_221 = tpu.memref_slice %arg3[%add3A_159, %dma_start3A_219, %dma_start3A_220] : memref<2560x2x512xi32, #tpu.memory_space<hbm>> -> memref<1x2x512xi32, #tpu.memory_space<hbm>>
        %dma_start3A_222 = tpu.memref_squeeze %dma_start3A_221 : memref<1x2x512xi32, #tpu.memory_space<hbm>> -> memref<2x512xi32, #tpu.memory_space<hbm>>
        tpu.enqueue_dma source(%dma_start3A_222 : memref<2x512xi32, #tpu.memory_space<hbm>>) target(%arg7 : memref<2x512xi32, #tpu.memory_space<vmem>>) target_semaphore(%run_scoped3A : memref<!tpu.dma_semaphore, #tpu.memory_space<semaphore_mem>>)
        %dma_wait3A_223 = arith.constant 0 : i32
        %dma_wait3A_224 = arith.constant 0 : i32
        %dma_wait3A_225 = tpu.memref_slice %arg3[%add3A_159, %dma_wait3A_223, %dma_wait3A_224] : memref<2560x2x512xi32, #tpu.memory_space<hbm>> -> memref<1x2x512xi32, #tpu.memory_space<hbm>>
        %dma_wait3A_226 = tpu.memref_squeeze %dma_wait3A_225 : memref<1x2x512xi32, #tpu.memory_space<hbm>> -> memref<2x512xi32, #tpu.memory_space<hbm>>
        %dma_wait3A_227 = arith.constant 0 : i32
        %dma_wait3A_228 = arith.constant 0 : i32
        %dma_wait3A_229 = tpu.memref_slice %arg3[%add3A_159, %dma_wait3A_227, %dma_wait3A_228] : memref<2560x2x512xi32, #tpu.memory_space<hbm>> -> memref<1x2x512xi32, #tpu.memory_space<hbm>>
        %dma_wait3A_230 = tpu.memref_squeeze %dma_wait3A_229 : memref<1x2x512xi32, #tpu.memory_space<hbm>> -> memref<2x512xi32, #tpu.memory_space<hbm>>
        tpu.wait_dma2 semaphore(%run_scoped3A : memref<!tpu.dma_semaphore, #tpu.memory_space<semaphore_mem>>) src(%dma_wait3A_230 : memref<2x512xi32, #tpu.memory_space<hbm>>) dst(%arg7 : memref<2x512xi32, #tpu.memory_space<vmem>>)
        tpu.yield
      }) : () -> ()
      %add3A_160 = arith.addi %mul3A_0, %add3A_158 : i32
      "tpu.region"() ({
        %run_scoped3A = tpu.sem_alloc : memref<!tpu.dma_semaphore, #tpu.memory_space<semaphore_mem>>
        %dma_start3A_215 = arith.constant 0 : i32
        %dma_start3A_216 = arith.constant 0 : i32
        %dma_start3A_217 = tpu.memref_slice %arg4[%add3A_160, %dma_start3A_215, %dma_start3A_216] : memref<320x2x512xi32, #tpu.memory_space<hbm>> -> memref<1x2x512xi32, #tpu.memory_space<hbm>>
        %dma_start3A_218 = tpu.memref_squeeze %dma_start3A_217 : memref<1x2x512xi32, #tpu.memory_space<hbm>> -> memref<2x512xi32, #tpu.memory_space<hbm>>
        %dma_start3A_219 = arith.constant 0 : i32
        %dma_start3A_220 = arith.constant 0 : i32
        %dma_start3A_221 = tpu.memref_slice %arg4[%add3A_160, %dma_start3A_219, %dma_start3A_220] : memref<320x2x512xi32, #tpu.memory_space<hbm>> -> memref<1x2x512xi32, #tpu.memory_space<hbm>>
        %dma_start3A_222 = tpu.memref_squeeze %dma_start3A_221 : memref<1x2x512xi32, #tpu.memory_space<hbm>> -> memref<2x512xi32, #tpu.memory_space<hbm>>
        tpu.enqueue_dma source(%dma_start3A_222 : memref<2x512xi32, #tpu.memory_space<hbm>>) target(%arg8 : memref<2x512xi32, #tpu.memory_space<vmem>>) target_semaphore(%run_scoped3A : memref<!tpu.dma_semaphore, #tpu.memory_space<semaphore_mem>>)
        %dma_wait3A_223 = arith.constant 0 : i32
        %dma_wait3A_224 = arith.constant 0 : i32
        %dma_wait3A_225 = tpu.memref_slice %arg4[%add3A_160, %dma_wait3A_223, %dma_wait3A_224] : memref<320x2x512xi32, #tpu.memory_space<hbm>> -> memref<1x2x512xi32, #tpu.memory_space<hbm>>
        %dma_wait3A_226 = tpu.memref_squeeze %dma_wait3A_225 : memref<1x2x512xi32, #tpu.memory_space<hbm>> -> memref<2x512xi32, #tpu.memory_space<hbm>>
        %dma_wait3A_227 = arith.constant 0 : i32
        %dma_wait3A_228 = arith.constant 0 : i32
        %dma_wait3A_229 = tpu.memref_slice %arg4[%add3A_160, %dma_wait3A_227, %dma_wait3A_228] : memref<320x2x512xi32, #tpu.memory_space<hbm>> -> memref<1x2x512xi32, #tpu.memory_space<hbm>>
        %dma_wait3A_230 = tpu.memref_squeeze %dma_wait3A_229 : memref<1x2x512xi32, #tpu.memory_space<hbm>> -> memref<2x512xi32, #tpu.memory_space<hbm>>
        tpu.wait_dma2 semaphore(%run_scoped3A : memref<!tpu.dma_semaphore, #tpu.memory_space<semaphore_mem>>) src(%dma_wait3A_230 : memref<2x512xi32, #tpu.memory_space<hbm>>) dst(%arg8 : memref<2x512xi32, #tpu.memory_space<vmem>>)
        tpu.yield
      }) : () -> ()
      %dma_start3A = arith.constant 0 : i32
      %dma_start3A_161 = arith.constant 0 : i32
      %dma_start3A_162 = tpu.memref_slice %arg7[%dma_start3A, %dma_start3A_161] : memref<2x512xi32, #tpu.memory_space<vmem>> -> memref<1x512xi32, #tpu.memory_space<vmem>>
      %dma_start3A_163 = tpu.memref_squeeze %dma_start3A_162 : memref<1x512xi32, #tpu.memory_space<vmem>> -> memref<512xi32, #tpu.memory_space<vmem>>
      %dma_start3A_164 = arith.constant 0 : i32
      %dma_start3A_165 = arith.constant 0 : i32
      %dma_start3A_166 = tpu.memref_slice %arg2[%dma_start3A_164, %dma_start3A_165] : memref<80000x64xf32, #tpu.memory_space<hbm>> -> memref<80000x64xf32, #tpu.memory_space<hbm>>
      tpu.enqueue_indirect_dma source(%dma_start3A_166 : memref<80000x64xf32, #tpu.memory_space<hbm>>) target(%arg9 : memref<512x64xf32, #tpu.memory_space<vmem>>) offsets(%dma_start3A_163 : memref<512xi32, #tpu.memory_space<vmem>>) semaphore(%arg12 : memref<!tpu.dma_semaphore, #tpu.memory_space<semaphore_mem>>)
      %dma_wait3A = arith.constant 0 : i32
      %dma_wait3A_167 = arith.constant 0 : i32
      %dma_wait3A_168 = tpu.memref_slice %arg7[%dma_wait3A, %dma_wait3A_167] : memref<2x512xi32, #tpu.memory_space<vmem>> -> memref<1x512xi32, #tpu.memory_space<vmem>>
      %dma_wait3A_169 = tpu.memref_squeeze %dma_wait3A_168 : memref<1x512xi32, #tpu.memory_space<vmem>> -> memref<512xi32, #tpu.memory_space<vmem>>
      %dma_wait3A_170 = arith.constant 0 : i32
      %dma_wait3A_171 = arith.constant 0 : i32
      %dma_wait3A_172 = tpu.memref_slice %arg2[%dma_wait3A_170, %dma_wait3A_171] : memref<80000x64xf32, #tpu.memory_space<hbm>> -> memref<80000x64xf32, #tpu.memory_space<hbm>>
      tpu.wait_indirect_dma semaphore(%arg12 : memref<!tpu.dma_semaphore, #tpu.memory_space<semaphore_mem>>) src(%dma_wait3A_172 : memref<80000x64xf32, #tpu.memory_space<hbm>>) dst(%arg9 : memref<512x64xf32, #tpu.memory_space<vmem>>)
      %dma_start3A_173 = arith.constant 1 : i32
      %dma_start3A_174 = arith.constant 0 : i32
      %dma_start3A_175 = tpu.memref_slice %arg7[%dma_start3A_173, %dma_start3A_174] : memref<2x512xi32, #tpu.memory_space<vmem>> -> memref<1x512xi32, #tpu.memory_space<vmem>>
      %dma_start3A_176 = tpu.memref_squeeze %dma_start3A_175 : memref<1x512xi32, #tpu.memory_space<vmem>> -> memref<512xi32, #tpu.memory_space<vmem>>
      %dma_start3A_177 = arith.constant 0 : i32
      %dma_start3A_178 = arith.constant 0 : i32
      %dma_start3A_179 = tpu.memref_slice %arg2[%dma_start3A_177, %dma_start3A_178] : memref<80000x64xf32, #tpu.memory_space<hbm>> -> memref<80000x64xf32, #tpu.memory_space<hbm>>
      tpu.enqueue_indirect_dma source(%dma_start3A_179 : memref<80000x64xf32, #tpu.memory_space<hbm>>) target(%arg10 : memref<512x64xf32, #tpu.memory_space<vmem>>) offsets(%dma_start3A_176 : memref<512xi32, #tpu.memory_space<vmem>>) semaphore(%arg13 : memref<!tpu.dma_semaphore, #tpu.memory_space<semaphore_mem>>)
      %dma_start3A_180 = arith.constant 0 : i32
      %dma_start3A_181 = arith.constant 0 : i32
      %dma_start3A_182 = tpu.memref_slice %arg8[%dma_start3A_180, %dma_start3A_181] : memref<2x512xi32, #tpu.memory_space<vmem>> -> memref<1x512xi32, #tpu.memory_space<vmem>>
      %dma_start3A_183 = tpu.memref_squeeze %dma_start3A_182 : memref<1x512xi32, #tpu.memory_space<vmem>> -> memref<512xi32, #tpu.memory_space<vmem>>
      %dma_start3A_184 = arith.constant 0 : i32
      %dma_start3A_185 = arith.constant 0 : i32
      %dma_start3A_186 = tpu.memref_slice %arg6[%dma_start3A_184, %dma_start3A_185] : memref<10112x64xf32, #tpu.memory_space<vmem_shared>> -> memref<10112x64xf32, #tpu.memory_space<vmem_shared>>
      tpu.enqueue_indirect_dma source(%arg9 : memref<512x64xf32, #tpu.memory_space<vmem>>) target(%dma_start3A_186 : memref<10112x64xf32, #tpu.memory_space<vmem_shared>>) offsets(%dma_start3A_183 : memref<512xi32, #tpu.memory_space<vmem>>) semaphore(%arg12 : memref<!tpu.dma_semaphore, #tpu.memory_space<semaphore_mem>>) {add = true}
      %dma_wait3A_187 = arith.constant 1 : i32
      %dma_wait3A_188 = arith.constant 0 : i32
      %dma_wait3A_189 = tpu.memref_slice %arg7[%dma_wait3A_187, %dma_wait3A_188] : memref<2x512xi32, #tpu.memory_space<vmem>> -> memref<1x512xi32, #tpu.memory_space<vmem>>
      %dma_wait3A_190 = tpu.memref_squeeze %dma_wait3A_189 : memref<1x512xi32, #tpu.memory_space<vmem>> -> memref<512xi32, #tpu.memory_space<vmem>>
      %dma_wait3A_191 = arith.constant 0 : i32
      %dma_wait3A_192 = arith.constant 0 : i32
      %dma_wait3A_193 = tpu.memref_slice %arg2[%dma_wait3A_191, %dma_wait3A_192] : memref<80000x64xf32, #tpu.memory_space<hbm>> -> memref<80000x64xf32, #tpu.memory_space<hbm>>
      tpu.wait_indirect_dma semaphore(%arg13 : memref<!tpu.dma_semaphore, #tpu.memory_space<semaphore_mem>>) src(%dma_wait3A_193 : memref<80000x64xf32, #tpu.memory_space<hbm>>) dst(%arg10 : memref<512x64xf32, #tpu.memory_space<vmem>>)
      %dma_wait3A_194 = arith.constant 0 : i32
      %dma_wait3A_195 = arith.constant 0 : i32
      %dma_wait3A_196 = tpu.memref_slice %arg8[%dma_wait3A_194, %dma_wait3A_195] : memref<2x512xi32, #tpu.memory_space<vmem>> -> memref<1x512xi32, #tpu.memory_space<vmem>>
      %dma_wait3A_197 = tpu.memref_squeeze %dma_wait3A_196 : memref<1x512xi32, #tpu.memory_space<vmem>> -> memref<512xi32, #tpu.memory_space<vmem>>
      %dma_wait3A_198 = arith.constant 0 : i32
      %dma_wait3A_199 = arith.constant 0 : i32
      %dma_wait3A_200 = tpu.memref_slice %arg6[%dma_wait3A_198, %dma_wait3A_199] : memref<10112x64xf32, #tpu.memory_space<vmem_shared>> -> memref<10112x64xf32, #tpu.memory_space<vmem_shared>>
      tpu.wait_indirect_dma semaphore(%arg12 : memref<!tpu.dma_semaphore, #tpu.memory_space<semaphore_mem>>) src(%arg9 : memref<512x64xf32, #tpu.memory_space<vmem>>) dst(%dma_wait3A_200 : memref<10112x64xf32, #tpu.memory_space<vmem_shared>>)
      %dma_start3A_201 = arith.constant 1 : i32
      %dma_start3A_202 = arith.constant 0 : i32
      %dma_start3A_203 = tpu.memref_slice %arg8[%dma_start3A_201, %dma_start3A_202] : memref<2x512xi32, #tpu.memory_space<vmem>> -> memref<1x512xi32, #tpu.memory_space<vmem>>
      %dma_start3A_204 = tpu.memref_squeeze %dma_start3A_203 : memref<1x512xi32, #tpu.memory_space<vmem>> -> memref<512xi32, #tpu.memory_space<vmem>>
      %dma_start3A_205 = arith.constant 0 : i32
      %dma_start3A_206 = arith.constant 0 : i32
      %dma_start3A_207 = tpu.memref_slice %arg6[%dma_start3A_205, %dma_start3A_206] : memref<10112x64xf32, #tpu.memory_space<vmem_shared>> -> memref<10112x64xf32, #tpu.memory_space<vmem_shared>>
      tpu.enqueue_indirect_dma source(%arg10 : memref<512x64xf32, #tpu.memory_space<vmem>>) target(%dma_start3A_207 : memref<10112x64xf32, #tpu.memory_space<vmem_shared>>) offsets(%dma_start3A_204 : memref<512xi32, #tpu.memory_space<vmem>>) semaphore(%arg13 : memref<!tpu.dma_semaphore, #tpu.memory_space<semaphore_mem>>) {add = true}
      %dma_wait3A_208 = arith.constant 1 : i32
      %dma_wait3A_209 = arith.constant 0 : i32
      %dma_wait3A_210 = tpu.memref_slice %arg8[%dma_wait3A_208, %dma_wait3A_209] : memref<2x512xi32, #tpu.memory_space<vmem>> -> memref<1x512xi32, #tpu.memory_space<vmem>>
      %dma_wait3A_211 = tpu.memref_squeeze %dma_wait3A_210 : memref<1x512xi32, #tpu.memory_space<vmem>> -> memref<512xi32, #tpu.memory_space<vmem>>
      %dma_wait3A_212 = arith.constant 0 : i32
      %dma_wait3A_213 = arith.constant 0 : i32
      %dma_wait3A_214 = tpu.memref_slice %arg6[%dma_wait3A_212, %dma_wait3A_213] : memref<10112x64xf32, #tpu.memory_space<vmem_shared>> -> memref<10112x64xf32, #tpu.memory_space<vmem_shared>>
      tpu.wait_indirect_dma semaphore(%arg13 : memref<!tpu.dma_semaphore, #tpu.memory_space<semaphore_mem>>) src(%arg10 : memref<512x64xf32, #tpu.memory_space<vmem>>) dst(%dma_wait3A_214 : memref<10112x64xf32, #tpu.memory_space<vmem_shared>>)
    }
    %scan3A_71 = arith.constant 20 : i32
    %barrier3A_72 = arith.constant 0 : index
    tpu.barrier barrier_id(%barrier3A_72)
    %mul3A_73 = arith.constant 632 : i32
    %mul3A_74 = arith.muli %arg1, %mul3A_73 : i32
    %mul3A_75 = arith.constant 632 : i32
    %mul3A_76 = arith.muli %arg1, %mul3A_75 : i32
    %add3A_77 = arith.addi %mul3A_45, %mul3A_76 : i32
    "tpu.region"() ({
      %run_scoped3A = tpu.sem_alloc : memref<!tpu.dma_semaphore, #tpu.memory_space<semaphore_mem>>
      %dma_start3A = arith.constant 0 : i32
      %dma_start3A_154 = tpu.memref_slice %arg5[%add3A_77, %dma_start3A] : memref<80896x64xf32, #tpu.memory_space<hbm>> -> memref<632x64xf32, #tpu.memory_space<hbm>>
      %dma_start3A_155 = arith.constant 0 : i32
      %dma_start3A_156 = tpu.memref_slice %arg6[%mul3A_74, %dma_start3A_155] : memref<10112x64xf32, #tpu.memory_space<vmem_shared>> -> memref<632x64xf32, #tpu.memory_space<vmem_shared>>
      tpu.enqueue_dma source(%dma_start3A_156 : memref<632x64xf32, #tpu.memory_space<vmem_shared>>) target(%dma_start3A_154 : memref<632x64xf32, #tpu.memory_space<hbm>>) target_semaphore(%run_scoped3A : memref<!tpu.dma_semaphore, #tpu.memory_space<semaphore_mem>>)
      %dma_wait3A = arith.constant 0 : i32
      %dma_wait3A_157 = tpu.memref_slice %arg5[%add3A_77, %dma_wait3A] : memref<80896x64xf32, #tpu.memory_space<hbm>> -> memref<632x64xf32, #tpu.memory_space<hbm>>
      %dma_wait3A_158 = arith.constant 0 : i32
      %dma_wait3A_159 = tpu.memref_slice %arg6[%mul3A_74, %dma_wait3A_158] : memref<10112x64xf32, #tpu.memory_space<vmem_shared>> -> memref<632x64xf32, #tpu.memory_space<vmem_shared>>
      tpu.wait_dma2 semaphore(%run_scoped3A : memref<!tpu.dma_semaphore, #tpu.memory_space<semaphore_mem>>) src(%dma_wait3A_159 : memref<632x64xf32, #tpu.memory_space<vmem_shared>>) dst(%dma_wait3A_157 : memref<632x64xf32, #tpu.memory_space<hbm>>)
      tpu.yield
    }) : () -> ()
    %mul3A_78 = arith.constant 4 : i32
    %mul3A_79 = arith.muli %arg0, %mul3A_78 : i32
    %add3A_80 = arith.constant 2 : i32
    %add3A_81 = arith.addi %mul3A_79, %add3A_80 : i32
    %mul3A_82 = arith.constant 10112 : i32
    %mul3A_83 = arith.muli %add3A_81, %mul3A_82 : i32
    %barrier3A_84 = arith.constant 0 : index
    tpu.barrier barrier_id(%barrier3A_84)
    %mul3A_85 = arith.constant 632 : i32
    %mul3A_86 = arith.muli %arg1, %mul3A_85 : i32
    %add3A_87 = arith.constant 0 : i32
    %add3A_88 = arith.addi %mul3A_86, %add3A_87 : i32
    "tpu.region"() ({
      %run_scoped3A = tpu.sem_alloc : memref<!tpu.dma_semaphore, #tpu.memory_space<semaphore_mem>>
      %dma_start3A = arith.constant 0 : i32
      %dma_start3A_154 = tpu.memref_slice %arg6[%add3A_88, %dma_start3A] : memref<10112x64xf32, #tpu.memory_space<vmem_shared>> -> memref<158x64xf32, #tpu.memory_space<vmem_shared>>
      %dma_start3A_155 = arith.constant 0 : i32
      %dma_start3A_156 = tpu.memref_slice %arg6[%add3A_88, %dma_start3A_155] : memref<10112x64xf32, #tpu.memory_space<vmem_shared>> -> memref<158x64xf32, #tpu.memory_space<vmem_shared>>
      tpu.enqueue_dma source(%arg11 : memref<158x64xf32, #tpu.memory_space<vmem>>) target(%dma_start3A_156 : memref<158x64xf32, #tpu.memory_space<vmem_shared>>) target_semaphore(%run_scoped3A : memref<!tpu.dma_semaphore, #tpu.memory_space<semaphore_mem>>)
      %dma_wait3A = arith.constant 0 : i32
      %dma_wait3A_157 = tpu.memref_slice %arg6[%add3A_88, %dma_wait3A] : memref<10112x64xf32, #tpu.memory_space<vmem_shared>> -> memref<158x64xf32, #tpu.memory_space<vmem_shared>>
      %dma_wait3A_158 = arith.constant 0 : i32
      %dma_wait3A_159 = tpu.memref_slice %arg6[%add3A_88, %dma_wait3A_158] : memref<10112x64xf32, #tpu.memory_space<vmem_shared>> -> memref<158x64xf32, #tpu.memory_space<vmem_shared>>
      tpu.wait_dma2 semaphore(%run_scoped3A : memref<!tpu.dma_semaphore, #tpu.memory_space<semaphore_mem>>) src(%arg11 : memref<158x64xf32, #tpu.memory_space<vmem>>) dst(%dma_wait3A_159 : memref<158x64xf32, #tpu.memory_space<vmem_shared>>)
      tpu.yield
    }) : () -> ()
    %mul3A_89 = arith.constant 632 : i32
    %mul3A_90 = arith.muli %arg1, %mul3A_89 : i32
    %add3A_91 = arith.constant 158 : i32
    %add3A_92 = arith.addi %mul3A_90, %add3A_91 : i32
    "tpu.region"() ({
      %run_scoped3A = tpu.sem_alloc : memref<!tpu.dma_semaphore, #tpu.memory_space<semaphore_mem>>
      %dma_start3A = arith.constant 0 : i32
      %dma_start3A_154 = tpu.memref_slice %arg6[%add3A_92, %dma_start3A] : memref<10112x64xf32, #tpu.memory_space<vmem_shared>> -> memref<158x64xf32, #tpu.memory_space<vmem_shared>>
      %dma_start3A_155 = arith.constant 0 : i32
      %dma_start3A_156 = tpu.memref_slice %arg6[%add3A_92, %dma_start3A_155] : memref<10112x64xf32, #tpu.memory_space<vmem_shared>> -> memref<158x64xf32, #tpu.memory_space<vmem_shared>>
      tpu.enqueue_dma source(%arg11 : memref<158x64xf32, #tpu.memory_space<vmem>>) target(%dma_start3A_156 : memref<158x64xf32, #tpu.memory_space<vmem_shared>>) target_semaphore(%run_scoped3A : memref<!tpu.dma_semaphore, #tpu.memory_space<semaphore_mem>>)
      %dma_wait3A = arith.constant 0 : i32
      %dma_wait3A_157 = tpu.memref_slice %arg6[%add3A_92, %dma_wait3A] : memref<10112x64xf32, #tpu.memory_space<vmem_shared>> -> memref<158x64xf32, #tpu.memory_space<vmem_shared>>
      %dma_wait3A_158 = arith.constant 0 : i32
      %dma_wait3A_159 = tpu.memref_slice %arg6[%add3A_92, %dma_wait3A_158] : memref<10112x64xf32, #tpu.memory_space<vmem_shared>> -> memref<158x64xf32, #tpu.memory_space<vmem_shared>>
      tpu.wait_dma2 semaphore(%run_scoped3A : memref<!tpu.dma_semaphore, #tpu.memory_space<semaphore_mem>>) src(%arg11 : memref<158x64xf32, #tpu.memory_space<vmem>>) dst(%dma_wait3A_159 : memref<158x64xf32, #tpu.memory_space<vmem_shared>>)
      tpu.yield
    }) : () -> ()
    %mul3A_93 = arith.constant 632 : i32
    %mul3A_94 = arith.muli %arg1, %mul3A_93 : i32
    %add3A_95 = arith.constant 316 : i32
    %add3A_96 = arith.addi %mul3A_94, %add3A_95 : i32
    "tpu.region"() ({
      %run_scoped3A = tpu.sem_alloc : memref<!tpu.dma_semaphore, #tpu.memory_space<semaphore_mem>>
      %dma_start3A = arith.constant 0 : i32
      %dma_start3A_154 = tpu.memref_slice %arg6[%add3A_96, %dma_start3A] : memref<10112x64xf32, #tpu.memory_space<vmem_shared>> -> memref<158x64xf32, #tpu.memory_space<vmem_shared>>
      %dma_start3A_155 = arith.constant 0 : i32
      %dma_start3A_156 = tpu.memref_slice %arg6[%add3A_96, %dma_start3A_155] : memref<10112x64xf32, #tpu.memory_space<vmem_shared>> -> memref<158x64xf32, #tpu.memory_space<vmem_shared>>
      tpu.enqueue_dma source(%arg11 : memref<158x64xf32, #tpu.memory_space<vmem>>) target(%dma_start3A_156 : memref<158x64xf32, #tpu.memory_space<vmem_shared>>) target_semaphore(%run_scoped3A : memref<!tpu.dma_semaphore, #tpu.memory_space<semaphore_mem>>)
      %dma_wait3A = arith.constant 0 : i32
      %dma_wait3A_157 = tpu.memref_slice %arg6[%add3A_96, %dma_wait3A] : memref<10112x64xf32, #tpu.memory_space<vmem_shared>> -> memref<158x64xf32, #tpu.memory_space<vmem_shared>>
      %dma_wait3A_158 = arith.constant 0 : i32
      %dma_wait3A_159 = tpu.memref_slice %arg6[%add3A_96, %dma_wait3A_158] : memref<10112x64xf32, #tpu.memory_space<vmem_shared>> -> memref<158x64xf32, #tpu.memory_space<vmem_shared>>
      tpu.wait_dma2 semaphore(%run_scoped3A : memref<!tpu.dma_semaphore, #tpu.memory_space<semaphore_mem>>) src(%arg11 : memref<158x64xf32, #tpu.memory_space<vmem>>) dst(%dma_wait3A_159 : memref<158x64xf32, #tpu.memory_space<vmem_shared>>)
      tpu.yield
    }) : () -> ()
    %mul3A_97 = arith.constant 632 : i32
    %mul3A_98 = arith.muli %arg1, %mul3A_97 : i32
    %add3A_99 = arith.constant 474 : i32
    %add3A_100 = arith.addi %mul3A_98, %add3A_99 : i32
    "tpu.region"() ({
      %run_scoped3A = tpu.sem_alloc : memref<!tpu.dma_semaphore, #tpu.memory_space<semaphore_mem>>
      %dma_start3A = arith.constant 0 : i32
      %dma_start3A_154 = tpu.memref_slice %arg6[%add3A_100, %dma_start3A] : memref<10112x64xf32, #tpu.memory_space<vmem_shared>> -> memref<158x64xf32, #tpu.memory_space<vmem_shared>>
      %dma_start3A_155 = arith.constant 0 : i32
      %dma_start3A_156 = tpu.memref_slice %arg6[%add3A_100, %dma_start3A_155] : memref<10112x64xf32, #tpu.memory_space<vmem_shared>> -> memref<158x64xf32, #tpu.memory_space<vmem_shared>>
      tpu.enqueue_dma source(%arg11 : memref<158x64xf32, #tpu.memory_space<vmem>>) target(%dma_start3A_156 : memref<158x64xf32, #tpu.memory_space<vmem_shared>>) target_semaphore(%run_scoped3A : memref<!tpu.dma_semaphore, #tpu.memory_space<semaphore_mem>>)
      %dma_wait3A = arith.constant 0 : i32
      %dma_wait3A_157 = tpu.memref_slice %arg6[%add3A_100, %dma_wait3A] : memref<10112x64xf32, #tpu.memory_space<vmem_shared>> -> memref<158x64xf32, #tpu.memory_space<vmem_shared>>
      %dma_wait3A_158 = arith.constant 0 : i32
      %dma_wait3A_159 = tpu.memref_slice %arg6[%add3A_100, %dma_wait3A_158] : memref<10112x64xf32, #tpu.memory_space<vmem_shared>> -> memref<158x64xf32, #tpu.memory_space<vmem_shared>>
      tpu.wait_dma2 semaphore(%run_scoped3A : memref<!tpu.dma_semaphore, #tpu.memory_space<semaphore_mem>>) src(%arg11 : memref<158x64xf32, #tpu.memory_space<vmem>>) dst(%dma_wait3A_159 : memref<158x64xf32, #tpu.memory_space<vmem_shared>>)
      tpu.yield
    }) : () -> ()
    %barrier3A_101 = arith.constant 0 : index
    tpu.barrier barrier_id(%barrier3A_101)
    %mul3A_102 = arith.constant 320 : i32
    %mul3A_103 = arith.muli %add3A_81, %mul3A_102 : i32
    %add3A_104 = arith.addi %mul3A_103, %mul3A_0 : i32
    %scan3A_105 = arith.constant 0 : i32
    %scan3A_106 = arith.constant 20 : i32
    %scan3A_107 = arith.addi %scan3A_105, %scan3A_106 : i32
    %scan3A_108 = arith.constant 1 : i32
    scf.for %scan3A_154 = %scan3A_105 to %scan3A_107 step %scan3A_108  : i32 {
      %mul3A_155 = arith.constant 1 : i32
      %mul3A_156 = arith.muli %scan3A_154, %mul3A_155 : i32
      %add3A_157 = arith.constant 0 : i32
      %add3A_158 = arith.addi %add3A_157, %mul3A_156 : i32
      %add3A_159 = arith.addi %add3A_104, %add3A_158 : i32
      "tpu.region"() ({
        %run_scoped3A = tpu.sem_alloc : memref<!tpu.dma_semaphore, #tpu.memory_space<semaphore_mem>>
        %dma_start3A_215 = arith.constant 0 : i32
        %dma_start3A_216 = arith.constant 0 : i32
        %dma_start3A_217 = tpu.memref_slice %arg3[%add3A_159, %dma_start3A_215, %dma_start3A_216] : memref<2560x2x512xi32, #tpu.memory_space<hbm>> -> memref<1x2x512xi32, #tpu.memory_space<hbm>>
        %dma_start3A_218 = tpu.memref_squeeze %dma_start3A_217 : memref<1x2x512xi32, #tpu.memory_space<hbm>> -> memref<2x512xi32, #tpu.memory_space<hbm>>
        %dma_start3A_219 = arith.constant 0 : i32
        %dma_start3A_220 = arith.constant 0 : i32
        %dma_start3A_221 = tpu.memref_slice %arg3[%add3A_159, %dma_start3A_219, %dma_start3A_220] : memref<2560x2x512xi32, #tpu.memory_space<hbm>> -> memref<1x2x512xi32, #tpu.memory_space<hbm>>
        %dma_start3A_222 = tpu.memref_squeeze %dma_start3A_221 : memref<1x2x512xi32, #tpu.memory_space<hbm>> -> memref<2x512xi32, #tpu.memory_space<hbm>>
        tpu.enqueue_dma source(%dma_start3A_222 : memref<2x512xi32, #tpu.memory_space<hbm>>) target(%arg7 : memref<2x512xi32, #tpu.memory_space<vmem>>) target_semaphore(%run_scoped3A : memref<!tpu.dma_semaphore, #tpu.memory_space<semaphore_mem>>)
        %dma_wait3A_223 = arith.constant 0 : i32
        %dma_wait3A_224 = arith.constant 0 : i32
        %dma_wait3A_225 = tpu.memref_slice %arg3[%add3A_159, %dma_wait3A_223, %dma_wait3A_224] : memref<2560x2x512xi32, #tpu.memory_space<hbm>> -> memref<1x2x512xi32, #tpu.memory_space<hbm>>
        %dma_wait3A_226 = tpu.memref_squeeze %dma_wait3A_225 : memref<1x2x512xi32, #tpu.memory_space<hbm>> -> memref<2x512xi32, #tpu.memory_space<hbm>>
        %dma_wait3A_227 = arith.constant 0 : i32
        %dma_wait3A_228 = arith.constant 0 : i32
        %dma_wait3A_229 = tpu.memref_slice %arg3[%add3A_159, %dma_wait3A_227, %dma_wait3A_228] : memref<2560x2x512xi32, #tpu.memory_space<hbm>> -> memref<1x2x512xi32, #tpu.memory_space<hbm>>
        %dma_wait3A_230 = tpu.memref_squeeze %dma_wait3A_229 : memref<1x2x512xi32, #tpu.memory_space<hbm>> -> memref<2x512xi32, #tpu.memory_space<hbm>>
        tpu.wait_dma2 semaphore(%run_scoped3A : memref<!tpu.dma_semaphore, #tpu.memory_space<semaphore_mem>>) src(%dma_wait3A_230 : memref<2x512xi32, #tpu.memory_space<hbm>>) dst(%arg7 : memref<2x512xi32, #tpu.memory_space<vmem>>)
        tpu.yield
      }) : () -> ()
      %add3A_160 = arith.addi %mul3A_0, %add3A_158 : i32
      "tpu.region"() ({
        %run_scoped3A = tpu.sem_alloc : memref<!tpu.dma_semaphore, #tpu.memory_space<semaphore_mem>>
        %dma_start3A_215 = arith.constant 0 : i32
        %dma_start3A_216 = arith.constant 0 : i32
        %dma_start3A_217 = tpu.memref_slice %arg4[%add3A_160, %dma_start3A_215, %dma_start3A_216] : memref<320x2x512xi32, #tpu.memory_space<hbm>> -> memref<1x2x512xi32, #tpu.memory_space<hbm>>
        %dma_start3A_218 = tpu.memref_squeeze %dma_start3A_217 : memref<1x2x512xi32, #tpu.memory_space<hbm>> -> memref<2x512xi32, #tpu.memory_space<hbm>>
        %dma_start3A_219 = arith.constant 0 : i32
        %dma_start3A_220 = arith.constant 0 : i32
        %dma_start3A_221 = tpu.memref_slice %arg4[%add3A_160, %dma_start3A_219, %dma_start3A_220] : memref<320x2x512xi32, #tpu.memory_space<hbm>> -> memref<1x2x512xi32, #tpu.memory_space<hbm>>
        %dma_start3A_222 = tpu.memref_squeeze %dma_start3A_221 : memref<1x2x512xi32, #tpu.memory_space<hbm>> -> memref<2x512xi32, #tpu.memory_space<hbm>>
        tpu.enqueue_dma source(%dma_start3A_222 : memref<2x512xi32, #tpu.memory_space<hbm>>) target(%arg8 : memref<2x512xi32, #tpu.memory_space<vmem>>) target_semaphore(%run_scoped3A : memref<!tpu.dma_semaphore, #tpu.memory_space<semaphore_mem>>)
        %dma_wait3A_223 = arith.constant 0 : i32
        %dma_wait3A_224 = arith.constant 0 : i32
        %dma_wait3A_225 = tpu.memref_slice %arg4[%add3A_160, %dma_wait3A_223, %dma_wait3A_224] : memref<320x2x512xi32, #tpu.memory_space<hbm>> -> memref<1x2x512xi32, #tpu.memory_space<hbm>>
        %dma_wait3A_226 = tpu.memref_squeeze %dma_wait3A_225 : memref<1x2x512xi32, #tpu.memory_space<hbm>> -> memref<2x512xi32, #tpu.memory_space<hbm>>
        %dma_wait3A_227 = arith.constant 0 : i32
        %dma_wait3A_228 = arith.constant 0 : i32
        %dma_wait3A_229 = tpu.memref_slice %arg4[%add3A_160, %dma_wait3A_227, %dma_wait3A_228] : memref<320x2x512xi32, #tpu.memory_space<hbm>> -> memref<1x2x512xi32, #tpu.memory_space<hbm>>
        %dma_wait3A_230 = tpu.memref_squeeze %dma_wait3A_229 : memref<1x2x512xi32, #tpu.memory_space<hbm>> -> memref<2x512xi32, #tpu.memory_space<hbm>>
        tpu.wait_dma2 semaphore(%run_scoped3A : memref<!tpu.dma_semaphore, #tpu.memory_space<semaphore_mem>>) src(%dma_wait3A_230 : memref<2x512xi32, #tpu.memory_space<hbm>>) dst(%arg8 : memref<2x512xi32, #tpu.memory_space<vmem>>)
        tpu.yield
      }) : () -> ()
      %dma_start3A = arith.constant 0 : i32
      %dma_start3A_161 = arith.constant 0 : i32
      %dma_start3A_162 = tpu.memref_slice %arg7[%dma_start3A, %dma_start3A_161] : memref<2x512xi32, #tpu.memory_space<vmem>> -> memref<1x512xi32, #tpu.memory_space<vmem>>
      %dma_start3A_163 = tpu.memref_squeeze %dma_start3A_162 : memref<1x512xi32, #tpu.memory_space<vmem>> -> memref<512xi32, #tpu.memory_space<vmem>>
      %dma_start3A_164 = arith.constant 0 : i32
      %dma_start3A_165 = arith.constant 0 : i32
      %dma_start3A_166 = tpu.memref_slice %arg2[%dma_start3A_164, %dma_start3A_165] : memref<80000x64xf32, #tpu.memory_space<hbm>> -> memref<80000x64xf32, #tpu.memory_space<hbm>>
      tpu.enqueue_indirect_dma source(%dma_start3A_166 : memref<80000x64xf32, #tpu.memory_space<hbm>>) target(%arg9 : memref<512x64xf32, #tpu.memory_space<vmem>>) offsets(%dma_start3A_163 : memref<512xi32, #tpu.memory_space<vmem>>) semaphore(%arg12 : memref<!tpu.dma_semaphore, #tpu.memory_space<semaphore_mem>>)
      %dma_wait3A = arith.constant 0 : i32
      %dma_wait3A_167 = arith.constant 0 : i32
      %dma_wait3A_168 = tpu.memref_slice %arg7[%dma_wait3A, %dma_wait3A_167] : memref<2x512xi32, #tpu.memory_space<vmem>> -> memref<1x512xi32, #tpu.memory_space<vmem>>
      %dma_wait3A_169 = tpu.memref_squeeze %dma_wait3A_168 : memref<1x512xi32, #tpu.memory_space<vmem>> -> memref<512xi32, #tpu.memory_space<vmem>>
      %dma_wait3A_170 = arith.constant 0 : i32
      %dma_wait3A_171 = arith.constant 0 : i32
      %dma_wait3A_172 = tpu.memref_slice %arg2[%dma_wait3A_170, %dma_wait3A_171] : memref<80000x64xf32, #tpu.memory_space<hbm>> -> memref<80000x64xf32, #tpu.memory_space<hbm>>
      tpu.wait_indirect_dma semaphore(%arg12 : memref<!tpu.dma_semaphore, #tpu.memory_space<semaphore_mem>>) src(%dma_wait3A_172 : memref<80000x64xf32, #tpu.memory_space<hbm>>) dst(%arg9 : memref<512x64xf32, #tpu.memory_space<vmem>>)
      %dma_start3A_173 = arith.constant 1 : i32
      %dma_start3A_174 = arith.constant 0 : i32
      %dma_start3A_175 = tpu.memref_slice %arg7[%dma_start3A_173, %dma_start3A_174] : memref<2x512xi32, #tpu.memory_space<vmem>> -> memref<1x512xi32, #tpu.memory_space<vmem>>
      %dma_start3A_176 = tpu.memref_squeeze %dma_start3A_175 : memref<1x512xi32, #tpu.memory_space<vmem>> -> memref<512xi32, #tpu.memory_space<vmem>>
      %dma_start3A_177 = arith.constant 0 : i32
      %dma_start3A_178 = arith.constant 0 : i32
      %dma_start3A_179 = tpu.memref_slice %arg2[%dma_start3A_177, %dma_start3A_178] : memref<80000x64xf32, #tpu.memory_space<hbm>> -> memref<80000x64xf32, #tpu.memory_space<hbm>>
      tpu.enqueue_indirect_dma source(%dma_start3A_179 : memref<80000x64xf32, #tpu.memory_space<hbm>>) target(%arg10 : memref<512x64xf32, #tpu.memory_space<vmem>>) offsets(%dma_start3A_176 : memref<512xi32, #tpu.memory_space<vmem>>) semaphore(%arg13 : memref<!tpu.dma_semaphore, #tpu.memory_space<semaphore_mem>>)
      %dma_start3A_180 = arith.constant 0 : i32
      %dma_start3A_181 = arith.constant 0 : i32
      %dma_start3A_182 = tpu.memref_slice %arg8[%dma_start3A_180, %dma_start3A_181] : memref<2x512xi32, #tpu.memory_space<vmem>> -> memref<1x512xi32, #tpu.memory_space<vmem>>
      %dma_start3A_183 = tpu.memref_squeeze %dma_start3A_182 : memref<1x512xi32, #tpu.memory_space<vmem>> -> memref<512xi32, #tpu.memory_space<vmem>>
      %dma_start3A_184 = arith.constant 0 : i32
      %dma_start3A_185 = arith.constant 0 : i32
      %dma_start3A_186 = tpu.memref_slice %arg6[%dma_start3A_184, %dma_start3A_185] : memref<10112x64xf32, #tpu.memory_space<vmem_shared>> -> memref<10112x64xf32, #tpu.memory_space<vmem_shared>>
      tpu.enqueue_indirect_dma source(%arg9 : memref<512x64xf32, #tpu.memory_space<vmem>>) target(%dma_start3A_186 : memref<10112x64xf32, #tpu.memory_space<vmem_shared>>) offsets(%dma_start3A_183 : memref<512xi32, #tpu.memory_space<vmem>>) semaphore(%arg12 : memref<!tpu.dma_semaphore, #tpu.memory_space<semaphore_mem>>) {add = true}
      %dma_wait3A_187 = arith.constant 1 : i32
      %dma_wait3A_188 = arith.constant 0 : i32
      %dma_wait3A_189 = tpu.memref_slice %arg7[%dma_wait3A_187, %dma_wait3A_188] : memref<2x512xi32, #tpu.memory_space<vmem>> -> memref<1x512xi32, #tpu.memory_space<vmem>>
      %dma_wait3A_190 = tpu.memref_squeeze %dma_wait3A_189 : memref<1x512xi32, #tpu.memory_space<vmem>> -> memref<512xi32, #tpu.memory_space<vmem>>
      %dma_wait3A_191 = arith.constant 0 : i32
      %dma_wait3A_192 = arith.constant 0 : i32
      %dma_wait3A_193 = tpu.memref_slice %arg2[%dma_wait3A_191, %dma_wait3A_192] : memref<80000x64xf32, #tpu.memory_space<hbm>> -> memref<80000x64xf32, #tpu.memory_space<hbm>>
      tpu.wait_indirect_dma semaphore(%arg13 : memref<!tpu.dma_semaphore, #tpu.memory_space<semaphore_mem>>) src(%dma_wait3A_193 : memref<80000x64xf32, #tpu.memory_space<hbm>>) dst(%arg10 : memref<512x64xf32, #tpu.memory_space<vmem>>)
      %dma_wait3A_194 = arith.constant 0 : i32
      %dma_wait3A_195 = arith.constant 0 : i32
      %dma_wait3A_196 = tpu.memref_slice %arg8[%dma_wait3A_194, %dma_wait3A_195] : memref<2x512xi32, #tpu.memory_space<vmem>> -> memref<1x512xi32, #tpu.memory_space<vmem>>
      %dma_wait3A_197 = tpu.memref_squeeze %dma_wait3A_196 : memref<1x512xi32, #tpu.memory_space<vmem>> -> memref<512xi32, #tpu.memory_space<vmem>>
      %dma_wait3A_198 = arith.constant 0 : i32
      %dma_wait3A_199 = arith.constant 0 : i32
      %dma_wait3A_200 = tpu.memref_slice %arg6[%dma_wait3A_198, %dma_wait3A_199] : memref<10112x64xf32, #tpu.memory_space<vmem_shared>> -> memref<10112x64xf32, #tpu.memory_space<vmem_shared>>
      tpu.wait_indirect_dma semaphore(%arg12 : memref<!tpu.dma_semaphore, #tpu.memory_space<semaphore_mem>>) src(%arg9 : memref<512x64xf32, #tpu.memory_space<vmem>>) dst(%dma_wait3A_200 : memref<10112x64xf32, #tpu.memory_space<vmem_shared>>)
      %dma_start3A_201 = arith.constant 1 : i32
      %dma_start3A_202 = arith.constant 0 : i32
      %dma_start3A_203 = tpu.memref_slice %arg8[%dma_start3A_201, %dma_start3A_202] : memref<2x512xi32, #tpu.memory_space<vmem>> -> memref<1x512xi32, #tpu.memory_space<vmem>>
      %dma_start3A_204 = tpu.memref_squeeze %dma_start3A_203 : memref<1x512xi32, #tpu.memory_space<vmem>> -> memref<512xi32, #tpu.memory_space<vmem>>
      %dma_start3A_205 = arith.constant 0 : i32
      %dma_start3A_206 = arith.constant 0 : i32
      %dma_start3A_207 = tpu.memref_slice %arg6[%dma_start3A_205, %dma_start3A_206] : memref<10112x64xf32, #tpu.memory_space<vmem_shared>> -> memref<10112x64xf32, #tpu.memory_space<vmem_shared>>
      tpu.enqueue_indirect_dma source(%arg10 : memref<512x64xf32, #tpu.memory_space<vmem>>) target(%dma_start3A_207 : memref<10112x64xf32, #tpu.memory_space<vmem_shared>>) offsets(%dma_start3A_204 : memref<512xi32, #tpu.memory_space<vmem>>) semaphore(%arg13 : memref<!tpu.dma_semaphore, #tpu.memory_space<semaphore_mem>>) {add = true}
      %dma_wait3A_208 = arith.constant 1 : i32
      %dma_wait3A_209 = arith.constant 0 : i32
      %dma_wait3A_210 = tpu.memref_slice %arg8[%dma_wait3A_208, %dma_wait3A_209] : memref<2x512xi32, #tpu.memory_space<vmem>> -> memref<1x512xi32, #tpu.memory_space<vmem>>
      %dma_wait3A_211 = tpu.memref_squeeze %dma_wait3A_210 : memref<1x512xi32, #tpu.memory_space<vmem>> -> memref<512xi32, #tpu.memory_space<vmem>>
      %dma_wait3A_212 = arith.constant 0 : i32
      %dma_wait3A_213 = arith.constant 0 : i32
      %dma_wait3A_214 = tpu.memref_slice %arg6[%dma_wait3A_212, %dma_wait3A_213] : memref<10112x64xf32, #tpu.memory_space<vmem_shared>> -> memref<10112x64xf32, #tpu.memory_space<vmem_shared>>
      tpu.wait_indirect_dma semaphore(%arg13 : memref<!tpu.dma_semaphore, #tpu.memory_space<semaphore_mem>>) src(%arg10 : memref<512x64xf32, #tpu.memory_space<vmem>>) dst(%dma_wait3A_214 : memref<10112x64xf32, #tpu.memory_space<vmem_shared>>)
    }
    %scan3A_109 = arith.constant 20 : i32
    %barrier3A_110 = arith.constant 0 : index
    tpu.barrier barrier_id(%barrier3A_110)
    %mul3A_111 = arith.constant 632 : i32
    %mul3A_112 = arith.muli %arg1, %mul3A_111 : i32
    %mul3A_113 = arith.constant 632 : i32
    %mul3A_114 = arith.muli %arg1, %mul3A_113 : i32
    %add3A_115 = arith.addi %mul3A_83, %mul3A_114 : i32
    "tpu.region"() ({
      %run_scoped3A = tpu.sem_alloc : memref<!tpu.dma_semaphore, #tpu.memory_space<semaphore_mem>>
      %dma_start3A = arith.constant 0 : i32
      %dma_start3A_154 = tpu.memref_slice %arg5[%add3A_115, %dma_start3A] : memref<80896x64xf32, #tpu.memory_space<hbm>> -> memref<632x64xf32, #tpu.memory_space<hbm>>
      %dma_start3A_155 = arith.constant 0 : i32
      %dma_start3A_156 = tpu.memref_slice %arg6[%mul3A_112, %dma_start3A_155] : memref<10112x64xf32, #tpu.memory_space<vmem_shared>> -> memref<632x64xf32, #tpu.memory_space<vmem_shared>>
      tpu.enqueue_dma source(%dma_start3A_156 : memref<632x64xf32, #tpu.memory_space<vmem_shared>>) target(%dma_start3A_154 : memref<632x64xf32, #tpu.memory_space<hbm>>) target_semaphore(%run_scoped3A : memref<!tpu.dma_semaphore, #tpu.memory_space<semaphore_mem>>)
      %dma_wait3A = arith.constant 0 : i32
      %dma_wait3A_157 = tpu.memref_slice %arg5[%add3A_115, %dma_wait3A] : memref<80896x64xf32, #tpu.memory_space<hbm>> -> memref<632x64xf32, #tpu.memory_space<hbm>>
      %dma_wait3A_158 = arith.constant 0 : i32
      %dma_wait3A_159 = tpu.memref_slice %arg6[%mul3A_112, %dma_wait3A_158] : memref<10112x64xf32, #tpu.memory_space<vmem_shared>> -> memref<632x64xf32, #tpu.memory_space<vmem_shared>>
      tpu.wait_dma2 semaphore(%run_scoped3A : memref<!tpu.dma_semaphore, #tpu.memory_space<semaphore_mem>>) src(%dma_wait3A_159 : memref<632x64xf32, #tpu.memory_space<vmem_shared>>) dst(%dma_wait3A_157 : memref<632x64xf32, #tpu.memory_space<hbm>>)
      tpu.yield
    }) : () -> ()
    %mul3A_116 = arith.constant 4 : i32
    %mul3A_117 = arith.muli %arg0, %mul3A_116 : i32
    %add3A_118 = arith.constant 3 : i32
    %add3A_119 = arith.addi %mul3A_117, %add3A_118 : i32
    %mul3A_120 = arith.constant 10112 : i32
    %mul3A_121 = arith.muli %add3A_119, %mul3A_120 : i32
    %barrier3A_122 = arith.constant 0 : index
    tpu.barrier barrier_id(%barrier3A_122)
    %mul3A_123 = arith.constant 632 : i32
    %mul3A_124 = arith.muli %arg1, %mul3A_123 : i32
    %add3A_125 = arith.constant 0 : i32
    %add3A_126 = arith.addi %mul3A_124, %add3A_125 : i32
    "tpu.region"() ({
      %run_scoped3A = tpu.sem_alloc : memref<!tpu.dma_semaphore, #tpu.memory_space<semaphore_mem>>
      %dma_start3A = arith.constant 0 : i32
      %dma_start3A_154 = tpu.memref_slice %arg6[%add3A_126, %dma_start3A] : memref<10112x64xf32, #tpu.memory_space<vmem_shared>> -> memref<158x64xf32, #tpu.memory_space<vmem_shared>>
      %dma_start3A_155 = arith.constant 0 : i32
      %dma_start3A_156 = tpu.memref_slice %arg6[%add3A_126, %dma_start3A_155] : memref<10112x64xf32, #tpu.memory_space<vmem_shared>> -> memref<158x64xf32, #tpu.memory_space<vmem_shared>>
      tpu.enqueue_dma source(%arg11 : memref<158x64xf32, #tpu.memory_space<vmem>>) target(%dma_start3A_156 : memref<158x64xf32, #tpu.memory_space<vmem_shared>>) target_semaphore(%run_scoped3A : memref<!tpu.dma_semaphore, #tpu.memory_space<semaphore_mem>>)
      %dma_wait3A = arith.constant 0 : i32
      %dma_wait3A_157 = tpu.memref_slice %arg6[%add3A_126, %dma_wait3A] : memref<10112x64xf32, #tpu.memory_space<vmem_shared>> -> memref<158x64xf32, #tpu.memory_space<vmem_shared>>
      %dma_wait3A_158 = arith.constant 0 : i32
      %dma_wait3A_159 = tpu.memref_slice %arg6[%add3A_126, %dma_wait3A_158] : memref<10112x64xf32, #tpu.memory_space<vmem_shared>> -> memref<158x64xf32, #tpu.memory_space<vmem_shared>>
      tpu.wait_dma2 semaphore(%run_scoped3A : memref<!tpu.dma_semaphore, #tpu.memory_space<semaphore_mem>>) src(%arg11 : memref<158x64xf32, #tpu.memory_space<vmem>>) dst(%dma_wait3A_159 : memref<158x64xf32, #tpu.memory_space<vmem_shared>>)
      tpu.yield
    }) : () -> ()
    %mul3A_127 = arith.constant 632 : i32
    %mul3A_128 = arith.muli %arg1, %mul3A_127 : i32
    %add3A_129 = arith.constant 158 : i32
    %add3A_130 = arith.addi %mul3A_128, %add3A_129 : i32
    "tpu.region"() ({
      %run_scoped3A = tpu.sem_alloc : memref<!tpu.dma_semaphore, #tpu.memory_space<semaphore_mem>>
      %dma_start3A = arith.constant 0 : i32
      %dma_start3A_154 = tpu.memref_slice %arg6[%add3A_130, %dma_start3A] : memref<10112x64xf32, #tpu.memory_space<vmem_shared>> -> memref<158x64xf32, #tpu.memory_space<vmem_shared>>
      %dma_start3A_155 = arith.constant 0 : i32
      %dma_start3A_156 = tpu.memref_slice %arg6[%add3A_130, %dma_start3A_155] : memref<10112x64xf32, #tpu.memory_space<vmem_shared>> -> memref<158x64xf32, #tpu.memory_space<vmem_shared>>
      tpu.enqueue_dma source(%arg11 : memref<158x64xf32, #tpu.memory_space<vmem>>) target(%dma_start3A_156 : memref<158x64xf32, #tpu.memory_space<vmem_shared>>) target_semaphore(%run_scoped3A : memref<!tpu.dma_semaphore, #tpu.memory_space<semaphore_mem>>)
      %dma_wait3A = arith.constant 0 : i32
      %dma_wait3A_157 = tpu.memref_slice %arg6[%add3A_130, %dma_wait3A] : memref<10112x64xf32, #tpu.memory_space<vmem_shared>> -> memref<158x64xf32, #tpu.memory_space<vmem_shared>>
      %dma_wait3A_158 = arith.constant 0 : i32
      %dma_wait3A_159 = tpu.memref_slice %arg6[%add3A_130, %dma_wait3A_158] : memref<10112x64xf32, #tpu.memory_space<vmem_shared>> -> memref<158x64xf32, #tpu.memory_space<vmem_shared>>
      tpu.wait_dma2 semaphore(%run_scoped3A : memref<!tpu.dma_semaphore, #tpu.memory_space<semaphore_mem>>) src(%arg11 : memref<158x64xf32, #tpu.memory_space<vmem>>) dst(%dma_wait3A_159 : memref<158x64xf32, #tpu.memory_space<vmem_shared>>)
      tpu.yield
    }) : () -> ()
    %mul3A_131 = arith.constant 632 : i32
    %mul3A_132 = arith.muli %arg1, %mul3A_131 : i32
    %add3A_133 = arith.constant 316 : i32
    %add3A_134 = arith.addi %mul3A_132, %add3A_133 : i32
    "tpu.region"() ({
      %run_scoped3A = tpu.sem_alloc : memref<!tpu.dma_semaphore, #tpu.memory_space<semaphore_mem>>
      %dma_start3A = arith.constant 0 : i32
      %dma_start3A_154 = tpu.memref_slice %arg6[%add3A_134, %dma_start3A] : memref<10112x64xf32, #tpu.memory_space<vmem_shared>> -> memref<158x64xf32, #tpu.memory_space<vmem_shared>>
      %dma_start3A_155 = arith.constant 0 : i32
      %dma_start3A_156 = tpu.memref_slice %arg6[%add3A_134, %dma_start3A_155] : memref<10112x64xf32, #tpu.memory_space<vmem_shared>> -> memref<158x64xf32, #tpu.memory_space<vmem_shared>>
      tpu.enqueue_dma source(%arg11 : memref<158x64xf32, #tpu.memory_space<vmem>>) target(%dma_start3A_156 : memref<158x64xf32, #tpu.memory_space<vmem_shared>>) target_semaphore(%run_scoped3A : memref<!tpu.dma_semaphore, #tpu.memory_space<semaphore_mem>>)
      %dma_wait3A = arith.constant 0 : i32
      %dma_wait3A_157 = tpu.memref_slice %arg6[%add3A_134, %dma_wait3A] : memref<10112x64xf32, #tpu.memory_space<vmem_shared>> -> memref<158x64xf32, #tpu.memory_space<vmem_shared>>
      %dma_wait3A_158 = arith.constant 0 : i32
      %dma_wait3A_159 = tpu.memref_slice %arg6[%add3A_134, %dma_wait3A_158] : memref<10112x64xf32, #tpu.memory_space<vmem_shared>> -> memref<158x64xf32, #tpu.memory_space<vmem_shared>>
      tpu.wait_dma2 semaphore(%run_scoped3A : memref<!tpu.dma_semaphore, #tpu.memory_space<semaphore_mem>>) src(%arg11 : memref<158x64xf32, #tpu.memory_space<vmem>>) dst(%dma_wait3A_159 : memref<158x64xf32, #tpu.memory_space<vmem_shared>>)
      tpu.yield
    }) : () -> ()
    %mul3A_135 = arith.constant 632 : i32
    %mul3A_136 = arith.muli %arg1, %mul3A_135 : i32
    %add3A_137 = arith.constant 474 : i32
    %add3A_138 = arith.addi %mul3A_136, %add3A_137 : i32
    "tpu.region"() ({
      %run_scoped3A = tpu.sem_alloc : memref<!tpu.dma_semaphore, #tpu.memory_space<semaphore_mem>>
      %dma_start3A = arith.constant 0 : i32
      %dma_start3A_154 = tpu.memref_slice %arg6[%add3A_138, %dma_start3A] : memref<10112x64xf32, #tpu.memory_space<vmem_shared>> -> memref<158x64xf32, #tpu.memory_space<vmem_shared>>
      %dma_start3A_155 = arith.constant 0 : i32
      %dma_start3A_156 = tpu.memref_slice %arg6[%add3A_138, %dma_start3A_155] : memref<10112x64xf32, #tpu.memory_space<vmem_shared>> -> memref<158x64xf32, #tpu.memory_space<vmem_shared>>
      tpu.enqueue_dma source(%arg11 : memref<158x64xf32, #tpu.memory_space<vmem>>) target(%dma_start3A_156 : memref<158x64xf32, #tpu.memory_space<vmem_shared>>) target_semaphore(%run_scoped3A : memref<!tpu.dma_semaphore, #tpu.memory_space<semaphore_mem>>)
      %dma_wait3A = arith.constant 0 : i32
      %dma_wait3A_157 = tpu.memref_slice %arg6[%add3A_138, %dma_wait3A] : memref<10112x64xf32, #tpu.memory_space<vmem_shared>> -> memref<158x64xf32, #tpu.memory_space<vmem_shared>>
      %dma_wait3A_158 = arith.constant 0 : i32
      %dma_wait3A_159 = tpu.memref_slice %arg6[%add3A_138, %dma_wait3A_158] : memref<10112x64xf32, #tpu.memory_space<vmem_shared>> -> memref<158x64xf32, #tpu.memory_space<vmem_shared>>
      tpu.wait_dma2 semaphore(%run_scoped3A : memref<!tpu.dma_semaphore, #tpu.memory_space<semaphore_mem>>) src(%arg11 : memref<158x64xf32, #tpu.memory_space<vmem>>) dst(%dma_wait3A_159 : memref<158x64xf32, #tpu.memory_space<vmem_shared>>)
      tpu.yield
    }) : () -> ()
    %barrier3A_139 = arith.constant 0 : index
    tpu.barrier barrier_id(%barrier3A_139)
    %mul3A_140 = arith.constant 320 : i32
    %mul3A_141 = arith.muli %add3A_119, %mul3A_140 : i32
    %add3A_142 = arith.addi %mul3A_141, %mul3A_0 : i32
    %scan3A_143 = arith.constant 0 : i32
    %scan3A_144 = arith.constant 20 : i32
    %scan3A_145 = arith.addi %scan3A_143, %scan3A_144 : i32
    %scan3A_146 = arith.constant 1 : i32
    scf.for %scan3A_154 = %scan3A_143 to %scan3A_145 step %scan3A_146  : i32 {
      %mul3A_155 = arith.constant 1 : i32
      %mul3A_156 = arith.muli %scan3A_154, %mul3A_155 : i32
      %add3A_157 = arith.constant 0 : i32
      %add3A_158 = arith.addi %add3A_157, %mul3A_156 : i32
      %add3A_159 = arith.addi %add3A_142, %add3A_158 : i32
      "tpu.region"() ({
        %run_scoped3A = tpu.sem_alloc : memref<!tpu.dma_semaphore, #tpu.memory_space<semaphore_mem>>
        %dma_start3A_215 = arith.constant 0 : i32
        %dma_start3A_216 = arith.constant 0 : i32
        %dma_start3A_217 = tpu.memref_slice %arg3[%add3A_159, %dma_start3A_215, %dma_start3A_216] : memref<2560x2x512xi32, #tpu.memory_space<hbm>> -> memref<1x2x512xi32, #tpu.memory_space<hbm>>
        %dma_start3A_218 = tpu.memref_squeeze %dma_start3A_217 : memref<1x2x512xi32, #tpu.memory_space<hbm>> -> memref<2x512xi32, #tpu.memory_space<hbm>>
        %dma_start3A_219 = arith.constant 0 : i32
        %dma_start3A_220 = arith.constant 0 : i32
        %dma_start3A_221 = tpu.memref_slice %arg3[%add3A_159, %dma_start3A_219, %dma_start3A_220] : memref<2560x2x512xi32, #tpu.memory_space<hbm>> -> memref<1x2x512xi32, #tpu.memory_space<hbm>>
        %dma_start3A_222 = tpu.memref_squeeze %dma_start3A_221 : memref<1x2x512xi32, #tpu.memory_space<hbm>> -> memref<2x512xi32, #tpu.memory_space<hbm>>
        tpu.enqueue_dma source(%dma_start3A_222 : memref<2x512xi32, #tpu.memory_space<hbm>>) target(%arg7 : memref<2x512xi32, #tpu.memory_space<vmem>>) target_semaphore(%run_scoped3A : memref<!tpu.dma_semaphore, #tpu.memory_space<semaphore_mem>>)
        %dma_wait3A_223 = arith.constant 0 : i32
        %dma_wait3A_224 = arith.constant 0 : i32
        %dma_wait3A_225 = tpu.memref_slice %arg3[%add3A_159, %dma_wait3A_223, %dma_wait3A_224] : memref<2560x2x512xi32, #tpu.memory_space<hbm>> -> memref<1x2x512xi32, #tpu.memory_space<hbm>>
        %dma_wait3A_226 = tpu.memref_squeeze %dma_wait3A_225 : memref<1x2x512xi32, #tpu.memory_space<hbm>> -> memref<2x512xi32, #tpu.memory_space<hbm>>
        %dma_wait3A_227 = arith.constant 0 : i32
        %dma_wait3A_228 = arith.constant 0 : i32
        %dma_wait3A_229 = tpu.memref_slice %arg3[%add3A_159, %dma_wait3A_227, %dma_wait3A_228] : memref<2560x2x512xi32, #tpu.memory_space<hbm>> -> memref<1x2x512xi32, #tpu.memory_space<hbm>>
        %dma_wait3A_230 = tpu.memref_squeeze %dma_wait3A_229 : memref<1x2x512xi32, #tpu.memory_space<hbm>> -> memref<2x512xi32, #tpu.memory_space<hbm>>
        tpu.wait_dma2 semaphore(%run_scoped3A : memref<!tpu.dma_semaphore, #tpu.memory_space<semaphore_mem>>) src(%dma_wait3A_230 : memref<2x512xi32, #tpu.memory_space<hbm>>) dst(%arg7 : memref<2x512xi32, #tpu.memory_space<vmem>>)
        tpu.yield
      }) : () -> ()
      %add3A_160 = arith.addi %mul3A_0, %add3A_158 : i32
      "tpu.region"() ({
        %run_scoped3A = tpu.sem_alloc : memref<!tpu.dma_semaphore, #tpu.memory_space<semaphore_mem>>
        %dma_start3A_215 = arith.constant 0 : i32
        %dma_start3A_216 = arith.constant 0 : i32
        %dma_start3A_217 = tpu.memref_slice %arg4[%add3A_160, %dma_start3A_215, %dma_start3A_216] : memref<320x2x512xi32, #tpu.memory_space<hbm>> -> memref<1x2x512xi32, #tpu.memory_space<hbm>>
        %dma_start3A_218 = tpu.memref_squeeze %dma_start3A_217 : memref<1x2x512xi32, #tpu.memory_space<hbm>> -> memref<2x512xi32, #tpu.memory_space<hbm>>
        %dma_start3A_219 = arith.constant 0 : i32
        %dma_start3A_220 = arith.constant 0 : i32
        %dma_start3A_221 = tpu.memref_slice %arg4[%add3A_160, %dma_start3A_219, %dma_start3A_220] : memref<320x2x512xi32, #tpu.memory_space<hbm>> -> memref<1x2x512xi32, #tpu.memory_space<hbm>>
        %dma_start3A_222 = tpu.memref_squeeze %dma_start3A_221 : memref<1x2x512xi32, #tpu.memory_space<hbm>> -> memref<2x512xi32, #tpu.memory_space<hbm>>
        tpu.enqueue_dma source(%dma_start3A_222 : memref<2x512xi32, #tpu.memory_space<hbm>>) target(%arg8 : memref<2x512xi32, #tpu.memory_space<vmem>>) target_semaphore(%run_scoped3A : memref<!tpu.dma_semaphore, #tpu.memory_space<semaphore_mem>>)
        %dma_wait3A_223 = arith.constant 0 : i32
        %dma_wait3A_224 = arith.constant 0 : i32
        %dma_wait3A_225 = tpu.memref_slice %arg4[%add3A_160, %dma_wait3A_223, %dma_wait3A_224] : memref<320x2x512xi32, #tpu.memory_space<hbm>> -> memref<1x2x512xi32, #tpu.memory_space<hbm>>
        %dma_wait3A_226 = tpu.memref_squeeze %dma_wait3A_225 : memref<1x2x512xi32, #tpu.memory_space<hbm>> -> memref<2x512xi32, #tpu.memory_space<hbm>>
        %dma_wait3A_227 = arith.constant 0 : i32
        %dma_wait3A_228 = arith.constant 0 : i32
        %dma_wait3A_229 = tpu.memref_slice %arg4[%add3A_160, %dma_wait3A_227, %dma_wait3A_228] : memref<320x2x512xi32, #tpu.memory_space<hbm>> -> memref<1x2x512xi32, #tpu.memory_space<hbm>>
        %dma_wait3A_230 = tpu.memref_squeeze %dma_wait3A_229 : memref<1x2x512xi32, #tpu.memory_space<hbm>> -> memref<2x512xi32, #tpu.memory_space<hbm>>
        tpu.wait_dma2 semaphore(%run_scoped3A : memref<!tpu.dma_semaphore, #tpu.memory_space<semaphore_mem>>) src(%dma_wait3A_230 : memref<2x512xi32, #tpu.memory_space<hbm>>) dst(%arg8 : memref<2x512xi32, #tpu.memory_space<vmem>>)
        tpu.yield
      }) : () -> ()
      %dma_start3A = arith.constant 0 : i32
      %dma_start3A_161 = arith.constant 0 : i32
      %dma_start3A_162 = tpu.memref_slice %arg7[%dma_start3A, %dma_start3A_161] : memref<2x512xi32, #tpu.memory_space<vmem>> -> memref<1x512xi32, #tpu.memory_space<vmem>>
      %dma_start3A_163 = tpu.memref_squeeze %dma_start3A_162 : memref<1x512xi32, #tpu.memory_space<vmem>> -> memref<512xi32, #tpu.memory_space<vmem>>
      %dma_start3A_164 = arith.constant 0 : i32
      %dma_start3A_165 = arith.constant 0 : i32
      %dma_start3A_166 = tpu.memref_slice %arg2[%dma_start3A_164, %dma_start3A_165] : memref<80000x64xf32, #tpu.memory_space<hbm>> -> memref<80000x64xf32, #tpu.memory_space<hbm>>
      tpu.enqueue_indirect_dma source(%dma_start3A_166 : memref<80000x64xf32, #tpu.memory_space<hbm>>) target(%arg9 : memref<512x64xf32, #tpu.memory_space<vmem>>) offsets(%dma_start3A_163 : memref<512xi32, #tpu.memory_space<vmem>>) semaphore(%arg12 : memref<!tpu.dma_semaphore, #tpu.memory_space<semaphore_mem>>)
      %dma_wait3A = arith.constant 0 : i32
      %dma_wait3A_167 = arith.constant 0 : i32
      %dma_wait3A_168 = tpu.memref_slice %arg7[%dma_wait3A, %dma_wait3A_167] : memref<2x512xi32, #tpu.memory_space<vmem>> -> memref<1x512xi32, #tpu.memory_space<vmem>>
      %dma_wait3A_169 = tpu.memref_squeeze %dma_wait3A_168 : memref<1x512xi32, #tpu.memory_space<vmem>> -> memref<512xi32, #tpu.memory_space<vmem>>
      %dma_wait3A_170 = arith.constant 0 : i32
      %dma_wait3A_171 = arith.constant 0 : i32
      %dma_wait3A_172 = tpu.memref_slice %arg2[%dma_wait3A_170, %dma_wait3A_171] : memref<80000x64xf32, #tpu.memory_space<hbm>> -> memref<80000x64xf32, #tpu.memory_space<hbm>>
      tpu.wait_indirect_dma semaphore(%arg12 : memref<!tpu.dma_semaphore, #tpu.memory_space<semaphore_mem>>) src(%dma_wait3A_172 : memref<80000x64xf32, #tpu.memory_space<hbm>>) dst(%arg9 : memref<512x64xf32, #tpu.memory_space<vmem>>)
      %dma_start3A_173 = arith.constant 1 : i32
      %dma_start3A_174 = arith.constant 0 : i32
      %dma_start3A_175 = tpu.memref_slice %arg7[%dma_start3A_173, %dma_start3A_174] : memref<2x512xi32, #tpu.memory_space<vmem>> -> memref<1x512xi32, #tpu.memory_space<vmem>>
      %dma_start3A_176 = tpu.memref_squeeze %dma_start3A_175 : memref<1x512xi32, #tpu.memory_space<vmem>> -> memref<512xi32, #tpu.memory_space<vmem>>
      %dma_start3A_177 = arith.constant 0 : i32
      %dma_start3A_178 = arith.constant 0 : i32
      %dma_start3A_179 = tpu.memref_slice %arg2[%dma_start3A_177, %dma_start3A_178] : memref<80000x64xf32, #tpu.memory_space<hbm>> -> memref<80000x64xf32, #tpu.memory_space<hbm>>
      tpu.enqueue_indirect_dma source(%dma_start3A_179 : memref<80000x64xf32, #tpu.memory_space<hbm>>) target(%arg10 : memref<512x64xf32, #tpu.memory_space<vmem>>) offsets(%dma_start3A_176 : memref<512xi32, #tpu.memory_space<vmem>>) semaphore(%arg13 : memref<!tpu.dma_semaphore, #tpu.memory_space<semaphore_mem>>)
      %dma_start3A_180 = arith.constant 0 : i32
      %dma_start3A_181 = arith.constant 0 : i32
      %dma_start3A_182 = tpu.memref_slice %arg8[%dma_start3A_180, %dma_start3A_181] : memref<2x512xi32, #tpu.memory_space<vmem>> -> memref<1x512xi32, #tpu.memory_space<vmem>>
      %dma_start3A_183 = tpu.memref_squeeze %dma_start3A_182 : memref<1x512xi32, #tpu.memory_space<vmem>> -> memref<512xi32, #tpu.memory_space<vmem>>
      %dma_start3A_184 = arith.constant 0 : i32
      %dma_start3A_185 = arith.constant 0 : i32
      %dma_start3A_186 = tpu.memref_slice %arg6[%dma_start3A_184, %dma_start3A_185] : memref<10112x64xf32, #tpu.memory_space<vmem_shared>> -> memref<10112x64xf32, #tpu.memory_space<vmem_shared>>
      tpu.enqueue_indirect_dma source(%arg9 : memref<512x64xf32, #tpu.memory_space<vmem>>) target(%dma_start3A_186 : memref<10112x64xf32, #tpu.memory_space<vmem_shared>>) offsets(%dma_start3A_183 : memref<512xi32, #tpu.memory_space<vmem>>) semaphore(%arg12 : memref<!tpu.dma_semaphore, #tpu.memory_space<semaphore_mem>>) {add = true}
      %dma_wait3A_187 = arith.constant 1 : i32
      %dma_wait3A_188 = arith.constant 0 : i32
      %dma_wait3A_189 = tpu.memref_slice %arg7[%dma_wait3A_187, %dma_wait3A_188] : memref<2x512xi32, #tpu.memory_space<vmem>> -> memref<1x512xi32, #tpu.memory_space<vmem>>
      %dma_wait3A_190 = tpu.memref_squeeze %dma_wait3A_189 : memref<1x512xi32, #tpu.memory_space<vmem>> -> memref<512xi32, #tpu.memory_space<vmem>>
      %dma_wait3A_191 = arith.constant 0 : i32
      %dma_wait3A_192 = arith.constant 0 : i32
      %dma_wait3A_193 = tpu.memref_slice %arg2[%dma_wait3A_191, %dma_wait3A_192] : memref<80000x64xf32, #tpu.memory_space<hbm>> -> memref<80000x64xf32, #tpu.memory_space<hbm>>
      tpu.wait_indirect_dma semaphore(%arg13 : memref<!tpu.dma_semaphore, #tpu.memory_space<semaphore_mem>>) src(%dma_wait3A_193 : memref<80000x64xf32, #tpu.memory_space<hbm>>) dst(%arg10 : memref<512x64xf32, #tpu.memory_space<vmem>>)
      %dma_wait3A_194 = arith.constant 0 : i32
      %dma_wait3A_195 = arith.constant 0 : i32
      %dma_wait3A_196 = tpu.memref_slice %arg8[%dma_wait3A_194, %dma_wait3A_195] : memref<2x512xi32, #tpu.memory_space<vmem>> -> memref<1x512xi32, #tpu.memory_space<vmem>>
      %dma_wait3A_197 = tpu.memref_squeeze %dma_wait3A_196 : memref<1x512xi32, #tpu.memory_space<vmem>> -> memref<512xi32, #tpu.memory_space<vmem>>
      %dma_wait3A_198 = arith.constant 0 : i32
      %dma_wait3A_199 = arith.constant 0 : i32
      %dma_wait3A_200 = tpu.memref_slice %arg6[%dma_wait3A_198, %dma_wait3A_199] : memref<10112x64xf32, #tpu.memory_space<vmem_shared>> -> memref<10112x64xf32, #tpu.memory_space<vmem_shared>>
      tpu.wait_indirect_dma semaphore(%arg12 : memref<!tpu.dma_semaphore, #tpu.memory_space<semaphore_mem>>) src(%arg9 : memref<512x64xf32, #tpu.memory_space<vmem>>) dst(%dma_wait3A_200 : memref<10112x64xf32, #tpu.memory_space<vmem_shared>>)
      %dma_start3A_201 = arith.constant 1 : i32
      %dma_start3A_202 = arith.constant 0 : i32
      %dma_start3A_203 = tpu.memref_slice %arg8[%dma_start3A_201, %dma_start3A_202] : memref<2x512xi32, #tpu.memory_space<vmem>> -> memref<1x512xi32, #tpu.memory_space<vmem>>
      %dma_start3A_204 = tpu.memref_squeeze %dma_start3A_203 : memref<1x512xi32, #tpu.memory_space<vmem>> -> memref<512xi32, #tpu.memory_space<vmem>>
      %dma_start3A_205 = arith.constant 0 : i32
      %dma_start3A_206 = arith.constant 0 : i32
      %dma_start3A_207 = tpu.memref_slice %arg6[%dma_start3A_205, %dma_start3A_206] : memref<10112x64xf32, #tpu.memory_space<vmem_shared>> -> memref<10112x64xf32, #tpu.memory_space<vmem_shared>>
      tpu.enqueue_indirect_dma source(%arg10 : memref<512x64xf32, #tpu.memory_space<vmem>>) target(%dma_start3A_207 : memref<10112x64xf32, #tpu.memory_space<vmem_shared>>) offsets(%dma_start3A_204 : memref<512xi32, #tpu.memory_space<vmem>>) semaphore(%arg13 : memref<!tpu.dma_semaphore, #tpu.memory_space<semaphore_mem>>) {add = true}
      %dma_wait3A_208 = arith.constant 1 : i32
      %dma_wait3A_209 = arith.constant 0 : i32
      %dma_wait3A_210 = tpu.memref_slice %arg8[%dma_wait3A_208, %dma_wait3A_209] : memref<2x512xi32, #tpu.memory_space<vmem>> -> memref<1x512xi32, #tpu.memory_space<vmem>>
      %dma_wait3A_211 = tpu.memref_squeeze %dma_wait3A_210 : memref<1x512xi32, #tpu.memory_space<vmem>> -> memref<512xi32, #tpu.memory_space<vmem>>
      %dma_wait3A_212 = arith.constant 0 : i32
      %dma_wait3A_213 = arith.constant 0 : i32
      %dma_wait3A_214 = tpu.memref_slice %arg6[%dma_wait3A_212, %dma_wait3A_213] : memref<10112x64xf32, #tpu.memory_space<vmem_shared>> -> memref<10112x64xf32, #tpu.memory_space<vmem_shared>>
      tpu.wait_indirect_dma semaphore(%arg13 : memref<!tpu.dma_semaphore, #tpu.memory_space<semaphore_mem>>) src(%arg10 : memref<512x64xf32, #tpu.memory_space<vmem>>) dst(%dma_wait3A_214 : memref<10112x64xf32, #tpu.memory_space<vmem_shared>>)
    }
    %scan3A_147 = arith.constant 20 : i32
    %barrier3A_148 = arith.constant 0 : index
    tpu.barrier barrier_id(%barrier3A_148)
    %mul3A_149 = arith.constant 632 : i32
    %mul3A_150 = arith.muli %arg1, %mul3A_149 : i32
    %mul3A_151 = arith.constant 632 : i32
    %mul3A_152 = arith.muli %arg1, %mul3A_151 : i32
    %add3A_153 = arith.addi %mul3A_121, %mul3A_152 : i32
    "tpu.region"() ({
      %run_scoped3A = tpu.sem_alloc : memref<!tpu.dma_semaphore, #tpu.memory_space<semaphore_mem>>
      %dma_start3A = arith.constant 0 : i32
      %dma_start3A_154 = tpu.memref_slice %arg5[%add3A_153, %dma_start3A] : memref<80896x64xf32, #tpu.memory_space<hbm>> -> memref<632x64xf32, #tpu.memory_space<hbm>>
      %dma_start3A_155 = arith.constant 0 : i32
      %dma_start3A_156 = tpu.memref_slice %arg6[%mul3A_150, %dma_start3A_155] : memref<10112x64xf32, #tpu.memory_space<vmem_shared>> -> memref<632x64xf32, #tpu.memory_space<vmem_shared>>
      tpu.enqueue_dma source(%dma_start3A_156 : memref<632x64xf32, #tpu.memory_space<vmem_shared>>) target(%dma_start3A_154 : memref<632x64xf32, #tpu.memory_space<hbm>>) target_semaphore(%run_scoped3A : memref<!tpu.dma_semaphore, #tpu.memory_space<semaphore_mem>>)
      %dma_wait3A = arith.constant 0 : i32
      %dma_wait3A_157 = tpu.memref_slice %arg5[%add3A_153, %dma_wait3A] : memref<80896x64xf32, #tpu.memory_space<hbm>> -> memref<632x64xf32, #tpu.memory_space<hbm>>
      %dma_wait3A_158 = arith.constant 0 : i32
      %dma_wait3A_159 = tpu.memref_slice %arg6[%mul3A_150, %dma_wait3A_158] : memref<10112x64xf32, #tpu.memory_space<vmem_shared>> -> memref<632x64xf32, #tpu.memory_space<vmem_shared>>
      tpu.wait_dma2 semaphore(%run_scoped3A : memref<!tpu.dma_semaphore, #tpu.memory_space<semaphore_mem>>) src(%dma_wait3A_159 : memref<632x64xf32, #tpu.memory_space<vmem_shared>>) dst(%dma_wait3A_157 : memref<632x64xf32, #tpu.memory_space<hbm>>)
      tpu.yield
    }) : () -> ()
    return
  }
}

#map = affine_map<(d0, d1) -> (0, 0)>
#map1 = affine_map<(d0, d1) -> (0, 0, 0)>
module attributes {stable_mosaic.version = 14 : i64} {
  func.func @segsum(%arg0: i32, %arg1: i32, %arg2: memref<20000x64xf32, #tpu.memory_space<hbm>>, %arg3: memref<640x2x512xi32, #tpu.memory_space<hbm>>, %arg4: memref<320x2x512xi32, #tpu.memory_space<hbm>>, %arg5: memref<20224x64xf32, #tpu.memory_space<hbm>>, %arg6: memref<10112x64xf32, #tpu.memory_space<vmem_shared>>, %arg7: memref<2x512xi32, #tpu.memory_space<vmem>>, %arg8: memref<2x512xi32, #tpu.memory_space<vmem>>, %arg9: memref<512x64xf32, #tpu.memory_space<vmem>>, %arg10: memref<512x64xf32, #tpu.memory_space<vmem>>, %arg11: memref<158x64xf32, #tpu.memory_space<vmem>>, %arg12: memref<!tpu.dma_semaphore, #tpu.memory_space<semaphore_mem>>, %arg13: memref<!tpu.dma_semaphore, #tpu.memory_space<semaphore_mem>>) attributes {dimension_semantics = [#tpu.dimension_semantics<core_parallel>, #tpu.dimension_semantics<subcore_parallel>], iteration_bounds = array<i64: 2, 16>, scalar_prefetch = 0 : i64, scratch_operands = 8 : i64, tpu.core_type = #tpu.core_type<sc_vector_subcore>, window_params = [{transform_indices = #map}, {transform_indices = #map1}, {transform_indices = #map1}, {transform_indices = #map}]} {
    %mul3A = arith.constant 20 : i32
    %mul3A_0 = arith.muli %arg1, %mul3A : i32
    %scan3A = arith.constant 0 : i32
    %scan3A_1 = arith.constant 158 : i32
    %scan3A_2 = arith.addi %scan3A, %scan3A_1 : i32
    %scan3A_3 = arith.constant 1 : i32
    scf.for %scan3A_40 = %scan3A to %scan3A_2 step %scan3A_3  : i32 {
      %mul3A_41 = arith.constant 1 : i32
      %mul3A_42 = arith.muli %scan3A_40, %mul3A_41 : i32
      %add3A_43 = arith.constant 0 : i32
      %add3A_44 = arith.addi %add3A_43, %mul3A_42 : i32
      %broadcast_in_dim3A = arith.constant 0.000000e+00 : f32
      %broadcast_in_dim3A_45 = vector.broadcast %broadcast_in_dim3A : f32 to vector<16xf32>
      %swap3A = arith.index_cast %add3A_44 : i32 to index
      %swap3A_46 = arith.constant 0 : index
      %swap3A_47 = tpu.vector_load %arg11[%swap3A, %swap3A_46] {strides = array<i32>} : memref<158x64xf32, #tpu.memory_space<vmem>>, vector<1x16xf32>,
      %swap3A_48 = vector.shape_cast %swap3A_47 : vector<1x16xf32> to vector<16xf32>
      %swap3A_49 = vector.shape_cast %broadcast_in_dim3A_45 : vector<16xf32> to vector<1x16xf32>
      tpu.vector_store %arg11[%swap3A, %swap3A_46], %swap3A_49 {strides = array<i32>} : memref<158x64xf32, #tpu.memory_space<vmem>>, vector<1x16xf32>,
      %broadcast_in_dim3A_50 = arith.constant 0.000000e+00 : f32
      %broadcast_in_dim3A_51 = vector.broadcast %broadcast_in_dim3A_50 : f32 to vector<16xf32>
      %swap3A_52 = arith.index_cast %add3A_44 : i32 to index
      %swap3A_53 = arith.constant 16 : index
      %swap3A_54 = tpu.vector_load %arg11[%swap3A_52, %swap3A_53] {strides = array<i32>} : memref<158x64xf32, #tpu.memory_space<vmem>>, vector<1x16xf32>,
      %swap3A_55 = vector.shape_cast %swap3A_54 : vector<1x16xf32> to vector<16xf32>
      %swap3A_56 = vector.shape_cast %broadcast_in_dim3A_51 : vector<16xf32> to vector<1x16xf32>
      tpu.vector_store %arg11[%swap3A_52, %swap3A_53], %swap3A_56 {strides = array<i32>} : memref<158x64xf32, #tpu.memory_space<vmem>>, vector<1x16xf32>,
      %broadcast_in_dim3A_57 = arith.constant 0.000000e+00 : f32
      %broadcast_in_dim3A_58 = vector.broadcast %broadcast_in_dim3A_57 : f32 to vector<16xf32>
      %swap3A_59 = arith.index_cast %add3A_44 : i32 to index
      %swap3A_60 = arith.constant 32 : index
      %swap3A_61 = tpu.vector_load %arg11[%swap3A_59, %swap3A_60] {strides = array<i32>} : memref<158x64xf32, #tpu.memory_space<vmem>>, vector<1x16xf32>,
      %swap3A_62 = vector.shape_cast %swap3A_61 : vector<1x16xf32> to vector<16xf32>
      %swap3A_63 = vector.shape_cast %broadcast_in_dim3A_58 : vector<16xf32> to vector<1x16xf32>
      tpu.vector_store %arg11[%swap3A_59, %swap3A_60], %swap3A_63 {strides = array<i32>} : memref<158x64xf32, #tpu.memory_space<vmem>>, vector<1x16xf32>,
      %broadcast_in_dim3A_64 = arith.constant 0.000000e+00 : f32
      %broadcast_in_dim3A_65 = vector.broadcast %broadcast_in_dim3A_64 : f32 to vector<16xf32>
      %swap3A_66 = arith.index_cast %add3A_44 : i32 to index
      %swap3A_67 = arith.constant 48 : index
      %swap3A_68 = tpu.vector_load %arg11[%swap3A_66, %swap3A_67] {strides = array<i32>} : memref<158x64xf32, #tpu.memory_space<vmem>>, vector<1x16xf32>,
      %swap3A_69 = vector.shape_cast %swap3A_68 : vector<1x16xf32> to vector<16xf32>
      %swap3A_70 = vector.shape_cast %broadcast_in_dim3A_65 : vector<16xf32> to vector<1x16xf32>
      tpu.vector_store %arg11[%swap3A_66, %swap3A_67], %swap3A_70 {strides = array<i32>} : memref<158x64xf32, #tpu.memory_space<vmem>>, vector<1x16xf32>,
    }
    %scan3A_4 = arith.constant 158 : i32
    %mul3A_5 = arith.constant 1 : i32
    %mul3A_6 = arith.muli %arg0, %mul3A_5 : i32
    %add3A = arith.constant 0 : i32
    %add3A_7 = arith.addi %mul3A_6, %add3A : i32
    %mul3A_8 = arith.constant 10112 : i32
    %mul3A_9 = arith.muli %add3A_7, %mul3A_8 : i32
    %mul3A_10 = arith.constant 632 : i32
    %mul3A_11 = arith.muli %arg1, %mul3A_10 : i32
    %add3A_12 = arith.constant 0 : i32
    %add3A_13 = arith.addi %mul3A_11, %add3A_12 : i32
    "tpu.region"() ({
      %run_scoped3A = tpu.sem_alloc : memref<!tpu.dma_semaphore, #tpu.memory_space<semaphore_mem>>
      %dma_start3A = arith.constant 0 : i32
      %dma_start3A_40 = tpu.memref_slice %arg6[%add3A_13, %dma_start3A] : memref<10112x64xf32, #tpu.memory_space<vmem_shared>> -> memref<158x64xf32, #tpu.memory_space<vmem_shared>>
      %dma_start3A_41 = arith.constant 0 : i32
      %dma_start3A_42 = tpu.memref_slice %arg6[%add3A_13, %dma_start3A_41] : memref<10112x64xf32, #tpu.memory_space<vmem_shared>> -> memref<158x64xf32, #tpu.memory_space<vmem_shared>>
      tpu.enqueue_dma source(%arg11 : memref<158x64xf32, #tpu.memory_space<vmem>>) target(%dma_start3A_42 : memref<158x64xf32, #tpu.memory_space<vmem_shared>>) target_semaphore(%run_scoped3A : memref<!tpu.dma_semaphore, #tpu.memory_space<semaphore_mem>>)
      %dma_wait3A = arith.constant 0 : i32
      %dma_wait3A_43 = tpu.memref_slice %arg6[%add3A_13, %dma_wait3A] : memref<10112x64xf32, #tpu.memory_space<vmem_shared>> -> memref<158x64xf32, #tpu.memory_space<vmem_shared>>
      %dma_wait3A_44 = arith.constant 0 : i32
      %dma_wait3A_45 = tpu.memref_slice %arg6[%add3A_13, %dma_wait3A_44] : memref<10112x64xf32, #tpu.memory_space<vmem_shared>> -> memref<158x64xf32, #tpu.memory_space<vmem_shared>>
      tpu.wait_dma2 semaphore(%run_scoped3A : memref<!tpu.dma_semaphore, #tpu.memory_space<semaphore_mem>>) src(%arg11 : memref<158x64xf32, #tpu.memory_space<vmem>>) dst(%dma_wait3A_45 : memref<158x64xf32, #tpu.memory_space<vmem_shared>>)
      tpu.yield
    }) : () -> ()
    %mul3A_14 = arith.constant 632 : i32
    %mul3A_15 = arith.muli %arg1, %mul3A_14 : i32
    %add3A_16 = arith.constant 158 : i32
    %add3A_17 = arith.addi %mul3A_15, %add3A_16 : i32
    "tpu.region"() ({
      %run_scoped3A = tpu.sem_alloc : memref<!tpu.dma_semaphore, #tpu.memory_space<semaphore_mem>>
      %dma_start3A = arith.constant 0 : i32
      %dma_start3A_40 = tpu.memref_slice %arg6[%add3A_17, %dma_start3A] : memref<10112x64xf32, #tpu.memory_space<vmem_shared>> -> memref<158x64xf32, #tpu.memory_space<vmem_shared>>
      %dma_start3A_41 = arith.constant 0 : i32
      %dma_start3A_42 = tpu.memref_slice %arg6[%add3A_17, %dma_start3A_41] : memref<10112x64xf32, #tpu.memory_space<vmem_shared>> -> memref<158x64xf32, #tpu.memory_space<vmem_shared>>
      tpu.enqueue_dma source(%arg11 : memref<158x64xf32, #tpu.memory_space<vmem>>) target(%dma_start3A_42 : memref<158x64xf32, #tpu.memory_space<vmem_shared>>) target_semaphore(%run_scoped3A : memref<!tpu.dma_semaphore, #tpu.memory_space<semaphore_mem>>)
      %dma_wait3A = arith.constant 0 : i32
      %dma_wait3A_43 = tpu.memref_slice %arg6[%add3A_17, %dma_wait3A] : memref<10112x64xf32, #tpu.memory_space<vmem_shared>> -> memref<158x64xf32, #tpu.memory_space<vmem_shared>>
      %dma_wait3A_44 = arith.constant 0 : i32
      %dma_wait3A_45 = tpu.memref_slice %arg6[%add3A_17, %dma_wait3A_44] : memref<10112x64xf32, #tpu.memory_space<vmem_shared>> -> memref<158x64xf32, #tpu.memory_space<vmem_shared>>
      tpu.wait_dma2 semaphore(%run_scoped3A : memref<!tpu.dma_semaphore, #tpu.memory_space<semaphore_mem>>) src(%arg11 : memref<158x64xf32, #tpu.memory_space<vmem>>) dst(%dma_wait3A_45 : memref<158x64xf32, #tpu.memory_space<vmem_shared>>)
      tpu.yield
    }) : () -> ()
    %mul3A_18 = arith.constant 632 : i32
    %mul3A_19 = arith.muli %arg1, %mul3A_18 : i32
    %add3A_20 = arith.constant 316 : i32
    %add3A_21 = arith.addi %mul3A_19, %add3A_20 : i32
    "tpu.region"() ({
      %run_scoped3A = tpu.sem_alloc : memref<!tpu.dma_semaphore, #tpu.memory_space<semaphore_mem>>
      %dma_start3A = arith.constant 0 : i32
      %dma_start3A_40 = tpu.memref_slice %arg6[%add3A_21, %dma_start3A] : memref<10112x64xf32, #tpu.memory_space<vmem_shared>> -> memref<158x64xf32, #tpu.memory_space<vmem_shared>>
      %dma_start3A_41 = arith.constant 0 : i32
      %dma_start3A_42 = tpu.memref_slice %arg6[%add3A_21, %dma_start3A_41] : memref<10112x64xf32, #tpu.memory_space<vmem_shared>> -> memref<158x64xf32, #tpu.memory_space<vmem_shared>>
      tpu.enqueue_dma source(%arg11 : memref<158x64xf32, #tpu.memory_space<vmem>>) target(%dma_start3A_42 : memref<158x64xf32, #tpu.memory_space<vmem_shared>>) target_semaphore(%run_scoped3A : memref<!tpu.dma_semaphore, #tpu.memory_space<semaphore_mem>>)
      %dma_wait3A = arith.constant 0 : i32
      %dma_wait3A_43 = tpu.memref_slice %arg6[%add3A_21, %dma_wait3A] : memref<10112x64xf32, #tpu.memory_space<vmem_shared>> -> memref<158x64xf32, #tpu.memory_space<vmem_shared>>
      %dma_wait3A_44 = arith.constant 0 : i32
      %dma_wait3A_45 = tpu.memref_slice %arg6[%add3A_21, %dma_wait3A_44] : memref<10112x64xf32, #tpu.memory_space<vmem_shared>> -> memref<158x64xf32, #tpu.memory_space<vmem_shared>>
      tpu.wait_dma2 semaphore(%run_scoped3A : memref<!tpu.dma_semaphore, #tpu.memory_space<semaphore_mem>>) src(%arg11 : memref<158x64xf32, #tpu.memory_space<vmem>>) dst(%dma_wait3A_45 : memref<158x64xf32, #tpu.memory_space<vmem_shared>>)
      tpu.yield
    }) : () -> ()
    %mul3A_22 = arith.constant 632 : i32
    %mul3A_23 = arith.muli %arg1, %mul3A_22 : i32
    %add3A_24 = arith.constant 474 : i32
    %add3A_25 = arith.addi %mul3A_23, %add3A_24 : i32
    "tpu.region"() ({
      %run_scoped3A = tpu.sem_alloc : memref<!tpu.dma_semaphore, #tpu.memory_space<semaphore_mem>>
      %dma_start3A = arith.constant 0 : i32
      %dma_start3A_40 = tpu.memref_slice %arg6[%add3A_25, %dma_start3A] : memref<10112x64xf32, #tpu.memory_space<vmem_shared>> -> memref<158x64xf32, #tpu.memory_space<vmem_shared>>
      %dma_start3A_41 = arith.constant 0 : i32
      %dma_start3A_42 = tpu.memref_slice %arg6[%add3A_25, %dma_start3A_41] : memref<10112x64xf32, #tpu.memory_space<vmem_shared>> -> memref<158x64xf32, #tpu.memory_space<vmem_shared>>
      tpu.enqueue_dma source(%arg11 : memref<158x64xf32, #tpu.memory_space<vmem>>) target(%dma_start3A_42 : memref<158x64xf32, #tpu.memory_space<vmem_shared>>) target_semaphore(%run_scoped3A : memref<!tpu.dma_semaphore, #tpu.memory_space<semaphore_mem>>)
      %dma_wait3A = arith.constant 0 : i32
      %dma_wait3A_43 = tpu.memref_slice %arg6[%add3A_25, %dma_wait3A] : memref<10112x64xf32, #tpu.memory_space<vmem_shared>> -> memref<158x64xf32, #tpu.memory_space<vmem_shared>>
      %dma_wait3A_44 = arith.constant 0 : i32
      %dma_wait3A_45 = tpu.memref_slice %arg6[%add3A_25, %dma_wait3A_44] : memref<10112x64xf32, #tpu.memory_space<vmem_shared>> -> memref<158x64xf32, #tpu.memory_space<vmem_shared>>
      tpu.wait_dma2 semaphore(%run_scoped3A : memref<!tpu.dma_semaphore, #tpu.memory_space<semaphore_mem>>) src(%arg11 : memref<158x64xf32, #tpu.memory_space<vmem>>) dst(%dma_wait3A_45 : memref<158x64xf32, #tpu.memory_space<vmem_shared>>)
      tpu.yield
    }) : () -> ()
    %barrier3A = arith.constant 0 : index
    tpu.barrier barrier_id(%barrier3A)
    %mul3A_26 = arith.constant 320 : i32
    %mul3A_27 = arith.muli %add3A_7, %mul3A_26 : i32
    %add3A_28 = arith.addi %mul3A_27, %mul3A_0 : i32
    %scan3A_29 = arith.constant 0 : i32
    %scan3A_30 = arith.constant 20 : i32
    %scan3A_31 = arith.addi %scan3A_29, %scan3A_30 : i32
    %scan3A_32 = arith.constant 1 : i32
    scf.for %scan3A_40 = %scan3A_29 to %scan3A_31 step %scan3A_32  : i32 {
      %mul3A_41 = arith.constant 1 : i32
      %mul3A_42 = arith.muli %scan3A_40, %mul3A_41 : i32
      %add3A_43 = arith.constant 0 : i32
      %add3A_44 = arith.addi %add3A_43, %mul3A_42 : i32
      %add3A_45 = arith.addi %add3A_28, %add3A_44 : i32
      "tpu.region"() ({
        %run_scoped3A = tpu.sem_alloc : memref<!tpu.dma_semaphore, #tpu.memory_space<semaphore_mem>>
        %dma_start3A_101 = arith.constant 0 : i32
        %dma_start3A_102 = arith.constant 0 : i32
        %dma_start3A_103 = tpu.memref_slice %arg3[%add3A_45, %dma_start3A_101, %dma_start3A_102] : memref<640x2x512xi32, #tpu.memory_space<hbm>> -> memref<1x2x512xi32, #tpu.memory_space<hbm>>
        %dma_start3A_104 = tpu.memref_squeeze %dma_start3A_103 : memref<1x2x512xi32, #tpu.memory_space<hbm>> -> memref<2x512xi32, #tpu.memory_space<hbm>>
        %dma_start3A_105 = arith.constant 0 : i32
        %dma_start3A_106 = arith.constant 0 : i32
        %dma_start3A_107 = tpu.memref_slice %arg3[%add3A_45, %dma_start3A_105, %dma_start3A_106] : memref<640x2x512xi32, #tpu.memory_space<hbm>> -> memref<1x2x512xi32, #tpu.memory_space<hbm>>
        %dma_start3A_108 = tpu.memref_squeeze %dma_start3A_107 : memref<1x2x512xi32, #tpu.memory_space<hbm>> -> memref<2x512xi32, #tpu.memory_space<hbm>>
        tpu.enqueue_dma source(%dma_start3A_108 : memref<2x512xi32, #tpu.memory_space<hbm>>) target(%arg7 : memref<2x512xi32, #tpu.memory_space<vmem>>) target_semaphore(%run_scoped3A : memref<!tpu.dma_semaphore, #tpu.memory_space<semaphore_mem>>)
        %dma_wait3A_109 = arith.constant 0 : i32
        %dma_wait3A_110 = arith.constant 0 : i32
        %dma_wait3A_111 = tpu.memref_slice %arg3[%add3A_45, %dma_wait3A_109, %dma_wait3A_110] : memref<640x2x512xi32, #tpu.memory_space<hbm>> -> memref<1x2x512xi32, #tpu.memory_space<hbm>>
        %dma_wait3A_112 = tpu.memref_squeeze %dma_wait3A_111 : memref<1x2x512xi32, #tpu.memory_space<hbm>> -> memref<2x512xi32, #tpu.memory_space<hbm>>
        %dma_wait3A_113 = arith.constant 0 : i32
        %dma_wait3A_114 = arith.constant 0 : i32
        %dma_wait3A_115 = tpu.memref_slice %arg3[%add3A_45, %dma_wait3A_113, %dma_wait3A_114] : memref<640x2x512xi32, #tpu.memory_space<hbm>> -> memref<1x2x512xi32, #tpu.memory_space<hbm>>
        %dma_wait3A_116 = tpu.memref_squeeze %dma_wait3A_115 : memref<1x2x512xi32, #tpu.memory_space<hbm>> -> memref<2x512xi32, #tpu.memory_space<hbm>>
        tpu.wait_dma2 semaphore(%run_scoped3A : memref<!tpu.dma_semaphore, #tpu.memory_space<semaphore_mem>>) src(%dma_wait3A_116 : memref<2x512xi32, #tpu.memory_space<hbm>>) dst(%arg7 : memref<2x512xi32, #tpu.memory_space<vmem>>)
        tpu.yield
      }) : () -> ()
      %add3A_46 = arith.addi %mul3A_0, %add3A_44 : i32
      "tpu.region"() ({
        %run_scoped3A = tpu.sem_alloc : memref<!tpu.dma_semaphore, #tpu.memory_space<semaphore_mem>>
        %dma_start3A_101 = arith.constant 0 : i32
        %dma_start3A_102 = arith.constant 0 : i32
        %dma_start3A_103 = tpu.memref_slice %arg4[%add3A_46, %dma_start3A_101, %dma_start3A_102] : memref<320x2x512xi32, #tpu.memory_space<hbm>> -> memref<1x2x512xi32, #tpu.memory_space<hbm>>
        %dma_start3A_104 = tpu.memref_squeeze %dma_start3A_103 : memref<1x2x512xi32, #tpu.memory_space<hbm>> -> memref<2x512xi32, #tpu.memory_space<hbm>>
        %dma_start3A_105 = arith.constant 0 : i32
        %dma_start3A_106 = arith.constant 0 : i32
        %dma_start3A_107 = tpu.memref_slice %arg4[%add3A_46, %dma_start3A_105, %dma_start3A_106] : memref<320x2x512xi32, #tpu.memory_space<hbm>> -> memref<1x2x512xi32, #tpu.memory_space<hbm>>
        %dma_start3A_108 = tpu.memref_squeeze %dma_start3A_107 : memref<1x2x512xi32, #tpu.memory_space<hbm>> -> memref<2x512xi32, #tpu.memory_space<hbm>>
        tpu.enqueue_dma source(%dma_start3A_108 : memref<2x512xi32, #tpu.memory_space<hbm>>) target(%arg8 : memref<2x512xi32, #tpu.memory_space<vmem>>) target_semaphore(%run_scoped3A : memref<!tpu.dma_semaphore, #tpu.memory_space<semaphore_mem>>)
        %dma_wait3A_109 = arith.constant 0 : i32
        %dma_wait3A_110 = arith.constant 0 : i32
        %dma_wait3A_111 = tpu.memref_slice %arg4[%add3A_46, %dma_wait3A_109, %dma_wait3A_110] : memref<320x2x512xi32, #tpu.memory_space<hbm>> -> memref<1x2x512xi32, #tpu.memory_space<hbm>>
        %dma_wait3A_112 = tpu.memref_squeeze %dma_wait3A_111 : memref<1x2x512xi32, #tpu.memory_space<hbm>> -> memref<2x512xi32, #tpu.memory_space<hbm>>
        %dma_wait3A_113 = arith.constant 0 : i32
        %dma_wait3A_114 = arith.constant 0 : i32
        %dma_wait3A_115 = tpu.memref_slice %arg4[%add3A_46, %dma_wait3A_113, %dma_wait3A_114] : memref<320x2x512xi32, #tpu.memory_space<hbm>> -> memref<1x2x512xi32, #tpu.memory_space<hbm>>
        %dma_wait3A_116 = tpu.memref_squeeze %dma_wait3A_115 : memref<1x2x512xi32, #tpu.memory_space<hbm>> -> memref<2x512xi32, #tpu.memory_space<hbm>>
        tpu.wait_dma2 semaphore(%run_scoped3A : memref<!tpu.dma_semaphore, #tpu.memory_space<semaphore_mem>>) src(%dma_wait3A_116 : memref<2x512xi32, #tpu.memory_space<hbm>>) dst(%arg8 : memref<2x512xi32, #tpu.memory_space<vmem>>)
        tpu.yield
      }) : () -> ()
      %dma_start3A = arith.constant 0 : i32
      %dma_start3A_47 = arith.constant 0 : i32
      %dma_start3A_48 = tpu.memref_slice %arg7[%dma_start3A, %dma_start3A_47] : memref<2x512xi32, #tpu.memory_space<vmem>> -> memref<1x512xi32, #tpu.memory_space<vmem>>
      %dma_start3A_49 = tpu.memref_squeeze %dma_start3A_48 : memref<1x512xi32, #tpu.memory_space<vmem>> -> memref<512xi32, #tpu.memory_space<vmem>>
      %dma_start3A_50 = arith.constant 0 : i32
      %dma_start3A_51 = arith.constant 0 : i32
      %dma_start3A_52 = tpu.memref_slice %arg2[%dma_start3A_50, %dma_start3A_51] : memref<20000x64xf32, #tpu.memory_space<hbm>> -> memref<20000x64xf32, #tpu.memory_space<hbm>>
      tpu.enqueue_indirect_dma source(%dma_start3A_52 : memref<20000x64xf32, #tpu.memory_space<hbm>>) target(%arg9 : memref<512x64xf32, #tpu.memory_space<vmem>>) offsets(%dma_start3A_49 : memref<512xi32, #tpu.memory_space<vmem>>) semaphore(%arg12 : memref<!tpu.dma_semaphore, #tpu.memory_space<semaphore_mem>>)
      %dma_wait3A = arith.constant 0 : i32
      %dma_wait3A_53 = arith.constant 0 : i32
      %dma_wait3A_54 = tpu.memref_slice %arg7[%dma_wait3A, %dma_wait3A_53] : memref<2x512xi32, #tpu.memory_space<vmem>> -> memref<1x512xi32, #tpu.memory_space<vmem>>
      %dma_wait3A_55 = tpu.memref_squeeze %dma_wait3A_54 : memref<1x512xi32, #tpu.memory_space<vmem>> -> memref<512xi32, #tpu.memory_space<vmem>>
      %dma_wait3A_56 = arith.constant 0 : i32
      %dma_wait3A_57 = arith.constant 0 : i32
      %dma_wait3A_58 = tpu.memref_slice %arg2[%dma_wait3A_56, %dma_wait3A_57] : memref<20000x64xf32, #tpu.memory_space<hbm>> -> memref<20000x64xf32, #tpu.memory_space<hbm>>
      tpu.wait_indirect_dma semaphore(%arg12 : memref<!tpu.dma_semaphore, #tpu.memory_space<semaphore_mem>>) src(%dma_wait3A_58 : memref<20000x64xf32, #tpu.memory_space<hbm>>) dst(%arg9 : memref<512x64xf32, #tpu.memory_space<vmem>>)
      %dma_start3A_59 = arith.constant 1 : i32
      %dma_start3A_60 = arith.constant 0 : i32
      %dma_start3A_61 = tpu.memref_slice %arg7[%dma_start3A_59, %dma_start3A_60] : memref<2x512xi32, #tpu.memory_space<vmem>> -> memref<1x512xi32, #tpu.memory_space<vmem>>
      %dma_start3A_62 = tpu.memref_squeeze %dma_start3A_61 : memref<1x512xi32, #tpu.memory_space<vmem>> -> memref<512xi32, #tpu.memory_space<vmem>>
      %dma_start3A_63 = arith.constant 0 : i32
      %dma_start3A_64 = arith.constant 0 : i32
      %dma_start3A_65 = tpu.memref_slice %arg2[%dma_start3A_63, %dma_start3A_64] : memref<20000x64xf32, #tpu.memory_space<hbm>> -> memref<20000x64xf32, #tpu.memory_space<hbm>>
      tpu.enqueue_indirect_dma source(%dma_start3A_65 : memref<20000x64xf32, #tpu.memory_space<hbm>>) target(%arg10 : memref<512x64xf32, #tpu.memory_space<vmem>>) offsets(%dma_start3A_62 : memref<512xi32, #tpu.memory_space<vmem>>) semaphore(%arg13 : memref<!tpu.dma_semaphore, #tpu.memory_space<semaphore_mem>>)
      %dma_start3A_66 = arith.constant 0 : i32
      %dma_start3A_67 = arith.constant 0 : i32
      %dma_start3A_68 = tpu.memref_slice %arg8[%dma_start3A_66, %dma_start3A_67] : memref<2x512xi32, #tpu.memory_space<vmem>> -> memref<1x512xi32, #tpu.memory_space<vmem>>
      %dma_start3A_69 = tpu.memref_squeeze %dma_start3A_68 : memref<1x512xi32, #tpu.memory_space<vmem>> -> memref<512xi32, #tpu.memory_space<vmem>>
      %dma_start3A_70 = arith.constant 0 : i32
      %dma_start3A_71 = arith.constant 0 : i32
      %dma_start3A_72 = tpu.memref_slice %arg6[%dma_start3A_70, %dma_start3A_71] : memref<10112x64xf32, #tpu.memory_space<vmem_shared>> -> memref<10112x64xf32, #tpu.memory_space<vmem_shared>>
      tpu.enqueue_indirect_dma source(%arg9 : memref<512x64xf32, #tpu.memory_space<vmem>>) target(%dma_start3A_72 : memref<10112x64xf32, #tpu.memory_space<vmem_shared>>) offsets(%dma_start3A_69 : memref<512xi32, #tpu.memory_space<vmem>>) semaphore(%arg12 : memref<!tpu.dma_semaphore, #tpu.memory_space<semaphore_mem>>) {add = true}
      %dma_wait3A_73 = arith.constant 1 : i32
      %dma_wait3A_74 = arith.constant 0 : i32
      %dma_wait3A_75 = tpu.memref_slice %arg7[%dma_wait3A_73, %dma_wait3A_74] : memref<2x512xi32, #tpu.memory_space<vmem>> -> memref<1x512xi32, #tpu.memory_space<vmem>>
      %dma_wait3A_76 = tpu.memref_squeeze %dma_wait3A_75 : memref<1x512xi32, #tpu.memory_space<vmem>> -> memref<512xi32, #tpu.memory_space<vmem>>
      %dma_wait3A_77 = arith.constant 0 : i32
      %dma_wait3A_78 = arith.constant 0 : i32
      %dma_wait3A_79 = tpu.memref_slice %arg2[%dma_wait3A_77, %dma_wait3A_78] : memref<20000x64xf32, #tpu.memory_space<hbm>> -> memref<20000x64xf32, #tpu.memory_space<hbm>>
      tpu.wait_indirect_dma semaphore(%arg13 : memref<!tpu.dma_semaphore, #tpu.memory_space<semaphore_mem>>) src(%dma_wait3A_79 : memref<20000x64xf32, #tpu.memory_space<hbm>>) dst(%arg10 : memref<512x64xf32, #tpu.memory_space<vmem>>)
      %dma_wait3A_80 = arith.constant 0 : i32
      %dma_wait3A_81 = arith.constant 0 : i32
      %dma_wait3A_82 = tpu.memref_slice %arg8[%dma_wait3A_80, %dma_wait3A_81] : memref<2x512xi32, #tpu.memory_space<vmem>> -> memref<1x512xi32, #tpu.memory_space<vmem>>
      %dma_wait3A_83 = tpu.memref_squeeze %dma_wait3A_82 : memref<1x512xi32, #tpu.memory_space<vmem>> -> memref<512xi32, #tpu.memory_space<vmem>>
      %dma_wait3A_84 = arith.constant 0 : i32
      %dma_wait3A_85 = arith.constant 0 : i32
      %dma_wait3A_86 = tpu.memref_slice %arg6[%dma_wait3A_84, %dma_wait3A_85] : memref<10112x64xf32, #tpu.memory_space<vmem_shared>> -> memref<10112x64xf32, #tpu.memory_space<vmem_shared>>
      tpu.wait_indirect_dma semaphore(%arg12 : memref<!tpu.dma_semaphore, #tpu.memory_space<semaphore_mem>>) src(%arg9 : memref<512x64xf32, #tpu.memory_space<vmem>>) dst(%dma_wait3A_86 : memref<10112x64xf32, #tpu.memory_space<vmem_shared>>)
      %dma_start3A_87 = arith.constant 1 : i32
      %dma_start3A_88 = arith.constant 0 : i32
      %dma_start3A_89 = tpu.memref_slice %arg8[%dma_start3A_87, %dma_start3A_88] : memref<2x512xi32, #tpu.memory_space<vmem>> -> memref<1x512xi32, #tpu.memory_space<vmem>>
      %dma_start3A_90 = tpu.memref_squeeze %dma_start3A_89 : memref<1x512xi32, #tpu.memory_space<vmem>> -> memref<512xi32, #tpu.memory_space<vmem>>
      %dma_start3A_91 = arith.constant 0 : i32
      %dma_start3A_92 = arith.constant 0 : i32
      %dma_start3A_93 = tpu.memref_slice %arg6[%dma_start3A_91, %dma_start3A_92] : memref<10112x64xf32, #tpu.memory_space<vmem_shared>> -> memref<10112x64xf32, #tpu.memory_space<vmem_shared>>
      tpu.enqueue_indirect_dma source(%arg10 : memref<512x64xf32, #tpu.memory_space<vmem>>) target(%dma_start3A_93 : memref<10112x64xf32, #tpu.memory_space<vmem_shared>>) offsets(%dma_start3A_90 : memref<512xi32, #tpu.memory_space<vmem>>) semaphore(%arg13 : memref<!tpu.dma_semaphore, #tpu.memory_space<semaphore_mem>>) {add = true}
      %dma_wait3A_94 = arith.constant 1 : i32
      %dma_wait3A_95 = arith.constant 0 : i32
      %dma_wait3A_96 = tpu.memref_slice %arg8[%dma_wait3A_94, %dma_wait3A_95] : memref<2x512xi32, #tpu.memory_space<vmem>> -> memref<1x512xi32, #tpu.memory_space<vmem>>
      %dma_wait3A_97 = tpu.memref_squeeze %dma_wait3A_96 : memref<1x512xi32, #tpu.memory_space<vmem>> -> memref<512xi32, #tpu.memory_space<vmem>>
      %dma_wait3A_98 = arith.constant 0 : i32
      %dma_wait3A_99 = arith.constant 0 : i32
      %dma_wait3A_100 = tpu.memref_slice %arg6[%dma_wait3A_98, %dma_wait3A_99] : memref<10112x64xf32, #tpu.memory_space<vmem_shared>> -> memref<10112x64xf32, #tpu.memory_space<vmem_shared>>
      tpu.wait_indirect_dma semaphore(%arg13 : memref<!tpu.dma_semaphore, #tpu.memory_space<semaphore_mem>>) src(%arg10 : memref<512x64xf32, #tpu.memory_space<vmem>>) dst(%dma_wait3A_100 : memref<10112x64xf32, #tpu.memory_space<vmem_shared>>)
    }
    %scan3A_33 = arith.constant 20 : i32
    %barrier3A_34 = arith.constant 0 : index
    tpu.barrier barrier_id(%barrier3A_34)
    %mul3A_35 = arith.constant 632 : i32
    %mul3A_36 = arith.muli %arg1, %mul3A_35 : i32
    %mul3A_37 = arith.constant 632 : i32
    %mul3A_38 = arith.muli %arg1, %mul3A_37 : i32
    %add3A_39 = arith.addi %mul3A_9, %mul3A_38 : i32
    "tpu.region"() ({
      %run_scoped3A = tpu.sem_alloc : memref<!tpu.dma_semaphore, #tpu.memory_space<semaphore_mem>>
      %dma_start3A = arith.constant 0 : i32
      %dma_start3A_40 = tpu.memref_slice %arg5[%add3A_39, %dma_start3A] : memref<20224x64xf32, #tpu.memory_space<hbm>> -> memref<632x64xf32, #tpu.memory_space<hbm>>
      %dma_start3A_41 = arith.constant 0 : i32
      %dma_start3A_42 = tpu.memref_slice %arg6[%mul3A_36, %dma_start3A_41] : memref<10112x64xf32, #tpu.memory_space<vmem_shared>> -> memref<632x64xf32, #tpu.memory_space<vmem_shared>>
      tpu.enqueue_dma source(%dma_start3A_42 : memref<632x64xf32, #tpu.memory_space<vmem_shared>>) target(%dma_start3A_40 : memref<632x64xf32, #tpu.memory_space<hbm>>) target_semaphore(%run_scoped3A : memref<!tpu.dma_semaphore, #tpu.memory_space<semaphore_mem>>)
      %dma_wait3A = arith.constant 0 : i32
      %dma_wait3A_43 = tpu.memref_slice %arg5[%add3A_39, %dma_wait3A] : memref<20224x64xf32, #tpu.memory_space<hbm>> -> memref<632x64xf32, #tpu.memory_space<hbm>>
      %dma_wait3A_44 = arith.constant 0 : i32
      %dma_wait3A_45 = tpu.memref_slice %arg6[%mul3A_36, %dma_wait3A_44] : memref<10112x64xf32, #tpu.memory_space<vmem_shared>> -> memref<632x64xf32, #tpu.memory_space<vmem_shared>>
      tpu.wait_dma2 semaphore(%run_scoped3A : memref<!tpu.dma_semaphore, #tpu.memory_space<semaphore_mem>>) src(%dma_wait3A_45 : memref<632x64xf32, #tpu.memory_space<vmem_shared>>) dst(%dma_wait3A_43 : memref<632x64xf32, #tpu.memory_space<hbm>>)
      tpu.yield
    }) : () -> ()
    return
  }
}

module attributes {stable_mosaic.version = 14 : i64} {
  func.func @_tc1_body(%arg0: i32, %arg1: memref<1000x1xi32, #tpu.memory_space<vmem>>, %arg2: memref<1000x1xi32, #tpu.memory_space<vmem>>, %arg3: memref<8x32xf32, #tpu.memory_space<vmem>>, %arg4: memref<640x64xf32, #tpu.memory_space<vmem>>, %arg5: memref<128x512xf32, #tpu.memory_space<vmem>>, %arg6: memref<2x1000x64xf32, #tpu.memory_space<vmem>>, %arg7: memref<1000x512xf32, #tpu.memory_space<vmem>>) attributes {dimension_semantics = [#tpu.dimension_semantics<arbitrary>], iteration_bounds = array<i64: 10>, scalar_prefetch = 0 : i64, scratch_operands = 0 : i64, tpu.core_type = #tpu.core_type<tc>, window_params = [{transform_indices = @transform_0, window_bounds = array<i64: 1000, 1>}, {transform_indices = @transform_1, window_bounds = array<i64: 1000, 1>}, {pipeline_mode = #tpu.pipeline_mode<synchronous>, transform_indices = @transform_2, window_bounds = array<i64: 8, 32>}, {pipeline_mode = #tpu.pipeline_mode<synchronous>, transform_indices = @transform_3, window_bounds = array<i64: 640, 64>}, {pipeline_mode = #tpu.pipeline_mode<synchronous>, transform_indices = @transform_4, window_bounds = array<i64: 128, 512>}, {transform_indices = @transform_5, window_bounds = array<i64: 2, 1000, 64>}, {transform_indices = @transform_6, window_bounds = array<i64: 1000, 512>}]} {
    %get3A = arith.constant 0 : index
    %get3A_0 = arith.constant 0 : index
    %get3A_1 = vector.load %arg1[%get3A, %get3A_0] : memref<1000x1xi32, #tpu.memory_space<vmem>>, vector<1000x1xi32>
    %get3A_2 = arith.constant 0 : index
    %get3A_3 = arith.constant 0 : index
    %get3A_4 = vector.load %arg2[%get3A_2, %get3A_3] : memref<1000x1xi32, #tpu.memory_space<vmem>>, vector<1000x1xi32>
    %broadcast_in_dim3A = arith.constant 0.000000e+00 : f32
    %broadcast_in_dim3A_5 = vector.broadcast %broadcast_in_dim3A : f32 to vector<1000x32xf32>
    %eq3A = arith.constant 0 : i32
    %eq3A_6 = vector.broadcast %eq3A : i32 to vector<1000x1xi32>
    %eq3A_7 = arith.cmpi eq, %get3A_1, %eq3A_6 : vector<1000x1xi32>
    %convert_element_type3A = arith.extui %eq3A_7 : vector<1000x1xi1> to vector<1000x1xi32>
    %convert_element_type3A_8 = arith.sitofp %convert_element_type3A : vector<1000x1xi32> to vector<1000x1xf32>
    %get3A_9 = arith.constant 0 : index
    %get3A_10 = arith.constant 0 : index
    %get3A_11 = vector.load %arg3[%get3A_9, %get3A_10] : memref<8x32xf32, #tpu.memory_space<vmem>>, vector<1x32xf32>
    %mul3A = vector.broadcast %convert_element_type3A_8 : vector<1000x1xf32> to vector<1000x32xf32>
    %mul3A_12 = vector.broadcast %get3A_11 : vector<1x32xf32> to vector<1000x32xf32>
    %mul3A_13 = arith.mulf %mul3A, %mul3A_12 : vector<1000x32xf32>
    %add3A = arith.addf %broadcast_in_dim3A_5, %mul3A_13 : vector<1000x32xf32>
    %eq3A_14 = arith.constant 1 : i32
    %eq3A_15 = vector.broadcast %eq3A_14 : i32 to vector<1000x1xi32>
    %eq3A_16 = arith.cmpi eq, %get3A_1, %eq3A_15 : vector<1000x1xi32>
    %convert_element_type3A_17 = arith.extui %eq3A_16 : vector<1000x1xi1> to vector<1000x1xi32>
    %convert_element_type3A_18 = arith.sitofp %convert_element_type3A_17 : vector<1000x1xi32> to vector<1000x1xf32>
    %get3A_19 = arith.constant 1 : index
    %get3A_20 = arith.constant 0 : index
    %get3A_21 = vector.load %arg3[%get3A_19, %get3A_20] : memref<8x32xf32, #tpu.memory_space<vmem>>, vector<1x32xf32>
    %mul3A_22 = vector.broadcast %convert_element_type3A_18 : vector<1000x1xf32> to vector<1000x32xf32>
    %mul3A_23 = vector.broadcast %get3A_21 : vector<1x32xf32> to vector<1000x32xf32>
    %mul3A_24 = arith.mulf %mul3A_22, %mul3A_23 : vector<1000x32xf32>
    %add3A_25 = arith.addf %add3A, %mul3A_24 : vector<1000x32xf32>
    %eq3A_26 = arith.constant 2 : i32
    %eq3A_27 = vector.broadcast %eq3A_26 : i32 to vector<1000x1xi32>
    %eq3A_28 = arith.cmpi eq, %get3A_1, %eq3A_27 : vector<1000x1xi32>
    %convert_element_type3A_29 = arith.extui %eq3A_28 : vector<1000x1xi1> to vector<1000x1xi32>
    %convert_element_type3A_30 = arith.sitofp %convert_element_type3A_29 : vector<1000x1xi32> to vector<1000x1xf32>
    %get3A_31 = arith.constant 2 : index
    %get3A_32 = arith.constant 0 : index
    %get3A_33 = vector.load %arg3[%get3A_31, %get3A_32] : memref<8x32xf32, #tpu.memory_space<vmem>>, vector<1x32xf32>
    %mul3A_34 = vector.broadcast %convert_element_type3A_30 : vector<1000x1xf32> to vector<1000x32xf32>
    %mul3A_35 = vector.broadcast %get3A_33 : vector<1x32xf32> to vector<1000x32xf32>
    %mul3A_36 = arith.mulf %mul3A_34, %mul3A_35 : vector<1000x32xf32>
    %add3A_37 = arith.addf %add3A_25, %mul3A_36 : vector<1000x32xf32>
    %iota3A = tpu.iota {dimensions = array<i32: 1>} : vector<1x640xi32>
    %eq3A_38 = vector.broadcast %get3A_4 : vector<1000x1xi32> to vector<1000x640xi32>
    %eq3A_39 = vector.broadcast %iota3A : vector<1x640xi32> to vector<1000x640xi32>
    %eq3A_40 = arith.cmpi eq, %eq3A_38, %eq3A_39 : vector<1000x640xi32>
    %convert_element_type3A_41 = arith.extui %eq3A_40 : vector<1000x640xi1> to vector<1000x640xi32>
    %convert_element_type3A_42 = arith.sitofp %convert_element_type3A_41 : vector<1000x640xi32> to vector<1000x640xf32>
    %get3A_43 = arith.constant 0 : index
    %get3A_44 = arith.constant 0 : index
    %get3A_45 = vector.load %arg4[%get3A_43, %get3A_44] : memref<640x64xf32, #tpu.memory_space<vmem>>, vector<640x64xf32>
    %dot_general3A = arith.constant dense<0.000000e+00> : vector<1000x64xf32>
    %dot_general3A_46 = tpu.matmul %convert_element_type3A_42, %get3A_45, %dot_general3A {dimension_numbers = #tpu.dot_dimension_numbers<[1], [0], [0], [1], [0, 0, 1, 1], [], []>, transpose_lhs_hint = false} : vector<1000x640xf32>, vector<640x64xf32>, vector<1000x64xf32> -> vector<1000x64xf32>
    %broadcast_in_dim3A_47 = arith.constant 1.000000e+00 : f32
    %broadcast_in_dim3A_48 = vector.broadcast %broadcast_in_dim3A_47 : f32 to vector<1000x1xf32>
    %broadcast_in_dim3A_49 = arith.constant 0.000000e+00 : f32
    %broadcast_in_dim3A_50 = vector.broadcast %broadcast_in_dim3A_49 : f32 to vector<1000x31xf32>
    %concatenate3A = tpu.concatenate %add3A_37, %dot_general3A_46, %broadcast_in_dim3A_48, %broadcast_in_dim3A_50 in 1 : vector<1000x32xf32>, vector<1000x64xf32>, vector<1000x1xf32>, vector<1000x31xf32> -> vector<1000x128xf32>
    %slice3A = vector.extract_strided_slice %concatenate3A {offsets = [0, 0], sizes = [1000, 64], strides = [1, 1]} : vector<1000x128xf32> to vector<1000x64xf32>
    %swap3A = arith.constant 0 : index
    %swap3A_51 = arith.constant 0 : index
    %swap3A_52 = arith.constant 0 : index
    %swap3A_53 = vector.load %arg6[%swap3A, %swap3A_51, %swap3A_52] : memref<2x1000x64xf32, #tpu.memory_space<vmem>>, vector<1x1000x64xf32>
    %swap3A_54 = vector.shape_cast %swap3A_53 : vector<1x1000x64xf32> to vector<1000x64xf32>
    %swap3A_55 = vector.shape_cast %slice3A : vector<1000x64xf32> to vector<1x1000x64xf32>
    tpu.vector_store %arg6[%swap3A, %swap3A_51, %swap3A_52], %swap3A_55 {strides = array<i32>} : memref<2x1000x64xf32, #tpu.memory_space<vmem>>, vector<1x1000x64xf32>,
    %slice3A_56 = vector.extract_strided_slice %concatenate3A {offsets = [0, 64], sizes = [1000, 64], strides = [1, 1]} : vector<1000x128xf32> to vector<1000x64xf32>
    %swap3A_57 = arith.constant 1 : index
    %swap3A_58 = arith.constant 0 : index
    %swap3A_59 = arith.constant 0 : index
    %swap3A_60 = vector.load %arg6[%swap3A_57, %swap3A_58, %swap3A_59] : memref<2x1000x64xf32, #tpu.memory_space<vmem>>, vector<1x1000x64xf32>
    %swap3A_61 = vector.shape_cast %swap3A_60 : vector<1x1000x64xf32> to vector<1000x64xf32>
    %swap3A_62 = vector.shape_cast %slice3A_56 : vector<1000x64xf32> to vector<1x1000x64xf32>
    tpu.vector_store %arg6[%swap3A_57, %swap3A_58, %swap3A_59], %swap3A_62 {strides = array<i32>} : memref<2x1000x64xf32, #tpu.memory_space<vmem>>, vector<1x1000x64xf32>,
    %get3A_63 = arith.constant 0 : index
    %get3A_64 = arith.constant 0 : index
    %get3A_65 = vector.load %arg5[%get3A_63, %get3A_64] : memref<128x512xf32, #tpu.memory_space<vmem>>, vector<128x512xf32>
    %dot_general3A_66 = arith.constant dense<0.000000e+00> : vector<1000x512xf32>
    %dot_general3A_67 = tpu.matmul %concatenate3A, %get3A_65, %dot_general3A_66 {dimension_numbers = #tpu.dot_dimension_numbers<[1], [0], [0], [1], [0, 0, 1, 1], [], []>, transpose_lhs_hint = false} : vector<1000x128xf32>, vector<128x512xf32>, vector<1000x512xf32> -> vector<1000x512xf32>
    %swap3A_68 = arith.constant 0 : index
    %swap3A_69 = arith.constant 0 : index
    %swap3A_70 = vector.load %arg7[%swap3A_68, %swap3A_69] : memref<1000x512xf32, #tpu.memory_space<vmem>>, vector<1000x512xf32>
    tpu.vector_store %arg7[%swap3A_68, %swap3A_69], %dot_general3A_67 {strides = array<i32>} : memref<1000x512xf32, #tpu.memory_space<vmem>>, vector<1000x512xf32>,
    return
  }
  func.func @transform_0(%arg0: i32) -> (i32, i32) {
    %c0_i32 = arith.constant 0 : i32
    %c0_i32_0 = arith.constant 0 : i32
    return %arg0, %c0_i32 : i32, i32
  }
  func.func @transform_1(%arg0: i32) -> (i32, i32) {
    %c0_i32 = arith.constant 0 : i32
    %c0_i32_0 = arith.constant 0 : i32
    return %arg0, %c0_i32 : i32, i32
  }
  func.func @transform_2(%arg0: i32) -> (i32, i32) {
    %c0_i32 = arith.constant 0 : i32
    %c0_i32_0 = arith.constant 0 : i32
    %c0_i32_1 = arith.constant 0 : i32
    return %c0_i32, %c0_i32_0 : i32, i32
  }
  func.func @transform_3(%arg0: i32) -> (i32, i32) {
    %c0_i32 = arith.constant 0 : i32
    %c0_i32_0 = arith.constant 0 : i32
    %c0_i32_1 = arith.constant 0 : i32
    return %c0_i32, %c0_i32_0 : i32, i32
  }
  func.func @transform_4(%arg0: i32) -> (i32, i32) {
    %c0_i32 = arith.constant 0 : i32
    %c0_i32_0 = arith.constant 0 : i32
    %c0_i32_1 = arith.constant 0 : i32
    return %c0_i32, %c0_i32_0 : i32, i32
  }
  func.func @transform_5(%arg0: i32) -> (i32, i32, i32) {
    %c0_i32 = arith.constant 0 : i32
    %c0_i32_0 = arith.constant 0 : i32
    %c0_i32_1 = arith.constant 0 : i32
    return %c0_i32, %arg0, %c0_i32_0 : i32, i32, i32
  }
  func.func @transform_6(%arg0: i32) -> (i32, i32) {
    %c0_i32 = arith.constant 0 : i32
    %c0_i32_0 = arith.constant 0 : i32
    return %arg0, %c0_i32 : i32, i32
  }
}

module attributes {stable_mosaic.version = 14 : i64} {
  func.func @_tc2_body(%arg0: i32, %arg1: memref<2x1000x64xf32, #tpu.memory_space<vmem>>, %arg2: memref<1000x512xf32, #tpu.memory_space<vmem>>, %arg3: memref<128x512xf32, #tpu.memory_space<vmem>>, %arg4: memref<1x512xf32, #tpu.memory_space<vmem>>, %arg5: memref<8x1000x64xf32, #tpu.memory_space<vmem>>, %arg6: memref<1000x1xf32, #tpu.memory_space<vmem>>) attributes {dimension_semantics = [#tpu.dimension_semantics<arbitrary>], iteration_bounds = array<i64: 10>, scalar_prefetch = 0 : i64, scratch_operands = 0 : i64, tpu.core_type = #tpu.core_type<tc>, window_params = [{transform_indices = @transform_0, window_bounds = array<i64: 2, 1000, 64>}, {transform_indices = @transform_1, window_bounds = array<i64: 1000, 512>}, {pipeline_mode = #tpu.pipeline_mode<synchronous>, transform_indices = @transform_2, window_bounds = array<i64: 128, 512>}, {pipeline_mode = #tpu.pipeline_mode<synchronous>, transform_indices = @transform_3, window_bounds = array<i64: 1, 512>}, {transform_indices = @transform_4, window_bounds = array<i64: 8, 1000, 64>}, {transform_indices = @transform_5, window_bounds = array<i64: 1000, 1>}]} {
    %get3A = arith.constant 0 : index
    %get3A_0 = arith.constant 0 : index
    %get3A_1 = arith.constant 0 : index
    %get3A_2 = vector.load %arg1[%get3A, %get3A_0, %get3A_1] : memref<2x1000x64xf32, #tpu.memory_space<vmem>>, vector<2x1000x64xf32>
    %slice3A = vector.extract_strided_slice %get3A_2 {offsets = [0, 0, 0], sizes = [1, 1000, 64], strides = [1, 1, 1]} : vector<2x1000x64xf32> to vector<1x1000x64xf32>
    %squeeze3A = vector.shape_cast %slice3A : vector<1x1000x64xf32> to vector<1000x64xf32>
    %slice3A_3 = vector.extract_strided_slice %get3A_2 {offsets = [1, 0, 0], sizes = [1, 1000, 64], strides = [1, 1, 1]} : vector<2x1000x64xf32> to vector<1x1000x64xf32>
    %squeeze3A_4 = vector.shape_cast %slice3A_3 : vector<1x1000x64xf32> to vector<1000x64xf32>
    %concatenate3A = tpu.concatenate %squeeze3A, %squeeze3A_4 in 1 : vector<1000x64xf32>, vector<1000x64xf32> -> vector<1000x128xf32>
    %slice3A_5 = vector.extract_strided_slice %concatenate3A {offsets = [0, 96], sizes = [1000, 1], strides = [1, 1]} : vector<1000x128xf32> to vector<1000x1xf32>
    %max3A = arith.constant 1.000000e+00 : f32
    %max3A_6 = vector.broadcast %max3A : f32 to vector<1000x1xf32>
    %max3A_7 = arith.maximumf %slice3A_5, %max3A_6 : vector<1000x1xf32>
    %div3A = arith.constant 1.000000e+00 : f32
    %div3A_8 = vector.broadcast %div3A : f32 to vector<1000x1xf32>
    %div3A_9 = arith.divf %div3A_8, %max3A_7 : vector<1000x1xf32>
    %mul3A = vector.broadcast %div3A_9 : vector<1000x1xf32> to vector<1000x128xf32>
    %mul3A_10 = arith.mulf %concatenate3A, %mul3A : vector<1000x128xf32>
    %get3A_11 = arith.constant 0 : index
    %get3A_12 = arith.constant 0 : index
    %get3A_13 = vector.load %arg3[%get3A_11, %get3A_12] : memref<128x512xf32, #tpu.memory_space<vmem>>, vector<128x512xf32>
    %dot_general3A = arith.constant dense<0.000000e+00> : vector<1000x512xf32>
    %dot_general3A_14 = tpu.matmul %mul3A_10, %get3A_13, %dot_general3A {dimension_numbers = #tpu.dot_dimension_numbers<[1], [0], [0], [1], [0, 0, 1, 1], [], []>, transpose_lhs_hint = false} : vector<1000x128xf32>, vector<128x512xf32>, vector<1000x512xf32> -> vector<1000x512xf32>
    %get3A_15 = arith.constant 0 : index
    %get3A_16 = arith.constant 0 : index
    %get3A_17 = vector.load %arg4[%get3A_15, %get3A_16] : memref<1x512xf32, #tpu.memory_space<vmem>>, vector<1x512xf32>
    %add3A = vector.broadcast %get3A_17 : vector<1x512xf32> to vector<1000x512xf32>
    %add3A_18 = arith.addf %dot_general3A_14, %add3A : vector<1000x512xf32>
    %get3A_19 = arith.constant 0 : index
    %get3A_20 = arith.constant 0 : index
    %get3A_21 = vector.load %arg2[%get3A_19, %get3A_20] : memref<1000x512xf32, #tpu.memory_space<vmem>>, vector<1000x512xf32>
    %add3A_22 = arith.addf %add3A_18, %get3A_21 : vector<1000x512xf32>
    %max3A_23 = arith.constant 0.000000e+00 : f32
    %max3A_24 = vector.broadcast %max3A_23 : f32 to vector<1000x512xf32>
    %max3A_25 = arith.maximumf %add3A_22, %max3A_24 : vector<1000x512xf32>
    %slice3A_26 = vector.extract_strided_slice %max3A_25 {offsets = [0, 0], sizes = [1000, 64], strides = [1, 1]} : vector<1000x512xf32> to vector<1000x64xf32>
    %swap3A = arith.constant 0 : index
    %swap3A_27 = arith.constant 0 : index
    %swap3A_28 = arith.constant 0 : index
    %swap3A_29 = vector.load %arg5[%swap3A, %swap3A_27, %swap3A_28] : memref<8x1000x64xf32, #tpu.memory_space<vmem>>, vector<1x1000x64xf32>
    %swap3A_30 = vector.shape_cast %swap3A_29 : vector<1x1000x64xf32> to vector<1000x64xf32>
    %swap3A_31 = vector.shape_cast %slice3A_26 : vector<1000x64xf32> to vector<1x1000x64xf32>
    tpu.vector_store %arg5[%swap3A, %swap3A_27, %swap3A_28], %swap3A_31 {strides = array<i32>} : memref<8x1000x64xf32, #tpu.memory_space<vmem>>, vector<1x1000x64xf32>,
    %slice3A_32 = vector.extract_strided_slice %max3A_25 {offsets = [0, 64], sizes = [1000, 64], strides = [1, 1]} : vector<1000x512xf32> to vector<1000x64xf32>
    %swap3A_33 = arith.constant 1 : index
    %swap3A_34 = arith.constant 0 : index
    %swap3A_35 = arith.constant 0 : index
    %swap3A_36 = vector.load %arg5[%swap3A_33, %swap3A_34, %swap3A_35] : memref<8x1000x64xf32, #tpu.memory_space<vmem>>, vector<1x1000x64xf32>
    %swap3A_37 = vector.shape_cast %swap3A_36 : vector<1x1000x64xf32> to vector<1000x64xf32>
    %swap3A_38 = vector.shape_cast %slice3A_32 : vector<1000x64xf32> to vector<1x1000x64xf32>
    tpu.vector_store %arg5[%swap3A_33, %swap3A_34, %swap3A_35], %swap3A_38 {strides = array<i32>} : memref<8x1000x64xf32, #tpu.memory_space<vmem>>, vector<1x1000x64xf32>,
    %slice3A_39 = vector.extract_strided_slice %max3A_25 {offsets = [0, 128], sizes = [1000, 64], strides = [1, 1]} : vector<1000x512xf32> to vector<1000x64xf32>
    %swap3A_40 = arith.constant 2 : index
    %swap3A_41 = arith.constant 0 : index
    %swap3A_42 = arith.constant 0 : index
    %swap3A_43 = vector.load %arg5[%swap3A_40, %swap3A_41, %swap3A_42] : memref<8x1000x64xf32, #tpu.memory_space<vmem>>, vector<1x1000x64xf32>
    %swap3A_44 = vector.shape_cast %swap3A_43 : vector<1x1000x64xf32> to vector<1000x64xf32>
    %swap3A_45 = vector.shape_cast %slice3A_39 : vector<1000x64xf32> to vector<1x1000x64xf32>
    tpu.vector_store %arg5[%swap3A_40, %swap3A_41, %swap3A_42], %swap3A_45 {strides = array<i32>} : memref<8x1000x64xf32, #tpu.memory_space<vmem>>, vector<1x1000x64xf32>,
    %slice3A_46 = vector.extract_strided_slice %max3A_25 {offsets = [0, 192], sizes = [1000, 64], strides = [1, 1]} : vector<1000x512xf32> to vector<1000x64xf32>
    %swap3A_47 = arith.constant 3 : index
    %swap3A_48 = arith.constant 0 : index
    %swap3A_49 = arith.constant 0 : index
    %swap3A_50 = vector.load %arg5[%swap3A_47, %swap3A_48, %swap3A_49] : memref<8x1000x64xf32, #tpu.memory_space<vmem>>, vector<1x1000x64xf32>
    %swap3A_51 = vector.shape_cast %swap3A_50 : vector<1x1000x64xf32> to vector<1000x64xf32>
    %swap3A_52 = vector.shape_cast %slice3A_46 : vector<1000x64xf32> to vector<1x1000x64xf32>
    tpu.vector_store %arg5[%swap3A_47, %swap3A_48, %swap3A_49], %swap3A_52 {strides = array<i32>} : memref<8x1000x64xf32, #tpu.memory_space<vmem>>, vector<1x1000x64xf32>,
    %slice3A_53 = vector.extract_strided_slice %max3A_25 {offsets = [0, 256], sizes = [1000, 64], strides = [1, 1]} : vector<1000x512xf32> to vector<1000x64xf32>
    %swap3A_54 = arith.constant 4 : index
    %swap3A_55 = arith.constant 0 : index
    %swap3A_56 = arith.constant 0 : index
    %swap3A_57 = vector.load %arg5[%swap3A_54, %swap3A_55, %swap3A_56] : memref<8x1000x64xf32, #tpu.memory_space<vmem>>, vector<1x1000x64xf32>
    %swap3A_58 = vector.shape_cast %swap3A_57 : vector<1x1000x64xf32> to vector<1000x64xf32>
    %swap3A_59 = vector.shape_cast %slice3A_53 : vector<1000x64xf32> to vector<1x1000x64xf32>
    tpu.vector_store %arg5[%swap3A_54, %swap3A_55, %swap3A_56], %swap3A_59 {strides = array<i32>} : memref<8x1000x64xf32, #tpu.memory_space<vmem>>, vector<1x1000x64xf32>,
    %slice3A_60 = vector.extract_strided_slice %max3A_25 {offsets = [0, 320], sizes = [1000, 64], strides = [1, 1]} : vector<1000x512xf32> to vector<1000x64xf32>
    %swap3A_61 = arith.constant 5 : index
    %swap3A_62 = arith.constant 0 : index
    %swap3A_63 = arith.constant 0 : index
    %swap3A_64 = vector.load %arg5[%swap3A_61, %swap3A_62, %swap3A_63] : memref<8x1000x64xf32, #tpu.memory_space<vmem>>, vector<1x1000x64xf32>
    %swap3A_65 = vector.shape_cast %swap3A_64 : vector<1x1000x64xf32> to vector<1000x64xf32>
    %swap3A_66 = vector.shape_cast %slice3A_60 : vector<1000x64xf32> to vector<1x1000x64xf32>
    tpu.vector_store %arg5[%swap3A_61, %swap3A_62, %swap3A_63], %swap3A_66 {strides = array<i32>} : memref<8x1000x64xf32, #tpu.memory_space<vmem>>, vector<1x1000x64xf32>,
    %slice3A_67 = vector.extract_strided_slice %max3A_25 {offsets = [0, 384], sizes = [1000, 64], strides = [1, 1]} : vector<1000x512xf32> to vector<1000x64xf32>
    %swap3A_68 = arith.constant 6 : index
    %swap3A_69 = arith.constant 0 : index
    %swap3A_70 = arith.constant 0 : index
    %swap3A_71 = vector.load %arg5[%swap3A_68, %swap3A_69, %swap3A_70] : memref<8x1000x64xf32, #tpu.memory_space<vmem>>, vector<1x1000x64xf32>
    %swap3A_72 = vector.shape_cast %swap3A_71 : vector<1x1000x64xf32> to vector<1000x64xf32>
    %swap3A_73 = vector.shape_cast %slice3A_67 : vector<1000x64xf32> to vector<1x1000x64xf32>
    tpu.vector_store %arg5[%swap3A_68, %swap3A_69, %swap3A_70], %swap3A_73 {strides = array<i32>} : memref<8x1000x64xf32, #tpu.memory_space<vmem>>, vector<1x1000x64xf32>,
    %slice3A_74 = vector.extract_strided_slice %max3A_25 {offsets = [0, 448], sizes = [1000, 64], strides = [1, 1]} : vector<1000x512xf32> to vector<1000x64xf32>
    %swap3A_75 = arith.constant 7 : index
    %swap3A_76 = arith.constant 0 : index
    %swap3A_77 = arith.constant 0 : index
    %swap3A_78 = vector.load %arg5[%swap3A_75, %swap3A_76, %swap3A_77] : memref<8x1000x64xf32, #tpu.memory_space<vmem>>, vector<1x1000x64xf32>
    %swap3A_79 = vector.shape_cast %swap3A_78 : vector<1x1000x64xf32> to vector<1000x64xf32>
    %swap3A_80 = vector.shape_cast %slice3A_74 : vector<1000x64xf32> to vector<1x1000x64xf32>
    tpu.vector_store %arg5[%swap3A_75, %swap3A_76, %swap3A_77], %swap3A_80 {strides = array<i32>} : memref<8x1000x64xf32, #tpu.memory_space<vmem>>, vector<1x1000x64xf32>,
    %swap3A_81 = arith.constant 0 : index
    %swap3A_82 = arith.constant 0 : index
    %swap3A_83 = vector.load %arg6[%swap3A_81, %swap3A_82] : memref<1000x1xf32, #tpu.memory_space<vmem>>, vector<1000x1xf32>
    tpu.vector_store %arg6[%swap3A_81, %swap3A_82], %div3A_9 {strides = array<i32>} : memref<1000x1xf32, #tpu.memory_space<vmem>>, vector<1000x1xf32>,
    return
  }
  func.func @transform_0(%arg0: i32) -> (i32, i32, i32) {
    %c0_i32 = arith.constant 0 : i32
    %c0_i32_0 = arith.constant 0 : i32
    %c0_i32_1 = arith.constant 0 : i32
    return %c0_i32, %arg0, %c0_i32_0 : i32, i32, i32
  }
  func.func @transform_1(%arg0: i32) -> (i32, i32) {
    %c0_i32 = arith.constant 0 : i32
    %c0_i32_0 = arith.constant 0 : i32
    return %arg0, %c0_i32 : i32, i32
  }
  func.func @transform_2(%arg0: i32) -> (i32, i32) {
    %c0_i32 = arith.constant 0 : i32
    %c0_i32_0 = arith.constant 0 : i32
    %c0_i32_1 = arith.constant 0 : i32
    return %c0_i32, %c0_i32_0 : i32, i32
  }
  func.func @transform_3(%arg0: i32) -> (i32, i32) {
    %c0_i32 = arith.constant 0 : i32
    %c0_i32_0 = arith.constant 0 : i32
    %c0_i32_1 = arith.constant 0 : i32
    return %c0_i32, %c0_i32_0 : i32, i32
  }
  func.func @transform_4(%arg0: i32) -> (i32, i32, i32) {
    %c0_i32 = arith.constant 0 : i32
    %c0_i32_0 = arith.constant 0 : i32
    %c0_i32_1 = arith.constant 0 : i32
    return %c0_i32, %arg0, %c0_i32_0 : i32, i32, i32
  }
  func.func @transform_5(%arg0: i32) -> (i32, i32) {
    %c0_i32 = arith.constant 0 : i32
    %c0_i32_0 = arith.constant 0 : i32
    return %arg0, %c0_i32 : i32, i32
  }
}

module attributes {stable_mosaic.version = 14 : i64} {
  func.func @_tc3_body(%arg0: i32, %arg1: memref<8x1000x64xf32, #tpu.memory_space<vmem>>, %arg2: memref<8x1000x64xf32, #tpu.memory_space<vmem>>, %arg3: memref<1000x1xf32, #tpu.memory_space<vmem>>, %arg4: memref<1000x1xi32, #tpu.memory_space<vmem>>, %arg5: memref<512x512xf32, #tpu.memory_space<vmem>>, %arg6: memref<1x512xf32, #tpu.memory_space<vmem>>, %arg7: memref<512x512xf32, #tpu.memory_space<vmem>>, %arg8: memref<512x512xf32, #tpu.memory_space<vmem>>, %arg9: memref<1x512xf32, #tpu.memory_space<vmem>>, %arg10: memref<512x1xf32, #tpu.memory_space<vmem>>, %arg11: memref<1x1xf32, #tpu.memory_space<vmem>>, %arg12: memref<1000x512xf32, #tpu.memory_space<vmem>>, %arg13: memref<1000x1xf32, #tpu.memory_space<vmem>>, %arg14: memref<1x256xf32, #tpu.memory_space<vmem>>) attributes {dimension_semantics = [#tpu.dimension_semantics<arbitrary>], iteration_bounds = array<i64: 10>, scalar_prefetch = 0 : i64, scratch_operands = 0 : i64, tpu.core_type = #tpu.core_type<tc>, window_params = [{transform_indices = @transform_0, window_bounds = array<i64: 8, 1000, 64>}, {transform_indices = @transform_1, window_bounds = array<i64: 8, 1000, 64>}, {transform_indices = @transform_2, window_bounds = array<i64: 1000, 1>}, {transform_indices = @transform_3, window_bounds = array<i64: 1000, 1>}, {pipeline_mode = #tpu.pipeline_mode<synchronous>, transform_indices = @transform_4, window_bounds = array<i64: 512, 512>}, {pipeline_mode = #tpu.pipeline_mode<synchronous>, transform_indices = @transform_5, window_bounds = array<i64: 1, 512>}, {pipeline_mode = #tpu.pipeline_mode<synchronous>, transform_indices = @transform_6, window_bounds = array<i64: 512, 512>}, {pipeline_mode = #tpu.pipeline_mode<synchronous>, transform_indices = @transform_7, window_bounds = array<i64: 512, 512>}, {pipeline_mode = #tpu.pipeline_mode<synchronous>, transform_indices = @transform_8, window_bounds = array<i64: 1, 512>}, {pipeline_mode = #tpu.pipeline_mode<synchronous>, transform_indices = @transform_9, window_bounds = array<i64: 512, 1>}, {pipeline_mode = #tpu.pipeline_mode<synchronous>, transform_indices = @transform_10, window_bounds = array<i64: 1, 1>}, {transform_indices = @transform_11, window_bounds = array<i64: 1000, 512>}, {transform_indices = @transform_12, window_bounds = array<i64: 1000, 1>}, {pipeline_mode = #tpu.pipeline_mode<synchronous>, transform_indices = @transform_13, window_bounds = array<i64: 1, 256>}]} {
    %get3A = arith.constant 0 : index
    %get3A_0 = arith.constant 0 : index
    %get3A_1 = vector.load %arg3[%get3A, %get3A_0] : memref<1000x1xf32, #tpu.memory_space<vmem>>, vector<1000x1xf32>
    %get3A_2 = arith.constant 0 : index
    %get3A_3 = arith.constant 0 : index
    %get3A_4 = vector.load %arg6[%get3A_2, %get3A_3] : memref<1x512xf32, #tpu.memory_space<vmem>>, vector<1x512xf32>
    %broadcast_in_dim3A = vector.shape_cast %get3A_4 : vector<1x512xf32> to vector<1x512xf32>
    %broadcast_in_dim3A_5 = vector.broadcast %broadcast_in_dim3A : vector<1x512xf32> to vector<1000x512xf32>
    %get3A_6 = arith.constant 0 : index
    %get3A_7 = arith.constant 0 : index
    %get3A_8 = arith.constant 0 : index
    %get3A_9 = vector.load %arg1[%get3A_6, %get3A_7, %get3A_8] : memref<8x1000x64xf32, #tpu.memory_space<vmem>>, vector<1x1000x64xf32>
    %get3A_10 = vector.shape_cast %get3A_9 : vector<1x1000x64xf32> to vector<1000x64xf32>
    %mul3A = vector.broadcast %get3A_1 : vector<1000x1xf32> to vector<1000x64xf32>
    %mul3A_11 = arith.mulf %get3A_10, %mul3A : vector<1000x64xf32>
    %get3A_12 = arith.constant 0 : index
    %get3A_13 = arith.constant 0 : index
    %get3A_14 = vector.load %arg5[%get3A_12, %get3A_13] : memref<512x512xf32, #tpu.memory_space<vmem>>, vector<64x512xf32>
    %convert_element_type3A = arith.truncf %mul3A_11 : vector<1000x64xf32> to vector<1000x64xbf16>
    %convert_element_type3A_15 = arith.truncf %get3A_14 : vector<64x512xf32> to vector<64x512xbf16>
    %dot_general3A = arith.constant dense<0.000000e+00> : vector<1000x512xf32>
    %dot_general3A_16 = tpu.matmul %convert_element_type3A, %convert_element_type3A_15, %dot_general3A {dimension_numbers = #tpu.dot_dimension_numbers<[1], [0], [0], [1], [0, 0, 1, 1], [], []>, transpose_lhs_hint = false} : vector<1000x64xbf16>, vector<64x512xbf16>, vector<1000x512xf32> -> vector<1000x512xf32>
    %add3A = arith.addf %broadcast_in_dim3A_5, %dot_general3A_16 : vector<1000x512xf32>
    %get3A_17 = arith.constant 0 : index
    %get3A_18 = arith.constant 0 : index
    %get3A_19 = arith.constant 0 : index
    %get3A_20 = vector.load %arg2[%get3A_17, %get3A_18, %get3A_19] : memref<8x1000x64xf32, #tpu.memory_space<vmem>>, vector<1x1000x64xf32>
    %get3A_21 = vector.shape_cast %get3A_20 : vector<1x1000x64xf32> to vector<1000x64xf32>
    %get3A_22 = arith.constant 0 : index
    %get3A_23 = arith.constant 0 : index
    %get3A_24 = vector.load %arg7[%get3A_22, %get3A_23] : memref<512x512xf32, #tpu.memory_space<vmem>>, vector<64x512xf32>
    %convert_element_type3A_25 = arith.truncf %get3A_21 : vector<1000x64xf32> to vector<1000x64xbf16>
    %convert_element_type3A_26 = arith.truncf %get3A_24 : vector<64x512xf32> to vector<64x512xbf16>
    %dot_general3A_27 = arith.constant dense<0.000000e+00> : vector<1000x512xf32>
    %dot_general3A_28 = tpu.matmul %convert_element_type3A_25, %convert_element_type3A_26, %dot_general3A_27 {dimension_numbers = #tpu.dot_dimension_numbers<[1], [0], [0], [1], [0, 0, 1, 1], [], []>, transpose_lhs_hint = false} : vector<1000x64xbf16>, vector<64x512xbf16>, vector<1000x512xf32> -> vector<1000x512xf32>
    %add3A_29 = arith.addf %add3A, %dot_general3A_28 : vector<1000x512xf32>
    %get3A_30 = arith.constant 1 : index
    %get3A_31 = arith.constant 0 : index
    %get3A_32 = arith.constant 0 : index
    %get3A_33 = vector.load %arg1[%get3A_30, %get3A_31, %get3A_32] : memref<8x1000x64xf32, #tpu.memory_space<vmem>>, vector<1x1000x64xf32>
    %get3A_34 = vector.shape_cast %get3A_33 : vector<1x1000x64xf32> to vector<1000x64xf32>
    %mul3A_35 = vector.broadcast %get3A_1 : vector<1000x1xf32> to vector<1000x64xf32>
    %mul3A_36 = arith.mulf %get3A_34, %mul3A_35 : vector<1000x64xf32>
    %get3A_37 = arith.constant 64 : index
    %get3A_38 = arith.constant 0 : index
    %get3A_39 = vector.load %arg5[%get3A_37, %get3A_38] : memref<512x512xf32, #tpu.memory_space<vmem>>, vector<64x512xf32>
    %convert_element_type3A_40 = arith.truncf %mul3A_36 : vector<1000x64xf32> to vector<1000x64xbf16>
    %convert_element_type3A_41 = arith.truncf %get3A_39 : vector<64x512xf32> to vector<64x512xbf16>
    %dot_general3A_42 = arith.constant dense<0.000000e+00> : vector<1000x512xf32>
    %dot_general3A_43 = tpu.matmul %convert_element_type3A_40, %convert_element_type3A_41, %dot_general3A_42 {dimension_numbers = #tpu.dot_dimension_numbers<[1], [0], [0], [1], [0, 0, 1, 1], [], []>, transpose_lhs_hint = false} : vector<1000x64xbf16>, vector<64x512xbf16>, vector<1000x512xf32> -> vector<1000x512xf32>
    %add3A_44 = arith.addf %add3A_29, %dot_general3A_43 : vector<1000x512xf32>
    %get3A_45 = arith.constant 1 : index
    %get3A_46 = arith.constant 0 : index
    %get3A_47 = arith.constant 0 : index
    %get3A_48 = vector.load %arg2[%get3A_45, %get3A_46, %get3A_47] : memref<8x1000x64xf32, #tpu.memory_space<vmem>>, vector<1x1000x64xf32>
    %get3A_49 = vector.shape_cast %get3A_48 : vector<1x1000x64xf32> to vector<1000x64xf32>
    %get3A_50 = arith.constant 64 : index
    %get3A_51 = arith.constant 0 : index
    %get3A_52 = vector.load %arg7[%get3A_50, %get3A_51] : memref<512x512xf32, #tpu.memory_space<vmem>>, vector<64x512xf32>
    %convert_element_type3A_53 = arith.truncf %get3A_49 : vector<1000x64xf32> to vector<1000x64xbf16>
    %convert_element_type3A_54 = arith.truncf %get3A_52 : vector<64x512xf32> to vector<64x512xbf16>
    %dot_general3A_55 = arith.constant dense<0.000000e+00> : vector<1000x512xf32>
    %dot_general3A_56 = tpu.matmul %convert_element_type3A_53, %convert_element_type3A_54, %dot_general3A_55 {dimension_numbers = #tpu.dot_dimension_numbers<[1], [0], [0], [1], [0, 0, 1, 1], [], []>, transpose_lhs_hint = false} : vector<1000x64xbf16>, vector<64x512xbf16>, vector<1000x512xf32> -> vector<1000x512xf32>
    %add3A_57 = arith.addf %add3A_44, %dot_general3A_56 : vector<1000x512xf32>
    %get3A_58 = arith.constant 2 : index
    %get3A_59 = arith.constant 0 : index
    %get3A_60 = arith.constant 0 : index
    %get3A_61 = vector.load %arg1[%get3A_58, %get3A_59, %get3A_60] : memref<8x1000x64xf32, #tpu.memory_space<vmem>>, vector<1x1000x64xf32>
    %get3A_62 = vector.shape_cast %get3A_61 : vector<1x1000x64xf32> to vector<1000x64xf32>
    %mul3A_63 = vector.broadcast %get3A_1 : vector<1000x1xf32> to vector<1000x64xf32>
    %mul3A_64 = arith.mulf %get3A_62, %mul3A_63 : vector<1000x64xf32>
    %get3A_65 = arith.constant 128 : index
    %get3A_66 = arith.constant 0 : index
    %get3A_67 = vector.load %arg5[%get3A_65, %get3A_66] : memref<512x512xf32, #tpu.memory_space<vmem>>, vector<64x512xf32>
    %convert_element_type3A_68 = arith.truncf %mul3A_64 : vector<1000x64xf32> to vector<1000x64xbf16>
    %convert_element_type3A_69 = arith.truncf %get3A_67 : vector<64x512xf32> to vector<64x512xbf16>
    %dot_general3A_70 = arith.constant dense<0.000000e+00> : vector<1000x512xf32>
    %dot_general3A_71 = tpu.matmul %convert_element_type3A_68, %convert_element_type3A_69, %dot_general3A_70 {dimension_numbers = #tpu.dot_dimension_numbers<[1], [0], [0], [1], [0, 0, 1, 1], [], []>, transpose_lhs_hint = false} : vector<1000x64xbf16>, vector<64x512xbf16>, vector<1000x512xf32> -> vector<1000x512xf32>
    %add3A_72 = arith.addf %add3A_57, %dot_general3A_71 : vector<1000x512xf32>
    %get3A_73 = arith.constant 2 : index
    %get3A_74 = arith.constant 0 : index
    %get3A_75 = arith.constant 0 : index
    %get3A_76 = vector.load %arg2[%get3A_73, %get3A_74, %get3A_75] : memref<8x1000x64xf32, #tpu.memory_space<vmem>>, vector<1x1000x64xf32>
    %get3A_77 = vector.shape_cast %get3A_76 : vector<1x1000x64xf32> to vector<1000x64xf32>
    %get3A_78 = arith.constant 128 : index
    %get3A_79 = arith.constant 0 : index
    %get3A_80 = vector.load %arg7[%get3A_78, %get3A_79] : memref<512x512xf32, #tpu.memory_space<vmem>>, vector<64x512xf32>
    %convert_element_type3A_81 = arith.truncf %get3A_77 : vector<1000x64xf32> to vector<1000x64xbf16>
    %convert_element_type3A_82 = arith.truncf %get3A_80 : vector<64x512xf32> to vector<64x512xbf16>
    %dot_general3A_83 = arith.constant dense<0.000000e+00> : vector<1000x512xf32>
    %dot_general3A_84 = tpu.matmul %convert_element_type3A_81, %convert_element_type3A_82, %dot_general3A_83 {dimension_numbers = #tpu.dot_dimension_numbers<[1], [0], [0], [1], [0, 0, 1, 1], [], []>, transpose_lhs_hint = false} : vector<1000x64xbf16>, vector<64x512xbf16>, vector<1000x512xf32> -> vector<1000x512xf32>
    %add3A_85 = arith.addf %add3A_72, %dot_general3A_84 : vector<1000x512xf32>
    %get3A_86 = arith.constant 3 : index
    %get3A_87 = arith.constant 0 : index
    %get3A_88 = arith.constant 0 : index
    %get3A_89 = vector.load %arg1[%get3A_86, %get3A_87, %get3A_88] : memref<8x1000x64xf32, #tpu.memory_space<vmem>>, vector<1x1000x64xf32>
    %get3A_90 = vector.shape_cast %get3A_89 : vector<1x1000x64xf32> to vector<1000x64xf32>
    %mul3A_91 = vector.broadcast %get3A_1 : vector<1000x1xf32> to vector<1000x64xf32>
    %mul3A_92 = arith.mulf %get3A_90, %mul3A_91 : vector<1000x64xf32>
    %get3A_93 = arith.constant 192 : index
    %get3A_94 = arith.constant 0 : index
    %get3A_95 = vector.load %arg5[%get3A_93, %get3A_94] : memref<512x512xf32, #tpu.memory_space<vmem>>, vector<64x512xf32>
    %convert_element_type3A_96 = arith.truncf %mul3A_92 : vector<1000x64xf32> to vector<1000x64xbf16>
    %convert_element_type3A_97 = arith.truncf %get3A_95 : vector<64x512xf32> to vector<64x512xbf16>
    %dot_general3A_98 = arith.constant dense<0.000000e+00> : vector<1000x512xf32>
    %dot_general3A_99 = tpu.matmul %convert_element_type3A_96, %convert_element_type3A_97, %dot_general3A_98 {dimension_numbers = #tpu.dot_dimension_numbers<[1], [0], [0], [1], [0, 0, 1, 1], [], []>, transpose_lhs_hint = false} : vector<1000x64xbf16>, vector<64x512xbf16>, vector<1000x512xf32> -> vector<1000x512xf32>
    %add3A_100 = arith.addf %add3A_85, %dot_general3A_99 : vector<1000x512xf32>
    %get3A_101 = arith.constant 3 : index
    %get3A_102 = arith.constant 0 : index
    %get3A_103 = arith.constant 0 : index
    %get3A_104 = vector.load %arg2[%get3A_101, %get3A_102, %get3A_103] : memref<8x1000x64xf32, #tpu.memory_space<vmem>>, vector<1x1000x64xf32>
    %get3A_105 = vector.shape_cast %get3A_104 : vector<1x1000x64xf32> to vector<1000x64xf32>
    %get3A_106 = arith.constant 192 : index
    %get3A_107 = arith.constant 0 : index
    %get3A_108 = vector.load %arg7[%get3A_106, %get3A_107] : memref<512x512xf32, #tpu.memory_space<vmem>>, vector<64x512xf32>
    %convert_element_type3A_109 = arith.truncf %get3A_105 : vector<1000x64xf32> to vector<1000x64xbf16>
    %convert_element_type3A_110 = arith.truncf %get3A_108 : vector<64x512xf32> to vector<64x512xbf16>
    %dot_general3A_111 = arith.constant dense<0.000000e+00> : vector<1000x512xf32>
    %dot_general3A_112 = tpu.matmul %convert_element_type3A_109, %convert_element_type3A_110, %dot_general3A_111 {dimension_numbers = #tpu.dot_dimension_numbers<[1], [0], [0], [1], [0, 0, 1, 1], [], []>, transpose_lhs_hint = false} : vector<1000x64xbf16>, vector<64x512xbf16>, vector<1000x512xf32> -> vector<1000x512xf32>
    %add3A_113 = arith.addf %add3A_100, %dot_general3A_112 : vector<1000x512xf32>
    %get3A_114 = arith.constant 4 : index
    %get3A_115 = arith.constant 0 : index
    %get3A_116 = arith.constant 0 : index
    %get3A_117 = vector.load %arg1[%get3A_114, %get3A_115, %get3A_116] : memref<8x1000x64xf32, #tpu.memory_space<vmem>>, vector<1x1000x64xf32>
    %get3A_118 = vector.shape_cast %get3A_117 : vector<1x1000x64xf32> to vector<1000x64xf32>
    %mul3A_119 = vector.broadcast %get3A_1 : vector<1000x1xf32> to vector<1000x64xf32>
    %mul3A_120 = arith.mulf %get3A_118, %mul3A_119 : vector<1000x64xf32>
    %get3A_121 = arith.constant 256 : index
    %get3A_122 = arith.constant 0 : index
    %get3A_123 = vector.load %arg5[%get3A_121, %get3A_122] : memref<512x512xf32, #tpu.memory_space<vmem>>, vector<64x512xf32>
    %convert_element_type3A_124 = arith.truncf %mul3A_120 : vector<1000x64xf32> to vector<1000x64xbf16>
    %convert_element_type3A_125 = arith.truncf %get3A_123 : vector<64x512xf32> to vector<64x512xbf16>
    %dot_general3A_126 = arith.constant dense<0.000000e+00> : vector<1000x512xf32>
    %dot_general3A_127 = tpu.matmul %convert_element_type3A_124, %convert_element_type3A_125, %dot_general3A_126 {dimension_numbers = #tpu.dot_dimension_numbers<[1], [0], [0], [1], [0, 0, 1, 1], [], []>, transpose_lhs_hint = false} : vector<1000x64xbf16>, vector<64x512xbf16>, vector<1000x512xf32> -> vector<1000x512xf32>
    %add3A_128 = arith.addf %add3A_113, %dot_general3A_127 : vector<1000x512xf32>
    %get3A_129 = arith.constant 4 : index
    %get3A_130 = arith.constant 0 : index
    %get3A_131 = arith.constant 0 : index
    %get3A_132 = vector.load %arg2[%get3A_129, %get3A_130, %get3A_131] : memref<8x1000x64xf32, #tpu.memory_space<vmem>>, vector<1x1000x64xf32>
    %get3A_133 = vector.shape_cast %get3A_132 : vector<1x1000x64xf32> to vector<1000x64xf32>
    %get3A_134 = arith.constant 256 : index
    %get3A_135 = arith.constant 0 : index
    %get3A_136 = vector.load %arg7[%get3A_134, %get3A_135] : memref<512x512xf32, #tpu.memory_space<vmem>>, vector<64x512xf32>
    %convert_element_type3A_137 = arith.truncf %get3A_133 : vector<1000x64xf32> to vector<1000x64xbf16>
    %convert_element_type3A_138 = arith.truncf %get3A_136 : vector<64x512xf32> to vector<64x512xbf16>
    %dot_general3A_139 = arith.constant dense<0.000000e+00> : vector<1000x512xf32>
    %dot_general3A_140 = tpu.matmul %convert_element_type3A_137, %convert_element_type3A_138, %dot_general3A_139 {dimension_numbers = #tpu.dot_dimension_numbers<[1], [0], [0], [1], [0, 0, 1, 1], [], []>, transpose_lhs_hint = false} : vector<1000x64xbf16>, vector<64x512xbf16>, vector<1000x512xf32> -> vector<1000x512xf32>
    %add3A_141 = arith.addf %add3A_128, %dot_general3A_140 : vector<1000x512xf32>
    %get3A_142 = arith.constant 5 : index
    %get3A_143 = arith.constant 0 : index
    %get3A_144 = arith.constant 0 : index
    %get3A_145 = vector.load %arg1[%get3A_142, %get3A_143, %get3A_144] : memref<8x1000x64xf32, #tpu.memory_space<vmem>>, vector<1x1000x64xf32>
    %get3A_146 = vector.shape_cast %get3A_145 : vector<1x1000x64xf32> to vector<1000x64xf32>
    %mul3A_147 = vector.broadcast %get3A_1 : vector<1000x1xf32> to vector<1000x64xf32>
    %mul3A_148 = arith.mulf %get3A_146, %mul3A_147 : vector<1000x64xf32>
    %get3A_149 = arith.constant 320 : index
    %get3A_150 = arith.constant 0 : index
    %get3A_151 = vector.load %arg5[%get3A_149, %get3A_150] : memref<512x512xf32, #tpu.memory_space<vmem>>, vector<64x512xf32>
    %convert_element_type3A_152 = arith.truncf %mul3A_148 : vector<1000x64xf32> to vector<1000x64xbf16>
    %convert_element_type3A_153 = arith.truncf %get3A_151 : vector<64x512xf32> to vector<64x512xbf16>
    %dot_general3A_154 = arith.constant dense<0.000000e+00> : vector<1000x512xf32>
    %dot_general3A_155 = tpu.matmul %convert_element_type3A_152, %convert_element_type3A_153, %dot_general3A_154 {dimension_numbers = #tpu.dot_dimension_numbers<[1], [0], [0], [1], [0, 0, 1, 1], [], []>, transpose_lhs_hint = false} : vector<1000x64xbf16>, vector<64x512xbf16>, vector<1000x512xf32> -> vector<1000x512xf32>
    %add3A_156 = arith.addf %add3A_141, %dot_general3A_155 : vector<1000x512xf32>
    %get3A_157 = arith.constant 5 : index
    %get3A_158 = arith.constant 0 : index
    %get3A_159 = arith.constant 0 : index
    %get3A_160 = vector.load %arg2[%get3A_157, %get3A_158, %get3A_159] : memref<8x1000x64xf32, #tpu.memory_space<vmem>>, vector<1x1000x64xf32>
    %get3A_161 = vector.shape_cast %get3A_160 : vector<1x1000x64xf32> to vector<1000x64xf32>
    %get3A_162 = arith.constant 320 : index
    %get3A_163 = arith.constant 0 : index
    %get3A_164 = vector.load %arg7[%get3A_162, %get3A_163] : memref<512x512xf32, #tpu.memory_space<vmem>>, vector<64x512xf32>
    %convert_element_type3A_165 = arith.truncf %get3A_161 : vector<1000x64xf32> to vector<1000x64xbf16>
    %convert_element_type3A_166 = arith.truncf %get3A_164 : vector<64x512xf32> to vector<64x512xbf16>
    %dot_general3A_167 = arith.constant dense<0.000000e+00> : vector<1000x512xf32>
    %dot_general3A_168 = tpu.matmul %convert_element_type3A_165, %convert_element_type3A_166, %dot_general3A_167 {dimension_numbers = #tpu.dot_dimension_numbers<[1], [0], [0], [1], [0, 0, 1, 1], [], []>, transpose_lhs_hint = false} : vector<1000x64xbf16>, vector<64x512xbf16>, vector<1000x512xf32> -> vector<1000x512xf32>
    %add3A_169 = arith.addf %add3A_156, %dot_general3A_168 : vector<1000x512xf32>
    %get3A_170 = arith.constant 6 : index
    %get3A_171 = arith.constant 0 : index
    %get3A_172 = arith.constant 0 : index
    %get3A_173 = vector.load %arg1[%get3A_170, %get3A_171, %get3A_172] : memref<8x1000x64xf32, #tpu.memory_space<vmem>>, vector<1x1000x64xf32>
    %get3A_174 = vector.shape_cast %get3A_173 : vector<1x1000x64xf32> to vector<1000x64xf32>
    %mul3A_175 = vector.broadcast %get3A_1 : vector<1000x1xf32> to vector<1000x64xf32>
    %mul3A_176 = arith.mulf %get3A_174, %mul3A_175 : vector<1000x64xf32>
    %get3A_177 = arith.constant 384 : index
    %get3A_178 = arith.constant 0 : index
    %get3A_179 = vector.load %arg5[%get3A_177, %get3A_178] : memref<512x512xf32, #tpu.memory_space<vmem>>, vector<64x512xf32>
    %convert_element_type3A_180 = arith.truncf %mul3A_176 : vector<1000x64xf32> to vector<1000x64xbf16>
    %convert_element_type3A_181 = arith.truncf %get3A_179 : vector<64x512xf32> to vector<64x512xbf16>
    %dot_general3A_182 = arith.constant dense<0.000000e+00> : vector<1000x512xf32>
    %dot_general3A_183 = tpu.matmul %convert_element_type3A_180, %convert_element_type3A_181, %dot_general3A_182 {dimension_numbers = #tpu.dot_dimension_numbers<[1], [0], [0], [1], [0, 0, 1, 1], [], []>, transpose_lhs_hint = false} : vector<1000x64xbf16>, vector<64x512xbf16>, vector<1000x512xf32> -> vector<1000x512xf32>
    %add3A_184 = arith.addf %add3A_169, %dot_general3A_183 : vector<1000x512xf32>
    %get3A_185 = arith.constant 6 : index
    %get3A_186 = arith.constant 0 : index
    %get3A_187 = arith.constant 0 : index
    %get3A_188 = vector.load %arg2[%get3A_185, %get3A_186, %get3A_187] : memref<8x1000x64xf32, #tpu.memory_space<vmem>>, vector<1x1000x64xf32>
    %get3A_189 = vector.shape_cast %get3A_188 : vector<1x1000x64xf32> to vector<1000x64xf32>
    %get3A_190 = arith.constant 384 : index
    %get3A_191 = arith.constant 0 : index
    %get3A_192 = vector.load %arg7[%get3A_190, %get3A_191] : memref<512x512xf32, #tpu.memory_space<vmem>>, vector<64x512xf32>
    %convert_element_type3A_193 = arith.truncf %get3A_189 : vector<1000x64xf32> to vector<1000x64xbf16>
    %convert_element_type3A_194 = arith.truncf %get3A_192 : vector<64x512xf32> to vector<64x512xbf16>
    %dot_general3A_195 = arith.constant dense<0.000000e+00> : vector<1000x512xf32>
    %dot_general3A_196 = tpu.matmul %convert_element_type3A_193, %convert_element_type3A_194, %dot_general3A_195 {dimension_numbers = #tpu.dot_dimension_numbers<[1], [0], [0], [1], [0, 0, 1, 1], [], []>, transpose_lhs_hint = false} : vector<1000x64xbf16>, vector<64x512xbf16>, vector<1000x512xf32> -> vector<1000x512xf32>
    %add3A_197 = arith.addf %add3A_184, %dot_general3A_196 : vector<1000x512xf32>
    %get3A_198 = arith.constant 7 : index
    %get3A_199 = arith.constant 0 : index
    %get3A_200 = arith.constant 0 : index
    %get3A_201 = vector.load %arg1[%get3A_198, %get3A_199, %get3A_200] : memref<8x1000x64xf32, #tpu.memory_space<vmem>>, vector<1x1000x64xf32>
    %get3A_202 = vector.shape_cast %get3A_201 : vector<1x1000x64xf32> to vector<1000x64xf32>
    %mul3A_203 = vector.broadcast %get3A_1 : vector<1000x1xf32> to vector<1000x64xf32>
    %mul3A_204 = arith.mulf %get3A_202, %mul3A_203 : vector<1000x64xf32>
    %get3A_205 = arith.constant 448 : index
    %get3A_206 = arith.constant 0 : index
    %get3A_207 = vector.load %arg5[%get3A_205, %get3A_206] : memref<512x512xf32, #tpu.memory_space<vmem>>, vector<64x512xf32>
    %convert_element_type3A_208 = arith.truncf %mul3A_204 : vector<1000x64xf32> to vector<1000x64xbf16>
    %convert_element_type3A_209 = arith.truncf %get3A_207 : vector<64x512xf32> to vector<64x512xbf16>
    %dot_general3A_210 = arith.constant dense<0.000000e+00> : vector<1000x512xf32>
    %dot_general3A_211 = tpu.matmul %convert_element_type3A_208, %convert_element_type3A_209, %dot_general3A_210 {dimension_numbers = #tpu.dot_dimension_numbers<[1], [0], [0], [1], [0, 0, 1, 1], [], []>, transpose_lhs_hint = false} : vector<1000x64xbf16>, vector<64x512xbf16>, vector<1000x512xf32> -> vector<1000x512xf32>
    %add3A_212 = arith.addf %add3A_197, %dot_general3A_211 : vector<1000x512xf32>
    %get3A_213 = arith.constant 7 : index
    %get3A_214 = arith.constant 0 : index
    %get3A_215 = arith.constant 0 : index
    %get3A_216 = vector.load %arg2[%get3A_213, %get3A_214, %get3A_215] : memref<8x1000x64xf32, #tpu.memory_space<vmem>>, vector<1x1000x64xf32>
    %get3A_217 = vector.shape_cast %get3A_216 : vector<1x1000x64xf32> to vector<1000x64xf32>
    %get3A_218 = arith.constant 448 : index
    %get3A_219 = arith.constant 0 : index
    %get3A_220 = vector.load %arg7[%get3A_218, %get3A_219] : memref<512x512xf32, #tpu.memory_space<vmem>>, vector<64x512xf32>
    %convert_element_type3A_221 = arith.truncf %get3A_217 : vector<1000x64xf32> to vector<1000x64xbf16>
    %convert_element_type3A_222 = arith.truncf %get3A_220 : vector<64x512xf32> to vector<64x512xbf16>
    %dot_general3A_223 = arith.constant dense<0.000000e+00> : vector<1000x512xf32>
    %dot_general3A_224 = tpu.matmul %convert_element_type3A_221, %convert_element_type3A_222, %dot_general3A_223 {dimension_numbers = #tpu.dot_dimension_numbers<[1], [0], [0], [1], [0, 0, 1, 1], [], []>, transpose_lhs_hint = false} : vector<1000x64xbf16>, vector<64x512xbf16>, vector<1000x512xf32> -> vector<1000x512xf32>
    %add3A_225 = arith.addf %add3A_212, %dot_general3A_224 : vector<1000x512xf32>
    %max3A = arith.constant 0.000000e+00 : f32
    %max3A_226 = vector.broadcast %max3A : f32 to vector<1000x512xf32>
    %max3A_227 = arith.maximumf %add3A_225, %max3A_226 : vector<1000x512xf32>
    %get3A_228 = arith.constant 0 : index
    %get3A_229 = arith.constant 0 : index
    %get3A_230 = vector.load %arg8[%get3A_228, %get3A_229] : memref<512x512xf32, #tpu.memory_space<vmem>>, vector<512x512xf32>
    %convert_element_type3A_231 = arith.truncf %max3A_227 : vector<1000x512xf32> to vector<1000x512xbf16>
    %convert_element_type3A_232 = arith.truncf %get3A_230 : vector<512x512xf32> to vector<512x512xbf16>
    %dot_general3A_233 = arith.constant dense<0.000000e+00> : vector<1000x512xf32>
    %dot_general3A_234 = tpu.matmul %convert_element_type3A_231, %convert_element_type3A_232, %dot_general3A_233 {dimension_numbers = #tpu.dot_dimension_numbers<[1], [0], [0], [1], [0, 0, 1, 1], [], []>, transpose_lhs_hint = false} : vector<1000x512xbf16>, vector<512x512xbf16>, vector<1000x512xf32> -> vector<1000x512xf32>
    %get3A_235 = arith.constant 0 : index
    %get3A_236 = arith.constant 0 : index
    %get3A_237 = vector.load %arg9[%get3A_235, %get3A_236] : memref<1x512xf32, #tpu.memory_space<vmem>>, vector<1x512xf32>
    %add3A_238 = vector.broadcast %get3A_237 : vector<1x512xf32> to vector<1000x512xf32>
    %add3A_239 = arith.addf %dot_general3A_234, %add3A_238 : vector<1000x512xf32>
    %max3A_240 = arith.constant 0.000000e+00 : f32
    %max3A_241 = vector.broadcast %max3A_240 : f32 to vector<1000x512xf32>
    %max3A_242 = arith.maximumf %add3A_239, %max3A_241 : vector<1000x512xf32>
    %get3A_243 = arith.constant 0 : index
    %get3A_244 = arith.constant 0 : index
    %get3A_245 = vector.load %arg10[%get3A_243, %get3A_244] : memref<512x1xf32, #tpu.memory_space<vmem>>, vector<512x1xf32>
    %dot_general3A_246 = arith.constant dense<0.000000e+00> : vector<1000x1xf32>
    %dot_general3A_247 = tpu.matmul %max3A_242, %get3A_245, %dot_general3A_246 {dimension_numbers = #tpu.dot_dimension_numbers<[1], [0], [0], [1], [0, 0, 1, 1], [], []>, transpose_lhs_hint = false} : vector<1000x512xf32>, vector<512x1xf32>, vector<1000x1xf32> -> vector<1000x1xf32>
    %get3A_248 = arith.constant 0 : index
    %get3A_249 = arith.constant 0 : index
    %get3A_250 = vector.load %arg11[%get3A_248, %get3A_249] : memref<1x1xf32, #tpu.memory_space<vmem>>, vector<1x1xf32>
    %add3A_251 = vector.broadcast %get3A_250 : vector<1x1xf32> to vector<1000x1xf32>
    %add3A_252 = arith.addf %dot_general3A_247, %add3A_251 : vector<1000x1xf32>
    %swap3A = arith.constant 0 : index
    %swap3A_253 = arith.constant 0 : index
    %swap3A_254 = vector.load %arg12[%swap3A, %swap3A_253] : memref<1000x512xf32, #tpu.memory_space<vmem>>, vector<1000x512xf32>
    tpu.vector_store %arg12[%swap3A, %swap3A_253], %max3A_227 {strides = array<i32>} : memref<1000x512xf32, #tpu.memory_space<vmem>>, vector<1000x512xf32>,
    %swap3A_255 = arith.constant 0 : index
    %swap3A_256 = arith.constant 0 : index
    %swap3A_257 = vector.load %arg13[%swap3A_255, %swap3A_256] : memref<1000x1xf32, #tpu.memory_space<vmem>>, vector<1000x1xf32>
    tpu.vector_store %arg13[%swap3A_255, %swap3A_256], %add3A_252 {strides = array<i32>} : memref<1000x1xf32, #tpu.memory_space<vmem>>, vector<1000x1xf32>,
    %get3A_258 = arith.constant 0 : index
    %get3A_259 = arith.constant 0 : index
    %get3A_260 = vector.load %arg4[%get3A_258, %get3A_259] : memref<1000x1xi32, #tpu.memory_space<vmem>>, vector<1000x1xi32>
    %iota3A = tpu.iota {dimensions = array<i32: 1>} : vector<1x256xi32>
    %eq3A = vector.broadcast %get3A_260 : vector<1000x1xi32> to vector<1000x256xi32>
    %eq3A_261 = vector.broadcast %iota3A : vector<1x256xi32> to vector<1000x256xi32>
    %eq3A_262 = arith.cmpi eq, %eq3A, %eq3A_261 : vector<1000x256xi32>
    %jit3A = arith.constant -1.000000e+30 : f32
    %broadcast_in_dim3A_263 = vector.shape_cast %add3A_252 : vector<1000x1xf32> to vector<1000x1xf32>
    %broadcast_in_dim3A_264 = vector.broadcast %broadcast_in_dim3A_263 : vector<1000x1xf32> to vector<1000x256xf32>
    %broadcast_in_dim3A_265 = vector.broadcast %jit3A : f32 to vector<1000x256xf32>
    %select_n3A = arith.select %eq3A_262, %broadcast_in_dim3A_264, %broadcast_in_dim3A_265 : vector<1000x256xi1>, vector<1000x256xf32>
    %reduce_max3A = arith.constant dense<0xFF800000> : vector<256xf32>
    %reduce_max3A_266 = vector.multi_reduction <maximumf>, %select_n3A, %reduce_max3A [0] : vector<1000x256xf32> to vector<256xf32>
    %broadcast_in_dim3A_267 = vector.shape_cast %reduce_max3A_266 : vector<256xf32> to vector<1x256xf32>
    %eq3A_268 = arith.constant 0 : i32
    %eq3A_269 = arith.cmpi eq, %arg0, %eq3A_268 : i32
    %convert_element_type3A_270 = arith.extui %eq3A_269 : i1 to i32
    %cond3A = arith.constant 0 : i32
    %cond3A_271 = arith.cmpi ne, %convert_element_type3A_270, %cond3A : i32
    scf.if %cond3A_271 {
      %broadcast_in_dim3A_279 = arith.constant -1.000000e+30 : f32
      %broadcast_in_dim3A_280 = vector.broadcast %broadcast_in_dim3A_279 : f32 to vector<1x256xf32>
      %swap3A_281 = arith.constant 0 : index
      %swap3A_282 = arith.constant 0 : index
      %swap3A_283 = vector.load %arg14[%swap3A_281, %swap3A_282] : memref<1x256xf32, #tpu.memory_space<vmem>>, vector<1x256xf32>
      tpu.vector_store %arg14[%swap3A_281, %swap3A_282], %broadcast_in_dim3A_280 {strides = array<i32>} : memref<1x256xf32, #tpu.memory_space<vmem>>, vector<1x256xf32>,
    } else {
    }
    %get3A_272 = arith.constant 0 : index
    %get3A_273 = arith.constant 0 : index
    %get3A_274 = vector.load %arg14[%get3A_272, %get3A_273] : memref<1x256xf32, #tpu.memory_space<vmem>>, vector<1x256xf32>
    %max3A_275 = arith.maximumf %get3A_274, %broadcast_in_dim3A_267 : vector<1x256xf32>
    %swap3A_276 = arith.constant 0 : index
    %swap3A_277 = arith.constant 0 : index
    %swap3A_278 = vector.load %arg14[%swap3A_276, %swap3A_277] : memref<1x256xf32, #tpu.memory_space<vmem>>, vector<1x256xf32>
    tpu.vector_store %arg14[%swap3A_276, %swap3A_277], %max3A_275 {strides = array<i32>} : memref<1x256xf32, #tpu.memory_space<vmem>>, vector<1x256xf32>,
    return
  }
  func.func @transform_0(%arg0: i32) -> (i32, i32, i32) {
    %c0_i32 = arith.constant 0 : i32
    %c0_i32_0 = arith.constant 0 : i32
    %c0_i32_1 = arith.constant 0 : i32
    return %c0_i32, %arg0, %c0_i32_0 : i32, i32, i32
  }
  func.func @transform_1(%arg0: i32) -> (i32, i32, i32) {
    %c0_i32 = arith.constant 0 : i32
    %c0_i32_0 = arith.constant 0 : i32
    %c0_i32_1 = arith.constant 0 : i32
    return %c0_i32, %arg0, %c0_i32_0 : i32, i32, i32
  }
  func.func @transform_2(%arg0: i32) -> (i32, i32) {
    %c0_i32 = arith.constant 0 : i32
    %c0_i32_0 = arith.constant 0 : i32
    return %arg0, %c0_i32 : i32, i32
  }
  func.func @transform_3(%arg0: i32) -> (i32, i32) {
    %c0_i32 = arith.constant 0 : i32
    %c0_i32_0 = arith.constant 0 : i32
    return %arg0, %c0_i32 : i32, i32
  }
  func.func @transform_4(%arg0: i32) -> (i32, i32) {
    %c0_i32 = arith.constant 0 : i32
    %c0_i32_0 = arith.constant 0 : i32
    %c0_i32_1 = arith.constant 0 : i32
    return %c0_i32, %c0_i32_0 : i32, i32
  }
  func.func @transform_5(%arg0: i32) -> (i32, i32) {
    %c0_i32 = arith.constant 0 : i32
    %c0_i32_0 = arith.constant 0 : i32
    %c0_i32_1 = arith.constant 0 : i32
    return %c0_i32, %c0_i32_0 : i32, i32
  }
  func.func @transform_6(%arg0: i32) -> (i32, i32) {
    %c0_i32 = arith.constant 0 : i32
    %c0_i32_0 = arith.constant 0 : i32
    %c0_i32_1 = arith.constant 0 : i32
    return %c0_i32, %c0_i32_0 : i32, i32
  }
  func.func @transform_7(%arg0: i32) -> (i32, i32) {
    %c0_i32 = arith.constant 0 : i32
    %c0_i32_0 = arith.constant 0 : i32
    %c0_i32_1 = arith.constant 0 : i32
    return %c0_i32, %c0_i32_0 : i32, i32
  }
  func.func @transform_8(%arg0: i32) -> (i32, i32) {
    %c0_i32 = arith.constant 0 : i32
    %c0_i32_0 = arith.constant 0 : i32
    %c0_i32_1 = arith.constant 0 : i32
    return %c0_i32, %c0_i32_0 : i32, i32
  }
  func.func @transform_9(%arg0: i32) -> (i32, i32) {
    %c0_i32 = arith.constant 0 : i32
    %c0_i32_0 = arith.constant 0 : i32
    %c0_i32_1 = arith.constant 0 : i32
    return %c0_i32, %c0_i32_0 : i32, i32
  }
  func.func @transform_10(%arg0: i32) -> (i32, i32) {
    %c0_i32 = arith.constant 0 : i32
    %c0_i32_0 = arith.constant 0 : i32
    %c0_i32_1 = arith.constant 0 : i32
    return %c0_i32, %c0_i32_0 : i32, i32
  }
  func.func @transform_11(%arg0: i32) -> (i32, i32) {
    %c0_i32 = arith.constant 0 : i32
    %c0_i32_0 = arith.constant 0 : i32
    return %arg0, %c0_i32 : i32, i32
  }
  func.func @transform_12(%arg0: i32) -> (i32, i32) {
    %c0_i32 = arith.constant 0 : i32
    %c0_i32_0 = arith.constant 0 : i32
    return %arg0, %c0_i32 : i32, i32
  }
  func.func @transform_13(%arg0: i32) -> (i32, i32) {
    %c0_i32 = arith.constant 0 : i32
    %c0_i32_0 = arith.constant 0 : i32
    %c0_i32_1 = arith.constant 0 : i32
    return %c0_i32, %c0_i32_0 : i32, i32
  }
}

module attributes {stable_mosaic.version = 14 : i64} {
  func.func @_tc4_body(%arg0: i32, %arg1: memref<1000x512xf32, #tpu.memory_space<vmem>>, %arg2: memref<1000x1xf32, #tpu.memory_space<vmem>>, %arg3: memref<1000x1xi32, #tpu.memory_space<vmem>>, %arg4: memref<1x256xf32, #tpu.memory_space<vmem>>, %arg5: memref<1000x768xf32, #tpu.memory_space<vmem>>, %arg6: memref<1000x1xi32, #tpu.memory_space<vmem>>, %arg7: memref<768x128xf32, #tpu.memory_space<vmem>>, %arg8: memref<1x128xf32, #tpu.memory_space<vmem>>, %arg9: memref<1x128xf32, #tpu.memory_space<vmem>>, %arg10: memref<1x128xf32, #tpu.memory_space<vmem>>, %arg11: memref<512x512xf32, #tpu.memory_space<vmem>>, %arg12: memref<128x512xf32, #tpu.memory_space<vmem>>, %arg13: memref<1x512xf32, #tpu.memory_space<vmem>>, %arg14: memref<512x512xf32, #tpu.memory_space<vmem>>, %arg15: memref<1x512xf32, #tpu.memory_space<vmem>>, %arg16: memref<256x512xf32, #tpu.memory_space<vmem>>, %arg17: memref<256x512xf32, #tpu.memory_space<vmem>>, %arg18: memref<256x1xf32, #tpu.memory_space<vmem>>, %arg19: memref<256x128xf32, #tpu.memory_space<vmem>>, %arg20: memref<256x1xf32, #tpu.memory_space<vmem>>) attributes {dimension_semantics = [#tpu.dimension_semantics<arbitrary>], iteration_bounds = array<i64: 10>, scalar_prefetch = 0 : i64, scratch_operands = 4 : i64, tpu.core_type = #tpu.core_type<tc>, window_params = [{transform_indices = @transform_0, window_bounds = array<i64: 1000, 512>}, {transform_indices = @transform_1, window_bounds = array<i64: 1000, 1>}, {transform_indices = @transform_2, window_bounds = array<i64: 1000, 1>}, {pipeline_mode = #tpu.pipeline_mode<synchronous>, transform_indices = @transform_3, window_bounds = array<i64: 1, 256>}, {transform_indices = @transform_4, window_bounds = array<i64: 1000, 768>}, {transform_indices = @transform_5, window_bounds = array<i64: 1000, 1>}, {pipeline_mode = #tpu.pipeline_mode<synchronous>, transform_indices = @transform_6, window_bounds = array<i64: 768, 128>}, {pipeline_mode = #tpu.pipeline_mode<synchronous>, transform_indices = @transform_7, window_bounds = array<i64: 1, 128>}, {pipeline_mode = #tpu.pipeline_mode<synchronous>, transform_indices = @transform_8, window_bounds = array<i64: 1, 128>}, {pipeline_mode = #tpu.pipeline_mode<synchronous>, transform_indices = @transform_9, window_bounds = array<i64: 1, 128>}, {pipeline_mode = #tpu.pipeline_mode<synchronous>, transform_indices = @transform_10, window_bounds = array<i64: 512, 512>}, {pipeline_mode = #tpu.pipeline_mode<synchronous>, transform_indices = @transform_11, window_bounds = array<i64: 128, 512>}, {pipeline_mode = #tpu.pipeline_mode<synchronous>, transform_indices = @transform_12, window_bounds = array<i64: 1, 512>}, {pipeline_mode = #tpu.pipeline_mode<synchronous>, transform_indices = @transform_13, window_bounds = array<i64: 512, 512>}, {pipeline_mode = #tpu.pipeline_mode<synchronous>, transform_indices = @transform_14, window_bounds = array<i64: 1, 512>}, {pipeline_mode = #tpu.pipeline_mode<synchronous>, transform_indices = @transform_15, window_bounds = array<i64: 256, 512>}]} {
    %eq3A = arith.constant 0 : i32
    %eq3A_0 = arith.cmpi eq, %arg0, %eq3A : i32
    %convert_element_type3A = arith.extui %eq3A_0 : i1 to i32
    %cond3A = arith.constant 0 : i32
    %cond3A_1 = arith.cmpi ne, %convert_element_type3A, %cond3A : i32
    scf.if %cond3A_1 {
      %broadcast_in_dim3A_123 = arith.constant 0.000000e+00 : f32
      %broadcast_in_dim3A_124 = vector.broadcast %broadcast_in_dim3A_123 : f32 to vector<256x512xf32>
      %swap3A_125 = arith.constant 0 : index
      %swap3A_126 = arith.constant 0 : index
      %swap3A_127 = vector.load %arg17[%swap3A_125, %swap3A_126] : memref<256x512xf32, #tpu.memory_space<vmem>>, vector<256x512xf32>
      tpu.vector_store %arg17[%swap3A_125, %swap3A_126], %broadcast_in_dim3A_124 {strides = array<i32>} : memref<256x512xf32, #tpu.memory_space<vmem>>, vector<256x512xf32>,
      %broadcast_in_dim3A_128 = arith.constant 0.000000e+00 : f32
      %broadcast_in_dim3A_129 = vector.broadcast %broadcast_in_dim3A_128 : f32 to vector<256x1xf32>
      %swap3A_130 = arith.constant 0 : index
      %swap3A_131 = arith.constant 0 : index
      %swap3A_132 = vector.load %arg18[%swap3A_130, %swap3A_131] : memref<256x1xf32, #tpu.memory_space<vmem>>, vector<256x1xf32>
      tpu.vector_store %arg18[%swap3A_130, %swap3A_131], %broadcast_in_dim3A_129 {strides = array<i32>} : memref<256x1xf32, #tpu.memory_space<vmem>>, vector<256x1xf32>,
      %broadcast_in_dim3A_133 = arith.constant 0.000000e+00 : f32
      %broadcast_in_dim3A_134 = vector.broadcast %broadcast_in_dim3A_133 : f32 to vector<256x128xf32>
      %swap3A_135 = arith.constant 0 : index
      %swap3A_136 = arith.constant 0 : index
      %swap3A_137 = vector.load %arg19[%swap3A_135, %swap3A_136] : memref<256x128xf32, #tpu.memory_space<vmem>>, vector<256x128xf32>
      tpu.vector_store %arg19[%swap3A_135, %swap3A_136], %broadcast_in_dim3A_134 {strides = array<i32>} : memref<256x128xf32, #tpu.memory_space<vmem>>, vector<256x128xf32>,
      %broadcast_in_dim3A_138 = arith.constant 0.000000e+00 : f32
      %broadcast_in_dim3A_139 = vector.broadcast %broadcast_in_dim3A_138 : f32 to vector<256x1xf32>
      %swap3A_140 = arith.constant 0 : index
      %swap3A_141 = arith.constant 0 : index
      %swap3A_142 = vector.load %arg20[%swap3A_140, %swap3A_141] : memref<256x1xf32, #tpu.memory_space<vmem>>, vector<256x1xf32>
      tpu.vector_store %arg20[%swap3A_140, %swap3A_141], %broadcast_in_dim3A_139 {strides = array<i32>} : memref<256x1xf32, #tpu.memory_space<vmem>>, vector<256x1xf32>,
    } else {
    }
    %get3A = arith.constant 0 : index
    %get3A_2 = arith.constant 0 : index
    %get3A_3 = vector.load %arg3[%get3A, %get3A_2] : memref<1000x1xi32, #tpu.memory_space<vmem>>, vector<1000x1xi32>
    %iota3A = tpu.iota {dimensions = array<i32: 1>} : vector<1x256xi32>
    %eq3A_4 = vector.broadcast %get3A_3 : vector<1000x1xi32> to vector<1000x256xi32>
    %eq3A_5 = vector.broadcast %iota3A : vector<1x256xi32> to vector<1000x256xi32>
    %eq3A_6 = arith.cmpi eq, %eq3A_4, %eq3A_5 : vector<1000x256xi32>
    %convert_element_type3A_7 = arith.extui %eq3A_6 : vector<1000x256xi1> to vector<1000x256xi32>
    %convert_element_type3A_8 = arith.sitofp %convert_element_type3A_7 : vector<1000x256xi32> to vector<1000x256xf32>
    %get3A_9 = arith.constant 0 : index
    %get3A_10 = arith.constant 0 : index
    %get3A_11 = vector.load %arg4[%get3A_9, %get3A_10] : memref<1x256xf32, #tpu.memory_space<vmem>>, vector<1x256xf32>
    %mul3A = vector.broadcast %get3A_11 : vector<1x256xf32> to vector<1000x256xf32>
    %mul3A_12 = arith.mulf %convert_element_type3A_8, %mul3A : vector<1000x256xf32>
    %reduce_sum3A = arith.constant dense<0.000000e+00> : vector<1000xf32>
    %reduce_sum3A_13 = vector.multi_reduction <add>, %mul3A_12, %reduce_sum3A [1] : vector<1000x256xf32> to vector<1000xf32>
    %broadcast_in_dim3A = vector.shape_cast %reduce_sum3A_13 : vector<1000xf32> to vector<1000x1xf32>
    %get3A_14 = arith.constant 0 : index
    %get3A_15 = arith.constant 0 : index
    %get3A_16 = vector.load %arg2[%get3A_14, %get3A_15] : memref<1000x1xf32, #tpu.memory_space<vmem>>, vector<1000x1xf32>
    %sub3A = arith.subf %get3A_16, %broadcast_in_dim3A : vector<1000x1xf32>
    %exp3A = math.exp %sub3A : vector<1000x1xf32>
    %get3A_17 = arith.constant 0 : index
    %get3A_18 = arith.constant 0 : index
    %get3A_19 = vector.load %arg17[%get3A_17, %get3A_18] : memref<256x512xf32, #tpu.memory_space<vmem>>, vector<256x512xf32>
    %convert_element_type3A_20 = arith.truncf %convert_element_type3A_8 : vector<1000x256xf32> to vector<1000x256xbf16>
    %get3A_21 = arith.constant 0 : index
    %get3A_22 = arith.constant 0 : index
    %get3A_23 = vector.load %arg1[%get3A_21, %get3A_22] : memref<1000x512xf32, #tpu.memory_space<vmem>>, vector<1000x512xf32>
    %mul3A_24 = vector.broadcast %exp3A : vector<1000x1xf32> to vector<1000x512xf32>
    %mul3A_25 = arith.mulf %mul3A_24, %get3A_23 : vector<1000x512xf32>
    %convert_element_type3A_26 = arith.truncf %mul3A_25 : vector<1000x512xf32> to vector<1000x512xbf16>
    %dot_general3A = arith.constant dense<0.000000e+00> : vector<256x512xf32>
    %dot_general3A_27 = tpu.matmul %convert_element_type3A_20, %convert_element_type3A_26, %dot_general3A {dimension_numbers = #tpu.dot_dimension_numbers<[0], [0], [1], [1], [0, 1, 1, 1], [], []>, transpose_lhs_hint = false} : vector<1000x256xbf16>, vector<1000x512xbf16>, vector<256x512xf32> -> vector<256x512xf32>
    %add3A = arith.addf %get3A_19, %dot_general3A_27 : vector<256x512xf32>
    %swap3A = arith.constant 0 : index
    %swap3A_28 = arith.constant 0 : index
    %swap3A_29 = vector.load %arg17[%swap3A, %swap3A_28] : memref<256x512xf32, #tpu.memory_space<vmem>>, vector<256x512xf32>
    tpu.vector_store %arg17[%swap3A, %swap3A_28], %add3A {strides = array<i32>} : memref<256x512xf32, #tpu.memory_space<vmem>>, vector<256x512xf32>,
    %get3A_30 = arith.constant 0 : index
    %get3A_31 = arith.constant 0 : index
    %get3A_32 = vector.load %arg18[%get3A_30, %get3A_31] : memref<256x1xf32, #tpu.memory_space<vmem>>, vector<256x1xf32>
    %dot_general3A_33 = arith.constant dense<0.000000e+00> : vector<256x1xf32>
    %dot_general3A_34 = tpu.matmul %convert_element_type3A_8, %exp3A, %dot_general3A_33 {dimension_numbers = #tpu.dot_dimension_numbers<[0], [0], [1], [1], [0, 1, 1, 1], [], []>, transpose_lhs_hint = false} : vector<1000x256xf32>, vector<1000x1xf32>, vector<256x1xf32> -> vector<256x1xf32>
    %add3A_35 = arith.addf %get3A_32, %dot_general3A_34 : vector<256x1xf32>
    %swap3A_36 = arith.constant 0 : index
    %swap3A_37 = arith.constant 0 : index
    %swap3A_38 = vector.load %arg18[%swap3A_36, %swap3A_37] : memref<256x1xf32, #tpu.memory_space<vmem>>, vector<256x1xf32>
    tpu.vector_store %arg18[%swap3A_36, %swap3A_37], %add3A_35 {strides = array<i32>} : memref<256x1xf32, #tpu.memory_space<vmem>>, vector<256x1xf32>,
    %get3A_39 = arith.constant 0 : index
    %get3A_40 = arith.constant 0 : index
    %get3A_41 = vector.load %arg5[%get3A_39, %get3A_40] : memref<1000x768xf32, #tpu.memory_space<vmem>>, vector<1000x768xf32>
    %get3A_42 = arith.constant 0 : index
    %get3A_43 = arith.constant 0 : index
    %get3A_44 = vector.load %arg7[%get3A_42, %get3A_43] : memref<768x128xf32, #tpu.memory_space<vmem>>, vector<768x128xf32>
    %convert_element_type3A_45 = arith.truncf %get3A_41 : vector<1000x768xf32> to vector<1000x768xbf16>
    %convert_element_type3A_46 = arith.truncf %get3A_44 : vector<768x128xf32> to vector<768x128xbf16>
    %dot_general3A_47 = arith.constant dense<0.000000e+00> : vector<1000x128xf32>
    %dot_general3A_48 = tpu.matmul %convert_element_type3A_45, %convert_element_type3A_46, %dot_general3A_47 {dimension_numbers = #tpu.dot_dimension_numbers<[1], [0], [0], [1], [0, 0, 1, 1], [], []>, transpose_lhs_hint = false} : vector<1000x768xbf16>, vector<768x128xbf16>, vector<1000x128xf32> -> vector<1000x128xf32>
    %get3A_49 = arith.constant 0 : index
    %get3A_50 = arith.constant 0 : index
    %get3A_51 = vector.load %arg8[%get3A_49, %get3A_50] : memref<1x128xf32, #tpu.memory_space<vmem>>, vector<1x128xf32>
    %add3A_52 = vector.broadcast %get3A_51 : vector<1x128xf32> to vector<1000x128xf32>
    %add3A_53 = arith.addf %dot_general3A_48, %add3A_52 : vector<1000x128xf32>
    %max3A = arith.constant 0.000000e+00 : f32
    %max3A_54 = vector.broadcast %max3A : f32 to vector<1000x128xf32>
    %max3A_55 = arith.maximumf %add3A_53, %max3A_54 : vector<1000x128xf32>
    %reduce_sum3A_56 = arith.constant dense<0.000000e+00> : vector<1000xf32>
    %reduce_sum3A_57 = vector.multi_reduction <add>, %max3A_55, %reduce_sum3A_56 [1] : vector<1000x128xf32> to vector<1000xf32>
    %broadcast_in_dim3A_58 = vector.shape_cast %reduce_sum3A_57 : vector<1000xf32> to vector<1000x1xf32>
    %div3A = arith.constant 1.280000e+02 : f32
    %div3A_59 = vector.broadcast %div3A : f32 to vector<1000x1xf32>
    %div3A_60 = arith.divf %broadcast_in_dim3A_58, %div3A_59 : vector<1000x1xf32>
    %sub3A_61 = vector.broadcast %div3A_60 : vector<1000x1xf32> to vector<1000x128xf32>
    %sub3A_62 = arith.subf %max3A_55, %sub3A_61 : vector<1000x128xf32>
    %sub3A_63 = vector.broadcast %div3A_60 : vector<1000x1xf32> to vector<1000x128xf32>
    %sub3A_64 = arith.subf %max3A_55, %sub3A_63 : vector<1000x128xf32>
    %mul3A_65 = arith.mulf %sub3A_62, %sub3A_64 : vector<1000x128xf32>
    %reduce_sum3A_66 = arith.constant dense<0.000000e+00> : vector<1000xf32>
    %reduce_sum3A_67 = vector.multi_reduction <add>, %mul3A_65, %reduce_sum3A_66 [1] : vector<1000x128xf32> to vector<1000xf32>
    %broadcast_in_dim3A_68 = vector.shape_cast %reduce_sum3A_67 : vector<1000xf32> to vector<1000x1xf32>
    %div3A_69 = arith.constant 1.280000e+02 : f32
    %div3A_70 = vector.broadcast %div3A_69 : f32 to vector<1000x1xf32>
    %div3A_71 = arith.divf %broadcast_in_dim3A_68, %div3A_70 : vector<1000x1xf32>
    %sub3A_72 = vector.broadcast %div3A_60 : vector<1000x1xf32> to vector<1000x128xf32>
    %sub3A_73 = arith.subf %max3A_55, %sub3A_72 : vector<1000x128xf32>
    %add3A_74 = arith.constant 9.99999974E-6 : f32
    %add3A_75 = vector.broadcast %add3A_74 : f32 to vector<1000x1xf32>
    %add3A_76 = arith.addf %div3A_71, %add3A_75 : vector<1000x1xf32>
    %sqrt3A = math.sqrt %add3A_76 : vector<1000x1xf32>
    %div3A_77 = vector.broadcast %sqrt3A : vector<1000x1xf32> to vector<1000x128xf32>
    %div3A_78 = arith.divf %sub3A_73, %div3A_77 : vector<1000x128xf32>
    %get3A_79 = arith.constant 0 : index
    %get3A_80 = arith.constant 0 : index
    %get3A_81 = vector.load %arg9[%get3A_79, %get3A_80] : memref<1x128xf32, #tpu.memory_space<vmem>>, vector<1x128xf32>
    %mul3A_82 = vector.broadcast %get3A_81 : vector<1x128xf32> to vector<1000x128xf32>
    %mul3A_83 = arith.mulf %div3A_78, %mul3A_82 : vector<1000x128xf32>
    %get3A_84 = arith.constant 0 : index
    %get3A_85 = arith.constant 0 : index
    %get3A_86 = vector.load %arg10[%get3A_84, %get3A_85] : memref<1x128xf32, #tpu.memory_space<vmem>>, vector<1x128xf32>
    %add3A_87 = vector.broadcast %get3A_86 : vector<1x128xf32> to vector<1000x128xf32>
    %add3A_88 = arith.addf %mul3A_83, %add3A_87 : vector<1000x128xf32>
    %get3A_89 = arith.constant 0 : index
    %get3A_90 = arith.constant 0 : index
    %get3A_91 = vector.load %arg6[%get3A_89, %get3A_90] : memref<1000x1xi32, #tpu.memory_space<vmem>>, vector<1000x1xi32>
    %ge3A = arith.constant 0 : i32
    %ge3A_92 = vector.broadcast %ge3A : i32 to vector<1000x1xi32>
    %ge3A_93 = arith.cmpi sge, %get3A_91, %ge3A_92 : vector<1000x1xi32>
    %convert_element_type3A_94 = arith.extui %ge3A_93 : vector<1000x1xi1> to vector<1000x1xi32>
    %convert_element_type3A_95 = arith.sitofp %convert_element_type3A_94 : vector<1000x1xi32> to vector<1000x1xf32>
    %mul3A_96 = vector.broadcast %convert_element_type3A_95 : vector<1000x1xf32> to vector<1000x128xf32>
    %mul3A_97 = arith.mulf %add3A_88, %mul3A_96 : vector<1000x128xf32>
    %get3A_98 = arith.constant 0 : index
    %get3A_99 = arith.constant 0 : index
    %get3A_100 = vector.load %arg19[%get3A_98, %get3A_99] : memref<256x128xf32, #tpu.memory_space<vmem>>, vector<256x128xf32>
    %convert_element_type3A_101 = arith.truncf %convert_element_type3A_8 : vector<1000x256xf32> to vector<1000x256xbf16>
    %convert_element_type3A_102 = arith.truncf %mul3A_97 : vector<1000x128xf32> to vector<1000x128xbf16>
    %dot_general3A_103 = arith.constant dense<0.000000e+00> : vector<256x128xf32>
    %dot_general3A_104 = tpu.matmul %convert_element_type3A_101, %convert_element_type3A_102, %dot_general3A_103 {dimension_numbers = #tpu.dot_dimension_numbers<[0], [0], [1], [1], [0, 1, 1, 1], [], []>, transpose_lhs_hint = false} : vector<1000x256xbf16>, vector<1000x128xbf16>, vector<256x128xf32> -> vector<256x128xf32>
    %add3A_105 = arith.addf %get3A_100, %dot_general3A_104 : vector<256x128xf32>
    %swap3A_106 = arith.constant 0 : index
    %swap3A_107 = arith.constant 0 : index
    %swap3A_108 = vector.load %arg19[%swap3A_106, %swap3A_107] : memref<256x128xf32, #tpu.memory_space<vmem>>, vector<256x128xf32>
    tpu.vector_store %arg19[%swap3A_106, %swap3A_107], %add3A_105 {strides = array<i32>} : memref<256x128xf32, #tpu.memory_space<vmem>>, vector<256x128xf32>,
    %get3A_109 = arith.constant 0 : index
    %get3A_110 = arith.constant 0 : index
    %get3A_111 = vector.load %arg20[%get3A_109, %get3A_110] : memref<256x1xf32, #tpu.memory_space<vmem>>, vector<256x1xf32>
    %dot_general3A_112 = arith.constant dense<0.000000e+00> : vector<256x1xf32>
    %dot_general3A_113 = tpu.matmul %convert_element_type3A_8, %convert_element_type3A_95, %dot_general3A_112 {dimension_numbers = #tpu.dot_dimension_numbers<[0], [0], [1], [1], [0, 1, 1, 1], [], []>, transpose_lhs_hint = false} : vector<1000x256xf32>, vector<1000x1xf32>, vector<256x1xf32> -> vector<256x1xf32>
    %add3A_114 = arith.addf %get3A_111, %dot_general3A_113 : vector<256x1xf32>
    %swap3A_115 = arith.constant 0 : index
    %swap3A_116 = arith.constant 0 : index
    %swap3A_117 = vector.load %arg20[%swap3A_115, %swap3A_116] : memref<256x1xf32, #tpu.memory_space<vmem>>, vector<256x1xf32>
    tpu.vector_store %arg20[%swap3A_115, %swap3A_116], %add3A_114 {strides = array<i32>} : memref<256x1xf32, #tpu.memory_space<vmem>>, vector<256x1xf32>,
    %eq3A_118 = arith.constant 9 : i32
    %eq3A_119 = arith.cmpi eq, %arg0, %eq3A_118 : i32
    %convert_element_type3A_120 = arith.extui %eq3A_119 : i1 to i32
    %cond3A_121 = arith.constant 0 : i32
    %cond3A_122 = arith.cmpi ne, %convert_element_type3A_120, %cond3A_121 : i32
    scf.if %cond3A_122 {
      %get3A_123 = arith.constant 0 : index
      %get3A_124 = arith.constant 0 : index
      %get3A_125 = vector.load %arg17[%get3A_123, %get3A_124] : memref<256x512xf32, #tpu.memory_space<vmem>>, vector<256x512xf32>
      %get3A_126 = arith.constant 0 : index
      %get3A_127 = arith.constant 0 : index
      %get3A_128 = vector.load %arg18[%get3A_126, %get3A_127] : memref<256x1xf32, #tpu.memory_space<vmem>>, vector<256x1xf32>
      %add3A_129 = arith.constant 1.000000e-16 : f32
      %add3A_130 = vector.broadcast %add3A_129 : f32 to vector<256x1xf32>
      %add3A_131 = arith.addf %get3A_128, %add3A_130 : vector<256x1xf32>
      %div3A_132 = vector.broadcast %add3A_131 : vector<256x1xf32> to vector<256x512xf32>
      %div3A_133 = arith.divf %get3A_125, %div3A_132 : vector<256x512xf32>
      %get3A_134 = arith.constant 0 : index
      %get3A_135 = arith.constant 0 : index
      %get3A_136 = vector.load %arg19[%get3A_134, %get3A_135] : memref<256x128xf32, #tpu.memory_space<vmem>>, vector<256x128xf32>
      %get3A_137 = arith.constant 0 : index
      %get3A_138 = arith.constant 0 : index
      %get3A_139 = vector.load %arg20[%get3A_137, %get3A_138] : memref<256x1xf32, #tpu.memory_space<vmem>>, vector<256x1xf32>
      %add3A_140 = arith.constant 9.99999997E-7 : f32
      %add3A_141 = vector.broadcast %add3A_140 : f32 to vector<256x1xf32>
      %add3A_142 = arith.addf %get3A_139, %add3A_141 : vector<256x1xf32>
      %div3A_143 = vector.broadcast %add3A_142 : vector<256x1xf32> to vector<256x128xf32>
      %div3A_144 = arith.divf %get3A_136, %div3A_143 : vector<256x128xf32>
      %get3A_145 = arith.constant 0 : index
      %get3A_146 = arith.constant 0 : index
      %get3A_147 = vector.load %arg11[%get3A_145, %get3A_146] : memref<512x512xf32, #tpu.memory_space<vmem>>, vector<512x512xf32>
      %dot_general3A_148 = arith.constant dense<0.000000e+00> : vector<256x512xf32>
      %dot_general3A_149 = tpu.matmul %div3A_133, %get3A_147, %dot_general3A_148 {dimension_numbers = #tpu.dot_dimension_numbers<[1], [0], [0], [1], [0, 0, 1, 1], [], []>, transpose_lhs_hint = false} : vector<256x512xf32>, vector<512x512xf32>, vector<256x512xf32> -> vector<256x512xf32>
      %get3A_150 = arith.constant 0 : index
      %get3A_151 = arith.constant 0 : index
      %get3A_152 = vector.load %arg12[%get3A_150, %get3A_151] : memref<128x512xf32, #tpu.memory_space<vmem>>, vector<128x512xf32>
      %dot_general3A_153 = arith.constant dense<0.000000e+00> : vector<256x512xf32>
      %dot_general3A_154 = tpu.matmul %div3A_144, %get3A_152, %dot_general3A_153 {dimension_numbers = #tpu.dot_dimension_numbers<[1], [0], [0], [1], [0, 0, 1, 1], [], []>, transpose_lhs_hint = false} : vector<256x128xf32>, vector<128x512xf32>, vector<256x512xf32> -> vector<256x512xf32>
      %add3A_155 = arith.addf %dot_general3A_149, %dot_general3A_154 : vector<256x512xf32>
      %get3A_156 = arith.constant 0 : index
      %get3A_157 = arith.constant 0 : index
      %get3A_158 = vector.load %arg13[%get3A_156, %get3A_157] : memref<1x512xf32, #tpu.memory_space<vmem>>, vector<1x512xf32>
      %add3A_159 = vector.broadcast %get3A_158 : vector<1x512xf32> to vector<256x512xf32>
      %add3A_160 = arith.addf %add3A_155, %add3A_159 : vector<256x512xf32>
      %max3A_161 = arith.constant 0.000000e+00 : f32
      %max3A_162 = vector.broadcast %max3A_161 : f32 to vector<256x512xf32>
      %max3A_163 = arith.maximumf %add3A_160, %max3A_162 : vector<256x512xf32>
      %get3A_164 = arith.constant 0 : index
      %get3A_165 = arith.constant 0 : index
      %get3A_166 = vector.load %arg14[%get3A_164, %get3A_165] : memref<512x512xf32, #tpu.memory_space<vmem>>, vector<512x512xf32>
      %dot_general3A_167 = arith.constant dense<0.000000e+00> : vector<256x512xf32>
      %dot_general3A_168 = tpu.matmul %max3A_163, %get3A_166, %dot_general3A_167 {dimension_numbers = #tpu.dot_dimension_numbers<[1], [0], [0], [1], [0, 0, 1, 1], [], []>, transpose_lhs_hint = false} : vector<256x512xf32>, vector<512x512xf32>, vector<256x512xf32> -> vector<256x512xf32>
      %get3A_169 = arith.constant 0 : index
      %get3A_170 = arith.constant 0 : index
      %get3A_171 = vector.load %arg15[%get3A_169, %get3A_170] : memref<1x512xf32, #tpu.memory_space<vmem>>, vector<1x512xf32>
      %add3A_172 = vector.broadcast %get3A_171 : vector<1x512xf32> to vector<256x512xf32>
      %add3A_173 = arith.addf %dot_general3A_168, %add3A_172 : vector<256x512xf32>
      %swap3A_174 = arith.constant 0 : index
      %swap3A_175 = arith.constant 0 : index
      %swap3A_176 = vector.load %arg16[%swap3A_174, %swap3A_175] : memref<256x512xf32, #tpu.memory_space<vmem>>, vector<256x512xf32>
      tpu.vector_store %arg16[%swap3A_174, %swap3A_175], %add3A_173 {strides = array<i32>} : memref<256x512xf32, #tpu.memory_space<vmem>>, vector<256x512xf32>,
    } else {
    }
    return
  }
  func.func @transform_0(%arg0: i32) -> (i32, i32) {
    %c0_i32 = arith.constant 0 : i32
    %c0_i32_0 = arith.constant 0 : i32
    return %arg0, %c0_i32 : i32, i32
  }
  func.func @transform_1(%arg0: i32) -> (i32, i32) {
    %c0_i32 = arith.constant 0 : i32
    %c0_i32_0 = arith.constant 0 : i32
    return %arg0, %c0_i32 : i32, i32
  }
  func.func @transform_2(%arg0: i32) -> (i32, i32) {
    %c0_i32 = arith.constant 0 : i32
    %c0_i32_0 = arith.constant 0 : i32
    return %arg0, %c0_i32 : i32, i32
  }
  func.func @transform_3(%arg0: i32) -> (i32, i32) {
    %c0_i32 = arith.constant 0 : i32
    %c0_i32_0 = arith.constant 0 : i32
    %c0_i32_1 = arith.constant 0 : i32
    return %c0_i32, %c0_i32_0 : i32, i32
  }
  func.func @transform_4(%arg0: i32) -> (i32, i32) {
    %c0_i32 = arith.constant 0 : i32
    %c0_i32_0 = arith.constant 0 : i32
    return %arg0, %c0_i32 : i32, i32
  }
  func.func @transform_5(%arg0: i32) -> (i32, i32) {
    %c0_i32 = arith.constant 0 : i32
    %c0_i32_0 = arith.constant 0 : i32
    return %arg0, %c0_i32 : i32, i32
  }
  func.func @transform_6(%arg0: i32) -> (i32, i32) {
    %c0_i32 = arith.constant 0 : i32
    %c0_i32_0 = arith.constant 0 : i32
    %c0_i32_1 = arith.constant 0 : i32
    return %c0_i32, %c0_i32_0 : i32, i32
  }
  func.func @transform_7(%arg0: i32) -> (i32, i32) {
    %c0_i32 = arith.constant 0 : i32
    %c0_i32_0 = arith.constant 0 : i32
    %c0_i32_1 = arith.constant 0 : i32
    return %c0_i32, %c0_i32_0 : i32, i32
  }
  func.func @transform_8(%arg0: i32) -> (i32, i32) {
    %c0_i32 = arith.constant 0 : i32
    %c0_i32_0 = arith.constant 0 : i32
    %c0_i32_1 = arith.constant 0 : i32
    return %c0_i32, %c0_i32_0 : i32, i32
  }
  func.func @transform_9(%arg0: i32) -> (i32, i32) {
    %c0_i32 = arith.constant 0 : i32
    %c0_i32_0 = arith.constant 0 : i32
    %c0_i32_1 = arith.constant 0 : i32
    return %c0_i32, %c0_i32_0 : i32, i32
  }
  func.func @transform_10(%arg0: i32) -> (i32, i32) {
    %c0_i32 = arith.constant 0 : i32
    %c0_i32_0 = arith.constant 0 : i32
    %c0_i32_1 = arith.constant 0 : i32
    return %c0_i32, %c0_i32_0 : i32, i32
  }
  func.func @transform_11(%arg0: i32) -> (i32, i32) {
    %c0_i32 = arith.constant 0 : i32
    %c0_i32_0 = arith.constant 0 : i32
    %c0_i32_1 = arith.constant 0 : i32
    return %c0_i32, %c0_i32_0 : i32, i32
  }
  func.func @transform_12(%arg0: i32) -> (i32, i32) {
    %c0_i32 = arith.constant 0 : i32
    %c0_i32_0 = arith.constant 0 : i32
    %c0_i32_1 = arith.constant 0 : i32
    return %c0_i32, %c0_i32_0 : i32, i32
  }
  func.func @transform_13(%arg0: i32) -> (i32, i32) {
    %c0_i32 = arith.constant 0 : i32
    %c0_i32_0 = arith.constant 0 : i32
    %c0_i32_1 = arith.constant 0 : i32
    return %c0_i32, %c0_i32_0 : i32, i32
  }
  func.func @transform_14(%arg0: i32) -> (i32, i32) {
    %c0_i32 = arith.constant 0 : i32
    %c0_i32_0 = arith.constant 0 : i32
    %c0_i32_1 = arith.constant 0 : i32
    return %c0_i32, %c0_i32_0 : i32, i32
  }
  func.func @transform_15(%arg0: i32) -> (i32, i32) {
    %c0_i32 = arith.constant 0 : i32
    %c0_i32_0 = arith.constant 0 : i32
    %c0_i32_1 = arith.constant 0 : i32
    return %c0_i32, %c0_i32_0 : i32, i32
  }
}

</mosaic_0001>

<sc_bundles>
// kernel: kernel.12.cloned.1.call-start
scs
__scs_entry_jumppad:
0x0: {  	(pc) =	sbr.rel $0x88, $3  }
0x1: {  	(tag) =	ssettag $0x0;
	lr =	simm.s32 $0x1  }
0x2: {  	[smem:$0x3F87] =	sst lr;
	_ =	strace $0xD0000000  }
0x3: {  	_ = 	snop  }
0x4: {  	_ = 	snop  }
0x5: {  	_ = 	snop  }
0x6: {  	_ = 	snop  }
0x7: {  	_ = 	snop  }
__scs_overlays_trampoline_lowered:
0x8: {  	[smem:$0x3F96] =	sst s0  }
0x9: {  	[smem:$0x3F97] =	sst s1  }
0xa: {  	[smem:$0x3F98] =	sst s2  }
0xb: {  	[smem:$0x3F99] =	sst s3  }
0xc: {  	[smem:$0x3F9A] =	sst s4  }
0xd: {  	[smem:$0x3F9B] =	sst s5  }
0xe: {  	[smem:$0x3F9C] =	sst s6  }
0xf: {  	[smem:$0x3F9D] =	sst s7  }
0x10: {  	[smem:$0x3F9E] =	sst s8  }
0x11: {  	[smem:$0x3F9F] =	sst s9;
	s0 =	simm.s32 @!p0 $0x0  }
0x12: {  	s1 =	sld [smem:$0x3F85];
	s0 =	simm.s32 @p0 $0x1  }
0x13: {  	[smem:$0x3FA0] =	sst s0;
	s0 =	simm.s32 @!p1 $0x0  }
0x14: {  	s2 =	sld [smem:$0x3F84];
	s0 =	simm.s32 @p1 $0x1  }
0x15: {  	[smem:$0x3FA1] =	sst s0;
	s0 =	simm.s32 @!p2 $0x0  }
0x16: {  	s3 =	sld [smem:$0x3FDB];
	s0 =	simm.s32 @p2 $0x1  }
0x17: {  	s4 =	simm.s32 $0x1BF5;
	[smem:$0x3FA3] =	sst s0  }
0x18: {  	s0 =	sld [smem:$0x3F86];
	_ =	swait.ge [sflag:s4], $0x0  }
0x19: {  	s7 =	sld [smem:$0x3F87]  }
0x1a: {  	s8 =	sadd.s32 $0xFFFFE003, lr  }
0x1b: {  	s9 =	sadd.s32 $0xFFFFFEF7, lr;
	s5 =	simm.s32 $0xFFFFFFFF;
	p2 =	slt.u32 s8, $0xFFFFF086  }
0x1c: {  	p1 =	slt.u32 s9, $0xF7A;
	s5 =	simm.s32 @!p2 $0x0  }
0x1d: {  	s5 =	simm.s32 @p1 $0x1;
	p0 =	seq.s32 s7, s2  }
0x1e: {  	s7 =	smul.u32 @!p0 $0xF7A, s2;
	p2 =	seq.s32 @!p0 s5, $0x0  }
0x1f: {  	s9 =	smul.u32 $0xF7A, s1;
	s8 =	simm.s32 @!p0 $0x1BF5;
	p2 =	por !p2, p0  }
0x20: {  	[sflag:s8] =	ssyncset.s32 @!p0 $0xFFFFF086;
	s6 =	sadd.s32 @!p0 s3, s7;
	s7 =	simm.s32 @!p0 $0x108  }
0x21: {  	s3 =	sadd.s32 s3, s9;
	s6 =	sadd.s32 @!p0 $0x88, s6;
	s7 =	simm.s32 @p2 $0x1082  }
0x22: {  	[simem:s7], [sflag:s8] =	dma.local @!p0 [hbm:s6], $0xF7A  }
0x23: {  	s9 =	sor.u32 $0xD0000000, s2;
	s6 =	simm.s32 $0x108;
	_ =	swait.ge @!p0 [sflag:s8], $0x0  }
0x24: {  	s3 =	sadd.s32 $0x88, s3;
	s6 =	simm.s32 @!p1 $0x1082;
	[sflag:s4] =	ssyncset.s32 $0xFFFFF086  }
0x25: {  	[simem:s6], [sflag:s4] =	dma.local [hbm:s3], $0xF7A  }
0x26: {  	[smem:$0x3F87] =	sst s1;
	(tag) =	ssettag s2;
	_ =	strace s9  }
0x27: {  	s1 =	sld [smem:$0x3F97]  }
0x28: {  	s2 =	sld [smem:$0x3F98]  }
0x29: {  	s4 =	sld [smem:$0x3F9A]  }
0x2a: {  	p0 =	seq.s32 s5, $0x0;
	s5 =	sld [smem:$0x3F9B]  }
0x2b: {  	s6 =	sld [smem:$0x3F9C]  }
0x2c: {  	s7 =	sld [smem:$0x3F9D]  }
0x2d: {  	s3 =	simm.s32 $0x108;
	s8 =	sld [smem:$0x3F9E]  }
0x2e: {  	s3 =	simm.s32 @!p0 $0x1082;
	s9 =	sld [smem:$0x3F9F]  }
0x2f: {  	lr =	sadd.s32 s0, s3;
	s0 =	sld [smem:$0x3F96]  }
0x30: {  	s3 =	sld [smem:$0x3F99]  }
0x31: {  	[smem:$0x3FA2] =	sst s10  }
0x32: {  	s10 =	sld [smem:$0x3FA0];
	_ =	sdelay $0x3  }
0x33: {  	p0 =	seq.s32 s10, $0x1;
	s10 =	sld [smem:$0x3FA2];
	_ =	sdelay $0x3  }
0x34: {  	[smem:$0x3FA2] =	sst s10  }
0x35: {  	s10 =	sld [smem:$0x3FA1];
	_ =	sdelay $0x3  }
0x36: {  	p1 =	seq.s32 s10, $0x1;
	s10 =	sld [smem:$0x3FA2];
	_ =	sdelay $0x3  }
0x37: {  	[smem:$0x3FA2] =	sst s10  }
0x38: {  	s10 =	sld [smem:$0x3FA3]  }
0x39: {  	_ = 	snop;
	(pc) =	sbr.ind lr, $3  }
0x3a: {  	_ = 	snop  }
0x3b: {  	_ = 	snop  }
0x3c: {  	p2 =	seq.s32 s10, $0x1;
	s10 =	sld [smem:$0x3FA2]  }
0x3d: {  	_ =	shalt  }
0x3e: {  	_ =	shalt  }
0x3f: {  	_ =	shalt  }
0x40: {  	_ =	shalt  }
0x41: {  	_ =	shalt  }
0x42: {  	_ =	shalt  }
0x43: {  	_ =	shalt  }
0x44: {  	_ =	shalt  }
0x45: {  	_ =	shalt  }
0x46: {  	_ =	shalt  }
0x47: {  	_ =	shalt  }
0x48: {  	_ =	shalt  }
0x49: {  	_ =	shalt  }
0x4a: {  	_ =	shalt  }
0x4b: {  	_ =	shalt  }
0x4c: {  	_ =	shalt  }
0x4d: {  	_ =	shalt  }
0x4e: {  	_ =	shalt  }
0x4f: {  	_ =	shalt  }
0x50: {  	_ =	shalt  }
0x51: {  	_ =	shalt  }
0x52: {  	_ =	shalt  }
0x53: {  	_ =	shalt  }
0x54: {  	_ =	shalt  }
0x55: {  	_ =	shalt  }
0x56: {  	_ =	shalt  }
0x57: {  	_ =	shalt  }
0x58: {  	_ =	shalt  }
0x59: {  	_ =	shalt  }
0x5a: {  	_ =	shalt  }
0x5b: {  	_ =	shalt  }
0x5c: {  	_ =	shalt  }
0x5d: {  	_ =	shalt  }
0x5e: {  	_ =	shalt  }
0x5f: {  	_ =	shalt  }
0x60: {  	_ =	shalt  }
0x61: {  	_ =	shalt  }
0x62: {  	_ =	shalt  }
0x63: {  	_ =	shalt  }
0x64: {  	_ =	shalt  }
0x65: {  	_ =	shalt  }
0x66: {  	_ =	shalt  }
0x67: {  	_ =	shalt  }
0x68: {  	_ =	shalt  }
0x69: {  	_ =	shalt  }
0x6a: {  	_ =	shalt  }
0x6b: {  	_ =	shalt  }
0x6c: {  	_ =	shalt  }
0x6d: {  	_ =	shalt  }
0x6e: {  	_ =	shalt  }
0x6f: {  	_ =	shalt  }
0x70: {  	_ =	shalt  }
0x71: {  	_ =	shalt  }
0x72: {  	_ =	shalt  }
0x73: {  	_ =	shalt  }
0x74: {  	_ =	shalt  }
0x75: {  	_ =	shalt  }
0x76: {  	_ =	shalt  }
0x77: {  	_ =	shalt  }
0x78: {  	_ =	shalt  }
0x79: {  	_ =	shalt  }
0x7a: {  	_ =	shalt  }
0x7b: {  	_ =	shalt  }
0x7c: {  	_ =	shalt  }
0x7d: {  	_ =	shalt  }
0x7e: {  	_ =	shalt  }
0x7f: {  	_ =	shalt  }
0x80: {  	_ =	shalt  }
0x81: {  	_ =	shalt  }
0x82: {  	_ =	shalt  }
0x83: {  	_ =	shalt  }
0x84: {  	_ =	shalt  }
0x85: {  	_ =	shalt  }
0x86: {  	_ =	shalt  }
0x87: {  	_ =	shalt  }
.Lfunc_end0:
.L_simem_size_0:
called_computation.1_lowered:
.L_overlay_start_0:
0x88: {  	s2 =	sld [smem:$0x3FD9]  }
0x89: {  	s3 =	sld [smem:$0x3FFE];
	_ =	sdelay $0x1  }
0x8a: {  	s1 =	srdreg.scid  }
0x8b: {  	s0 =	sand.u32 $0x1, s1  }
0x8c: {  	s17 =	sshll.u32 s0, $0xA;
	s2 =	sadd.s32 s3, s2  }
0x8d: {  	s2 =	sadd.s32 s2, s17  }
0x8e: {  	[smem:$0x3FAE] =	sst s2  }
0x8f: {  	_ = 	snop  }
0x90: {  	s18 =	sld [smem:$0x3FC4]  }
0x91: {  	s4 =	sld [smem:$0x3FD0];
	(tm) =	ssettm $0x1  }
0x92: {  	s19 =	sld [smem:$0x3FFB];
	_ =	sdelay $0x3  }
0x93: {  	_ =	strace s19  }
0x94: {  	s2 =	sld [smem:$0x3FFC];
	_ =	sdelay $0x3  }
0x95: {  	_ =	strace s2  }
0x96: {  	s2 =	sld [smem:$0x3FFD];
	_ =	sdelay $0x3  }
0x97: {  	_ =	strace s2  }
0x98: {  	_ =	strace $0x8FFFFFFF  }
0x99: {  	s20 =	sld [smem:$0x3FDB];
	_ =	sdelay $0x1  }
0x9a: {  	s5 =	simm.s32 $_scs_section_size  }
0x9b: {  	s6 =	simm.s32 $_size__tile_overlayer_lowered;
	s7 =	simm.s32 $_tile_overlayer_lowered  }
0x9c: {  	s8 =	simm.s32 $0x1BFF;
	s21 =	sshll.u32 s7, $0x1;
	s5 =	sadd.s32 s5, s20  }
0x9d: {  	s22 =	simm.s32 $0x0;
	s6 =	sshll.u32 s6, $0x1;
	s7 =	sadd.s32 s21, s5  }
0x9e: {  	[timem:s22], [sflag:s8] =	dma.local [hbm:s7], s6  }
0x9f: {  	_ =	swait.ge [sflag:s8], s6  }
0xa0: {  	s6 =	ssub.s32 $0x0, s6;
	[sflag:s8] =	ssyncset.done $0x0  }
0xa1: {  	[sflag:s8] =	ssyncadd.s32 s6;
	_ =	sdelay $0x1  }
0xa2: {  	s23 =	simm.s32 $0x1B8B  }
0xa3: {  	_ =	swait.ge [sflag:s23], $0x1  }
0xa4: {  	[sflag:s23] =	ssyncset.done $0x0  }
0xa5: {  	[sflag:s23] =	ssyncadd.s32 $0xFFFFFFFF  }
0xa6: {  	s6 =	sld [smem:$0x0]  }
0xa7: {  	s7 =	sand.u32 $0xFFFFFFFE, s1  }
0xa8: {  	p0 =	sne.s32 s1, s7  }
0xa9: {  	s7 =	sshll.u32 @p0 s7, $0xE  }
0xaa: {  	s7 =	sadd.s32 @p0 $0x11B8D, s7;
	s8 =	sshll.u32 @p0 s6, $0x11  }
0xab: {  	s7 =	sor.u32 @p0 s8, s7  }
0xac: {  	[sflag:s7] =	ssyncadd.remote.s32 @p0 $0x1;
	_ =	sdelay $0x1  }
0xad: {  	s7 =	simm.s32 @p0 $0x1B8D  }
0xae: {  	_ =	swait.eq @p0 [sflag:s7], $0x1  }
0xaf: {  	[sflag:s7] =	ssyncadd.s32 @p0 $0xFFFFFFFF  }
0xb0: {  	s8 =	sshll.u32 @!p0 s1, $0xE  }
0xb1: {  	s8 =	sor.u32 @!p0 $0x4000, s8;
	s7 =	simm.s32 @!p0 $0x1B8D  }
0xb2: {  	s6 =	sshll.u32 @!p0 s6, $0x11;
	s8 =	sadd.s32 @!p0 $0x11B8D, s8;
	_ =	swait.eq @!p0 [sflag:s7], $0x1  }
0xb3: {  	s6 =	sor.u32 @!p0 s6, s8;
	[sflag:s7] =	ssyncadd.s32 @!p0 $0xFFFFFFFF  }
0xb4: {  	s25 =	simm.s32 $0x1B8E;
	s24 =	sld [smem:$0x3FFE];
	[sflag:s6] =	ssyncadd.remote.s32 @!p0 $0x1  }
0xb5: {  	s26 =	simm.s32 $execute0_lowered;
	[smem:$0x3FD2] =	sst s25  }
0xb6: {  	s7 =	sshll.u32 s26, $0x1;
	_ =	strace $0x8000004C;
	[dreg:$0x1] =	wrdreg $0xFFFFFFFF  }
0xb7: {  	s28 =	simm.s32 $_size_execute0_lowered;
	s5 =	sadd.s32 s5, s7;
	[dreg:$0x0] =	wrdreg $0x0  }
0xb8: {  	s7 =	sshll.u32 s28, $0x1;
	[dreg:$0x2] =	wrdreg s5  }
0xb9: {  	[dreg:$0x3] =	wrdreg s7  }
0xba: {  	[dreg:$0x4] =	wrdreg $0xC0  }
0xbb: {  	_ =	task [dreg:s22], $0x5FFFF  }
0xbc: {  	[dreg:$0x1] =	wrdreg $0xFFFFFFFF  }
0xbd: {  	[dreg:$0x0] =	wrdreg $0x60  }
0xbe: {  	[dreg:$0x2] =	wrdreg s18  }
0xbf: {  	[dreg:$0x3] =	wrdreg s4  }
0xc0: {  	[dreg:$0x4] =	wrdreg s24  }
0xc1: {  	[dreg:$0x5] =	wrdreg $0x9  }
0xc2: {  	_ =	task.clear_ibuf [dreg:s22], $0x6FFFF;
	_ =	strace $0x9000004C  }
0xc3: {  	s29 =	simm.s32 $0x9;
	_ =	strace $0x8000004E  }
0xc4: {  	_ =	swait.ge [sflag:s29], $0x1  }
0xc5: {  	[sflag:s29] =	ssyncadd.s32 $0xFFFFFFFF  }
0xc6: {  	_ =	strace $0x9000004E  }
0xc7: {  	_ =	sfence  }
0xc8: {  	s30 =	sld [smem:$0x0];
	_ =	sdelay $0x2  }
0xc9: {  	s31 =	sshll.u32 s1, $0xD;
	s1 =	sshrl.u32 s1, $0x2  }
0xca: {  	s4 =	sand.u32 $0x4000, s31;
	s1 =	sadd.s32 s1, s30  }
0xcb: {  	s0 =	sor.u32 s4, s0;
	s1 =	sshll.u32 s1, $0x11  }
0xcc: {  	s0 =	sor.u32 s1, s0  }
0xcd: {  	s0 =	sadd.s32 $0x8F2B, s0  }
0xce: {  	[sflag:s0] =	ssyncadd.remote.s32 $0x1  }
0xcf: {  	_ =	sfence.sel $0xFFFF  }
0xd0: {  	[dreg:$0x0] =	wrdreg $0xFFFFFFFF;
	(pc) =	sbr.abs _section_cstart, $3  }
0xd1: {  	[dreg:$0x1] =	wrdreg $0xFFFFFFFF  }
0xd2: {  	_ =	task.clear_ibuf [dreg:s22], $0x2FFFF;
	_ =	strace $0x9FFFFFFF  }
0xd3: {  	(tm) =	ssettm $0x7FFFFFFF  }
tec
execute0_lowered:
.L_overlay_start_1:
0x0: {  	(tag) =	ssettag $0x1  }
0x1: {  	s0 =	srdreg.scid;
	s4 =	rddreg [dreg:$0x1]  }
0x2: {  	s20 =	stileid.u32;
	s5 =	rddreg [dreg:$0x2]  }
0x3: {  	s8 =	simm.s32 $0x180;
	s9 =	simm.s32 $0x980;
	s10 =	simm.s32 $0x1180  }
0x4: {  	s11 =	simm.s32 $0x1980;
	s12 =	simm.s32 $0x2180;
	s13 =	simm.s32 $0x2980  }
0x5: {  	s14 =	simm.s32 $0x3180;
	s15 =	simm.s32 $0x3980;
	s1 =	sand.u32 $0x1, s0  }
0x6: {  	s16 =	simm.s32 $0x4180;
	s17 =	simm.s32 $0x4980;
	s2 =	sshll.u32 s1, $0x4  }
0x7: {  	s18 =	simm.s32 $0x5180;
	s19 =	simm.s32 $0x5980;
	s3 =	sor.u32 s20, s2  }
0x8: {  	s28 =	simm.s32 $0x9980;
	s29 =	simm.s32 $0xA180;
	s3 =	smul.u32 $0x140, s3  }
0x9: {  	s30 =	simm.s32 $0xA980;
	s31 =	simm.s32 $0xB180;
	s1 =	ssub.s32 $0x2, s1  }
0xa: {  	s2 =	rddreg [dreg:$0x0];
	s22 =	sshrl.u32 s1, $0x1;
	s6 =	sshrl.u32 s3, $0x3  }
0xb: {  	s20 =	simm.s32 $0x6180;
	s3 =	simm.s32 $0x0;
	s7 =	smul.u32 $0x300, s6  }
0xc: {  	s1 =	ssub.s32 s1, s22;
	s22 =	simm.s32 $0x7180;
	[smem:$0x7FF] =	sst s3  }
0xd: {  	s4 =	sadd.s32 s4, s6;
	s6 =	smax.u32 s1, $0x1;
	s7 =	sadd.s32 s7, s5  }
0xe: {  	_ =	strace $0x8000004D;
	[dreg:$0x4] =	wrdreg s4;
	s21 =	sadd.s32 $0x333C00, s7  }
0xf: {  	s1 =	simm.s32 $0xB980;
	s23 =	sadd.s32 $0x335400, s7;
	[dreg:$0x5] =	wrdreg s21  }
0x10: {  	s4 =	sadd.s32 $0x100, s2;
	s24 =	sadd.s32 $0x336C00, s7;
	[dreg:$0x6] =	wrdreg s23  }
0x11: {  	s5 =	sadd.s32 $0x200, s2;
	s25 =	sadd.s32 $0x338400, s7;
	[dreg:$0x7] =	wrdreg s24  }
0x12: {  	v2 =	vlaneseq.u32;
	s26 =	sadd.s32 $0x339C00, s7;
	s7 =	simm.s32 $0x1;
	[dreg:$0x8] =	wrdreg s25  }
0x13: {  	vm0 =	vmmov $0xffff;
	v1 =	vshrl.u32 v2, $0x3;
	[dreg:$0x9] =	wrdreg s26;
	s21 =	simm.s32 $0x6980;
	s23 =	simm.s32 $0x7980  }
0x14: {  	v0 =	vand.u32 $0x7, v2;
	v2 =	vor.u32 $0x8, v2;
	v1 =	vmul.u32 $0x8, v1;
	s24 =	simm.s32 $0x8180;
	s25 =	simm.s32 $0x8980;
	s26 =	simm.s32 $0x9180  }
.LBB2_1:
0x15: {  	s0 =	rddreg [dreg:$0x4]  }
0x16: {  	[tilespmem:s3], [sflag:$0x1] =	stream.linear.gather [hbm4b:s0+s3], $0x140, $0x38;
	[tilespmem:$0xC180] =	vst v63  }
0x17: {  	_ =	swait.ge [sflag:s7], $0x140  }
0x18: {  	[sflag:s7] =	ssyncset.done $0x0  }
0x19: {  	[sflag:s7] =	ssyncadd.s32 $0xFFFFFEC0  }
0x1a: {  	v3 =	vld [tilespmem:$0x0];
	_ =	sdelay $0x4  }
0x1b: {  	v4 =	vshrl.u32 v3, $0x3  }
0x1c: {  	v4 =	vmul.u32 $0x30, v4  }
0x1d: {  	v3 =	vand.u32 $0x7, v3  }
0x1e: {  	v3 =	vor.u32 v3, v4  }
0x1f: {  	v4 =	vperm.xlane v3, v0;
	_ =	sdelay $0x1  }
0x20: {  	v4 =	vadd.s32 v1, v4;
	_ =	sdelay $0x3  }
0x21: {  	v3 =	vperm.xlane v3, v2  }
0x22: {  	[tilespmem:s8], [sflag:$0x1] =	stream.indirect_vreg.gather [hbm4b:s2+s3], $0x80, v4, vm0, $0xb8;
	[tilespmem:$0xC180] =	vst v63  }
0x23: {  	v3 =	vadd.s32 v1, v3  }
0x24: {  	[tilespmem:s9], [sflag:$0x1] =	stream.indirect_vreg.gather [hbm4b:s4+s3], $0x80, v4, vm0, $0xb8;
	[tilespmem:$0xC180] =	vst v63  }
0x25: {  	_ = 	snop  }
0x26: {  	[tilespmem:s10], [sflag:$0x1] =	stream.indirect_vreg.gather [hbm4b:s5+s3], $0x80, v4, vm0, $0xb8;
	[tilespmem:$0xC180] =	vst v63  }
0x27: {  	_ = 	snop  }
0x28: {  	[tilespmem:s11], [sflag:$0x1] =	stream.indirect_vreg.gather [hbm4b:s2+s3], $0x80, v3, vm0, $0xb8;
	[tilespmem:$0xC180] =	vst v63  }
0x29: {  	_ = 	snop  }
0x2a: {  	[tilespmem:s12], [sflag:$0x1] =	stream.indirect_vreg.gather [hbm4b:s4+s3], $0x80, v3, vm0, $0xb8;
	[tilespmem:$0xC180] =	vst v63  }
0x2b: {  	_ = 	snop  }
0x2c: {  	[tilespmem:s13], [sflag:$0x1] =	stream.indirect_vreg.gather [hbm4b:s5+s3], $0x80, v3, vm0, $0xb8;
	[tilespmem:$0xC180] =	vst v63  }
0x2d: {  	v3 =	vld [tilespmem:$0x10];
	_ =	sdelay $0x4  }
0x2e: {  	v45 =	vshrl.u32 v3, $0x3  }
0x2f: {  	v4 =	vmul.u32 $0x30, v45  }
0x30: {  	v3 =	vand.u32 $0x7, v3  }
0x31: {  	v3 =	vor.u32 v3, v4  }
0x32: {  	v4 =	vperm.xlane v3, v0;
	_ =	sdelay $0x1  }
0x33: {  	v4 =	vadd.s32 v1, v4;
	_ =	sdelay $0x3  }
0x34: {  	v3 =	vperm.xlane v3, v2  }
0x35: {  	[tilespmem:s14], [sflag:$0x1] =	stream.indirect_vreg.gather [hbm4b:s2+s3], $0x80, v4, vm0, $0xb8;
	[tilespmem:$0xC180] =	vst v63  }
0x36: {  	v3 =	vadd.s32 v1, v3  }
0x37: {  	[tilespmem:s15], [sflag:$0x1] =	stream.indirect_vreg.gather [hbm4b:s4+s3], $0x80, v4, vm0, $0xb8;
	[tilespmem:$0xC180] =	vst v63  }
0x38: {  	_ = 	snop  }
0x39: {  	[tilespmem:s16], [sflag:$0x1] =	stream.indirect_vreg.gather [hbm4b:s5+s3], $0x80, v4, vm0, $0xb8;
	[tilespmem:$0xC180] =	vst v63  }
0x3a: {  	_ = 	snop  }
0x3b: {  	[tilespmem:s17], [sflag:$0x1] =	stream.indirect_vreg.gather [hbm4b:s2+s3], $0x80, v3, vm0, $0xb8;
	[tilespmem:$0xC180] =	vst v63  }
0x3c: {  	_ = 	snop  }
0x3d: {  	[tilespmem:s18], [sflag:$0x1] =	stream.indirect_vreg.gather [hbm4b:s4+s3], $0x80, v3, vm0, $0xb8;
	[tilespmem:$0xC180] =	vst v63  }
0x3e: {  	_ = 	snop  }
0x3f: {  	[tilespmem:s19], [sflag:$0x1] =	stream.indirect_vreg.gather [hbm4b:s5+s3], $0x80, v3, vm0, $0xb8;
	[tilespmem:$0xC180] =	vst v63  }
0x40: {  	v3 =	vld [tilespmem:$0x20];
	_ =	sdelay $0x4  }
0x41: {  	v46 =	vshrl.u32 v3, $0x3  }
0x42: {  	v4 =	vmul.u32 $0x30, v46  }
0x43: {  	v3 =	vand.u32 $0x7, v3  }
0x44: {  	v3 =	vor.u32 v3, v4  }
0x45: {  	v4 =	vperm.xlane v3, v0;
	_ =	sdelay $0x1  }
0x46: {  	v4 =	vadd.s32 v1, v4;
	_ =	sdelay $0x3  }
0x47: {  	v3 =	vperm.xlane v3, v2  }
0x48: {  	[tilespmem:s20], [sflag:$0x1] =	stream.indirect_vreg.gather [hbm4b:s2+s3], $0x80, v4, vm0, $0xb8;
	[tilespmem:$0xC180] =	vst v63  }
0x49: {  	v3 =	vadd.s32 v1, v3  }
0x4a: {  	[tilespmem:s21], [sflag:$0x1] =	stream.indirect_vreg.gather [hbm4b:s4+s3], $0x80, v4, vm0, $0xb8;
	[tilespmem:$0xC180] =	vst v63  }
0x4b: {  	_ = 	snop  }
0x4c: {  	[tilespmem:s22], [sflag:$0x1] =	stream.indirect_vreg.gather [hbm4b:s5+s3], $0x80, v4, vm0, $0xb8;
	[tilespmem:$0xC180] =	vst v63  }
0x4d: {  	_ = 	snop  }
0x4e: {  	[tilespmem:s23], [sflag:$0x1] =	stream.indirect_vreg.gather [hbm4b:s2+s3], $0x80, v3, vm0, $0xb8;
	[tilespmem:$0xC180] =	vst v63  }
0x4f: {  	_ = 	snop  }
0x50: {  	[tilespmem:s24], [sflag:$0x1] =	stream.indirect_vreg.gather [hbm4b:s4+s3], $0x80, v3, vm0, $0xb8;
	[tilespmem:$0xC180] =	vst v63  }
0x51: {  	_ = 	snop  }
0x52: {  	[tilespmem:s25], [sflag:$0x1] =	stream.indirect_vreg.gather [hbm4b:s5+s3], $0x80, v3, vm0, $0xb8;
	[tilespmem:$0xC180] =	vst v63  }
0x53: {  	v3 =	vld [tilespmem:$0x30];
	_ =	sdelay $0x4  }
0x54: {  	v47 =	vshrl.u32 v3, $0x3  }
0x55: {  	v4 =	vmul.u32 $0x30, v47  }
0x56: {  	v3 =	vand.u32 $0x7, v3  }
0x57: {  	v3 =	vor.u32 v3, v4  }
0x58: {  	v4 =	vperm.xlane v3, v0;
	_ =	sdelay $0x1  }
0x59: {  	v4 =	vadd.s32 v1, v4;
	_ =	sdelay $0x3  }
0x5a: {  	v3 =	vperm.xlane v3, v2  }
0x5b: {  	[tilespmem:s26], [sflag:$0x1] =	stream.indirect_vreg.gather [hbm4b:s2+s3], $0x80, v4, vm0, $0xb8;
	[tilespmem:$0xC180] =	vst v63  }
0x5c: {  	v3 =	vadd.s32 v1, v3  }
0x5d: {  	[tilespmem:s28], [sflag:$0x1] =	stream.indirect_vreg.gather [hbm4b:s4+s3], $0x80, v4, vm0, $0xb8;
	[tilespmem:$0xC180] =	vst v63  }
0x5e: {  	_ = 	snop  }
0x5f: {  	[tilespmem:s29], [sflag:$0x1] =	stream.indirect_vreg.gather [hbm4b:s5+s3], $0x80, v4, vm0, $0xb8;
	[tilespmem:$0xC180] =	vst v63  }
0x60: {  	_ = 	snop  }
0x61: {  	[tilespmem:s30], [sflag:$0x1] =	stream.indirect_vreg.gather [hbm4b:s2+s3], $0x80, v3, vm0, $0xb8;
	[tilespmem:$0xC180] =	vst v63  }
0x62: {  	_ = 	snop  }
0x63: {  	[tilespmem:s31], [sflag:$0x1] =	stream.indirect_vreg.gather [hbm4b:s4+s3], $0x80, v3, vm0, $0xb8;
	[tilespmem:$0xC180] =	vst v63  }
0x64: {  	_ = 	snop  }
0x65: {  	[tilespmem:s1], [sflag:$0x1] =	stream.indirect_vreg.gather [hbm4b:s5+s3], $0x80, v3, vm0, $0xb8;
	[tilespmem:$0xC180] =	vst v63  }
0x66: {  	_ =	swait.ge [sflag:s7], $0xC000  }
0x67: {  	[sflag:s7] =	ssyncset.done $0x0  }
0x68: {  	s0 =	rddreg [dreg:$0x5];
	[sflag:s7] =	ssyncadd.s32 $0xFFFF4000  }
0x69: {  	[hbm4b:s0+s3] =	stream.linear.scatter [tilespmem:s8], [sflag:$0x1], $0xC000, $0x38;
	[tilespmem:$0xC180] =	vst v63  }
0x6a: {  	_ =	swait.ge [sflag:s7], $0xC000  }
0x6b: {  	[sflag:s7] =	ssyncset.done $0x0  }
0x6c: {  	[sflag:s7] =	ssyncadd.s32 $0xFFFF4000  }
0x6d: {  	v3 =	vld [tilespmem:$0x40];
	_ =	sdelay $0x4  }
0x6e: {  	v48 =	vshrl.u32 v3, $0x3  }
0x6f: {  	v4 =	vmul.u32 $0x30, v48  }
0x70: {  	v3 =	vand.u32 $0x7, v3  }
0x71: {  	v3 =	vor.u32 v3, v4  }
0x72: {  	v4 =	vperm.xlane v3, v0;
	_ =	sdelay $0x1  }
0x73: {  	v4 =	vadd.s32 v1, v4;
	_ =	sdelay $0x3  }
0x74: {  	v3 =	vperm.xlane v3, v2  }
0x75: {  	[tilespmem:s8], [sflag:$0x1] =	stream.indirect_vreg.gather [hbm4b:s2+s3], $0x80, v4, vm0, $0xb8;
	[tilespmem:$0xC180] =	vst v63  }
0x76: {  	v3 =	vadd.s32 v1, v3  }
0x77: {  	[tilespmem:s9], [sflag:$0x1] =	stream.indirect_vreg.gather [hbm4b:s4+s3], $0x80, v4, vm0, $0xb8;
	[tilespmem:$0xC180] =	vst v63  }
0x78: {  	_ = 	snop  }
0x79: {  	[tilespmem:s10], [sflag:$0x1] =	stream.indirect_vreg.gather [hbm4b:s5+s3], $0x80, v4, vm0, $0xb8;
	[tilespmem:$0xC180] =	vst v63  }
0x7a: {  	_ = 	snop  }
0x7b: {  	[tilespmem:s11], [sflag:$0x1] =	stream.indirect_vreg.gather [hbm4b:s2+s3], $0x80, v3, vm0, $0xb8;
	[tilespmem:$0xC180] =	vst v63  }
0x7c: {  	_ = 	snop  }
0x7d: {  	[tilespmem:s12], [sflag:$0x1] =	stream.indirect_vreg.gather [hbm4b:s4+s3], $0x80, v3, vm0, $0xb8;
	[tilespmem:$0xC180] =	vst v63  }
0x7e: {  	_ = 	snop  }
0x7f: {  	[tilespmem:s13], [sflag:$0x1] =	stream.indirect_vreg.gather [hbm4b:s5+s3], $0x80, v3, vm0, $0xb8;
	[tilespmem:$0xC180] =	vst v63  }
0x80: {  	v3 =	vld [tilespmem:$0x50];
	_ =	sdelay $0x4  }
0x81: {  	v49 =	vshrl.u32 v3, $0x3  }
0x82: {  	v4 =	vmul.u32 $0x30, v49  }
0x83: {  	v3 =	vand.u32 $0x7, v3  }
0x84: {  	v3 =	vor.u32 v3, v4  }
0x85: {  	v4 =	vperm.xlane v3, v0;
	_ =	sdelay $0x1  }
0x86: {  	v4 =	vadd.s32 v1, v4;
	_ =	sdelay $0x3  }
0x87: {  	v3 =	vperm.xlane v3, v2  }
0x88: {  	[tilespmem:s14], [sflag:$0x1] =	stream.indirect_vreg.gather [hbm4b:s2+s3], $0x80, v4, vm0, $0xb8;
	[tilespmem:$0xC180] =	vst v63  }
0x89: {  	v3 =	vadd.s32 v1, v3  }
0x8a: {  	[tilespmem:s15], [sflag:$0x1] =	stream.indirect_vreg.gather [hbm4b:s4+s3], $0x80, v4, vm0, $0xb8;
	[tilespmem:$0xC180] =	vst v63  }
0x8b: {  	_ = 	snop  }
0x8c: {  	[tilespmem:s16], [sflag:$0x1] =	stream.indirect_vreg.gather [hbm4b:s5+s3], $0x80, v4, vm0, $0xb8;
	[tilespmem:$0xC180] =	vst v63  }
0x8d: {  	_ = 	snop  }
0x8e: {  	[tilespmem:s17], [sflag:$0x1] =	stream.indirect_vreg.gather [hbm4b:s2+s3], $0x80, v3, vm0, $0xb8;
	[tilespmem:$0xC180] =	vst v63  }
0x8f: {  	_ = 	snop  }
0x90: {  	[tilespmem:s18], [sflag:$0x1] =	stream.indirect_vreg.gather [hbm4b:s4+s3], $0x80, v3, vm0, $0xb8;
	[tilespmem:$0xC180] =	vst v63  }
0x91: {  	_ = 	snop  }
0x92: {  	[tilespmem:s19], [sflag:$0x1] =	stream.indirect_vreg.gather [hbm4b:s5+s3], $0x80, v3, vm0, $0xb8;
	[tilespmem:$0xC180] =	vst v63  }
0x93: {  	v3 =	vld [tilespmem:$0x60];
	_ =	sdelay $0x4  }
0x94: {  	v50 =	vshrl.u32 v3, $0x3  }
0x95: {  	v4 =	vmul.u32 $0x30, v50  }
0x96: {  	v3 =	vand.u32 $0x7, v3  }
0x97: {  	v3 =	vor.u32 v3, v4  }
0x98: {  	v4 =	vperm.xlane v3, v0;
	_ =	sdelay $0x1  }
0x99: {  	v4 =	vadd.s32 v1, v4;
	_ =	sdelay $0x3  }
0x9a: {  	v3 =	vperm.xlane v3, v2  }
0x9b: {  	[tilespmem:s20], [sflag:$0x1] =	stream.indirect_vreg.gather [hbm4b:s2+s3], $0x80, v4, vm0, $0xb8;
	[tilespmem:$0xC180] =	vst v63  }
0x9c: {  	v3 =	vadd.s32 v1, v3  }
0x9d: {  	[tilespmem:s21], [sflag:$0x1] =	stream.indirect_vreg.gather [hbm4b:s4+s3], $0x80, v4, vm0, $0xb8;
	[tilespmem:$0xC180] =	vst v63  }
0x9e: {  	_ = 	snop  }
0x9f: {  	[tilespmem:s22], [sflag:$0x1] =	stream.indirect_vreg.gather [hbm4b:s5+s3], $0x80, v4, vm0, $0xb8;
	[tilespmem:$0xC180] =	vst v63  }
0xa0: {  	_ = 	snop  }
0xa1: {  	[tilespmem:s23], [sflag:$0x1] =	stream.indirect_vreg.gather [hbm4b:s2+s3], $0x80, v3, vm0, $0xb8;
	[tilespmem:$0xC180] =	vst v63  }
0xa2: {  	_ = 	snop  }
0xa3: {  	[tilespmem:s24], [sflag:$0x1] =	stream.indirect_vreg.gather [hbm4b:s4+s3], $0x80, v3, vm0, $0xb8;
	[tilespmem:$0xC180] =	vst v63  }
0xa4: {  	_ = 	snop  }
0xa5: {  	[tilespmem:s25], [sflag:$0x1] =	stream.indirect_vreg.gather [hbm4b:s5+s3], $0x80, v3, vm0, $0xb8;
	[tilespmem:$0xC180] =	vst v63  }
0xa6: {  	v3 =	vld [tilespmem:$0x70];
	_ =	sdelay $0x4  }
0xa7: {  	v51 =	vshrl.u32 v3, $0x3  }
0xa8: {  	v4 =	vmul.u32 $0x30, v51  }
0xa9: {  	v3 =	vand.u32 $0x7, v3  }
0xaa: {  	v3 =	vor.u32 v3, v4  }
0xab: {  	v4 =	vperm.xlane v3, v0;
	_ =	sdelay $0x1  }
0xac: {  	v4 =	vadd.s32 v1, v4;
	_ =	sdelay $0x3  }
0xad: {  	v3 =	vperm.xlane v3, v2  }
0xae: {  	[tilespmem:s26], [sflag:$0x1] =	stream.indirect_vreg.gather [hbm4b:s2+s3], $0x80, v4, vm0, $0xb8;
	[tilespmem:$0xC180] =	vst v63  }
0xaf: {  	v3 =	vadd.s32 v1, v3  }
0xb0: {  	[tilespmem:s28], [sflag:$0x1] =	stream.indirect_vreg.gather [hbm4b:s4+s3], $0x80, v4, vm0, $0xb8;
	[tilespmem:$0xC180] =	vst v63  }
0xb1: {  	_ = 	snop  }
0xb2: {  	[tilespmem:s29], [sflag:$0x1] =	stream.indirect_vreg.gather [hbm4b:s5+s3], $0x80, v4, vm0, $0xb8;
	[tilespmem:$0xC180] =	vst v63  }
0xb3: {  	_ = 	snop  }
0xb4: {  	[tilespmem:s30], [sflag:$0x1] =	stream.indirect_vreg.gather [hbm4b:s2+s3], $0x80, v3, vm0, $0xb8;
	[tilespmem:$0xC180] =	vst v63  }
0xb5: {  	_ = 	snop  }
0xb6: {  	[tilespmem:s31], [sflag:$0x1] =	stream.indirect_vreg.gather [hbm4b:s4+s3], $0x80, v3, vm0, $0xb8;
	[tilespmem:$0xC180] =	vst v63  }
0xb7: {  	_ = 	snop  }
0xb8: {  	[tilespmem:s1], [sflag:$0x1] =	stream.indirect_vreg.gather [hbm4b:s5+s3], $0x80, v3, vm0, $0xb8;
	[tilespmem:$0xC180] =	vst v63  }
0xb9: {  	_ =	swait.ge [sflag:s7], $0xC000  }
0xba: {  	[sflag:s7] =	ssyncset.done $0x0  }
0xbb: {  	s0 =	rddreg [dreg:$0x6];
	[sflag:s7] =	ssyncadd.s32 $0xFFFF4000  }
0xbc: {  	[hbm4b:s0+s3] =	stream.linear.scatter [tilespmem:s8], [sflag:$0x1], $0xC000, $0x38;
	[tilespmem:$0xC180] =	vst v63  }
0xbd: {  	_ =	swait.ge [sflag:s7], $0xC000  }
0xbe: {  	[sflag:s7] =	ssyncset.done $0x0  }
0xbf: {  	[sflag:s7] =	ssyncadd.s32 $0xFFFF4000  }
0xc0: {  	v3 =	vld [tilespmem:$0x80];
	_ =	sdelay $0x4  }
0xc1: {  	v52 =	vshrl.u32 v3, $0x3  }
0xc2: {  	v4 =	vmul.u32 $0x30, v52  }
0xc3: {  	v3 =	vand.u32 $0x7, v3  }
0xc4: {  	v3 =	vor.u32 v3, v4  }
0xc5: {  	v4 =	vperm.xlane v3, v0;
	_ =	sdelay $0x1  }
0xc6: {  	v4 =	vadd.s32 v1, v4;
	_ =	sdelay $0x3  }
0xc7: {  	v3 =	vperm.xlane v3, v2  }
0xc8: {  	[tilespmem:s8], [sflag:$0x1] =	stream.indirect_vreg.gather [hbm4b:s2+s3], $0x80, v4, vm0, $0xb8;
	[tilespmem:$0xC180] =	vst v63  }
0xc9: {  	v3 =	vadd.s32 v1, v3  }
0xca: {  	[tilespmem:s9], [sflag:$0x1] =	stream.indirect_vreg.gather [hbm4b:s4+s3], $0x80, v4, vm0, $0xb8;
	[tilespmem:$0xC180] =	vst v63  }
0xcb: {  	_ = 	snop  }
0xcc: {  	[tilespmem:s10], [sflag:$0x1] =	stream.indirect_vreg.gather [hbm4b:s5+s3], $0x80, v4, vm0, $0xb8;
	[tilespmem:$0xC180] =	vst v63  }
0xcd: {  	_ = 	snop  }
0xce: {  	[tilespmem:s11], [sflag:$0x1] =	stream.indirect_vreg.gather [hbm4b:s2+s3], $0x80, v3, vm0, $0xb8;
	[tilespmem:$0xC180] =	vst v63  }
0xcf: {  	_ = 	snop  }
0xd0: {  	[tilespmem:s12], [sflag:$0x1] =	stream.indirect_vreg.gather [hbm4b:s4+s3], $0x80, v3, vm0, $0xb8;
	[tilespmem:$0xC180] =	vst v63  }
0xd1: {  	_ = 	snop  }
0xd2: {  	[tilespmem:s13], [sflag:$0x1] =	stream.indirect_vreg.gather [hbm4b:s5+s3], $0x80, v3, vm0, $0xb8;
	[tilespmem:$0xC180] =	vst v63  }
0xd3: {  	v3 =	vld [tilespmem:$0x90];
	_ =	sdelay $0x4  }
0xd4: {  	v53 =	vshrl.u32 v3, $0x3  }
0xd5: {  	v4 =	vmul.u32 $0x30, v53  }
0xd6: {  	v3 =	vand.u32 $0x7, v3  }
0xd7: {  	v3 =	vor.u32 v3, v4  }
0xd8: {  	v4 =	vperm.xlane v3, v0;
	_ =	sdelay $0x1  }
0xd9: {  	v4 =	vadd.s32 v1, v4;
	_ =	sdelay $0x3  }
0xda: {  	v3 =	vperm.xlane v3, v2  }
0xdb: {  	[tilespmem:s14], [sflag:$0x1] =	stream.indirect_vreg.gather [hbm4b:s2+s3], $0x80, v4, vm0, $0xb8;
	[tilespmem:$0xC180] =	vst v63  }
0xdc: {  	v3 =	vadd.s32 v1, v3  }
0xdd: {  	[tilespmem:s15], [sflag:$0x1] =	stream.indirect_vreg.gather [hbm4b:s4+s3], $0x80, v4, vm0, $0xb8;
	[tilespmem:$0xC180] =	vst v63  }
0xde: {  	_ = 	snop  }
0xdf: {  	[tilespmem:s16], [sflag:$0x1] =	stream.indirect_vreg.gather [hbm4b:s5+s3], $0x80, v4, vm0, $0xb8;
	[tilespmem:$0xC180] =	vst v63  }
0xe0: {  	_ = 	snop  }
0xe1: {  	[tilespmem:s17], [sflag:$0x1] =	stream.indirect_vreg.gather [hbm4b:s2+s3], $0x80, v3, vm0, $0xb8;
	[tilespmem:$0xC180] =	vst v63  }
0xe2: {  	_ = 	snop  }
0xe3: {  	[tilespmem:s18], [sflag:$0x1] =	stream.indirect_vreg.gather [hbm4b:s4+s3], $0x80, v3, vm0, $0xb8;
	[tilespmem:$0xC180] =	vst v63  }
0xe4: {  	_ = 	snop  }
0xe5: {  	[tilespmem:s19], [sflag:$0x1] =	stream.indirect_vreg.gather [hbm4b:s5+s3], $0x80, v3, vm0, $0xb8;
	[tilespmem:$0xC180] =	vst v63  }
0xe6: {  	v3 =	vld [tilespmem:$0xA0];
	_ =	sdelay $0x4  }
0xe7: {  	v54 =	vshrl.u32 v3, $0x3  }
0xe8: {  	v4 =	vmul.u32 $0x30, v54  }
0xe9: {  	v3 =	vand.u32 $0x7, v3  }
0xea: {  	v3 =	vor.u32 v3, v4  }
0xeb: {  	v4 =	vperm.xlane v3, v0;
	_ =	sdelay $0x1  }
0xec: {  	v4 =	vadd.s32 v1, v4;
	_ =	sdelay $0x3  }
0xed: {  	v3 =	vperm.xlane v3, v2  }
0xee: {  	[tilespmem:s20], [sflag:$0x1] =	stream.indirect_vreg.gather [hbm4b:s2+s3], $0x80, v4, vm0, $0xb8;
	[tilespmem:$0xC180] =	vst v63  }
0xef: {  	v3 =	vadd.s32 v1, v3  }
0xf0: {  	[tilespmem:s21], [sflag:$0x1] =	stream.indirect_vreg.gather [hbm4b:s4+s3], $0x80, v4, vm0, $0xb8;
	[tilespmem:$0xC180] =	vst v63  }
0xf1: {  	_ = 	snop  }
0xf2: {  	[tilespmem:s22], [sflag:$0x1] =	stream.indirect_vreg.gather [hbm4b:s5+s3], $0x80, v4, vm0, $0xb8;
	[tilespmem:$0xC180] =	vst v63  }
0xf3: {  	_ = 	snop  }
0xf4: {  	[tilespmem:s23], [sflag:$0x1] =	stream.indirect_vreg.gather [hbm4b:s2+s3], $0x80, v3, vm0, $0xb8;
	[tilespmem:$0xC180] =	vst v63  }
0xf5: {  	_ = 	snop  }
0xf6: {  	[tilespmem:s24], [sflag:$0x1] =	stream.indirect_vreg.gather [hbm4b:s4+s3], $0x80, v3, vm0, $0xb8;
	[tilespmem:$0xC180] =	vst v63  }
0xf7: {  	_ = 	snop  }
0xf8: {  	[tilespmem:s25], [sflag:$0x1] =	stream.indirect_vreg.gather [hbm4b:s5+s3], $0x80, v3, vm0, $0xb8;
	[tilespmem:$0xC180] =	vst v63  }
0xf9: {  	v3 =	vld [tilespmem:$0xB0];
	_ =	sdelay $0x4  }
0xfa: {  	v55 =	vshrl.u32 v3, $0x3  }
0xfb: {  	v4 =	vmul.u32 $0x30, v55  }
0xfc: {  	v3 =	vand.u32 $0x7, v3  }
0xfd: {  	v3 =	vor.u32 v3, v4  }
0xfe: {  	v4 =	vperm.xlane v3, v0;
	_ =	sdelay $0x1  }
0xff: {  	v4 =	vadd.s32 v1, v4;
	_ =	sdelay $0x3  }
0x100: {  	v3 =	vperm.xlane v3, v2  }
0x101: {  	[tilespmem:s26], [sflag:$0x1] =	stream.indirect_vreg.gather [hbm4b:s2+s3], $0x80, v4, vm0, $0xb8;
	[tilespmem:$0xC180] =	vst v63  }
0x102: {  	v3 =	vadd.s32 v1, v3  }
0x103: {  	[tilespmem:s28], [sflag:$0x1] =	stream.indirect_vreg.gather [hbm4b:s4+s3], $0x80, v4, vm0, $0xb8;
	[tilespmem:$0xC180] =	vst v63  }
0x104: {  	_ = 	snop  }
0x105: {  	[tilespmem:s29], [sflag:$0x1] =	stream.indirect_vreg.gather [hbm4b:s5+s3], $0x80, v4, vm0, $0xb8;
	[tilespmem:$0xC180] =	vst v63  }
0x106: {  	_ = 	snop  }
0x107: {  	[tilespmem:s30], [sflag:$0x1] =	stream.indirect_vreg.gather [hbm4b:s2+s3], $0x80, v3, vm0, $0xb8;
	[tilespmem:$0xC180] =	vst v63  }
0x108: {  	_ = 	snop  }
0x109: {  	[tilespmem:s31], [sflag:$0x1] =	stream.indirect_vreg.gather [hbm4b:s4+s3], $0x80, v3, vm0, $0xb8;
	[tilespmem:$0xC180] =	vst v63  }
0x10a: {  	_ = 	snop  }
0x10b: {  	[tilespmem:s1], [sflag:$0x1] =	stream.indirect_vreg.gather [hbm4b:s5+s3], $0x80, v3, vm0, $0xb8;
	[tilespmem:$0xC180] =	vst v63  }
0x10c: {  	_ =	swait.ge [sflag:s7], $0xC000  }
0x10d: {  	[sflag:s7] =	ssyncset.done $0x0  }
0x10e: {  	s0 =	rddreg [dreg:$0x7];
	[sflag:s7] =	ssyncadd.s32 $0xFFFF4000  }
0x10f: {  	[hbm4b:s0+s3] =	stream.linear.scatter [tilespmem:s8], [sflag:$0x1], $0xC000, $0x38;
	[tilespmem:$0xC180] =	vst v63  }
0x110: {  	_ =	swait.ge [sflag:s7], $0xC000  }
0x111: {  	[sflag:s7] =	ssyncset.done $0x0  }
0x112: {  	[sflag:s7] =	ssyncadd.s32 $0xFFFF4000  }
0x113: {  	v3 =	vld [tilespmem:$0xC0];
	_ =	sdelay $0x4  }
0x114: {  	v56 =	vshrl.u32 v3, $0x3  }
0x115: {  	v4 =	vmul.u32 $0x30, v56  }
0x116: {  	v3 =	vand.u32 $0x7, v3  }
0x117: {  	v3 =	vor.u32 v3, v4  }
0x118: {  	v4 =	vperm.xlane v3, v0;
	_ =	sdelay $0x1  }
0x119: {  	v4 =	vadd.s32 v1, v4;
	_ =	sdelay $0x3  }
0x11a: {  	v3 =	vperm.xlane v3, v2  }
0x11b: {  	[tilespmem:s8], [sflag:$0x1] =	stream.indirect_vreg.gather [hbm4b:s2+s3], $0x80, v4, vm0, $0xb8;
	[tilespmem:$0xC180] =	vst v63  }
0x11c: {  	v3 =	vadd.s32 v1, v3  }
0x11d: {  	[tilespmem:s9], [sflag:$0x1] =	stream.indirect_vreg.gather [hbm4b:s4+s3], $0x80, v4, vm0, $0xb8;
	[tilespmem:$0xC180] =	vst v63  }
0x11e: {  	_ = 	snop  }
0x11f: {  	[tilespmem:s10], [sflag:$0x1] =	stream.indirect_vreg.gather [hbm4b:s5+s3], $0x80, v4, vm0, $0xb8;
	[tilespmem:$0xC180] =	vst v63  }
0x120: {  	_ = 	snop  }
0x121: {  	[tilespmem:s11], [sflag:$0x1] =	stream.indirect_vreg.gather [hbm4b:s2+s3], $0x80, v3, vm0, $0xb8;
	[tilespmem:$0xC180] =	vst v63  }
0x122: {  	_ = 	snop  }
0x123: {  	[tilespmem:s12], [sflag:$0x1] =	stream.indirect_vreg.gather [hbm4b:s4+s3], $0x80, v3, vm0, $0xb8;
	[tilespmem:$0xC180] =	vst v63  }
0x124: {  	_ = 	snop  }
0x125: {  	[tilespmem:s13], [sflag:$0x1] =	stream.indirect_vreg.gather [hbm4b:s5+s3], $0x80, v3, vm0, $0xb8;
	[tilespmem:$0xC180] =	vst v63  }
0x126: {  	v3 =	vld [tilespmem:$0xD0];
	_ =	sdelay $0x4  }
0x127: {  	v57 =	vshrl.u32 v3, $0x3  }
0x128: {  	v4 =	vmul.u32 $0x30, v57  }
0x129: {  	v3 =	vand.u32 $0x7, v3  }
0x12a: {  	v3 =	vor.u32 v3, v4  }
0x12b: {  	v4 =	vperm.xlane v3, v0;
	_ =	sdelay $0x1  }
0x12c: {  	v4 =	vadd.s32 v1, v4;
	_ =	sdelay $0x3  }
0x12d: {  	v3 =	vperm.xlane v3, v2  }
0x12e: {  	[tilespmem:s14], [sflag:$0x1] =	stream.indirect_vreg.gather [hbm4b:s2+s3], $0x80, v4, vm0, $0xb8;
	[tilespmem:$0xC180] =	vst v63  }
0x12f: {  	v3 =	vadd.s32 v1, v3  }
0x130: {  	[tilespmem:s15], [sflag:$0x1] =	stream.indirect_vreg.gather [hbm4b:s4+s3], $0x80, v4, vm0, $0xb8;
	[tilespmem:$0xC180] =	vst v63  }
0x131: {  	_ = 	snop  }
0x132: {  	[tilespmem:s16], [sflag:$0x1] =	stream.indirect_vreg.gather [hbm4b:s5+s3], $0x80, v4, vm0, $0xb8;
	[tilespmem:$0xC180] =	vst v63  }
0x133: {  	_ = 	snop  }
0x134: {  	[tilespmem:s17], [sflag:$0x1] =	stream.indirect_vreg.gather [hbm4b:s2+s3], $0x80, v3, vm0, $0xb8;
	[tilespmem:$0xC180] =	vst v63  }
0x135: {  	_ = 	snop  }
0x136: {  	[tilespmem:s18], [sflag:$0x1] =	stream.indirect_vreg.gather [hbm4b:s4+s3], $0x80, v3, vm0, $0xb8;
	[tilespmem:$0xC180] =	vst v63  }
0x137: {  	_ = 	snop  }
0x138: {  	[tilespmem:s19], [sflag:$0x1] =	stream.indirect_vreg.gather [hbm4b:s5+s3], $0x80, v3, vm0, $0xb8;
	[tilespmem:$0xC180] =	vst v63  }
0x139: {  	v3 =	vld [tilespmem:$0xE0];
	_ =	sdelay $0x4  }
0x13a: {  	v58 =	vshrl.u32 v3, $0x3  }
0x13b: {  	v4 =	vmul.u32 $0x30, v58  }
0x13c: {  	v3 =	vand.u32 $0x7, v3  }
0x13d: {  	v3 =	vor.u32 v3, v4  }
0x13e: {  	v4 =	vperm.xlane v3, v0;
	_ =	sdelay $0x1  }
0x13f: {  	v4 =	vadd.s32 v1, v4;
	_ =	sdelay $0x3  }
0x140: {  	v3 =	vperm.xlane v3, v2  }
0x141: {  	[tilespmem:s20], [sflag:$0x1] =	stream.indirect_vreg.gather [hbm4b:s2+s3], $0x80, v4, vm0, $0xb8;
	[tilespmem:$0xC180] =	vst v63  }
0x142: {  	v3 =	vadd.s32 v1, v3  }
0x143: {  	[tilespmem:s21], [sflag:$0x1] =	stream.indirect_vreg.gather [hbm4b:s4+s3], $0x80, v4, vm0, $0xb8;
	[tilespmem:$0xC180] =	vst v63  }
0x144: {  	_ = 	snop  }
0x145: {  	[tilespmem:s22], [sflag:$0x1] =	stream.indirect_vreg.gather [hbm4b:s5+s3], $0x80, v4, vm0, $0xb8;
	[tilespmem:$0xC180] =	vst v63  }
0x146: {  	_ = 	snop  }
0x147: {  	[tilespmem:s23], [sflag:$0x1] =	stream.indirect_vreg.gather [hbm4b:s2+s3], $0x80, v3, vm0, $0xb8;
	[tilespmem:$0xC180] =	vst v63  }
0x148: {  	_ = 	snop  }
0x149: {  	[tilespmem:s24], [sflag:$0x1] =	stream.indirect_vreg.gather [hbm4b:s4+s3], $0x80, v3, vm0, $0xb8;
	[tilespmem:$0xC180] =	vst v63  }
0x14a: {  	_ = 	snop  }
0x14b: {  	[tilespmem:s25], [sflag:$0x1] =	stream.indirect_vreg.gather [hbm4b:s5+s3], $0x80, v3, vm0, $0xb8;
	[tilespmem:$0xC180] =	vst v63  }
0x14c: {  	v3 =	vld [tilespmem:$0xF0];
	_ =	sdelay $0x4  }
0x14d: {  	v59 =	vshrl.u32 v3, $0x3  }
0x14e: {  	v4 =	vmul.u32 $0x30, v59  }
0x14f: {  	v3 =	vand.u32 $0x7, v3  }
0x150: {  	v3 =	vor.u32 v3, v4  }
0x151: {  	v4 =	vperm.xlane v3, v0;
	_ =	sdelay $0x1  }
0x152: {  	v4 =	vadd.s32 v1, v4;
	_ =	sdelay $0x3  }
0x153: {  	v3 =	vperm.xlane v3, v2  }
0x154: {  	[tilespmem:s26], [sflag:$0x1] =	stream.indirect_vreg.gather [hbm4b:s2+s3], $0x80, v4, vm0, $0xb8;
	[tilespmem:$0xC180] =	vst v63  }
0x155: {  	v3 =	vadd.s32 v1, v3  }
0x156: {  	[tilespmem:s28], [sflag:$0x1] =	stream.indirect_vreg.gather [hbm4b:s4+s3], $0x80, v4, vm0, $0xb8;
	[tilespmem:$0xC180] =	vst v63  }
0x157: {  	_ = 	snop  }
0x158: {  	[tilespmem:s29], [sflag:$0x1] =	stream.indirect_vreg.gather [hbm4b:s5+s3], $0x80, v4, vm0, $0xb8;
	[tilespmem:$0xC180] =	vst v63  }
0x159: {  	_ = 	snop  }
0x15a: {  	[tilespmem:s30], [sflag:$0x1] =	stream.indirect_vreg.gather [hbm4b:s2+s3], $0x80, v3, vm0, $0xb8;
	[tilespmem:$0xC180] =	vst v63  }
0x15b: {  	_ = 	snop  }
0x15c: {  	[tilespmem:s31], [sflag:$0x1] =	stream.indirect_vreg.gather [hbm4b:s4+s3], $0x80, v3, vm0, $0xb8;
	[tilespmem:$0xC180] =	vst v63  }
0x15d: {  	_ = 	snop  }
0x15e: {  	[tilespmem:s1], [sflag:$0x1] =	stream.indirect_vreg.gather [hbm4b:s5+s3], $0x80, v3, vm0, $0xb8;
	[tilespmem:$0xC180] =	vst v63  }
0x15f: {  	_ =	swait.ge [sflag:s7], $0xC000  }
0x160: {  	[sflag:s7] =	ssyncset.done $0x0  }
0x161: {  	s0 =	rddreg [dreg:$0x8];
	[sflag:s7] =	ssyncadd.s32 $0xFFFF4000  }
0x162: {  	[hbm4b:s0+s3] =	stream.linear.scatter [tilespmem:s8], [sflag:$0x1], $0xC000, $0x38;
	[tilespmem:$0xC180] =	vst v63  }
0x163: {  	_ =	swait.ge [sflag:s7], $0xC000  }
0x164: {  	[sflag:s7] =	ssyncset.done $0x0  }
0x165: {  	[sflag:s7] =	ssyncadd.s32 $0xFFFF4000  }
0x166: {  	v3 =	vld [tilespmem:$0x100];
	_ =	sdelay $0x4  }
0x167: {  	v60 =	vshrl.u32 v3, $0x3  }
0x168: {  	v4 =	vmul.u32 $0x30, v60  }
0x169: {  	v3 =	vand.u32 $0x7, v3  }
0x16a: {  	v3 =	vor.u32 v3, v4  }
0x16b: {  	v4 =	vperm.xlane v3, v0;
	_ =	sdelay $0x1  }
0x16c: {  	v4 =	vadd.s32 v1, v4;
	_ =	sdelay $0x3  }
0x16d: {  	v3 =	vperm.xlane v3, v2  }
0x16e: {  	[tilespmem:s8], [sflag:$0x1] =	stream.indirect_vreg.gather [hbm4b:s2+s3], $0x80, v4, vm0, $0xb8;
	[tilespmem:$0xC180] =	vst v63  }
0x16f: {  	v3 =	vadd.s32 v1, v3  }
0x170: {  	[tilespmem:s9], [sflag:$0x1] =	stream.indirect_vreg.gather [hbm4b:s4+s3], $0x80, v4, vm0, $0xb8;
	[tilespmem:$0xC180] =	vst v63  }
0x171: {  	_ = 	snop  }
0x172: {  	[tilespmem:s10], [sflag:$0x1] =	stream.indirect_vreg.gather [hbm4b:s5+s3], $0x80, v4, vm0, $0xb8;
	[tilespmem:$0xC180] =	vst v63  }
0x173: {  	_ = 	snop  }
0x174: {  	[tilespmem:s11], [sflag:$0x1] =	stream.indirect_vreg.gather [hbm4b:s2+s3], $0x80, v3, vm0, $0xb8;
	[tilespmem:$0xC180] =	vst v63  }
0x175: {  	_ = 	snop  }
0x176: {  	[tilespmem:s12], [sflag:$0x1] =	stream.indirect_vreg.gather [hbm4b:s4+s3], $0x80, v3, vm0, $0xb8;
	[tilespmem:$0xC180] =	vst v63  }
0x177: {  	_ = 	snop  }
0x178: {  	[tilespmem:s13], [sflag:$0x1] =	stream.indirect_vreg.gather [hbm4b:s5+s3], $0x80, v3, vm0, $0xb8;
	[tilespmem:$0xC180] =	vst v63  }
0x179: {  	v3 =	vld [tilespmem:$0x110];
	_ =	sdelay $0x4  }
0x17a: {  	v61 =	vshrl.u32 v3, $0x3  }
0x17b: {  	v4 =	vmul.u32 $0x30, v61  }
0x17c: {  	v3 =	vand.u32 $0x7, v3  }
0x17d: {  	v3 =	vor.u32 v3, v4  }
0x17e: {  	v4 =	vperm.xlane v3, v0;
	_ =	sdelay $0x1  }
0x17f: {  	v4 =	vadd.s32 v1, v4;
	_ =	sdelay $0x3  }
0x180: {  	v3 =	vperm.xlane v3, v2  }
0x181: {  	[tilespmem:s14], [sflag:$0x1] =	stream.indirect_vreg.gather [hbm4b:s2+s3], $0x80, v4, vm0, $0xb8;
	[tilespmem:$0xC180] =	vst v63  }
0x182: {  	v3 =	vadd.s32 v1, v3  }
0x183: {  	[tilespmem:s15], [sflag:$0x1] =	stream.indirect_vreg.gather [hbm4b:s4+s3], $0x80, v4, vm0, $0xb8;
	[tilespmem:$0xC180] =	vst v63  }
0x184: {  	_ = 	snop  }
0x185: {  	[tilespmem:s16], [sflag:$0x1] =	stream.indirect_vreg.gather [hbm4b:s5+s3], $0x80, v4, vm0, $0xb8;
	[tilespmem:$0xC180] =	vst v63  }
0x186: {  	_ = 	snop  }
0x187: {  	[tilespmem:s17], [sflag:$0x1] =	stream.indirect_vreg.gather [hbm4b:s2+s3], $0x80, v3, vm0, $0xb8;
	[tilespmem:$0xC180] =	vst v63  }
0x188: {  	_ = 	snop  }
0x189: {  	[tilespmem:s18], [sflag:$0x1] =	stream.indirect_vreg.gather [hbm4b:s4+s3], $0x80, v3, vm0, $0xb8;
	[tilespmem:$0xC180] =	vst v63  }
0x18a: {  	_ = 	snop  }
0x18b: {  	[tilespmem:s19], [sflag:$0x1] =	stream.indirect_vreg.gather [hbm4b:s5+s3], $0x80, v3, vm0, $0xb8;
	[tilespmem:$0xC180] =	vst v63  }
0x18c: {  	v3 =	vld [tilespmem:$0x120];
	_ =	sdelay $0x4  }
0x18d: {  	v62 =	vshrl.u32 v3, $0x3  }
0x18e: {  	v4 =	vmul.u32 $0x30, v62  }
0x18f: {  	v3 =	vand.u32 $0x7, v3  }
0x190: {  	v3 =	vor.u32 v3, v4  }
0x191: {  	v4 =	vperm.xlane v3, v0;
	_ =	sdelay $0x1  }
0x192: {  	v4 =	vadd.s32 v1, v4;
	_ =	sdelay $0x3  }
0x193: {  	v3 =	vperm.xlane v3, v2  }
0x194: {  	[tilespmem:s20], [sflag:$0x1] =	stream.indirect_vreg.gather [hbm4b:s2+s3], $0x80, v4, vm0, $0xb8;
	[tilespmem:$0xC180] =	vst v63  }
0x195: {  	v3 =	vadd.s32 v1, v3  }
0x196: {  	[tilespmem:s21], [sflag:$0x1] =	stream.indirect_vreg.gather [hbm4b:s4+s3], $0x80, v4, vm0, $0xb8;
	[tilespmem:$0xC180] =	vst v63  }
0x197: {  	_ = 	snop  }
0x198: {  	[tilespmem:s22], [sflag:$0x1] =	stream.indirect_vreg.gather [hbm4b:s5+s3], $0x80, v4, vm0, $0xb8;
	[tilespmem:$0xC180] =	vst v63  }
0x199: {  	_ = 	snop  }
0x19a: {  	[tilespmem:s23], [sflag:$0x1] =	stream.indirect_vreg.gather [hbm4b:s2+s3], $0x80, v3, vm0, $0xb8;
	[tilespmem:$0xC180] =	vst v63  }
0x19b: {  	_ = 	snop  }
0x19c: {  	[tilespmem:s24], [sflag:$0x1] =	stream.indirect_vreg.gather [hbm4b:s4+s3], $0x80, v3, vm0, $0xb8;
	[tilespmem:$0xC180] =	vst v63  }
0x19d: {  	_ = 	snop  }
0x19e: {  	[tilespmem:s25], [sflag:$0x1] =	stream.indirect_vreg.gather [hbm4b:s5+s3], $0x80, v3, vm0, $0xb8;
	[tilespmem:$0xC180] =	vst v63  }
0x19f: {  	v3 =	vld [tilespmem:$0x130];
	_ =	sdelay $0x4  }
0x1a0: {  	v63 =	vshrl.u32 v3, $0x3  }
0x1a1: {  	v4 =	vmul.u32 $0x30, v63  }
0x1a2: {  	v3 =	vand.u32 $0x7, v3  }
0x1a3: {  	v3 =	vor.u32 v3, v4  }
0x1a4: {  	v4 =	vperm.xlane v3, v0;
	_ =	sdelay $0x1  }
0x1a5: {  	v4 =	vadd.s32 v1, v4;
	_ =	sdelay $0x3  }
0x1a6: {  	v3 =	vperm.xlane v3, v2  }
0x1a7: {  	[tilespmem:s26], [sflag:$0x1] =	stream.indirect_vreg.gather [hbm4b:s2+s3], $0x80, v4, vm0, $0xb8;
	[tilespmem:$0xC180] =	vst v63  }
0x1a8: {  	v3 =	vadd.s32 v1, v3  }
0x1a9: {  	[tilespmem:s28], [sflag:$0x1] =	stream.indirect_vreg.gather [hbm4b:s4+s3], $0x80, v4, vm0, $0xb8;
	[tilespmem:$0xC180] =	vst v63  }
0x1aa: {  	_ = 	snop  }
0x1ab: {  	[tilespmem:s29], [sflag:$0x1] =	stream.indirect_vreg.gather [hbm4b:s5+s3], $0x80, v4, vm0, $0xb8;
	[tilespmem:$0xC180] =	vst v63  }
0x1ac: {  	_ = 	snop  }
0x1ad: {  	[tilespmem:s30], [sflag:$0x1] =	stream.indirect_vreg.gather [hbm4b:s2+s3], $0x80, v3, vm0, $0xb8;
	[tilespmem:$0xC180] =	vst v63  }
0x1ae: {  	_ = 	snop  }
0x1af: {  	[tilespmem:s31], [sflag:$0x1] =	stream.indirect_vreg.gather [hbm4b:s4+s3], $0x80, v3, vm0, $0xb8;
	[tilespmem:$0xC180] =	vst v63  }
0x1b0: {  	_ = 	snop  }
0x1b1: {  	[tilespmem:s1], [sflag:$0x1] =	stream.indirect_vreg.gather [hbm4b:s5+s3], $0x80, v3, vm0, $0xb8;
	[tilespmem:$0xC180] =	vst v63  }
0x1b2: {  	_ =	swait.ge [sflag:s7], $0xC000  }
0x1b3: {  	p0 =	sne.s32 s6, $0x1;
	[sflag:s7] =	ssyncset.done $0x0  }
.Ltmp0:
0x1b4: {  	s0 =	rddreg [dreg:$0x9];
	[sflag:s7] =	ssyncadd.s32 $0xFFFF4000;
	(pc) =	sbr.rel @p0 .LBB2_1-.Ltmp0, $4  }
0x1b5: {  	[hbm4b:s0+s3] =	stream.linear.scatter [tilespmem:s8], [sflag:$0x1], $0xC000, $0x38;
	[tilespmem:$0xC180] =	vst v63  }
0x1b6: {  	_ =	swait.ge [sflag:s7], $0xC000  }
0x1b7: {  	[sflag:s7] =	ssyncset.done $0x0  }
0x1b8: {  	s6 =	sadd.s32 $0xFFFFFFFF, s6;
	[sflag:s7] =	ssyncadd.s32 $0xFFFF4000  }
0x1b9: {  	_ =	sfence.sel $0x180000  }
0x1ba: {  	[bflag:$0x0] =	sbarrier.arrive $0xFFFF  }
0x1bb: {  	_ =	strace $0x9000004D  }
0x1bc: {  	s0 =	stileid.u32;
	[bflag:$0x2] =	sbarrier.arrive $0xFFFF  }
0x1bd: {  	p0 =	sne.s32 s0, $0x0;
	s0 =	rddreg [dreg:$0x3]  }
0x1be: {  	s0 =	sadd.s32 @!p0 $0x100000, s0  }
0x1bf: {  	[sflag:s0] =	ssyncadd.tile.s32 @!p0 $0x1;
	_ =	shalt  }
.Lfunc_end2:
_tile_overlayer_lowered:
.L_overlay_start_2:
0x1c0: {  	(tag) =	ssettag $0x2  }
0x1c1: {  	s0 =	rddreg [dreg:$0x0];
	s2 =	stileid.u32  }
0x1c2: {  	s1 =	rddreg [dreg:$0x1];
	p0 =	sne.s32 s2, $0x0  }
0x1c3: {  	s3 =	rddreg [dreg:$0x2];
	[bflag:$0x3] =	sbarrier.arrive $0xFFFF;
	s2 =	simm.s32 @!p0 $0x1C01  }
0x1c4: {  	[timem:s3], [sflag:s2] =	dma.local @!p0 [hbm:s0], s1  }
0x1c5: {  	s0 =	simm.s32 @!p0 $0x1  }
0x1c6: {  	_ =	swait.ge @!p0 [sflag:s0], s1  }
0x1c7: {  	s1 =	ssub.s32 @!p0 $0x0, s1;
	[sflag:s0] =	ssyncset.done @!p0 $0x0  }
0x1c8: {  	[sflag:s0] =	ssyncadd.s32 @!p0 s1  }
0x1c9: {  	[bflag:$0x3] =	sbarrier.arrive $0xFFFF  }
0x1ca: {  	_ =	shalt  }

// kernel: kernel.15.cloned.1.call-start
scs
__scs_entry_jumppad:
0x0: {  	(pc) =	sbr.rel $0x88, $3  }
0x1: {  	(tag) =	ssettag $0x0;
	lr =	simm.s32 $0x1  }
0x2: {  	[smem:$0x3F87] =	sst lr;
	_ =	strace $0xD0000000  }
0x3: {  	_ = 	snop  }
0x4: {  	_ = 	snop  }
0x5: {  	_ = 	snop  }
0x6: {  	_ = 	snop  }
0x7: {  	_ = 	snop  }
__scs_overlays_trampoline_lowered:
0x8: {  	[smem:$0x3F96] =	sst s0  }
0x9: {  	[smem:$0x3F97] =	sst s1  }
0xa: {  	[smem:$0x3F98] =	sst s2  }
0xb: {  	[smem:$0x3F99] =	sst s3  }
0xc: {  	[smem:$0x3F9A] =	sst s4  }
0xd: {  	[smem:$0x3F9B] =	sst s5  }
0xe: {  	[smem:$0x3F9C] =	sst s6  }
0xf: {  	[smem:$0x3F9D] =	sst s7  }
0x10: {  	[smem:$0x3F9E] =	sst s8  }
0x11: {  	[smem:$0x3F9F] =	sst s9;
	s0 =	simm.s32 @!p0 $0x0  }
0x12: {  	s1 =	sld [smem:$0x3F85];
	s0 =	simm.s32 @p0 $0x1  }
0x13: {  	[smem:$0x3FA0] =	sst s0;
	s0 =	simm.s32 @!p1 $0x0  }
0x14: {  	s2 =	sld [smem:$0x3F84];
	s0 =	simm.s32 @p1 $0x1  }
0x15: {  	[smem:$0x3FA1] =	sst s0;
	s0 =	simm.s32 @!p2 $0x0  }
0x16: {  	s3 =	sld [smem:$0x3FDB];
	s0 =	simm.s32 @p2 $0x1  }
0x17: {  	s4 =	simm.s32 $0x1BF5;
	[smem:$0x3FA3] =	sst s0  }
0x18: {  	s0 =	sld [smem:$0x3F86];
	_ =	swait.ge [sflag:s4], $0x0  }
0x19: {  	s7 =	sld [smem:$0x3F87]  }
0x1a: {  	s8 =	sadd.s32 $0xFFFFE003, lr  }
0x1b: {  	s9 =	sadd.s32 $0xFFFFFEF7, lr;
	s5 =	simm.s32 $0xFFFFFFFF;
	p2 =	slt.u32 s8, $0xFFFFF086  }
0x1c: {  	p1 =	slt.u32 s9, $0xF7A;
	s5 =	simm.s32 @!p2 $0x0  }
0x1d: {  	s5 =	simm.s32 @p1 $0x1;
	p0 =	seq.s32 s7, s2  }
0x1e: {  	s7 =	smul.u32 @!p0 $0xF7A, s2;
	p2 =	seq.s32 @!p0 s5, $0x0  }
0x1f: {  	s9 =	smul.u32 $0xF7A, s1;
	s8 =	simm.s32 @!p0 $0x1BF5;
	p2 =	por !p2, p0  }
0x20: {  	[sflag:s8] =	ssyncset.s32 @!p0 $0xFFFFF086;
	s6 =	sadd.s32 @!p0 s3, s7;
	s7 =	simm.s32 @!p0 $0x108  }
0x21: {  	s3 =	sadd.s32 s3, s9;
	s6 =	sadd.s32 @!p0 $0x88, s6;
	s7 =	simm.s32 @p2 $0x1082  }
0x22: {  	[simem:s7], [sflag:s8] =	dma.local @!p0 [hbm:s6], $0xF7A  }
0x23: {  	s9 =	sor.u32 $0xD0000000, s2;
	s6 =	simm.s32 $0x108;
	_ =	swait.ge @!p0 [sflag:s8], $0x0  }
0x24: {  	s3 =	sadd.s32 $0x88, s3;
	s6 =	simm.s32 @!p1 $0x1082;
	[sflag:s4] =	ssyncset.s32 $0xFFFFF086  }
0x25: {  	[simem:s6], [sflag:s4] =	dma.local [hbm:s3], $0xF7A  }
0x26: {  	[smem:$0x3F87] =	sst s1;
	(tag) =	ssettag s2;
	_ =	strace s9  }
0x27: {  	s1 =	sld [smem:$0x3F97]  }
0x28: {  	s2 =	sld [smem:$0x3F98]  }
0x29: {  	s4 =	sld [smem:$0x3F9A]  }
0x2a: {  	p0 =	seq.s32 s5, $0x0;
	s5 =	sld [smem:$0x3F9B]  }
0x2b: {  	s6 =	sld [smem:$0x3F9C]  }
0x2c: {  	s7 =	sld [smem:$0x3F9D]  }
0x2d: {  	s3 =	simm.s32 $0x108;
	s8 =	sld [smem:$0x3F9E]  }
0x2e: {  	s3 =	simm.s32 @!p0 $0x1082;
	s9 =	sld [smem:$0x3F9F]  }
0x2f: {  	lr =	sadd.s32 s0, s3;
	s0 =	sld [smem:$0x3F96]  }
0x30: {  	s3 =	sld [smem:$0x3F99]  }
0x31: {  	[smem:$0x3FA2] =	sst s10  }
0x32: {  	s10 =	sld [smem:$0x3FA0];
	_ =	sdelay $0x3  }
0x33: {  	p0 =	seq.s32 s10, $0x1;
	s10 =	sld [smem:$0x3FA2];
	_ =	sdelay $0x3  }
0x34: {  	[smem:$0x3FA2] =	sst s10  }
0x35: {  	s10 =	sld [smem:$0x3FA1];
	_ =	sdelay $0x3  }
0x36: {  	p1 =	seq.s32 s10, $0x1;
	s10 =	sld [smem:$0x3FA2];
	_ =	sdelay $0x3  }
0x37: {  	[smem:$0x3FA2] =	sst s10  }
0x38: {  	s10 =	sld [smem:$0x3FA3]  }
0x39: {  	_ = 	snop;
	(pc) =	sbr.ind lr, $3  }
0x3a: {  	_ = 	snop  }
0x3b: {  	_ = 	snop  }
0x3c: {  	p2 =	seq.s32 s10, $0x1;
	s10 =	sld [smem:$0x3FA2]  }
0x3d: {  	_ =	shalt  }
0x3e: {  	_ =	shalt  }
0x3f: {  	_ =	shalt  }
0x40: {  	_ =	shalt  }
0x41: {  	_ =	shalt  }
0x42: {  	_ =	shalt  }
0x43: {  	_ =	shalt  }
0x44: {  	_ =	shalt  }
0x45: {  	_ =	shalt  }
0x46: {  	_ =	shalt  }
0x47: {  	_ =	shalt  }
0x48: {  	_ =	shalt  }
0x49: {  	_ =	shalt  }
0x4a: {  	_ =	shalt  }
0x4b: {  	_ =	shalt  }
0x4c: {  	_ =	shalt  }
0x4d: {  	_ =	shalt  }
0x4e: {  	_ =	shalt  }
0x4f: {  	_ =	shalt  }
0x50: {  	_ =	shalt  }
0x51: {  	_ =	shalt  }
0x52: {  	_ =	shalt  }
0x53: {  	_ =	shalt  }
0x54: {  	_ =	shalt  }
0x55: {  	_ =	shalt  }
0x56: {  	_ =	shalt  }
0x57: {  	_ =	shalt  }
0x58: {  	_ =	shalt  }
0x59: {  	_ =	shalt  }
0x5a: {  	_ =	shalt  }
0x5b: {  	_ =	shalt  }
0x5c: {  	_ =	shalt  }
0x5d: {  	_ =	shalt  }
0x5e: {  	_ =	shalt  }
0x5f: {  	_ =	shalt  }
0x60: {  	_ =	shalt  }
0x61: {  	_ =	shalt  }
0x62: {  	_ =	shalt  }
0x63: {  	_ =	shalt  }
0x64: {  	_ =	shalt  }
0x65: {  	_ =	shalt  }
0x66: {  	_ =	shalt  }
0x67: {  	_ =	shalt  }
0x68: {  	_ =	shalt  }
0x69: {  	_ =	shalt  }
0x6a: {  	_ =	shalt  }
0x6b: {  	_ =	shalt  }
0x6c: {  	_ =	shalt  }
0x6d: {  	_ =	shalt  }
0x6e: {  	_ =	shalt  }
0x6f: {  	_ =	shalt  }
0x70: {  	_ =	shalt  }
0x71: {  	_ =	shalt  }
0x72: {  	_ =	shalt  }
0x73: {  	_ =	shalt  }
0x74: {  	_ =	shalt  }
0x75: {  	_ =	shalt  }
0x76: {  	_ =	shalt  }
0x77: {  	_ =	shalt  }
0x78: {  	_ =	shalt  }
0x79: {  	_ =	shalt  }
0x7a: {  	_ =	shalt  }
0x7b: {  	_ =	shalt  }
0x7c: {  	_ =	shalt  }
0x7d: {  	_ =	shalt  }
0x7e: {  	_ =	shalt  }
0x7f: {  	_ =	shalt  }
0x80: {  	_ =	shalt  }
0x81: {  	_ =	shalt  }
0x82: {  	_ =	shalt  }
0x83: {  	_ =	shalt  }
0x84: {  	_ =	shalt  }
0x85: {  	_ =	shalt  }
0x86: {  	_ =	shalt  }
0x87: {  	_ =	shalt  }
.Lfunc_end0:
.L_simem_size_0:
called_computation.2_lowered:
.L_overlay_start_0:
0x88: {  	s2 =	sld [smem:$0x3FD9]  }
0x89: {  	s3 =	sld [smem:$0x3FFE];
	_ =	sdelay $0x1  }
0x8a: {  	s1 =	srdreg.scid  }
0x8b: {  	s0 =	sand.u32 $0x1, s1  }
0x8c: {  	s16 =	sshll.u32 s0, $0xA;
	s2 =	sadd.s32 s3, s2  }
0x8d: {  	s2 =	sadd.s32 s2, s16  }
0x8e: {  	[smem:$0x3FAE] =	sst s2  }
0x8f: {  	_ = 	snop  }
0x90: {  	(tm) =	ssettm $0x1  }
0x91: {  	s17 =	sld [smem:$0x3FFB];
	_ =	sdelay $0x3  }
0x92: {  	_ =	strace s17  }
0x93: {  	s2 =	sld [smem:$0x3FFC];
	_ =	sdelay $0x3  }
0x94: {  	_ =	strace s2  }
0x95: {  	s2 =	sld [smem:$0x3FFD];
	_ =	sdelay $0x3  }
0x96: {  	_ =	strace s2  }
0x97: {  	_ =	strace $0x8FFFFFFF  }
0x98: {  	s18 =	sld [smem:$0x3FDB];
	_ =	sdelay $0x1  }
0x99: {  	s19 =	simm.s32 $_scs_section_size  }
0x9a: {  	s4 =	simm.s32 $_size__tile_overlayer_lowered;
	s5 =	simm.s32 $_tile_overlayer_lowered  }
0x9b: {  	s22 =	simm.s32 $0x1BFF;
	s21 =	sshll.u32 s5, $0x1;
	s2 =	sadd.s32 s19, s18  }
0x9c: {  	s6 =	simm.s32 $0x0;
	s20 =	sshll.u32 s4, $0x1;
	s4 =	sadd.s32 s21, s2  }
0x9d: {  	[timem:s6], [sflag:s22] =	dma.local [hbm:s4], s20  }
0x9e: {  	_ =	swait.ge [sflag:s22], s20  }
0x9f: {  	s3 =	ssub.s32 $0x0, s20;
	[sflag:s22] =	ssyncset.done $0x0  }
0xa0: {  	[sflag:s22] =	ssyncadd.s32 s3;
	_ =	sdelay $0x1  }
0xa1: {  	s23 =	simm.s32 $0x1B8B  }
0xa2: {  	_ =	swait.ge [sflag:s23], $0x1  }
0xa3: {  	[sflag:s23] =	ssyncset.done $0x0  }
0xa4: {  	s25 =	simm.s32 $0x1B8E;
	s24 =	sld [smem:$0x3FFE];
	[sflag:s23] =	ssyncadd.s32 $0xFFFFFFFF  }
0xa5: {  	s26 =	simm.s32 $execute0_lowered;
	[smem:$0x3FD2] =	sst s25  }
0xa6: {  	s4 =	sshll.u32 s26, $0x1;
	_ =	strace $0x80000049;
	[dreg:$0x1] =	wrdreg $0xFFFFFFFF  }
0xa7: {  	s28 =	simm.s32 $_size_execute0_lowered;
	s2 =	sadd.s32 s2, s4;
	[dreg:$0x0] =	wrdreg $0x0  }
0xa8: {  	s4 =	sshll.u32 s28, $0x1;
	[dreg:$0x2] =	wrdreg s2  }
0xa9: {  	[dreg:$0x3] =	wrdreg s4  }
0xaa: {  	[dreg:$0x4] =	wrdreg $0xC0  }
0xab: {  	_ =	task [dreg:s6], $0x5FFFF  }
0xac: {  	[dreg:$0x1] =	wrdreg $0xFFFFFFFF  }
0xad: {  	[dreg:$0x0] =	wrdreg $0x60  }
0xae: {  	[dreg:$0x2] =	wrdreg s24  }
0xaf: {  	[dreg:$0x3] =	wrdreg $0x0  }
0xb0: {  	[dreg:$0x4] =	wrdreg $0xA  }
0xb1: {  	_ =	task.clear_ibuf [dreg:s6], $0x5FFFF;
	_ =	strace $0x90000049  }
0xb2: {  	s29 =	simm.s32 $0xA;
	_ =	strace $0x8000004B  }
0xb3: {  	_ =	swait.ge [sflag:s29], $0x1  }
0xb4: {  	[sflag:s29] =	ssyncadd.s32 $0xFFFFFFFF  }
0xb5: {  	_ =	strace $0x9000004B  }
0xb6: {  	_ =	sfence  }
0xb7: {  	s30 =	sld [smem:$0x0];
	_ =	sdelay $0x2  }
0xb8: {  	s31 =	sshll.u32 s1, $0xD;
	s1 =	sshrl.u32 s1, $0x2  }
0xb9: {  	s3 =	sand.u32 $0x4000, s31;
	s1 =	sadd.s32 s1, s30  }
0xba: {  	s0 =	sor.u32 s3, s0;
	s1 =	sshll.u32 s1, $0x11  }
0xbb: {  	s0 =	sor.u32 s1, s0  }
0xbc: {  	s0 =	sadd.s32 $0x8F2B, s0  }
0xbd: {  	[sflag:s0] =	ssyncadd.remote.s32 $0x1  }
0xbe: {  	_ =	sfence.sel $0xFFFF  }
0xbf: {  	[dreg:$0x0] =	wrdreg $0xFFFFFFFF;
	(pc) =	sbr.abs _section_cstart, $3  }
0xc0: {  	[dreg:$0x1] =	wrdreg $0xFFFFFFFF  }
0xc1: {  	_ =	task.clear_ibuf [dreg:s6], $0x2FFFF;
	_ =	strace $0x9FFFFFFF  }
0xc2: {  	(tm) =	ssettm $0x7FFFFFFF  }
0xc3: {  	_ =	shalt  }
tec
execute0_lowered:
.L_overlay_start_1:
0x0: {  	(tag) =	ssettag $0x1  }
0x1: {  	s0 =	rddreg [dreg:$0x0]  }
0x2: {  	s1 =	rddreg [dreg:$0x1];
	s3 =	simm.s32 $0x0;
	s18 =	stileid.u32  }
0x3: {  	s2 =	srdreg.scid;
	s28 =	simm.s32 $0x12600;
	s9 =	smul.u32 $0xA00, s18  }
0x4: {  	s29 =	simm.s32 $0x2;
	s30 =	simm.s32 $0xA400;
	s7 =	smul.u32 $0x27800, s18  }
0x5: {  	s31 =	simm.s32 $0x0;
	[smem:$0x7FF] =	sst s3;
	s15 =	smul.u32 $0x278, s18  }
0x6: {  	s2 =	sand.u32 $0x1, s2;
	s10 =	sadd.s32 $0x10D400, s0;
	s24 =	smul.u32 $0x14, s18  }
0x7: {  	s4 =	sadd.s32 $0x35800, s0;
	_ =	strace $0x8000004A;
	s11 =	smul.u32 $0x9E00, s2  }
0x8: {  	s5 =	ssub.s32 $0x2, s2;
	s12 =	sshll.u32 s2, $0x2;
	s21 =	smul.u32 $0x500, s2  }
0x9: {  	s17 =	sshllo.u32 s2, $0x2;
	s2 =	smul.u32 $0x28000, s2;
	s6 =	sshrl.u32 s5, $0x1  }
0xa: {  	s14 =	sadd.s32 s9, s0;
	s0 =	sadd.s32 $0x295C00, s0;
	s19 =	sshrl.u32 s7, $0x2  }
0xb: {  	s8 =	sor.u32 $0x1, s12;
	s12 =	sor.u32 $0x2, s12;
	s17 =	smul.u32 $0x2780, s17  }
0xc: {  	s13 =	ssub.s32 s5, s6;
	s5 =	sadd.s32 s19, s1;
	s16 =	smul.u32 $0x2780, s8  }
0xd: {  	s11 =	sadd.s32 s15, s11;
	s12 =	smul.u32 $0x2780, s12;
	s25 =	sadd.s32 s24, s21  }
0xe: {  	s2 =	sadd.s32 s2, s10;
	s14 =	sadd.s32 $0x4600, s14;
	s19 =	simm.s32 $0x1A600  }
0xf: {  	s21 =	simm.s32 $0x9E00;
	s24 =	simm.s32 $0xA600;
	s6 =	sadd.s32 $0x2780, s5  }
0x10: {  	s7 =	sadd.s32 $0x4F00, s5;
	s8 =	sadd.s32 $0x7680, s5;
	s11 =	sshll.u32 s11, $0x3  }
0x11: {  	s23 =	sadd.s32 s15, s17;
	s26 =	smax.u32 s13, $0x1;
	s16 =	sadd.s32 s15, s16  }
0x12: {  	s11 =	sadd.s32 s0, s11;
	s22 =	sadd.s32 s15, s12;
	s12 =	sshll.u32 s23, $0x3  }
0x13: {  	[dreg:$0x7] =	wrdreg s26;
	s15 =	sadd.s32 s9, s2;
	s16 =	sshll.u32 s16, $0x3  }
0x14: {  	[dreg:$0x3] =	wrdreg s11;
	s11 =	sshll.u32 s22, $0x3;
	s20 =	sadd.s32 s0, s16  }
0x15: {  	s23 =	simm.s32 $0x200;
	s11 =	sadd.s32 s0, s11;
	[dreg:$0x4] =	wrdreg s20  }
0x16: {  	s26 =	simm.s32 $0xA000;
	s0 =	sadd.s32 s0, s12;
	[dreg:$0x5] =	wrdreg s11  }
0x17: {  	s22 =	simm.s32 $0xA200;
	[dreg:$0x6] =	wrdreg s0;
	s0 =	sshll.u32 s25, $0x7  }
0x18: {  	s20 =	simm.s32 $0x3;
	s25 =	simm.s32 $0x1;
	s0 =	sadd.s32 s10, s0  }
0x19: {  	v0 =	vimm.f32 $0.0e+00;
	s16 =	sadd.s32 $0xA000, s0;
	s17 =	sadd.s32 $0x14000, s0;
	s18 =	sadd.s32 $0x1E000, s0  }
.LBB2_1:
0x1a: {  	s2 =	simm.s32 $0x100;
	s0 =	simm.s32 $0x0  }
.LBB2_2:
0x1b: {  	p0 =	sne.s32 s2, $0x9D00;
	[tilespmem:s0+$0x1A630] =	vst v0;
	s9 =	smov.u32 s2;
	s2 =	sadd.s32 $0x100, s2  }
.Ltmp0:
0x1c: {  	[tilespmem:s0+$0x1A620] =	vst v0;
	(pc) =	sbr.rel @p0 .LBB2_2-.Ltmp0, $3  }
0x1d: {  	[tilespmem:s0+$0x1A600] =	vst v0  }
0x1e: {  	[tilespmem:s0+$0x1A610] =	vst v0;
	_ =	sdelay $0x1  }
0x1f: {  	s0 =	sshra.s32 s9, $0x2  }
0x20: {  	[tilespmem:s0+$0x1A630] =	vst v0  }
0x21: {  	[tilespmem:s0+$0x1A620] =	vst v0  }
0x22: {  	[tilespmem:s0+$0x1A600] =	vst v0  }
0x23: {  	[tilespmem:s0+$0x1A610] =	vst v0  }
0x24: {  	[spmem:s5] =	stream.linear.scatter [tilespmem:s19], [sflag:$0x3], $0x2780, $0x38;
	[tilespmem:$0x1CD80] =	vst v63  }
0x25: {  	_ =	swait.ge [sflag:s20], $0x2780  }
0x26: {  	[sflag:s20] =	ssyncset.done $0x0  }
0x27: {  	[sflag:s20] =	ssyncadd.s32 $0xFFFFD880  }
0x28: {  	[spmem:s6] =	stream.linear.scatter [tilespmem:s19], [sflag:$0x3], $0x2780, $0x38;
	[tilespmem:$0x1CD80] =	vst v63  }
0x29: {  	_ =	swait.ge [sflag:s20], $0x2780  }
0x2a: {  	[sflag:s20] =	ssyncset.done $0x0  }
0x2b: {  	[sflag:s20] =	ssyncadd.s32 $0xFFFFD880  }
0x2c: {  	[spmem:s7] =	stream.linear.scatter [tilespmem:s19], [sflag:$0x3], $0x2780, $0x38;
	[tilespmem:$0x1CD80] =	vst v63  }
0x2d: {  	_ =	swait.ge [sflag:s20], $0x2780  }
0x2e: {  	[sflag:s20] =	ssyncset.done $0x0  }
0x2f: {  	[sflag:s20] =	ssyncadd.s32 $0xFFFFD880  }
0x30: {  	[spmem:s8] =	stream.linear.scatter [tilespmem:s19], [sflag:$0x3], $0x2780, $0x38;
	[tilespmem:$0x1CD80] =	vst v63  }
0x31: {  	_ =	swait.ge [sflag:s20], $0x2780  }
0x32: {  	[sflag:s20] =	ssyncset.done $0x0  }
0x33: {  	[sflag:s20] =	ssyncadd.s32 $0xFFFFD880  }
0x34: {  	s12 =	sadd.s32 $0x0, s15;
	[bflag:$0x0] =	sbarrier.arrive $0xFFFF  }
0x35: {  	[tilespmem:s21], [sflag:$0x3] =	stream.linear.gather [hbm4b:s12+s3], $0x400, $0x38;
	[tilespmem:$0x1CD80] =	vst v63  }
0x36: {  	_ =	swait.ge [sflag:s20], $0x400  }
0x37: {  	[sflag:s20] =	ssyncset.done $0x0  }
0x38: {  	s13 =	sadd.s32 $0x0, s14;
	[sflag:s20] =	ssyncadd.s32 $0xFFFFFC00  }
0x39: {  	[tilespmem:s22], [sflag:$0x3] =	stream.linear.gather [hbm4b:s13+s3], $0x400, $0x38;
	[tilespmem:$0x1CD80] =	vst v63  }
0x3a: {  	_ =	swait.ge [sflag:s20], $0x400  }
0x3b: {  	[sflag:s20] =	ssyncset.done $0x0  }
0x3c: {  	[sflag:s20] =	ssyncadd.s32 $0xFFFFFC00  }
0x3d: {  	[tilespmem:s24], [sflag:$0x1] =	stream.indirect.gather [hbm4b:s4+s23], $0x40, s21, s23, $0xb8;
	[tilespmem:$0x1CD80] =	vst v63  }
0x3e: {  	_ =	swait.ge [sflag:s25], $0x8000  }
0x3f: {  	[sflag:s25] =	ssyncset.done $0x0  }
0x40: {  	[sflag:s25] =	ssyncadd.s32 $0xFFFF8000  }
0x41: {  	[tilespmem:s28], [sflag:$0x2] =	stream.indirect.gather [hbm4b:s4+s23], $0x40, s26, s23, $0xb8;
	[tilespmem:$0x1CD80] =	vst v63  }
0x42: {  	_ = 	snop  }
0x43: {  	[spmem:s1] =	stream.indirect.scatter.add.f32 [tilespmem:s24], [sflag:$0x1], $0x40, s22, s23, $0xb8;
	[tilespmem:$0x1CD80] =	vst v63  }
0x44: {  	_ =	swait.ge [sflag:s29], $0x8000  }
0x45: {  	[sflag:s29] =	ssyncset.done $0x0  }
0x46: {  	[sflag:s29] =	ssyncadd.s32 $0xFFFF8000  }
0x47: {  	_ =	swait.ge [sflag:s25], $0x8000  }
0x48: {  	[sflag:s25] =	ssyncset.done $0x0  }
0x49: {  	[sflag:s25] =	ssyncadd.s32 $0xFFFF8000  }
0x4a: {  	[spmem:s1] =	stream.indirect.scatter.add.f32 [tilespmem:s28], [sflag:$0x2], $0x40, s30, s23, $0xb8;
	[tilespmem:$0x1CD80] =	vst v63  }
0x4b: {  	_ =	swait.ge [sflag:s29], $0x8000  }
0x4c: {  	s0 =	simm.s32 $0x80;
	s2 =	simm.s32 $0x100;
	[sflag:s29] =	ssyncset.done $0x0  }
.LBB2_4:
0x4d: {  	s9 =	sadd.s32 s0, s15  }
0x4e: {  	[sflag:s29] =	ssyncadd.s32 $0xFFFF8000;
	s10 =	smov.u32 s2;
	s11 =	sadd.s32 $0x80, s2  }
0x4f: {  	[tilespmem:s21], [sflag:$0x3] =	stream.linear.gather [hbm4b:s9+s3], $0x400, $0x38;
	[tilespmem:$0x1CD80] =	vst v63  }
0x50: {  	p0 =	sne.s32 s2, $0x980;
	_ =	swait.ge [sflag:s20], $0x400  }
0x51: {  	[sflag:s20] =	ssyncset.done $0x0  }
0x52: {  	s2 =	sadd.s32 s0, s14;
	s0 =	smov.u32 s10;
	[sflag:s20] =	ssyncadd.s32 $0xFFFFFC00  }
0x53: {  	[tilespmem:s22], [sflag:$0x3] =	stream.linear.gather [hbm4b:s2+s3], $0x400, $0x38;
	[tilespmem:$0x1CD80] =	vst v63  }
0x54: {  	_ =	swait.ge [sflag:s20], $0x400  }
0x55: {  	[sflag:s20] =	ssyncset.done $0x0  }
0x56: {  	[sflag:s20] =	ssyncadd.s32 $0xFFFFFC00  }
0x57: {  	[tilespmem:s24], [sflag:$0x1] =	stream.indirect.gather [hbm4b:s4+s23], $0x40, s21, s23, $0xb8;
	[tilespmem:$0x1CD80] =	vst v63  }
0x58: {  	_ =	swait.ge [sflag:s25], $0x8000  }
0x59: {  	[sflag:s25] =	ssyncset.done $0x0  }
0x5a: {  	[sflag:s25] =	ssyncadd.s32 $0xFFFF8000  }
0x5b: {  	[tilespmem:s28], [sflag:$0x2] =	stream.indirect.gather [hbm4b:s4+s23], $0x40, s26, s23, $0xb8;
	[tilespmem:$0x1CD80] =	vst v63  }
0x5c: {  	_ = 	snop  }
0x5d: {  	[spmem:s1] =	stream.indirect.scatter.add.f32 [tilespmem:s24], [sflag:$0x1], $0x40, s22, s23, $0xb8;
	[tilespmem:$0x1CD80] =	vst v63  }
0x5e: {  	_ =	swait.ge [sflag:s29], $0x8000  }
0x5f: {  	[sflag:s29] =	ssyncset.done $0x0  }
0x60: {  	[sflag:s29] =	ssyncadd.s32 $0xFFFF8000  }
0x61: {  	_ =	swait.ge [sflag:s25], $0x8000  }
.Ltmp1:
0x62: {  	[sflag:s25] =	ssyncset.done $0x0;
	(pc) =	sbr.rel @p0 .LBB2_4-.Ltmp1, $4  }
0x63: {  	[sflag:s25] =	ssyncadd.s32 $0xFFFF8000  }
0x64: {  	[spmem:s1] =	stream.indirect.scatter.add.f32 [tilespmem:s28], [sflag:$0x2], $0x40, s30, s23, $0xb8;
	[tilespmem:$0x1CD80] =	vst v63  }
0x65: {  	_ =	swait.ge [sflag:s29], $0x8000  }
0x66: {  	s2 =	smov.u32 s11;
	[sflag:s29] =	ssyncset.done $0x0  }
0x67: {  	s2 =	sadd.s32 s0, s15;
	[sflag:s29] =	ssyncadd.s32 $0xFFFF8000  }
0x68: {  	[tilespmem:s21], [sflag:$0x3] =	stream.linear.gather [hbm4b:s2+s3], $0x400, $0x38;
	[tilespmem:$0x1CD80] =	vst v63  }
0x69: {  	_ =	swait.ge [sflag:s20], $0x400  }
0x6a: {  	[sflag:s20] =	ssyncset.done $0x0  }
0x6b: {  	s10 =	sadd.s32 s0, s14;
	[sflag:s20] =	ssyncadd.s32 $0xFFFFFC00  }
0x6c: {  	[tilespmem:s22], [sflag:$0x3] =	stream.linear.gather [hbm4b:s10+s3], $0x400, $0x38;
	[tilespmem:$0x1CD80] =	vst v63  }
0x6d: {  	_ =	swait.ge [sflag:s20], $0x400  }
0x6e: {  	[sflag:s20] =	ssyncset.done $0x0  }
0x6f: {  	[sflag:s20] =	ssyncadd.s32 $0xFFFFFC00  }
0x70: {  	[tilespmem:s24], [sflag:$0x1] =	stream.indirect.gather [hbm4b:s4+s23], $0x40, s21, s23, $0xb8;
	[tilespmem:$0x1CD80] =	vst v63  }
0x71: {  	_ =	swait.ge [sflag:s25], $0x8000  }
0x72: {  	[sflag:s25] =	ssyncset.done $0x0  }
0x73: {  	[sflag:s25] =	ssyncadd.s32 $0xFFFF8000  }
0x74: {  	[tilespmem:s28], [sflag:$0x2] =	stream.indirect.gather [hbm4b:s4+s23], $0x40, s26, s23, $0xb8;
	[tilespmem:$0x1CD80] =	vst v63  }
0x75: {  	_ = 	snop  }
0x76: {  	[spmem:s1] =	stream.indirect.scatter.add.f32 [tilespmem:s24], [sflag:$0x1], $0x40, s22, s23, $0xb8;
	[tilespmem:$0x1CD80] =	vst v63  }
0x77: {  	_ =	swait.ge [sflag:s29], $0x8000  }
0x78: {  	[sflag:s29] =	ssyncset.done $0x0  }
0x79: {  	[sflag:s29] =	ssyncadd.s32 $0xFFFF8000  }
0x7a: {  	_ =	swait.ge [sflag:s25], $0x8000  }
0x7b: {  	[sflag:s25] =	ssyncset.done $0x0  }
0x7c: {  	[sflag:s25] =	ssyncadd.s32 $0xFFFF8000  }
0x7d: {  	[spmem:s1] =	stream.indirect.scatter.add.f32 [tilespmem:s28], [sflag:$0x2], $0x40, s30, s23, $0xb8;
	[tilespmem:$0x1CD80] =	vst v63  }
0x7e: {  	_ =	swait.ge [sflag:s29], $0x8000  }
0x7f: {  	[sflag:s29] =	ssyncset.done $0x0  }
0x80: {  	s11 =	stileid.u32;
	[sflag:s29] =	ssyncadd.s32 $0xFFFF8000  }
0x81: {  	s0 =	sshll.u32 s11, $0x6;
	[bflag:$0x0] =	sbarrier.arrive $0xFFFF  }
0x82: {  	s2 =	sshrl.u32 s5, $0x3;
	s0 =	sor.u32 $0x1C03, s0;
	s9 =	rddreg [dreg:$0x3]  }
0x83: {  	[hbm:s9], [sflag:s0] =	dma.local [spmem:s2], $0x13C0  }
0x84: {  	_ =	swait.ge [sflag:s20], $0x13C0  }
0x85: {  	[sflag:s20] =	ssyncset.done $0x0  }
0x86: {  	[sflag:s20] =	ssyncadd.s32 $0xFFFFEC40  }
0x87: {  	[bflag:$0x0] =	sbarrier.arrive $0xFFFF  }
0x88: {  	[spmem:s5] =	stream.linear.scatter [tilespmem:s19], [sflag:$0x3], $0x2780, $0x38;
	[tilespmem:$0x1CD80] =	vst v63  }
0x89: {  	_ =	swait.ge [sflag:s20], $0x2780  }
0x8a: {  	[sflag:s20] =	ssyncset.done $0x0  }
0x8b: {  	[sflag:s20] =	ssyncadd.s32 $0xFFFFD880  }
0x8c: {  	[spmem:s6] =	stream.linear.scatter [tilespmem:s19], [sflag:$0x3], $0x2780, $0x38;
	[tilespmem:$0x1CD80] =	vst v63  }
0x8d: {  	_ =	swait.ge [sflag:s20], $0x2780  }
0x8e: {  	[sflag:s20] =	ssyncset.done $0x0  }
0x8f: {  	[sflag:s20] =	ssyncadd.s32 $0xFFFFD880  }
0x90: {  	[spmem:s7] =	stream.linear.scatter [tilespmem:s19], [sflag:$0x3], $0x2780, $0x38;
	[tilespmem:$0x1CD80] =	vst v63  }
0x91: {  	_ =	swait.ge [sflag:s20], $0x2780  }
0x92: {  	[sflag:s20] =	ssyncset.done $0x0  }
0x93: {  	[sflag:s20] =	ssyncadd.s32 $0xFFFFD880  }
0x94: {  	[spmem:s8] =	stream.linear.scatter [tilespmem:s19], [sflag:$0x3], $0x2780, $0x38;
	[tilespmem:$0x1CD80] =	vst v63  }
0x95: {  	_ =	swait.ge [sflag:s20], $0x2780  }
0x96: {  	[sflag:s20] =	ssyncset.done $0x0  }
0x97: {  	[sflag:s20] =	ssyncadd.s32 $0xFFFFD880  }
0x98: {  	s12 =	sadd.s32 $0x0, s16;
	[bflag:$0x0] =	sbarrier.arrive $0xFFFF  }
0x99: {  	[tilespmem:s21], [sflag:$0x3] =	stream.linear.gather [hbm4b:s12+s3], $0x400, $0x38;
	[tilespmem:$0x1CD80] =	vst v63  }
0x9a: {  	_ =	swait.ge [sflag:s20], $0x400  }
0x9b: {  	[sflag:s20] =	ssyncset.done $0x0  }
0x9c: {  	s13 =	sadd.s32 $0x0, s14;
	[sflag:s20] =	ssyncadd.s32 $0xFFFFFC00  }
0x9d: {  	[tilespmem:s22], [sflag:$0x3] =	stream.linear.gather [hbm4b:s13+s3], $0x400, $0x38;
	[tilespmem:$0x1CD80] =	vst v63  }
0x9e: {  	_ =	swait.ge [sflag:s20], $0x400  }
0x9f: {  	[sflag:s20] =	ssyncset.done $0x0  }
0xa0: {  	[sflag:s20] =	ssyncadd.s32 $0xFFFFFC00  }
0xa1: {  	[tilespmem:s24], [sflag:$0x1] =	stream.indirect.gather [hbm4b:s4+s23], $0x40, s21, s23, $0xb8;
	[tilespmem:$0x1CD80] =	vst v63  }
0xa2: {  	_ =	swait.ge [sflag:s25], $0x8000  }
0xa3: {  	[sflag:s25] =	ssyncset.done $0x0  }
0xa4: {  	[sflag:s25] =	ssyncadd.s32 $0xFFFF8000  }
0xa5: {  	[tilespmem:s28], [sflag:$0x2] =	stream.indirect.gather [hbm4b:s4+s23], $0x40, s26, s23, $0xb8;
	[tilespmem:$0x1CD80] =	vst v63  }
0xa6: {  	_ = 	snop  }
0xa7: {  	[spmem:s1] =	stream.indirect.scatter.add.f32 [tilespmem:s24], [sflag:$0x1], $0x40, s22, s23, $0xb8;
	[tilespmem:$0x1CD80] =	vst v63  }
0xa8: {  	_ =	swait.ge [sflag:s29], $0x8000  }
0xa9: {  	[sflag:s29] =	ssyncset.done $0x0  }
0xaa: {  	[sflag:s29] =	ssyncadd.s32 $0xFFFF8000  }
0xab: {  	_ =	swait.ge [sflag:s25], $0x8000  }
0xac: {  	[sflag:s25] =	ssyncset.done $0x0  }
0xad: {  	[sflag:s25] =	ssyncadd.s32 $0xFFFF8000  }
0xae: {  	[spmem:s1] =	stream.indirect.scatter.add.f32 [tilespmem:s28], [sflag:$0x2], $0x40, s30, s23, $0xb8;
	[tilespmem:$0x1CD80] =	vst v63  }
0xaf: {  	_ =	swait.ge [sflag:s29], $0x8000  }
0xb0: {  	s10 =	simm.s32 $0x100;
	s9 =	simm.s32 $0x80;
	[sflag:s29] =	ssyncset.done $0x0  }
.LBB2_6:
0xb1: {  	s11 =	sadd.s32 s9, s16  }
0xb2: {  	[sflag:s29] =	ssyncadd.s32 $0xFFFF8000;
	s12 =	smov.u32 s10;
	s13 =	sadd.s32 $0x80, s10  }
0xb3: {  	[tilespmem:s21], [sflag:$0x3] =	stream.linear.gather [hbm4b:s11+s3], $0x400, $0x38;
	[tilespmem:$0x1CD80] =	vst v63  }
0xb4: {  	p0 =	sne.s32 s10, $0x980;
	_ =	swait.ge [sflag:s20], $0x400  }
0xb5: {  	[sflag:s20] =	ssyncset.done $0x0  }
0xb6: {  	s10 =	sadd.s32 s9, s14;
	s9 =	smov.u32 s12;
	[sflag:s20] =	ssyncadd.s32 $0xFFFFFC00  }
0xb7: {  	[tilespmem:s22], [sflag:$0x3] =	stream.linear.gather [hbm4b:s10+s3], $0x400, $0x38;
	[tilespmem:$0x1CD80] =	vst v63  }
0xb8: {  	_ =	swait.ge [sflag:s20], $0x400  }
0xb9: {  	[sflag:s20] =	ssyncset.done $0x0  }
0xba: {  	[sflag:s20] =	ssyncadd.s32 $0xFFFFFC00  }
0xbb: {  	[tilespmem:s24], [sflag:$0x1] =	stream.indirect.gather [hbm4b:s4+s23], $0x40, s21, s23, $0xb8;
	[tilespmem:$0x1CD80] =	vst v63  }
0xbc: {  	_ =	swait.ge [sflag:s25], $0x8000  }
0xbd: {  	[sflag:s25] =	ssyncset.done $0x0  }
0xbe: {  	[sflag:s25] =	ssyncadd.s32 $0xFFFF8000  }
0xbf: {  	[tilespmem:s28], [sflag:$0x2] =	stream.indirect.gather [hbm4b:s4+s23], $0x40, s26, s23, $0xb8;
	[tilespmem:$0x1CD80] =	vst v63  }
0xc0: {  	_ = 	snop  }
0xc1: {  	[spmem:s1] =	stream.indirect.scatter.add.f32 [tilespmem:s24], [sflag:$0x1], $0x40, s22, s23, $0xb8;
	[tilespmem:$0x1CD80] =	vst v63  }
0xc2: {  	_ =	swait.ge [sflag:s29], $0x8000  }
0xc3: {  	[sflag:s29] =	ssyncset.done $0x0  }
0xc4: {  	[sflag:s29] =	ssyncadd.s32 $0xFFFF8000  }
0xc5: {  	_ =	swait.ge [sflag:s25], $0x8000  }
.Ltmp2:
0xc6: {  	[sflag:s25] =	ssyncset.done $0x0;
	(pc) =	sbr.rel @p0 .LBB2_6-.Ltmp2, $4  }
0xc7: {  	[sflag:s25] =	ssyncadd.s32 $0xFFFF8000  }
0xc8: {  	[spmem:s1] =	stream.indirect.scatter.add.f32 [tilespmem:s28], [sflag:$0x2], $0x40, s30, s23, $0xb8;
	[tilespmem:$0x1CD80] =	vst v63  }
0xc9: {  	_ =	swait.ge [sflag:s29], $0x8000  }
0xca: {  	s10 =	smov.u32 s13;
	[sflag:s29] =	ssyncset.done $0x0  }
0xcb: {  	s10 =	sadd.s32 s9, s16;
	[sflag:s29] =	ssyncadd.s32 $0xFFFF8000  }
0xcc: {  	[tilespmem:s21], [sflag:$0x3] =	stream.linear.gather [hbm4b:s10+s3], $0x400, $0x38;
	[tilespmem:$0x1CD80] =	vst v63  }
0xcd: {  	_ =	swait.ge [sflag:s20], $0x400  }
0xce: {  	[sflag:s20] =	ssyncset.done $0x0  }
0xcf: {  	s10 =	sadd.s32 s9, s14;
	[sflag:s20] =	ssyncadd.s32 $0xFFFFFC00  }
0xd0: {  	[tilespmem:s22], [sflag:$0x3] =	stream.linear.gather [hbm4b:s10+s3], $0x400, $0x38;
	[tilespmem:$0x1CD80] =	vst v63  }
0xd1: {  	_ =	swait.ge [sflag:s20], $0x400  }
0xd2: {  	[sflag:s20] =	ssyncset.done $0x0  }
0xd3: {  	[sflag:s20] =	ssyncadd.s32 $0xFFFFFC00  }
0xd4: {  	[tilespmem:s24], [sflag:$0x1] =	stream.indirect.gather [hbm4b:s4+s23], $0x40, s21, s23, $0xb8;
	[tilespmem:$0x1CD80] =	vst v63  }
0xd5: {  	_ =	swait.ge [sflag:s25], $0x8000  }
0xd6: {  	[sflag:s25] =	ssyncset.done $0x0  }
0xd7: {  	[sflag:s25] =	ssyncadd.s32 $0xFFFF8000  }
0xd8: {  	[tilespmem:s28], [sflag:$0x2] =	stream.indirect.gather [hbm4b:s4+s23], $0x40, s26, s23, $0xb8;
	[tilespmem:$0x1CD80] =	vst v63  }
0xd9: {  	_ = 	snop  }
0xda: {  	[spmem:s1] =	stream.indirect.scatter.add.f32 [tilespmem:s24], [sflag:$0x1], $0x40, s22, s23, $0xb8;
	[tilespmem:$0x1CD80] =	vst v63  }
0xdb: {  	_ =	swait.ge [sflag:s29], $0x8000  }
0xdc: {  	[sflag:s29] =	ssyncset.done $0x0  }
0xdd: {  	[sflag:s29] =	ssyncadd.s32 $0xFFFF8000  }
0xde: {  	_ =	swait.ge [sflag:s25], $0x8000  }
0xdf: {  	[sflag:s25] =	ssyncset.done $0x0  }
0xe0: {  	[sflag:s25] =	ssyncadd.s32 $0xFFFF8000  }
0xe1: {  	[spmem:s1] =	stream.indirect.scatter.add.f32 [tilespmem:s28], [sflag:$0x2], $0x40, s30, s23, $0xb8;
	[tilespmem:$0x1CD80] =	vst v63  }
0xe2: {  	_ =	swait.ge [sflag:s29], $0x8000  }
0xe3: {  	[sflag:s29] =	ssyncset.done $0x0  }
0xe4: {  	[sflag:s29] =	ssyncadd.s32 $0xFFFF8000  }
0xe5: {  	[bflag:$0x0] =	sbarrier.arrive $0xFFFF  }
0xe6: {  	s11 =	rddreg [dreg:$0x4]  }
0xe7: {  	[hbm:s11], [sflag:s0] =	dma.local [spmem:s2], $0x13C0  }
0xe8: {  	_ =	swait.ge [sflag:s20], $0x13C0  }
0xe9: {  	[sflag:s20] =	ssyncset.done $0x0  }
0xea: {  	[sflag:s20] =	ssyncadd.s32 $0xFFFFEC40  }
0xeb: {  	[bflag:$0x0] =	sbarrier.arrive $0xFFFF  }
0xec: {  	[spmem:s5] =	stream.linear.scatter [tilespmem:s19], [sflag:$0x3], $0x2780, $0x38;
	[tilespmem:$0x1CD80] =	vst v63  }
0xed: {  	_ =	swait.ge [sflag:s20], $0x2780  }
0xee: {  	[sflag:s20] =	ssyncset.done $0x0  }
0xef: {  	[sflag:s20] =	ssyncadd.s32 $0xFFFFD880  }
0xf0: {  	[spmem:s6] =	stream.linear.scatter [tilespmem:s19], [sflag:$0x3], $0x2780, $0x38;
	[tilespmem:$0x1CD80] =	vst v63  }
0xf1: {  	_ =	swait.ge [sflag:s20], $0x2780  }
0xf2: {  	[sflag:s20] =	ssyncset.done $0x0  }
0xf3: {  	[sflag:s20] =	ssyncadd.s32 $0xFFFFD880  }
0xf4: {  	[spmem:s7] =	stream.linear.scatter [tilespmem:s19], [sflag:$0x3], $0x2780, $0x38;
	[tilespmem:$0x1CD80] =	vst v63  }
0xf5: {  	_ =	swait.ge [sflag:s20], $0x2780  }
0xf6: {  	[sflag:s20] =	ssyncset.done $0x0  }
0xf7: {  	[sflag:s20] =	ssyncadd.s32 $0xFFFFD880  }
0xf8: {  	[spmem:s8] =	stream.linear.scatter [tilespmem:s19], [sflag:$0x3], $0x2780, $0x38;
	[tilespmem:$0x1CD80] =	vst v63  }
0xf9: {  	_ =	swait.ge [sflag:s20], $0x2780  }
0xfa: {  	[sflag:s20] =	ssyncset.done $0x0  }
0xfb: {  	[sflag:s20] =	ssyncadd.s32 $0xFFFFD880  }
0xfc: {  	s12 =	sadd.s32 $0x0, s17;
	[bflag:$0x0] =	sbarrier.arrive $0xFFFF  }
0xfd: {  	[tilespmem:s21], [sflag:$0x3] =	stream.linear.gather [hbm4b:s12+s3], $0x400, $0x38;
	[tilespmem:$0x1CD80] =	vst v63  }
0xfe: {  	_ =	swait.ge [sflag:s20], $0x400  }
0xff: {  	[sflag:s20] =	ssyncset.done $0x0  }
0x100: {  	s13 =	sadd.s32 $0x0, s14;
	[sflag:s20] =	ssyncadd.s32 $0xFFFFFC00  }
0x101: {  	[tilespmem:s22], [sflag:$0x3] =	stream.linear.gather [hbm4b:s13+s3], $0x400, $0x38;
	[tilespmem:$0x1CD80] =	vst v63  }
0x102: {  	_ =	swait.ge [sflag:s20], $0x400  }
0x103: {  	[sflag:s20] =	ssyncset.done $0x0  }
0x104: {  	[sflag:s20] =	ssyncadd.s32 $0xFFFFFC00  }
0x105: {  	[tilespmem:s24], [sflag:$0x1] =	stream.indirect.gather [hbm4b:s4+s23], $0x40, s21, s23, $0xb8;
	[tilespmem:$0x1CD80] =	vst v63  }
0x106: {  	_ =	swait.ge [sflag:s25], $0x8000  }
0x107: {  	[sflag:s25] =	ssyncset.done $0x0  }
0x108: {  	[sflag:s25] =	ssyncadd.s32 $0xFFFF8000  }
0x109: {  	[tilespmem:s28], [sflag:$0x2] =	stream.indirect.gather [hbm4b:s4+s23], $0x40, s26, s23, $0xb8;
	[tilespmem:$0x1CD80] =	vst v63  }
0x10a: {  	_ = 	snop  }
0x10b: {  	[spmem:s1] =	stream.indirect.scatter.add.f32 [tilespmem:s24], [sflag:$0x1], $0x40, s22, s23, $0xb8;
	[tilespmem:$0x1CD80] =	vst v63  }
0x10c: {  	_ =	swait.ge [sflag:s29], $0x8000  }
0x10d: {  	[sflag:s29] =	ssyncset.done $0x0  }
0x10e: {  	[sflag:s29] =	ssyncadd.s32 $0xFFFF8000  }
0x10f: {  	_ =	swait.ge [sflag:s25], $0x8000  }
0x110: {  	[sflag:s25] =	ssyncset.done $0x0  }
0x111: {  	[sflag:s25] =	ssyncadd.s32 $0xFFFF8000  }
0x112: {  	[spmem:s1] =	stream.indirect.scatter.add.f32 [tilespmem:s28], [sflag:$0x2], $0x40, s30, s23, $0xb8;
	[tilespmem:$0x1CD80] =	vst v63  }
0x113: {  	_ =	swait.ge [sflag:s29], $0x8000  }
0x114: {  	s9 =	simm.s32 $0x80;
	s10 =	simm.s32 $0x100;
	[sflag:s29] =	ssyncset.done $0x0  }
.LBB2_8:
0x115: {  	s11 =	sadd.s32 s9, s17  }
0x116: {  	[sflag:s29] =	ssyncadd.s32 $0xFFFF8000;
	s12 =	smov.u32 s10;
	s13 =	sadd.s32 $0x80, s10  }
0x117: {  	[tilespmem:s21], [sflag:$0x3] =	stream.linear.gather [hbm4b:s11+s3], $0x400, $0x38;
	[tilespmem:$0x1CD80] =	vst v63  }
0x118: {  	p0 =	sne.s32 s10, $0x980;
	_ =	swait.ge [sflag:s20], $0x400  }
0x119: {  	[sflag:s20] =	ssyncset.done $0x0  }
0x11a: {  	s10 =	sadd.s32 s9, s14;
	s9 =	smov.u32 s12;
	[sflag:s20] =	ssyncadd.s32 $0xFFFFFC00  }
0x11b: {  	[tilespmem:s22], [sflag:$0x3] =	stream.linear.gather [hbm4b:s10+s3], $0x400, $0x38;
	[tilespmem:$0x1CD80] =	vst v63  }
0x11c: {  	_ =	swait.ge [sflag:s20], $0x400  }
0x11d: {  	[sflag:s20] =	ssyncset.done $0x0  }
0x11e: {  	[sflag:s20] =	ssyncadd.s32 $0xFFFFFC00  }
0x11f: {  	[tilespmem:s24], [sflag:$0x1] =	stream.indirect.gather [hbm4b:s4+s23], $0x40, s21, s23, $0xb8;
	[tilespmem:$0x1CD80] =	vst v63  }
0x120: {  	_ =	swait.ge [sflag:s25], $0x8000  }
0x121: {  	[sflag:s25] =	ssyncset.done $0x0  }
0x122: {  	[sflag:s25] =	ssyncadd.s32 $0xFFFF8000  }
0x123: {  	[tilespmem:s28], [sflag:$0x2] =	stream.indirect.gather [hbm4b:s4+s23], $0x40, s26, s23, $0xb8;
	[tilespmem:$0x1CD80] =	vst v63  }
0x124: {  	_ = 	snop  }
0x125: {  	[spmem:s1] =	stream.indirect.scatter.add.f32 [tilespmem:s24], [sflag:$0x1], $0x40, s22, s23, $0xb8;
	[tilespmem:$0x1CD80] =	vst v63  }
0x126: {  	_ =	swait.ge [sflag:s29], $0x8000  }
0x127: {  	[sflag:s29] =	ssyncset.done $0x0  }
0x128: {  	[sflag:s29] =	ssyncadd.s32 $0xFFFF8000  }
0x129: {  	_ =	swait.ge [sflag:s25], $0x8000  }
.Ltmp3:
0x12a: {  	[sflag:s25] =	ssyncset.done $0x0;
	(pc) =	sbr.rel @p0 .LBB2_8-.Ltmp3, $4  }
0x12b: {  	[sflag:s25] =	ssyncadd.s32 $0xFFFF8000  }
0x12c: {  	[spmem:s1] =	stream.indirect.scatter.add.f32 [tilespmem:s28], [sflag:$0x2], $0x40, s30, s23, $0xb8;
	[tilespmem:$0x1CD80] =	vst v63  }
0x12d: {  	_ =	swait.ge [sflag:s29], $0x8000  }
0x12e: {  	s10 =	smov.u32 s13;
	[sflag:s29] =	ssyncset.done $0x0  }
0x12f: {  	s10 =	sadd.s32 s9, s17;
	[sflag:s29] =	ssyncadd.s32 $0xFFFF8000  }
0x130: {  	[tilespmem:s21], [sflag:$0x3] =	stream.linear.gather [hbm4b:s10+s3], $0x400, $0x38;
	[tilespmem:$0x1CD80] =	vst v63  }
0x131: {  	_ =	swait.ge [sflag:s20], $0x400  }
0x132: {  	[sflag:s20] =	ssyncset.done $0x0  }
0x133: {  	s10 =	sadd.s32 s9, s14;
	[sflag:s20] =	ssyncadd.s32 $0xFFFFFC00  }
0x134: {  	[tilespmem:s22], [sflag:$0x3] =	stream.linear.gather [hbm4b:s10+s3], $0x400, $0x38;
	[tilespmem:$0x1CD80] =	vst v63  }
0x135: {  	_ =	swait.ge [sflag:s20], $0x400  }
0x136: {  	[sflag:s20] =	ssyncset.done $0x0  }
0x137: {  	[sflag:s20] =	ssyncadd.s32 $0xFFFFFC00  }
0x138: {  	[tilespmem:s24], [sflag:$0x1] =	stream.indirect.gather [hbm4b:s4+s23], $0x40, s21, s23, $0xb8;
	[tilespmem:$0x1CD80] =	vst v63  }
0x139: {  	_ =	swait.ge [sflag:s25], $0x8000  }
0x13a: {  	[sflag:s25] =	ssyncset.done $0x0  }
0x13b: {  	[sflag:s25] =	ssyncadd.s32 $0xFFFF8000  }
0x13c: {  	[tilespmem:s28], [sflag:$0x2] =	stream.indirect.gather [hbm4b:s4+s23], $0x40, s26, s23, $0xb8;
	[tilespmem:$0x1CD80] =	vst v63  }
0x13d: {  	_ = 	snop  }
0x13e: {  	[spmem:s1] =	stream.indirect.scatter.add.f32 [tilespmem:s24], [sflag:$0x1], $0x40, s22, s23, $0xb8;
	[tilespmem:$0x1CD80] =	vst v63  }
0x13f: {  	_ =	swait.ge [sflag:s29], $0x8000  }
0x140: {  	[sflag:s29] =	ssyncset.done $0x0  }
0x141: {  	[sflag:s29] =	ssyncadd.s32 $0xFFFF8000  }
0x142: {  	_ =	swait.ge [sflag:s25], $0x8000  }
0x143: {  	[sflag:s25] =	ssyncset.done $0x0  }
0x144: {  	[sflag:s25] =	ssyncadd.s32 $0xFFFF8000  }
0x145: {  	[spmem:s1] =	stream.indirect.scatter.add.f32 [tilespmem:s28], [sflag:$0x2], $0x40, s30, s23, $0xb8;
	[tilespmem:$0x1CD80] =	vst v63  }
0x146: {  	_ =	swait.ge [sflag:s29], $0x8000  }
0x147: {  	[sflag:s29] =	ssyncset.done $0x0  }
0x148: {  	[sflag:s29] =	ssyncadd.s32 $0xFFFF8000  }
0x149: {  	[bflag:$0x0] =	sbarrier.arrive $0xFFFF  }
0x14a: {  	s11 =	rddreg [dreg:$0x5]  }
0x14b: {  	[hbm:s11], [sflag:s0] =	dma.local [spmem:s2], $0x13C0  }
0x14c: {  	_ =	swait.ge [sflag:s20], $0x13C0  }
0x14d: {  	[sflag:s20] =	ssyncset.done $0x0  }
0x14e: {  	[sflag:s20] =	ssyncadd.s32 $0xFFFFEC40  }
0x14f: {  	[bflag:$0x0] =	sbarrier.arrive $0xFFFF  }
0x150: {  	[spmem:s5] =	stream.linear.scatter [tilespmem:s19], [sflag:$0x3], $0x2780, $0x38;
	[tilespmem:$0x1CD80] =	vst v63  }
0x151: {  	_ =	swait.ge [sflag:s20], $0x2780  }
0x152: {  	[sflag:s20] =	ssyncset.done $0x0  }
0x153: {  	[sflag:s20] =	ssyncadd.s32 $0xFFFFD880  }
0x154: {  	[spmem:s6] =	stream.linear.scatter [tilespmem:s19], [sflag:$0x3], $0x2780, $0x38;
	[tilespmem:$0x1CD80] =	vst v63  }
0x155: {  	_ =	swait.ge [sflag:s20], $0x2780  }
0x156: {  	[sflag:s20] =	ssyncset.done $0x0  }
0x157: {  	[sflag:s20] =	ssyncadd.s32 $0xFFFFD880  }
0x158: {  	[spmem:s7] =	stream.linear.scatter [tilespmem:s19], [sflag:$0x3], $0x2780, $0x38;
	[tilespmem:$0x1CD80] =	vst v63  }
0x159: {  	_ =	swait.ge [sflag:s20], $0x2780  }
0x15a: {  	[sflag:s20] =	ssyncset.done $0x0  }
0x15b: {  	[sflag:s20] =	ssyncadd.s32 $0xFFFFD880  }
0x15c: {  	[spmem:s8] =	stream.linear.scatter [tilespmem:s19], [sflag:$0x3], $0x2780, $0x38;
	[tilespmem:$0x1CD80] =	vst v63  }
0x15d: {  	_ =	swait.ge [sflag:s20], $0x2780  }
0x15e: {  	[sflag:s20] =	ssyncset.done $0x0  }
0x15f: {  	[sflag:s20] =	ssyncadd.s32 $0xFFFFD880  }
0x160: {  	s12 =	sadd.s32 $0x0, s18;
	[bflag:$0x0] =	sbarrier.arrive $0xFFFF  }
0x161: {  	[tilespmem:s21], [sflag:$0x3] =	stream.linear.gather [hbm4b:s12+s3], $0x400, $0x38;
	[tilespmem:$0x1CD80] =	vst v63  }
0x162: {  	_ =	swait.ge [sflag:s20], $0x400  }
0x163: {  	[sflag:s20] =	ssyncset.done $0x0  }
0x164: {  	s13 =	sadd.s32 $0x0, s14;
	[sflag:s20] =	ssyncadd.s32 $0xFFFFFC00  }
0x165: {  	[tilespmem:s22], [sflag:$0x3] =	stream.linear.gather [hbm4b:s13+s3], $0x400, $0x38;
	[tilespmem:$0x1CD80] =	vst v63  }
0x166: {  	_ =	swait.ge [sflag:s20], $0x400  }
0x167: {  	[sflag:s20] =	ssyncset.done $0x0  }
0x168: {  	[sflag:s20] =	ssyncadd.s32 $0xFFFFFC00  }
0x169: {  	[tilespmem:s24], [sflag:$0x1] =	stream.indirect.gather [hbm4b:s4+s23], $0x40, s21, s23, $0xb8;
	[tilespmem:$0x1CD80] =	vst v63  }
0x16a: {  	_ =	swait.ge [sflag:s25], $0x8000  }
0x16b: {  	[sflag:s25] =	ssyncset.done $0x0  }
0x16c: {  	[sflag:s25] =	ssyncadd.s32 $0xFFFF8000  }
0x16d: {  	[tilespmem:s28], [sflag:$0x2] =	stream.indirect.gather [hbm4b:s4+s23], $0x40, s26, s23, $0xb8;
	[tilespmem:$0x1CD80] =	vst v63  }
0x16e: {  	_ = 	snop  }
0x16f: {  	[spmem:s1] =	stream.indirect.scatter.add.f32 [tilespmem:s24], [sflag:$0x1], $0x40, s22, s23, $0xb8;
	[tilespmem:$0x1CD80] =	vst v63  }
0x170: {  	_ =	swait.ge [sflag:s29], $0x8000  }
0x171: {  	[sflag:s29] =	ssyncset.done $0x0  }
0x172: {  	[sflag:s29] =	ssyncadd.s32 $0xFFFF8000  }
0x173: {  	_ =	swait.ge [sflag:s25], $0x8000  }
0x174: {  	[sflag:s25] =	ssyncset.done $0x0  }
0x175: {  	[sflag:s25] =	ssyncadd.s32 $0xFFFF8000  }
0x176: {  	[spmem:s1] =	stream.indirect.scatter.add.f32 [tilespmem:s28], [sflag:$0x2], $0x40, s30, s23, $0xb8;
	[tilespmem:$0x1CD80] =	vst v63  }
0x177: {  	_ =	swait.ge [sflag:s29], $0x8000  }
0x178: {  	s9 =	simm.s32 $0x80;
	s10 =	simm.s32 $0x100;
	[sflag:s29] =	ssyncset.done $0x0  }
.LBB2_10:
0x179: {  	s11 =	sadd.s32 s9, s18  }
0x17a: {  	[sflag:s29] =	ssyncadd.s32 $0xFFFF8000;
	s12 =	smov.u32 s10;
	s13 =	sadd.s32 $0x80, s10  }
0x17b: {  	[tilespmem:s21], [sflag:$0x3] =	stream.linear.gather [hbm4b:s11+s3], $0x400, $0x38;
	[tilespmem:$0x1CD80] =	vst v63  }
0x17c: {  	p0 =	sne.s32 s10, $0x980;
	_ =	swait.ge [sflag:s20], $0x400  }
0x17d: {  	[sflag:s20] =	ssyncset.done $0x0  }
0x17e: {  	s10 =	sadd.s32 s9, s14;
	s9 =	smov.u32 s12;
	[sflag:s20] =	ssyncadd.s32 $0xFFFFFC00  }
0x17f: {  	[tilespmem:s22], [sflag:$0x3] =	stream.linear.gather [hbm4b:s10+s3], $0x400, $0x38;
	[tilespmem:$0x1CD80] =	vst v63  }
0x180: {  	_ =	swait.ge [sflag:s20], $0x400  }
0x181: {  	[sflag:s20] =	ssyncset.done $0x0  }
0x182: {  	[sflag:s20] =	ssyncadd.s32 $0xFFFFFC00  }
0x183: {  	[tilespmem:s24], [sflag:$0x1] =	stream.indirect.gather [hbm4b:s4+s23], $0x40, s21, s23, $0xb8;
	[tilespmem:$0x1CD80] =	vst v63  }
0x184: {  	_ =	swait.ge [sflag:s25], $0x8000  }
0x185: {  	[sflag:s25] =	ssyncset.done $0x0  }
0x186: {  	[sflag:s25] =	ssyncadd.s32 $0xFFFF8000  }
0x187: {  	[tilespmem:s28], [sflag:$0x2] =	stream.indirect.gather [hbm4b:s4+s23], $0x40, s26, s23, $0xb8;
	[tilespmem:$0x1CD80] =	vst v63  }
0x188: {  	_ = 	snop  }
0x189: {  	[spmem:s1] =	stream.indirect.scatter.add.f32 [tilespmem:s24], [sflag:$0x1], $0x40, s22, s23, $0xb8;
	[tilespmem:$0x1CD80] =	vst v63  }
0x18a: {  	_ =	swait.ge [sflag:s29], $0x8000  }
0x18b: {  	[sflag:s29] =	ssyncset.done $0x0  }
0x18c: {  	[sflag:s29] =	ssyncadd.s32 $0xFFFF8000  }
0x18d: {  	_ =	swait.ge [sflag:s25], $0x8000  }
.Ltmp4:
0x18e: {  	[sflag:s25] =	ssyncset.done $0x0;
	(pc) =	sbr.rel @p0 .LBB2_10-.Ltmp4, $4  }
0x18f: {  	[sflag:s25] =	ssyncadd.s32 $0xFFFF8000  }
0x190: {  	[spmem:s1] =	stream.indirect.scatter.add.f32 [tilespmem:s28], [sflag:$0x2], $0x40, s30, s23, $0xb8;
	[tilespmem:$0x1CD80] =	vst v63  }
0x191: {  	_ =	swait.ge [sflag:s29], $0x8000  }
0x192: {  	s10 =	smov.u32 s13;
	[sflag:s29] =	ssyncset.done $0x0  }
0x193: {  	s10 =	sadd.s32 s9, s18;
	[sflag:s29] =	ssyncadd.s32 $0xFFFF8000  }
0x194: {  	[tilespmem:s21], [sflag:$0x3] =	stream.linear.gather [hbm4b:s10+s3], $0x400, $0x38;
	[tilespmem:$0x1CD80] =	vst v63  }
0x195: {  	_ =	swait.ge [sflag:s20], $0x400  }
0x196: {  	[sflag:s20] =	ssyncset.done $0x0  }
0x197: {  	s11 =	sadd.s32 s9, s14;
	[sflag:s20] =	ssyncadd.s32 $0xFFFFFC00  }
0x198: {  	[tilespmem:s22], [sflag:$0x3] =	stream.linear.gather [hbm4b:s11+s3], $0x400, $0x38;
	[tilespmem:$0x1CD80] =	vst v63  }
0x199: {  	_ =	swait.ge [sflag:s20], $0x400  }
0x19a: {  	[sflag:s20] =	ssyncset.done $0x0  }
0x19b: {  	[sflag:s20] =	ssyncadd.s32 $0xFFFFFC00  }
0x19c: {  	[tilespmem:s24], [sflag:$0x1] =	stream.indirect.gather [hbm4b:s4+s23], $0x40, s21, s23, $0xb8;
	[tilespmem:$0x1CD80] =	vst v63  }
0x19d: {  	_ =	swait.ge [sflag:s25], $0x8000  }
0x19e: {  	[sflag:s25] =	ssyncset.done $0x0  }
0x19f: {  	[sflag:s25] =	ssyncadd.s32 $0xFFFF8000  }
0x1a0: {  	[tilespmem:s28], [sflag:$0x2] =	stream.indirect.gather [hbm4b:s4+s23], $0x40, s26, s23, $0xb8;
	[tilespmem:$0x1CD80] =	vst v63  }
0x1a1: {  	_ = 	snop  }
0x1a2: {  	[spmem:s1] =	stream.indirect.scatter.add.f32 [tilespmem:s24], [sflag:$0x1], $0x40, s22, s23, $0xb8;
	[tilespmem:$0x1CD80] =	vst v63  }
0x1a3: {  	_ =	swait.ge [sflag:s29], $0x8000  }
0x1a4: {  	[sflag:s29] =	ssyncset.done $0x0  }
0x1a5: {  	[sflag:s29] =	ssyncadd.s32 $0xFFFF8000  }
0x1a6: {  	_ =	swait.ge [sflag:s25], $0x8000  }
0x1a7: {  	[sflag:s25] =	ssyncset.done $0x0  }
0x1a8: {  	[sflag:s25] =	ssyncadd.s32 $0xFFFF8000  }
0x1a9: {  	[spmem:s1] =	stream.indirect.scatter.add.f32 [tilespmem:s28], [sflag:$0x2], $0x40, s30, s23, $0xb8;
	[tilespmem:$0x1CD80] =	vst v63  }
0x1aa: {  	_ =	swait.ge [sflag:s29], $0x8000  }
0x1ab: {  	[sflag:s29] =	ssyncset.done $0x0  }
0x1ac: {  	[sflag:s29] =	ssyncadd.s32 $0xFFFF8000  }
0x1ad: {  	[bflag:$0x0] =	sbarrier.arrive $0xFFFF  }
0x1ae: {  	s12 =	rddreg [dreg:$0x6]  }
0x1af: {  	[hbm:s12], [sflag:s0] =	dma.local [spmem:s2], $0x13C0  }
0x1b0: {  	_ =	swait.ge [sflag:s20], $0x13C0  }
0x1b1: {  	s31 =	sadd.s32 $0x1, s31;
	s13 =	rddreg [dreg:$0x7]  }
0x1b2: {  	p0 =	sne.s32 s31, s13  }
.Ltmp5:
0x1b3: {  	_ = 	snop;
	(pc) =	sbr.rel @p0 .LBB2_1-.Ltmp5, $3  }
0x1b4: {  	_ =	sdelay $0x1  }
0x1b5: {  	[sflag:s20] =	ssyncset.done $0x0  }
0x1b6: {  	[sflag:s20] =	ssyncadd.s32 $0xFFFFEC40  }
0x1b7: {  	_ =	sfence.sel $0x180000  }
0x1b8: {  	[bflag:$0x0] =	sbarrier.arrive $0xFFFF  }
0x1b9: {  	_ =	strace $0x9000004A  }
0x1ba: {  	s0 =	stileid.u32;
	[bflag:$0x2] =	sbarrier.arrive $0xFFFF  }
0x1bb: {  	p0 =	sne.s32 s0, $0x0;
	s0 =	rddreg [dreg:$0x2]  }
0x1bc: {  	s0 =	sadd.s32 @!p0 $0x100000, s0  }
0x1bd: {  	[sflag:s0] =	ssyncadd.tile.s32 @!p0 $0x1;
	_ =	shalt  }
.Lfunc_end2:
_tile_overlayer_lowered:
.L_overlay_start_2:
0x1be: {  	(tag) =	ssettag $0x2  }
0x1bf: {  	s0 =	rddreg [dreg:$0x0];
	s2 =	stileid.u32  }
0x1c0: {  	s1 =	rddreg [dreg:$0x1];
	p0 =	sne.s32 s2, $0x0  }
0x1c1: {  	s3 =	rddreg [dreg:$0x2];
	[bflag:$0x3] =	sbarrier.arrive $0xFFFF;
	s2 =	simm.s32 @!p0 $0x1C03  }
0x1c2: {  	[timem:s3], [sflag:s2] =	dma.local @!p0 [hbm:s0], s1  }
0x1c3: {  	s0 =	simm.s32 @!p0 $0x3  }
0x1c4: {  	_ =	swait.ge @!p0 [sflag:s0], s1  }
0x1c5: {  	s1 =	ssub.s32 @!p0 $0x0, s1;
	[sflag:s0] =	ssyncset.done @!p0 $0x0  }
0x1c6: {  	[sflag:s0] =	ssyncadd.s32 @!p0 s1  }
0x1c7: {  	[bflag:$0x3] =	sbarrier.arrive $0xFFFF  }
0x1c8: {  	_ =	shalt  }

// kernel: kernel.9.cloned.1.call-start
scs
__scs_entry_jumppad:
0x0: {  	(pc) =	sbr.rel $0x88, $3  }
0x1: {  	(tag) =	ssettag $0x0;
	lr =	simm.s32 $0x1  }
0x2: {  	[smem:$0x3F87] =	sst lr;
	_ =	strace $0xD0000000  }
0x3: {  	_ = 	snop  }
0x4: {  	_ = 	snop  }
0x5: {  	_ = 	snop  }
0x6: {  	_ = 	snop  }
0x7: {  	_ = 	snop  }
__scs_overlays_trampoline_lowered:
0x8: {  	[smem:$0x3F96] =	sst s0  }
0x9: {  	[smem:$0x3F97] =	sst s1  }
0xa: {  	[smem:$0x3F98] =	sst s2  }
0xb: {  	[smem:$0x3F99] =	sst s3  }
0xc: {  	[smem:$0x3F9A] =	sst s4  }
0xd: {  	[smem:$0x3F9B] =	sst s5  }
0xe: {  	[smem:$0x3F9C] =	sst s6  }
0xf: {  	[smem:$0x3F9D] =	sst s7  }
0x10: {  	[smem:$0x3F9E] =	sst s8  }
0x11: {  	[smem:$0x3F9F] =	sst s9;
	s0 =	simm.s32 @!p0 $0x0  }
0x12: {  	s1 =	sld [smem:$0x3F85];
	s0 =	simm.s32 @p0 $0x1  }
0x13: {  	[smem:$0x3FA0] =	sst s0;
	s0 =	simm.s32 @!p1 $0x0  }
0x14: {  	s2 =	sld [smem:$0x3F84];
	s0 =	simm.s32 @p1 $0x1  }
0x15: {  	[smem:$0x3FA1] =	sst s0;
	s0 =	simm.s32 @!p2 $0x0  }
0x16: {  	s3 =	sld [smem:$0x3FDB];
	s0 =	simm.s32 @p2 $0x1  }
0x17: {  	s4 =	simm.s32 $0x1BF5;
	[smem:$0x3FA3] =	sst s0  }
0x18: {  	s0 =	sld [smem:$0x3F86];
	_ =	swait.ge [sflag:s4], $0x0  }
0x19: {  	s7 =	sld [smem:$0x3F87]  }
0x1a: {  	s8 =	sadd.s32 $0xFFFFE003, lr  }
0x1b: {  	s9 =	sadd.s32 $0xFFFFFEF7, lr;
	s5 =	simm.s32 $0xFFFFFFFF;
	p2 =	slt.u32 s8, $0xFFFFF086  }
0x1c: {  	p1 =	slt.u32 s9, $0xF7A;
	s5 =	simm.s32 @!p2 $0x0  }
0x1d: {  	s5 =	simm.s32 @p1 $0x1;
	p0 =	seq.s32 s7, s2  }
0x1e: {  	s7 =	smul.u32 @!p0 $0xF7A, s2;
	p2 =	seq.s32 @!p0 s5, $0x0  }
0x1f: {  	s9 =	smul.u32 $0xF7A, s1;
	s8 =	simm.s32 @!p0 $0x1BF5;
	p2 =	por !p2, p0  }
0x20: {  	[sflag:s8] =	ssyncset.s32 @!p0 $0xFFFFF086;
	s6 =	sadd.s32 @!p0 s3, s7;
	s7 =	simm.s32 @!p0 $0x108  }
0x21: {  	s3 =	sadd.s32 s3, s9;
	s6 =	sadd.s32 @!p0 $0x88, s6;
	s7 =	simm.s32 @p2 $0x1082  }
0x22: {  	[simem:s7], [sflag:s8] =	dma.local @!p0 [hbm:s6], $0xF7A  }
0x23: {  	s9 =	sor.u32 $0xD0000000, s2;
	s6 =	simm.s32 $0x108;
	_ =	swait.ge @!p0 [sflag:s8], $0x0  }
0x24: {  	s3 =	sadd.s32 $0x88, s3;
	s6 =	simm.s32 @!p1 $0x1082;
	[sflag:s4] =	ssyncset.s32 $0xFFFFF086  }
0x25: {  	[simem:s6], [sflag:s4] =	dma.local [hbm:s3], $0xF7A  }
0x26: {  	[smem:$0x3F87] =	sst s1;
	(tag) =	ssettag s2;
	_ =	strace s9  }
0x27: {  	s1 =	sld [smem:$0x3F97]  }
0x28: {  	s2 =	sld [smem:$0x3F98]  }
0x29: {  	s4 =	sld [smem:$0x3F9A]  }
0x2a: {  	p0 =	seq.s32 s5, $0x0;
	s5 =	sld [smem:$0x3F9B]  }
0x2b: {  	s6 =	sld [smem:$0x3F9C]  }
0x2c: {  	s7 =	sld [smem:$0x3F9D]  }
0x2d: {  	s3 =	simm.s32 $0x108;
	s8 =	sld [smem:$0x3F9E]  }
0x2e: {  	s3 =	simm.s32 @!p0 $0x1082;
	s9 =	sld [smem:$0x3F9F]  }
0x2f: {  	lr =	sadd.s32 s0, s3;
	s0 =	sld [smem:$0x3F96]  }
0x30: {  	s3 =	sld [smem:$0x3F99]  }
0x31: {  	[smem:$0x3FA2] =	sst s10  }
0x32: {  	s10 =	sld [smem:$0x3FA0];
	_ =	sdelay $0x3  }
0x33: {  	p0 =	seq.s32 s10, $0x1;
	s10 =	sld [smem:$0x3FA2];
	_ =	sdelay $0x3  }
0x34: {  	[smem:$0x3FA2] =	sst s10  }
0x35: {  	s10 =	sld [smem:$0x3FA1];
	_ =	sdelay $0x3  }
0x36: {  	p1 =	seq.s32 s10, $0x1;
	s10 =	sld [smem:$0x3FA2];
	_ =	sdelay $0x3  }
0x37: {  	[smem:$0x3FA2] =	sst s10  }
0x38: {  	s10 =	sld [smem:$0x3FA3]  }
0x39: {  	_ = 	snop;
	(pc) =	sbr.ind lr, $3  }
0x3a: {  	_ = 	snop  }
0x3b: {  	_ = 	snop  }
0x3c: {  	p2 =	seq.s32 s10, $0x1;
	s10 =	sld [smem:$0x3FA2]  }
0x3d: {  	_ =	shalt  }
0x3e: {  	_ =	shalt  }
0x3f: {  	_ =	shalt  }
0x40: {  	_ =	shalt  }
0x41: {  	_ =	shalt  }
0x42: {  	_ =	shalt  }
0x43: {  	_ =	shalt  }
0x44: {  	_ =	shalt  }
0x45: {  	_ =	shalt  }
0x46: {  	_ =	shalt  }
0x47: {  	_ =	shalt  }
0x48: {  	_ =	shalt  }
0x49: {  	_ =	shalt  }
0x4a: {  	_ =	shalt  }
0x4b: {  	_ =	shalt  }
0x4c: {  	_ =	shalt  }
0x4d: {  	_ =	shalt  }
0x4e: {  	_ =	shalt  }
0x4f: {  	_ =	shalt  }
0x50: {  	_ =	shalt  }
0x51: {  	_ =	shalt  }
0x52: {  	_ =	shalt  }
0x53: {  	_ =	shalt  }
0x54: {  	_ =	shalt  }
0x55: {  	_ =	shalt  }
0x56: {  	_ =	shalt  }
0x57: {  	_ =	shalt  }
0x58: {  	_ =	shalt  }
0x59: {  	_ =	shalt  }
0x5a: {  	_ =	shalt  }
0x5b: {  	_ =	shalt  }
0x5c: {  	_ =	shalt  }
0x5d: {  	_ =	shalt  }
0x5e: {  	_ =	shalt  }
0x5f: {  	_ =	shalt  }
0x60: {  	_ =	shalt  }
0x61: {  	_ =	shalt  }
0x62: {  	_ =	shalt  }
0x63: {  	_ =	shalt  }
0x64: {  	_ =	shalt  }
0x65: {  	_ =	shalt  }
0x66: {  	_ =	shalt  }
0x67: {  	_ =	shalt  }
0x68: {  	_ =	shalt  }
0x69: {  	_ =	shalt  }
0x6a: {  	_ =	shalt  }
0x6b: {  	_ =	shalt  }
0x6c: {  	_ =	shalt  }
0x6d: {  	_ =	shalt  }
0x6e: {  	_ =	shalt  }
0x6f: {  	_ =	shalt  }
0x70: {  	_ =	shalt  }
0x71: {  	_ =	shalt  }
0x72: {  	_ =	shalt  }
0x73: {  	_ =	shalt  }
0x74: {  	_ =	shalt  }
0x75: {  	_ =	shalt  }
0x76: {  	_ =	shalt  }
0x77: {  	_ =	shalt  }
0x78: {  	_ =	shalt  }
0x79: {  	_ =	shalt  }
0x7a: {  	_ =	shalt  }
0x7b: {  	_ =	shalt  }
0x7c: {  	_ =	shalt  }
0x7d: {  	_ =	shalt  }
0x7e: {  	_ =	shalt  }
0x7f: {  	_ =	shalt  }
0x80: {  	_ =	shalt  }
0x81: {  	_ =	shalt  }
0x82: {  	_ =	shalt  }
0x83: {  	_ =	shalt  }
0x84: {  	_ =	shalt  }
0x85: {  	_ =	shalt  }
0x86: {  	_ =	shalt  }
0x87: {  	_ =	shalt  }
.Lfunc_end0:
.L_simem_size_0:
called_computation_lowered:
.L_overlay_start_0:
0x88: {  	s2 =	sld [smem:$0x3FD9]  }
0x89: {  	s3 =	sld [smem:$0x3FFE];
	_ =	sdelay $0x1  }
0x8a: {  	s1 =	srdreg.scid  }
0x8b: {  	s0 =	sand.u32 $0x1, s1  }
0x8c: {  	s16 =	sshll.u32 s0, $0xA;
	s2 =	sadd.s32 s3, s2  }
0x8d: {  	s2 =	sadd.s32 s2, s16  }
0x8e: {  	[smem:$0x3FAE] =	sst s2  }
0x8f: {  	_ = 	snop  }
0x90: {  	(tm) =	ssettm $0x1  }
0x91: {  	s17 =	sld [smem:$0x3FFB];
	_ =	sdelay $0x3  }
0x92: {  	_ =	strace s17  }
0x93: {  	s2 =	sld [smem:$0x3FFC];
	_ =	sdelay $0x3  }
0x94: {  	_ =	strace s2  }
0x95: {  	s2 =	sld [smem:$0x3FFD];
	_ =	sdelay $0x3  }
0x96: {  	_ =	strace s2  }
0x97: {  	_ =	strace $0x8FFFFFFF  }
0x98: {  	s18 =	sld [smem:$0x3FDB];
	_ =	sdelay $0x1  }
0x99: {  	s19 =	simm.s32 $_scs_section_size  }
0x9a: {  	s4 =	simm.s32 $_size__tile_overlayer_lowered;
	s5 =	simm.s32 $_tile_overlayer_lowered  }
0x9b: {  	s22 =	simm.s32 $0x1BFF;
	s21 =	sshll.u32 s5, $0x1;
	s2 =	sadd.s32 s19, s18  }
0x9c: {  	s6 =	simm.s32 $0x0;
	s20 =	sshll.u32 s4, $0x1;
	s4 =	sadd.s32 s21, s2  }
0x9d: {  	[timem:s6], [sflag:s22] =	dma.local [hbm:s4], s20  }
0x9e: {  	_ =	swait.ge [sflag:s22], s20  }
0x9f: {  	s3 =	ssub.s32 $0x0, s20;
	[sflag:s22] =	ssyncset.done $0x0  }
0xa0: {  	[sflag:s22] =	ssyncadd.s32 s3;
	_ =	sdelay $0x1  }
0xa1: {  	s23 =	simm.s32 $0x1B8B  }
0xa2: {  	_ =	swait.ge [sflag:s23], $0x1  }
0xa3: {  	[sflag:s23] =	ssyncset.done $0x0  }
0xa4: {  	s25 =	simm.s32 $0x1B8E;
	s24 =	sld [smem:$0x3FFE];
	[sflag:s23] =	ssyncadd.s32 $0xFFFFFFFF  }
0xa5: {  	s26 =	simm.s32 $execute0_lowered;
	[smem:$0x3FD2] =	sst s25  }
0xa6: {  	s4 =	sshll.u32 s26, $0x1;
	_ =	strace $0x80000046;
	[dreg:$0x1] =	wrdreg $0xFFFFFFFF  }
0xa7: {  	s28 =	simm.s32 $_size_execute0_lowered;
	s2 =	sadd.s32 s2, s4;
	[dreg:$0x0] =	wrdreg $0x0  }
0xa8: {  	s4 =	sshll.u32 s28, $0x1;
	[dreg:$0x2] =	wrdreg s2  }
0xa9: {  	[dreg:$0x3] =	wrdreg s4  }
0xaa: {  	[dreg:$0x4] =	wrdreg $0xC0  }
0xab: {  	_ =	task [dreg:s6], $0x5FFFF  }
0xac: {  	[dreg:$0x1] =	wrdreg $0xFFFFFFFF  }
0xad: {  	[dreg:$0x0] =	wrdreg $0x60  }
0xae: {  	[dreg:$0x2] =	wrdreg s24  }
0xaf: {  	[dreg:$0x3] =	wrdreg $0x0  }
0xb0: {  	[dreg:$0x4] =	wrdreg $0x9  }
0xb1: {  	_ =	task.clear_ibuf [dreg:s6], $0x5FFFF;
	_ =	strace $0x90000046  }
0xb2: {  	s29 =	simm.s32 $0x9;
	_ =	strace $0x80000048  }
0xb3: {  	_ =	swait.ge [sflag:s29], $0x1  }
0xb4: {  	[sflag:s29] =	ssyncadd.s32 $0xFFFFFFFF  }
0xb5: {  	_ =	strace $0x90000048  }
0xb6: {  	_ =	sfence  }
0xb7: {  	s30 =	sld [smem:$0x0];
	_ =	sdelay $0x2  }
0xb8: {  	s31 =	sshll.u32 s1, $0xD;
	s1 =	sshrl.u32 s1, $0x2  }
0xb9: {  	s3 =	sand.u32 $0x4000, s31;
	s1 =	sadd.s32 s1, s30  }
0xba: {  	s0 =	sor.u32 s3, s0;
	s1 =	sshll.u32 s1, $0x11  }
0xbb: {  	s0 =	sor.u32 s1, s0  }
0xbc: {  	s0 =	sadd.s32 $0x8F2B, s0  }
0xbd: {  	[sflag:s0] =	ssyncadd.remote.s32 $0x1  }
0xbe: {  	_ =	sfence.sel $0xFFFF  }
0xbf: {  	[dreg:$0x0] =	wrdreg $0xFFFFFFFF;
	(pc) =	sbr.abs _section_cstart, $3  }
0xc0: {  	[dreg:$0x1] =	wrdreg $0xFFFFFFFF  }
0xc1: {  	_ =	task.clear_ibuf [dreg:s6], $0x2FFFF;
	_ =	strace $0x9FFFFFFF  }
0xc2: {  	(tm) =	ssettm $0x7FFFFFFF  }
0xc3: {  	_ =	shalt  }
tec
execute0_lowered:
.L_overlay_start_1:
0x0: {  	(tag) =	ssettag $0x1  }
0x1: {  	s5 =	rddreg [dreg:$0x0];
	s0 =	stileid.u32  }
0x2: {  	s1 =	srdreg.scid;
	s2 =	rddreg [dreg:$0x1]  }
0x3: {  	s3 =	simm.s32 $0x0;
	s14 =	simm.s32 $0x3;
	s15 =	simm.s32 $0x9E00  }
0x4: {  	s16 =	simm.s32 $0xA200;
	s17 =	simm.s32 $0x200;
	s18 =	simm.s32 $0xA600  }
0x5: {  	s19 =	simm.s32 $0x1;
	s20 =	simm.s32 $0xA000;
	s21 =	simm.s32 $0x12600  }
0x6: {  	s22 =	simm.s32 $0x2;
	s23 =	simm.s32 $0xA400;
	s6 =	smul.u32 $0xA00, s0  }
0x7: {  	s7 =	sand.u32 $0x1, s1;
	s1 =	rddreg [dreg:$0x2];
	s9 =	smul.u32 $0x13C0, s0  }
0x8: {  	s24 =	simm.s32 $0x0;
	[smem:$0x7FF] =	sst s3;
	s10 =	smul.u32 $0x27800, s0  }
0x9: {  	s4 =	sadd.s32 $0xBEA00, s5;
	s8 =	smul.u32 $0x13C00, s7;
	_ =	strace $0x80000047  }
0xa: {  	s28 =	ssub.s32 $0x2, s7;
	s31 =	smul.u32 $0xA000, s7;
	s11 =	sadd.s32 s6, s5  }
0xb: {  	s29 =	sshrl.u32 s10, $0x2;
	s30 =	sshrl.u32 s28, $0x1;
	s26 =	sadd.s32 s9, s8  }
0xc: {  	s12 =	ssub.s32 s28, s30;
	s13 =	sadd.s32 s31, s11;
	s11 =	sadd.s32 $0x4600, s11  }
0xd: {  	s9 =	sadd.s32 s26, s5;
	s5 =	sadd.s32 s29, s2;
	s10 =	smax.u32 s12, $0x1  }
0xe: {  	s12 =	sadd.s32 $0xE600, s13;
	s13 =	simm.s32 $0x1A600;
	s6 =	sadd.s32 $0x2780, s5  }
0xf: {  	v0 =	vimm.f32 $0.0e+00;
	s7 =	sadd.s32 $0x4F00, s5;
	s8 =	sadd.s32 $0x7680, s5;
	s9 =	sadd.s32 $0xE5C00, s9  }
.LBB2_1:
0x10: {  	s26 =	simm.s32 $0x100;
	s25 =	simm.s32 $0x0  }
.LBB2_2:
0x11: {  	p0 =	sne.s32 s26, $0x9D00;
	[tilespmem:s25+$0x1A630] =	vst v0;
	s28 =	smov.u32 s26;
	s26 =	sadd.s32 $0x100, s26  }
.Ltmp0:
0x12: {  	[tilespmem:s25+$0x1A620] =	vst v0;
	(pc) =	sbr.rel @p0 .LBB2_2-.Ltmp0, $3  }
0x13: {  	[tilespmem:s25+$0x1A600] =	vst v0  }
0x14: {  	[tilespmem:s25+$0x1A610] =	vst v0;
	_ =	sdelay $0x1  }
0x15: {  	s25 =	sshra.s32 s28, $0x2  }
0x16: {  	[tilespmem:s25+$0x1A630] =	vst v0  }
0x17: {  	[tilespmem:s25+$0x1A620] =	vst v0  }
0x18: {  	[tilespmem:s25+$0x1A600] =	vst v0  }
0x19: {  	[tilespmem:s25+$0x1A610] =	vst v0  }
0x1a: {  	[spmem:s5] =	stream.linear.scatter [tilespmem:s13], [sflag:$0x3], $0x2780, $0x38;
	[tilespmem:$0x1CD80] =	vst v63  }
0x1b: {  	_ =	swait.ge [sflag:s14], $0x2780  }
0x1c: {  	[sflag:s14] =	ssyncset.done $0x0  }
0x1d: {  	[sflag:s14] =	ssyncadd.s32 $0xFFFFD880  }
0x1e: {  	[spmem:s6] =	stream.linear.scatter [tilespmem:s13], [sflag:$0x3], $0x2780, $0x38;
	[tilespmem:$0x1CD80] =	vst v63  }
0x1f: {  	_ =	swait.ge [sflag:s14], $0x2780  }
0x20: {  	[sflag:s14] =	ssyncset.done $0x0  }
0x21: {  	[sflag:s14] =	ssyncadd.s32 $0xFFFFD880  }
0x22: {  	[spmem:s7] =	stream.linear.scatter [tilespmem:s13], [sflag:$0x3], $0x2780, $0x38;
	[tilespmem:$0x1CD80] =	vst v63  }
0x23: {  	_ =	swait.ge [sflag:s14], $0x2780  }
0x24: {  	[sflag:s14] =	ssyncset.done $0x0  }
0x25: {  	[sflag:s14] =	ssyncadd.s32 $0xFFFFD880  }
0x26: {  	[spmem:s8] =	stream.linear.scatter [tilespmem:s13], [sflag:$0x3], $0x2780, $0x38;
	[tilespmem:$0x1CD80] =	vst v63  }
0x27: {  	_ =	swait.ge [sflag:s14], $0x2780  }
0x28: {  	[sflag:s14] =	ssyncset.done $0x0  }
0x29: {  	[sflag:s14] =	ssyncadd.s32 $0xFFFFD880  }
0x2a: {  	s30 =	sadd.s32 $0x0, s12;
	[bflag:$0x0] =	sbarrier.arrive $0xFFFF  }
0x2b: {  	[tilespmem:s15], [sflag:$0x3] =	stream.linear.gather [hbm4b:s30+s3], $0x400, $0x38;
	[tilespmem:$0x1CD80] =	vst v63  }
0x2c: {  	_ =	swait.ge [sflag:s14], $0x400  }
0x2d: {  	[sflag:s14] =	ssyncset.done $0x0  }
0x2e: {  	s31 =	sadd.s32 $0x0, s11;
	[sflag:s14] =	ssyncadd.s32 $0xFFFFFC00  }
0x2f: {  	[tilespmem:s16], [sflag:$0x3] =	stream.linear.gather [hbm4b:s31+s3], $0x400, $0x38;
	[tilespmem:$0x1CD80] =	vst v63  }
0x30: {  	_ =	swait.ge [sflag:s14], $0x400  }
0x31: {  	[sflag:s14] =	ssyncset.done $0x0  }
0x32: {  	[sflag:s14] =	ssyncadd.s32 $0xFFFFFC00  }
0x33: {  	[tilespmem:s18], [sflag:$0x1] =	stream.indirect.gather [hbm4b:s4+s17], $0x40, s15, s17, $0xb8;
	[tilespmem:$0x1CD80] =	vst v63  }
0x34: {  	_ =	swait.ge [sflag:s19], $0x8000  }
0x35: {  	[sflag:s19] =	ssyncset.done $0x0  }
0x36: {  	[sflag:s19] =	ssyncadd.s32 $0xFFFF8000  }
0x37: {  	[tilespmem:s21], [sflag:$0x2] =	stream.indirect.gather [hbm4b:s4+s17], $0x40, s20, s17, $0xb8;
	[tilespmem:$0x1CD80] =	vst v63  }
0x38: {  	_ = 	snop  }
0x39: {  	[spmem:s2] =	stream.indirect.scatter.add.f32 [tilespmem:s18], [sflag:$0x1], $0x40, s16, s17, $0xb8;
	[tilespmem:$0x1CD80] =	vst v63  }
0x3a: {  	_ =	swait.ge [sflag:s22], $0x8000  }
0x3b: {  	[sflag:s22] =	ssyncset.done $0x0  }
0x3c: {  	[sflag:s22] =	ssyncadd.s32 $0xFFFF8000  }
0x3d: {  	_ =	swait.ge [sflag:s19], $0x8000  }
0x3e: {  	[sflag:s19] =	ssyncset.done $0x0  }
0x3f: {  	[sflag:s19] =	ssyncadd.s32 $0xFFFF8000  }
0x40: {  	[spmem:s2] =	stream.indirect.scatter.add.f32 [tilespmem:s21], [sflag:$0x2], $0x40, s23, s17, $0xb8;
	[tilespmem:$0x1CD80] =	vst v63  }
0x41: {  	_ =	swait.ge [sflag:s22], $0x8000  }
0x42: {  	s25 =	simm.s32 $0x80;
	s26 =	simm.s32 $0x100;
	[sflag:s22] =	ssyncset.done $0x0  }
.LBB2_4:
0x43: {  	s28 =	sadd.s32 s25, s12  }
0x44: {  	[sflag:s22] =	ssyncadd.s32 $0xFFFF8000;
	s29 =	smov.u32 s26;
	s30 =	sadd.s32 $0x80, s26  }
0x45: {  	[tilespmem:s15], [sflag:$0x3] =	stream.linear.gather [hbm4b:s28+s3], $0x400, $0x38;
	[tilespmem:$0x1CD80] =	vst v63  }
0x46: {  	p0 =	sne.s32 s26, $0x980;
	_ =	swait.ge [sflag:s14], $0x400  }
0x47: {  	[sflag:s14] =	ssyncset.done $0x0  }
0x48: {  	s26 =	sadd.s32 s25, s11;
	s25 =	smov.u32 s29;
	[sflag:s14] =	ssyncadd.s32 $0xFFFFFC00  }
0x49: {  	[tilespmem:s16], [sflag:$0x3] =	stream.linear.gather [hbm4b:s26+s3], $0x400, $0x38;
	[tilespmem:$0x1CD80] =	vst v63  }
0x4a: {  	_ =	swait.ge [sflag:s14], $0x400  }
0x4b: {  	[sflag:s14] =	ssyncset.done $0x0  }
0x4c: {  	[sflag:s14] =	ssyncadd.s32 $0xFFFFFC00  }
0x4d: {  	[tilespmem:s18], [sflag:$0x1] =	stream.indirect.gather [hbm4b:s4+s17], $0x40, s15, s17, $0xb8;
	[tilespmem:$0x1CD80] =	vst v63  }
0x4e: {  	_ =	swait.ge [sflag:s19], $0x8000  }
0x4f: {  	[sflag:s19] =	ssyncset.done $0x0  }
0x50: {  	[sflag:s19] =	ssyncadd.s32 $0xFFFF8000  }
0x51: {  	[tilespmem:s21], [sflag:$0x2] =	stream.indirect.gather [hbm4b:s4+s17], $0x40, s20, s17, $0xb8;
	[tilespmem:$0x1CD80] =	vst v63  }
0x52: {  	_ = 	snop  }
0x53: {  	[spmem:s2] =	stream.indirect.scatter.add.f32 [tilespmem:s18], [sflag:$0x1], $0x40, s16, s17, $0xb8;
	[tilespmem:$0x1CD80] =	vst v63  }
0x54: {  	_ =	swait.ge [sflag:s22], $0x8000  }
0x55: {  	[sflag:s22] =	ssyncset.done $0x0  }
0x56: {  	[sflag:s22] =	ssyncadd.s32 $0xFFFF8000  }
0x57: {  	_ =	swait.ge [sflag:s19], $0x8000  }
.Ltmp1:
0x58: {  	[sflag:s19] =	ssyncset.done $0x0;
	(pc) =	sbr.rel @p0 .LBB2_4-.Ltmp1, $4  }
0x59: {  	[sflag:s19] =	ssyncadd.s32 $0xFFFF8000  }
0x5a: {  	[spmem:s2] =	stream.indirect.scatter.add.f32 [tilespmem:s21], [sflag:$0x2], $0x40, s23, s17, $0xb8;
	[tilespmem:$0x1CD80] =	vst v63  }
0x5b: {  	_ =	swait.ge [sflag:s22], $0x8000  }
0x5c: {  	s26 =	smov.u32 s30;
	[sflag:s22] =	ssyncset.done $0x0  }
0x5d: {  	s26 =	sadd.s32 s25, s12;
	[sflag:s22] =	ssyncadd.s32 $0xFFFF8000  }
0x5e: {  	[tilespmem:s15], [sflag:$0x3] =	stream.linear.gather [hbm4b:s26+s3], $0x400, $0x38;
	[tilespmem:$0x1CD80] =	vst v63  }
0x5f: {  	_ =	swait.ge [sflag:s14], $0x400  }
0x60: {  	[sflag:s14] =	ssyncset.done $0x0  }
0x61: {  	s29 =	sadd.s32 s25, s11;
	[sflag:s14] =	ssyncadd.s32 $0xFFFFFC00  }
0x62: {  	[tilespmem:s16], [sflag:$0x3] =	stream.linear.gather [hbm4b:s29+s3], $0x400, $0x38;
	[tilespmem:$0x1CD80] =	vst v63  }
0x63: {  	_ =	swait.ge [sflag:s14], $0x400  }
0x64: {  	[sflag:s14] =	ssyncset.done $0x0  }
0x65: {  	[sflag:s14] =	ssyncadd.s32 $0xFFFFFC00  }
0x66: {  	[tilespmem:s18], [sflag:$0x1] =	stream.indirect.gather [hbm4b:s4+s17], $0x40, s15, s17, $0xb8;
	[tilespmem:$0x1CD80] =	vst v63  }
0x67: {  	_ =	swait.ge [sflag:s19], $0x8000  }
0x68: {  	[sflag:s19] =	ssyncset.done $0x0  }
0x69: {  	[sflag:s19] =	ssyncadd.s32 $0xFFFF8000  }
0x6a: {  	[tilespmem:s21], [sflag:$0x2] =	stream.indirect.gather [hbm4b:s4+s17], $0x40, s20, s17, $0xb8;
	[tilespmem:$0x1CD80] =	vst v63  }
0x6b: {  	_ = 	snop  }
0x6c: {  	[spmem:s2] =	stream.indirect.scatter.add.f32 [tilespmem:s18], [sflag:$0x1], $0x40, s16, s17, $0xb8;
	[tilespmem:$0x1CD80] =	vst v63  }
0x6d: {  	_ =	swait.ge [sflag:s22], $0x8000  }
0x6e: {  	[sflag:s22] =	ssyncset.done $0x0  }
0x6f: {  	[sflag:s22] =	ssyncadd.s32 $0xFFFF8000  }
0x70: {  	_ =	swait.ge [sflag:s19], $0x8000  }
0x71: {  	[sflag:s19] =	ssyncset.done $0x0  }
0x72: {  	[sflag:s19] =	ssyncadd.s32 $0xFFFF8000  }
0x73: {  	[spmem:s2] =	stream.indirect.scatter.add.f32 [tilespmem:s21], [sflag:$0x2], $0x40, s23, s17, $0xb8;
	[tilespmem:$0x1CD80] =	vst v63  }
0x74: {  	_ =	swait.ge [sflag:s22], $0x8000  }
0x75: {  	s30 =	sshll.u32 s0, $0x6;
	s24 =	sadd.s32 $0x1, s24;
	[sflag:s22] =	ssyncset.done $0x0  }
0x76: {  	s31 =	sshrl.u32 s5, $0x3;
	p0 =	sne.s32 s24, s10;
	[sflag:s22] =	ssyncadd.s32 $0xFFFF8000  }
.Ltmp2:
0x77: {  	s25 =	sor.u32 $0x1C03, s30;
	[bflag:$0x0] =	sbarrier.arrive $0xFFFF;
	(pc) =	sbr.rel @p0 .LBB2_1-.Ltmp2, $4  }
0x78: {  	[hbm:s9], [sflag:s25] =	dma.local [spmem:s31], $0x13C0  }
0x79: {  	_ =	swait.ge [sflag:s14], $0x13C0  }
0x7a: {  	[sflag:s14] =	ssyncset.done $0x0  }
0x7b: {  	[sflag:s14] =	ssyncadd.s32 $0xFFFFEC40  }
0x7c: {  	_ =	sfence.sel $0x180000  }
0x7d: {  	[bflag:$0x0] =	sbarrier.arrive $0xFFFF  }
0x7e: {  	p0 =	sne.s32 s0, $0x0;
	_ =	strace $0x90000047  }
0x7f: {  	s0 =	sadd.s32 @!p0 $0x100000, s1;
	[bflag:$0x2] =	sbarrier.arrive $0xFFFF  }
0x80: {  	[sflag:s0] =	ssyncadd.tile.s32 @!p0 $0x1;
	_ =	shalt  }
.Lfunc_end2:
_tile_overlayer_lowered:
.L_overlay_start_2:
0x81: {  	(tag) =	ssettag $0x2  }
0x82: {  	s0 =	rddreg [dreg:$0x0];
	s2 =	stileid.u32  }
0x83: {  	s1 =	rddreg [dreg:$0x1];
	p0 =	sne.s32 s2, $0x0  }
0x84: {  	s3 =	rddreg [dreg:$0x2];
	[bflag:$0x3] =	sbarrier.arrive $0xFFFF;
	s2 =	simm.s32 @!p0 $0x1C03  }
0x85: {  	[timem:s3], [sflag:s2] =	dma.local @!p0 [hbm:s0], s1  }
0x86: {  	s0 =	simm.s32 @!p0 $0x3  }
0x87: {  	_ =	swait.ge @!p0 [sflag:s0], s1  }
0x88: {  	s1 =	ssub.s32 @!p0 $0x0, s1;
	[sflag:s0] =	ssyncset.done @!p0 $0x0  }
0x89: {  	[sflag:s0] =	ssyncadd.s32 @!p0 s1  }
0x8a: {  	[bflag:$0x3] =	sbarrier.arrive $0xFFFF  }
0x8b: {  	_ =	shalt  }

</sc_bundles>
